<compile_context>
chip_gen: v7x
topology: tpu7x:2x2x1
jax: 0.10.2.dev20260603
libtpu: 0.0.44.dev20260713+nightly
codegen_flags: <defaults>
</compile_context>

<pallas_src>
import functools

import numpy as np
import jax
import jax.numpy as jnp
from jax import lax
from jax.experimental import pallas as pl
from jax.experimental.pallas import tpu as pltpu
from jax.experimental.pallas import tpu_sc as plsc

N = 10000
NP = 10240
E = 320000
D = 128
H = 256
NC, NS = 2, 16
NW = NC * NS
CH = 80
NCH = 128
EP = NW * NCH * CH
RPT = NP // NS
BLK = 2000


def _spread_mats():
    P = np.zeros((4, 128, 128), np.float32)
    Qf = np.zeros((4, 128, 128), np.float32)
    Qb = np.zeros((4, 128, 128), np.float32)
    for b in range(8):
        for c in range(4):
            for e in range(4):
                j = 16 * b + 4 * c + e
                for d in range(4):
                    P[d, 16 * b + 4 * d + e, j] = 1.0
                    Qf[d, 16 * b + 4 * c + d, j] = 1.0
                    Qb[d, 16 * b + 4 * d + c, j] = 1.0
    cat = lambda M: np.concatenate(list(M), axis=1)
    return cat(P), cat(Qf), cat(Qb)


_P_np, _Qf_np, _Qb_np = _spread_mats()




@functools.cache
def _build_deg_kernel():
    return functools.partial(
        pl.kernel,
        out_type=jax.ShapeDtypeStruct((NC, NP), jnp.float32),
        mesh=plsc.VectorSubcoreMesh(core_axis_name="c", subcore_axis_name="s"),
        scratch_types=[
            pltpu.VMEM_SHARED((NP,), jnp.float32),
            pltpu.VMEM((NCH, CH), jnp.int32),
            pltpu.VMEM((CH,), jnp.float32),
            pltpu.VMEM((RPT,), jnp.float32),
            pltpu.SemaphoreType.DMA,
        ],
    )(_deg_body)


def _deg_body(sd_hbm, out_hbm, acc, idx_v, ones_v, zero_v, sem):
    cid = lax.axis_index("c")
    sid = lax.axis_index("s")
    wid = sid * NC + cid
    z16 = jnp.zeros((16,), jnp.float32)
    o16 = jnp.ones((16,), jnp.float32)
    for i in range(RPT // 16):
        zero_v[pl.ds(i * 16, 16)] = z16
    for i in range(CH // 16):
        ones_v[pl.ds(i * 16, 16)] = o16
    pltpu.sync_copy(zero_v, acc.at[pl.ds(sid * RPT, RPT)])
    plsc.subcore_barrier()
    pltpu.sync_copy(sd_hbm.at[0, wid], idx_v)

    @pl.loop(0, NCH)
    def _fire(k):
        pltpu.async_copy(ones_v, acc.at[idx_v.at[k]], sem, add=True)

    @pl.loop(0, NCH)
    def _drain(k):
        pltpu.make_async_copy(ones_v, acc.at[idx_v.at[k]], sem).wait()

    plsc.subcore_barrier()
    pltpu.sync_copy(acc.at[pl.ds(sid * RPT, RPT)],
                    out_hbm.at[cid, pl.ds(sid * RPT, RPT)])


@functools.cache
def _build_agg_kernel():
    return functools.partial(
        pl.kernel,
        out_type=jax.ShapeDtypeStruct((NC, NP, D), jnp.float32),
        mesh=plsc.VectorSubcoreMesh(core_axis_name="c", subcore_axis_name="s"),
        scratch_types=[
            pltpu.VMEM_SHARED((NP, D), jnp.float32),
            pltpu.VMEM((8, 2, CH), jnp.int32),
            pltpu.VMEM((CH, D), jnp.float32),
            pltpu.VMEM((CH, D), jnp.float32),
            pltpu.VMEM((CH, D), jnp.float32),
            pltpu.VMEM((CH, D), jnp.float32),
            pltpu.VMEM((16, D), jnp.float32),
        ] + [pltpu.SemaphoreType.DMA] * 16,
    )(_agg_body)


def _agg_body(hr_hbm, sd_hbm, out_hbm,
              acc, ring, r0, r1, r2, r3, zero_v, *sems):
    gsem, ssem, isem = sems[0:4], sems[4:8], sems[8:16]
    bufs = (r0, r1, r2, r3)
    cid = lax.axis_index("c")
    sid = lax.axis_index("s")
    wid = sid * NC + cid
    z16 = jnp.zeros((16,), jnp.float32)
    for i in range(16):
        for j in range(D // 16):
            zero_v[i, pl.ds(j * 16, 16)] = z16
    for i in range(RPT // 16):
        pltpu.async_copy(zero_v, acc.at[pl.ds(sid * RPT + i * 16, 16)], gsem[0])
    for i in range(RPT // 16):
        pltpu.make_async_copy(zero_v, acc.at[pl.ds(sid * RPT + i * 16, 16)],
                              gsem[0]).wait()
    plsc.subcore_barrier()

    def load_idx(k, p):
        pltpu.async_copy(sd_hbm.at[0, wid, k], ring.at[p, 0], isem[p])
        pltpu.async_copy(sd_hbm.at[1, wid, k], ring.at[p, 1], isem[p])

    def wait_idx(p):
        pltpu.make_async_copy(sd_hbm.at[0, wid, 0], ring.at[p, 0],
                              isem[p]).wait()
        pltpu.make_async_copy(sd_hbm.at[1, wid, 0], ring.at[p, 1],
                              isem[p]).wait()

    def gather(p, b):
        pltpu.async_copy(hr_hbm.at[ring.at[p, 0]], bufs[b], gsem[b])

    def wait_gather(p, b):
        pltpu.make_async_copy(hr_hbm.at[ring.at[p, 0]], bufs[b],
                              gsem[b]).wait()

    def scatter(p, b):
        pltpu.async_copy(bufs[b], acc.at[ring.at[p, 1]], ssem[b], add=True)

    def wait_scatter(p, b):
        pltpu.make_async_copy(bufs[b], acc.at[ring.at[p, 1]], ssem[b]).wait()

    for p in range(4):
        load_idx(p, p)
    wait_idx(0)
    gather(0, 0)
    wait_idx(1)
    gather(1, 1)

    @pl.loop(0, NCH, step=8)
    def _octet(k):
        for t in range(8):
            j = k + t
            p2, b2 = (t + 2) % 8, (t + 2) % 4

            if t >= 2:
                wait_scatter(p2, b2)
            else:
                @pl.when(k > 0)
                def _():
                    wait_scatter(p2, b2)

            @pl.when(j + 2 < NCH)
            def _():
                wait_idx(p2)
                gather(p2, b2)

            wait_gather(t, t % 4)
            scatter(t, t % 4)

            @pl.when(j + 4 < NCH)
            def _():
                load_idx(j + 4, (t + 4) % 8)

    wait_scatter((NCH - 2) % 8, (NCH - 2) % 4)
    wait_scatter((NCH - 1) % 8, (NCH - 1) % 4)
    plsc.subcore_barrier()
    pltpu.sync_copy(acc.at[pl.ds(sid * RPT, RPT)],
                    out_hbm.at[cid, pl.ds(sid * RPT, RPT)])




def _rot_fwd_body(x_ref, nr_ref, deg_ref, p_ref, qf_ref, hr_ref):
    deg = deg_ref[:, 0] + deg_ref[:, 1]
    r = jnp.where(deg > 0.0, lax.rsqrt(deg), 0.0)
    xb = x_ref[...].astype(jnp.bfloat16)
    nb = nr_ref[...].astype(jnp.bfloat16)
    xx = jnp.dot(xb, p_ref[...], preferred_element_type=jnp.float32)
    cc = jnp.dot(nb, qf_ref[...], preferred_element_type=jnp.float32)
    h = (cc[:, 0:128] * xx[:, 0:128] + cc[:, 128:256] * xx[:, 128:256]
         + cc[:, 256:384] * xx[:, 256:384] + cc[:, 384:512] * xx[:, 384:512])
    hr_ref[...] = h * r[:, None]


def _post_body(a_ref, deg_ref, nr_ref, p_ref, qb_ref,
               w1_ref, b1_ref, w2_ref, b2_ref, y_ref):
    deg = deg_ref[:, 0] + deg_ref[:, 1]
    r = jnp.where(deg > 0.0, lax.rsqrt(deg), 0.0)
    g = (a_ref[0] + a_ref[1]) * r[:, None]
    gg = jnp.dot(g.astype(jnp.bfloat16), p_ref[...],
                 preferred_element_type=jnp.float32)
    cc = jnp.dot(nr_ref[...].astype(jnp.bfloat16), qb_ref[...],
                 preferred_element_type=jnp.float32)
    h2 = (cc[:, 0:128] * gg[:, 0:128] + cc[:, 128:256] * gg[:, 128:256]
          + cc[:, 256:384] * gg[:, 256:384] + cc[:, 384:512] * gg[:, 384:512])
    t = jnp.dot(h2, w1_ref[...], preferred_element_type=jnp.float32) + b1_ref[...]
    t = 0.5 * t * (1.0 + lax.erf(t * np.float32(1.0 / np.sqrt(2.0))))
    y_ref[...] = jnp.dot(t, w2_ref[...], preferred_element_type=jnp.float32) + b2_ref[...]


def _rot_fwd(xp, nrp, degp, p_m, qf_m):
    grid = (N // BLK,)
    return pl.pallas_call(
        _rot_fwd_body,
        grid=grid,
        in_specs=[
            pl.BlockSpec((BLK, D), lambda i: (i, 0)),
            pl.BlockSpec((BLK, D), lambda i: (i, 0)),
            pl.BlockSpec((BLK, NC), lambda i: (i, 0)),
            pl.BlockSpec((D, 4 * D), lambda i: (0, 0)),
            pl.BlockSpec((D, 4 * D), lambda i: (0, 0)),
        ],
        out_specs=pl.BlockSpec((BLK, D), lambda i: (i, 0)),
        out_shape=jax.ShapeDtypeStruct((NP, D), jnp.float32),
    )(xp, nrp, degp, p_m, qf_m)


def _post(aggp, degp, nrp, p_m, qb_m, W1, b1, W2, b2):
    grid = (N // BLK,)
    return pl.pallas_call(
        _post_body,
        grid=grid,
        in_specs=[
            pl.BlockSpec((NC, BLK, D), lambda i: (0, i, 0)),
            pl.BlockSpec((BLK, NC), lambda i: (i, 0)),
            pl.BlockSpec((BLK, D), lambda i: (i, 0)),
            pl.BlockSpec((D, 4 * D), lambda i: (0, 0)),
            pl.BlockSpec((D, 4 * D), lambda i: (0, 0)),
            pl.BlockSpec((D, H), lambda i: (0, 0)),
            pl.BlockSpec((1, H), lambda i: (0, 0)),
            pl.BlockSpec((H, D), lambda i: (0, 0)),
            pl.BlockSpec((1, D), lambda i: (0, 0)),
        ],
        out_specs=pl.BlockSpec((BLK, D), lambda i: (i, 0)),
        out_shape=jax.ShapeDtypeStruct((N, D), jnp.float32),
    )(aggp, degp, nrp, p_m, qb_m, W1, b1, W2, b2)




def kernel(x, node_rep, edge_index, W1, b1, W2, b2):
    pad = EP - E
    pad_idx = N + (jnp.arange(pad, dtype=jnp.int32) % (NP - N))
    sd = jnp.concatenate(
        [edge_index.astype(jnp.int32),
         jnp.broadcast_to(pad_idx, (2, pad))], axis=1).reshape(2, NW, NCH, CH)

    nr = node_rep.reshape(N, D)
    p_m = jnp.asarray(_P_np, dtype=jnp.bfloat16)
    qf_m = jnp.asarray(_Qf_np, dtype=jnp.bfloat16)
    qb_m = jnp.asarray(_Qb_np, dtype=jnp.bfloat16)

    degp = _build_deg_kernel()(sd)
    degt = jnp.swapaxes(degp, 0, 1)
    hr = _rot_fwd(x, nr, degt, p_m, qf_m)
    aggp = _build_agg_kernel()(hr, sd)
    return _post(aggp, degt, nr, p_m, qb_m,
                 W1, b1.reshape(1, H), W2, b2.reshape(1, D))

# --- scband reference (transcript-rebuilt; emitter-appended) ---
"""Pipeline reference for scband-bdlmodule-34488587387542 (READ-ONLY COPY).

The authoritative reference and input builder live on the scoring server;
editing this copy changes nothing except your own understanding.
"""

import jax, jax.numpy as jnp
import numpy as np

N = 10000
E = 320000
DIM = 128
NUM_BUNDLES = 8
BUNDLE_DIM = 4
HIDDEN = 256


def setup_inputs(seed: int = 0) -> dict:
    key = jax.random.key(seed)
    ks = jax.random.split(key, 8)
    x = jax.random.normal(ks[0], (N, DIM), dtype=jnp.float32)
    node_rep = jax.random.normal(ks[1], (N, NUM_BUNDLES, BUNDLE_DIM, BUNDLE_DIM), dtype=jnp.float32)
    edge_index = jax.random.randint(ks[2], (2, E), 0, N, dtype=jnp.int64)
    # FeedForwardModule params (nn.Linear default init: U(-1/sqrt(fan_in), 1/sqrt(fan_in)))
    lim1 = 1.0 / np.sqrt(DIM)
    W1 = jax.random.uniform(ks[3], (DIM, HIDDEN), dtype=jnp.float32, minval=-lim1, maxval=lim1)
    b1 = jax.random.uniform(ks[4], (HIDDEN,), dtype=jnp.float32, minval=-lim1, maxval=lim1)
    lim2 = 1.0 / np.sqrt(HIDDEN)
    W2 = jax.random.uniform(ks[5], (HIDDEN, DIM), dtype=jnp.float32, minval=-lim2, maxval=lim2)
    b2 = jax.random.uniform(ks[6], (DIM,), dtype=jnp.float32, minval=-lim2, maxval=lim2)
    return {"x": x, "node_rep": node_rep, "edge_index": edge_index, "W1": W1, "b1": b1, "W2": W2, "b2": b2}


def reference(x, node_rep, edge_index, W1, b1, W2, b2):
    n = x.shape[0]
    src = edge_index[0]
    dst = edge_index[1]
    # graph.out_degrees()
    deg = jnp.bincount(src, length=n).astype(jnp.float32)
    # ops.u_mul_v(graph, degrees, degrees)
    degree_edge_products = deg[src] * deg[dst]
    norm_coefs = 1.0 / jnp.sqrt(degree_edge_products)
    # rotate into bundle frame
    vf = x.reshape(n, NUM_BUNDLES, BUNDLE_DIM, -1)
    vf = jnp.einsum('abcd,abde->abce', node_rep, vf)
    h = vf.reshape(n, DIM)
    # time = 1 diffusion step: ops.u_mul_e_sum(graph, h, norm_coefs)
    msg = h[src] * norm_coefs[:, None]
    h = jax.ops.segment_sum(msg, dst, num_segments=n)
    # rotate back with transposed maps
    vf = h.reshape(n, NUM_BUNDLES, BUNDLE_DIM, -1)
    vf = jnp.einsum('abcd,abde->abce', jnp.swapaxes(node_rep, 2, 3), vf)
    h = vf.reshape(n, DIM)
    # FeedForwardModule (dropout p=0.0 -> identity)
    y = h @ W1 + b1
    y = jax.nn.gelu(y, approximate=False)
    y = y @ W2 + b2
    return y

if __name__ == "__main__":
    import jax
    _d = setup_inputs()
    print(jax.jit(kernel)(*tuple(_d.values())))

</pallas_src>

<mosaic_0001>
#map = affine_map<(d0, d1) -> (0, 0)>
#map1 = affine_map<(d0, d1) -> (0, 0, 0, 0)>
#map2 = affine_map<(d0, d1) -> (0, 0, 0)>
module attributes {stable_mosaic.version = 14 : i64} {
  func.func @_agg_body(%arg0: i32, %arg1: i32, %arg2: memref<10240x128xf32, #tpu.memory_space<hbm>>, %arg3: memref<2x32x128x80xi32, #tpu.memory_space<hbm>>, %arg4: memref<2x10240x128xf32, #tpu.memory_space<hbm>>, %arg5: memref<10240x128xf32, #tpu.memory_space<vmem_shared>>, %arg6: memref<8x2x80xi32, #tpu.memory_space<vmem>>, %arg7: memref<80x128xf32, #tpu.memory_space<vmem>>, %arg8: memref<80x128xf32, #tpu.memory_space<vmem>>, %arg9: memref<80x128xf32, #tpu.memory_space<vmem>>, %arg10: memref<80x128xf32, #tpu.memory_space<vmem>>, %arg11: memref<16x128xf32, #tpu.memory_space<vmem>>, %arg12: memref<!tpu.dma_semaphore, #tpu.memory_space<semaphore_mem>>, %arg13: memref<!tpu.dma_semaphore, #tpu.memory_space<semaphore_mem>>, %arg14: memref<!tpu.dma_semaphore, #tpu.memory_space<semaphore_mem>>, %arg15: memref<!tpu.dma_semaphore, #tpu.memory_space<semaphore_mem>>, %arg16: memref<!tpu.dma_semaphore, #tpu.memory_space<semaphore_mem>>, %arg17: memref<!tpu.dma_semaphore, #tpu.memory_space<semaphore_mem>>, %arg18: memref<!tpu.dma_semaphore, #tpu.memory_space<semaphore_mem>>, %arg19: memref<!tpu.dma_semaphore, #tpu.memory_space<semaphore_mem>>, %arg20: memref<!tpu.dma_semaphore, #tpu.memory_space<semaphore_mem>>, %arg21: memref<!tpu.dma_semaphore, #tpu.memory_space<semaphore_mem>>, %arg22: memref<!tpu.dma_semaphore, #tpu.memory_space<semaphore_mem>>, %arg23: memref<!tpu.dma_semaphore, #tpu.memory_space<semaphore_mem>>, %arg24: memref<!tpu.dma_semaphore, #tpu.memory_space<semaphore_mem>>, %arg25: memref<!tpu.dma_semaphore, #tpu.memory_space<semaphore_mem>>, %arg26: memref<!tpu.dma_semaphore, #tpu.memory_space<semaphore_mem>>, %arg27: memref<!tpu.dma_semaphore, #tpu.memory_space<semaphore_mem>>) attributes {dimension_semantics = [#tpu.dimension_semantics<core_parallel>, #tpu.dimension_semantics<subcore_parallel>], iteration_bounds = array<i64: 2, 16>, scalar_prefetch = 0 : i64, scratch_operands = 23 : i64, tpu.core_type = #tpu.core_type<sc_vector_subcore>, window_params = [{transform_indices = #map}, {transform_indices = #map1}, {transform_indices = #map2}]} {
    %mul3A = arith.constant 2 : i32
    %mul3A_0 = arith.muli %arg1, %mul3A : i32
    %add3A = arith.addi %mul3A_0, %arg0 : i32
    %broadcast_in_dim3A = arith.constant 0.000000e+00 : f32
    %broadcast_in_dim3A_1 = vector.broadcast %broadcast_in_dim3A : f32 to vector<16xf32>
    %swap3A = arith.constant 0 : i32
    %swap3A_2 = arith.index_cast %swap3A : i32 to index
    %swap3A_3 = arith.constant 0 : index
    %swap3A_4 = tpu.vector_load %arg11[%swap3A_2, %swap3A_3] {strides = array<i32>} : memref<16x128xf32, #tpu.memory_space<vmem>>, vector<1x16xf32>,
    %swap3A_5 = vector.shape_cast %swap3A_4 : vector<1x16xf32> to vector<16xf32>
    %swap3A_6 = vector.shape_cast %broadcast_in_dim3A_1 : vector<16xf32> to vector<1x16xf32>
    tpu.vector_store %arg11[%swap3A_2, %swap3A_3], %swap3A_6 {strides = array<i32>} : memref<16x128xf32, #tpu.memory_space<vmem>>, vector<1x16xf32>,
    %swap3A_7 = arith.constant 0 : i32
    %swap3A_8 = arith.index_cast %swap3A_7 : i32 to index
    %swap3A_9 = arith.constant 16 : index
    %swap3A_10 = tpu.vector_load %arg11[%swap3A_8, %swap3A_9] {strides = array<i32>} : memref<16x128xf32, #tpu.memory_space<vmem>>, vector<1x16xf32>,
    %swap3A_11 = vector.shape_cast %swap3A_10 : vector<1x16xf32> to vector<16xf32>
    %swap3A_12 = vector.shape_cast %broadcast_in_dim3A_1 : vector<16xf32> to vector<1x16xf32>
    tpu.vector_store %arg11[%swap3A_8, %swap3A_9], %swap3A_12 {strides = array<i32>} : memref<16x128xf32, #tpu.memory_space<vmem>>, vector<1x16xf32>,
    %swap3A_13 = arith.constant 0 : i32
    %swap3A_14 = arith.index_cast %swap3A_13 : i32 to index
    %swap3A_15 = arith.constant 32 : index
    %swap3A_16 = tpu.vector_load %arg11[%swap3A_14, %swap3A_15] {strides = array<i32>} : memref<16x128xf32, #tpu.memory_space<vmem>>, vector<1x16xf32>,
    %swap3A_17 = vector.shape_cast %swap3A_16 : vector<1x16xf32> to vector<16xf32>
    %swap3A_18 = vector.shape_cast %broadcast_in_dim3A_1 : vector<16xf32> to vector<1x16xf32>
    tpu.vector_store %arg11[%swap3A_14, %swap3A_15], %swap3A_18 {strides = array<i32>} : memref<16x128xf32, #tpu.memory_space<vmem>>, vector<1x16xf32>,
    %swap3A_19 = arith.constant 0 : i32
    %swap3A_20 = arith.index_cast %swap3A_19 : i32 to index
    %swap3A_21 = arith.constant 48 : index
    %swap3A_22 = tpu.vector_load %arg11[%swap3A_20, %swap3A_21] {strides = array<i32>} : memref<16x128xf32, #tpu.memory_space<vmem>>, vector<1x16xf32>,
    %swap3A_23 = vector.shape_cast %swap3A_22 : vector<1x16xf32> to vector<16xf32>
    %swap3A_24 = vector.shape_cast %broadcast_in_dim3A_1 : vector<16xf32> to vector<1x16xf32>
    tpu.vector_store %arg11[%swap3A_20, %swap3A_21], %swap3A_24 {strides = array<i32>} : memref<16x128xf32, #tpu.memory_space<vmem>>, vector<1x16xf32>,
    %swap3A_25 = arith.constant 0 : i32
    %swap3A_26 = arith.index_cast %swap3A_25 : i32 to index
    %swap3A_27 = arith.constant 64 : index
    %swap3A_28 = tpu.vector_load %arg11[%swap3A_26, %swap3A_27] {strides = array<i32>} : memref<16x128xf32, #tpu.memory_space<vmem>>, vector<1x16xf32>,
    %swap3A_29 = vector.shape_cast %swap3A_28 : vector<1x16xf32> to vector<16xf32>
    %swap3A_30 = vector.shape_cast %broadcast_in_dim3A_1 : vector<16xf32> to vector<1x16xf32>
    tpu.vector_store %arg11[%swap3A_26, %swap3A_27], %swap3A_30 {strides = array<i32>} : memref<16x128xf32, #tpu.memory_space<vmem>>, vector<1x16xf32>,
    %swap3A_31 = arith.constant 0 : i32
    %swap3A_32 = arith.index_cast %swap3A_31 : i32 to index
    %swap3A_33 = arith.constant 80 : index
    %swap3A_34 = tpu.vector_load %arg11[%swap3A_32, %swap3A_33] {strides = array<i32>} : memref<16x128xf32, #tpu.memory_space<vmem>>, vector<1x16xf32>,
    %swap3A_35 = vector.shape_cast %swap3A_34 : vector<1x16xf32> to vector<16xf32>
    %swap3A_36 = vector.shape_cast %broadcast_in_dim3A_1 : vector<16xf32> to vector<1x16xf32>
    tpu.vector_store %arg11[%swap3A_32, %swap3A_33], %swap3A_36 {strides = array<i32>} : memref<16x128xf32, #tpu.memory_space<vmem>>, vector<1x16xf32>,
    %swap3A_37 = arith.constant 0 : i32
    %swap3A_38 = arith.index_cast %swap3A_37 : i32 to index
    %swap3A_39 = arith.constant 96 : index
    %swap3A_40 = tpu.vector_load %arg11[%swap3A_38, %swap3A_39] {strides = array<i32>} : memref<16x128xf32, #tpu.memory_space<vmem>>, vector<1x16xf32>,
    %swap3A_41 = vector.shape_cast %swap3A_40 : vector<1x16xf32> to vector<16xf32>
    %swap3A_42 = vector.shape_cast %broadcast_in_dim3A_1 : vector<16xf32> to vector<1x16xf32>
    tpu.vector_store %arg11[%swap3A_38, %swap3A_39], %swap3A_42 {strides = array<i32>} : memref<16x128xf32, #tpu.memory_space<vmem>>, vector<1x16xf32>,
    %swap3A_43 = arith.constant 0 : i32
    %swap3A_44 = arith.index_cast %swap3A_43 : i32 to index
    %swap3A_45 = arith.constant 112 : index
    %swap3A_46 = tpu.vector_load %arg11[%swap3A_44, %swap3A_45] {strides = array<i32>} : memref<16x128xf32, #tpu.memory_space<vmem>>, vector<1x16xf32>,
    %swap3A_47 = vector.shape_cast %swap3A_46 : vector<1x16xf32> to vector<16xf32>
    %swap3A_48 = vector.shape_cast %broadcast_in_dim3A_1 : vector<16xf32> to vector<1x16xf32>
    tpu.vector_store %arg11[%swap3A_44, %swap3A_45], %swap3A_48 {strides = array<i32>} : memref<16x128xf32, #tpu.memory_space<vmem>>, vector<1x16xf32>,
    %swap3A_49 = arith.constant 1 : i32
    %swap3A_50 = arith.index_cast %swap3A_49 : i32 to index
    %swap3A_51 = arith.constant 0 : index
    %swap3A_52 = tpu.vector_load %arg11[%swap3A_50, %swap3A_51] {strides = array<i32>} : memref<16x128xf32, #tpu.memory_space<vmem>>, vector<1x16xf32>,
    %swap3A_53 = vector.shape_cast %swap3A_52 : vector<1x16xf32> to vector<16xf32>
    %swap3A_54 = vector.shape_cast %broadcast_in_dim3A_1 : vector<16xf32> to vector<1x16xf32>
    tpu.vector_store %arg11[%swap3A_50, %swap3A_51], %swap3A_54 {strides = array<i32>} : memref<16x128xf32, #tpu.memory_space<vmem>>, vector<1x16xf32>,
    %swap3A_55 = arith.constant 1 : i32
    %swap3A_56 = arith.index_cast %swap3A_55 : i32 to index
    %swap3A_57 = arith.constant 16 : index
    %swap3A_58 = tpu.vector_load %arg11[%swap3A_56, %swap3A_57] {strides = array<i32>} : memref<16x128xf32, #tpu.memory_space<vmem>>, vector<1x16xf32>,
    %swap3A_59 = vector.shape_cast %swap3A_58 : vector<1x16xf32> to vector<16xf32>
    %swap3A_60 = vector.shape_cast %broadcast_in_dim3A_1 : vector<16xf32> to vector<1x16xf32>
    tpu.vector_store %arg11[%swap3A_56, %swap3A_57], %swap3A_60 {strides = array<i32>} : memref<16x128xf32, #tpu.memory_space<vmem>>, vector<1x16xf32>,
    %swap3A_61 = arith.constant 1 : i32
    %swap3A_62 = arith.index_cast %swap3A_61 : i32 to index
    %swap3A_63 = arith.constant 32 : index
    %swap3A_64 = tpu.vector_load %arg11[%swap3A_62, %swap3A_63] {strides = array<i32>} : memref<16x128xf32, #tpu.memory_space<vmem>>, vector<1x16xf32>,
    %swap3A_65 = vector.shape_cast %swap3A_64 : vector<1x16xf32> to vector<16xf32>
    %swap3A_66 = vector.shape_cast %broadcast_in_dim3A_1 : vector<16xf32> to vector<1x16xf32>
    tpu.vector_store %arg11[%swap3A_62, %swap3A_63], %swap3A_66 {strides = array<i32>} : memref<16x128xf32, #tpu.memory_space<vmem>>, vector<1x16xf32>,
    %swap3A_67 = arith.constant 1 : i32
    %swap3A_68 = arith.index_cast %swap3A_67 : i32 to index
    %swap3A_69 = arith.constant 48 : index
    %swap3A_70 = tpu.vector_load %arg11[%swap3A_68, %swap3A_69] {strides = array<i32>} : memref<16x128xf32, #tpu.memory_space<vmem>>, vector<1x16xf32>,
    %swap3A_71 = vector.shape_cast %swap3A_70 : vector<1x16xf32> to vector<16xf32>
    %swap3A_72 = vector.shape_cast %broadcast_in_dim3A_1 : vector<16xf32> to vector<1x16xf32>
    tpu.vector_store %arg11[%swap3A_68, %swap3A_69], %swap3A_72 {strides = array<i32>} : memref<16x128xf32, #tpu.memory_space<vmem>>, vector<1x16xf32>,
    %swap3A_73 = arith.constant 1 : i32
    %swap3A_74 = arith.index_cast %swap3A_73 : i32 to index
    %swap3A_75 = arith.constant 64 : index
    %swap3A_76 = tpu.vector_load %arg11[%swap3A_74, %swap3A_75] {strides = array<i32>} : memref<16x128xf32, #tpu.memory_space<vmem>>, vector<1x16xf32>,
    %swap3A_77 = vector.shape_cast %swap3A_76 : vector<1x16xf32> to vector<16xf32>
    %swap3A_78 = vector.shape_cast %broadcast_in_dim3A_1 : vector<16xf32> to vector<1x16xf32>
    tpu.vector_store %arg11[%swap3A_74, %swap3A_75], %swap3A_78 {strides = array<i32>} : memref<16x128xf32, #tpu.memory_space<vmem>>, vector<1x16xf32>,
    %swap3A_79 = arith.constant 1 : i32
    %swap3A_80 = arith.index_cast %swap3A_79 : i32 to index
    %swap3A_81 = arith.constant 80 : index
    %swap3A_82 = tpu.vector_load %arg11[%swap3A_80, %swap3A_81] {strides = array<i32>} : memref<16x128xf32, #tpu.memory_space<vmem>>, vector<1x16xf32>,
    %swap3A_83 = vector.shape_cast %swap3A_82 : vector<1x16xf32> to vector<16xf32>
    %swap3A_84 = vector.shape_cast %broadcast_in_dim3A_1 : vector<16xf32> to vector<1x16xf32>
    tpu.vector_store %arg11[%swap3A_80, %swap3A_81], %swap3A_84 {strides = array<i32>} : memref<16x128xf32, #tpu.memory_space<vmem>>, vector<1x16xf32>,
    %swap3A_85 = arith.constant 1 : i32
    %swap3A_86 = arith.index_cast %swap3A_85 : i32 to index
    %swap3A_87 = arith.constant 96 : index
    %swap3A_88 = tpu.vector_load %arg11[%swap3A_86, %swap3A_87] {strides = array<i32>} : memref<16x128xf32, #tpu.memory_space<vmem>>, vector<1x16xf32>,
    %swap3A_89 = vector.shape_cast %swap3A_88 : vector<1x16xf32> to vector<16xf32>
    %swap3A_90 = vector.shape_cast %broadcast_in_dim3A_1 : vector<16xf32> to vector<1x16xf32>
    tpu.vector_store %arg11[%swap3A_86, %swap3A_87], %swap3A_90 {strides = array<i32>} : memref<16x128xf32, #tpu.memory_space<vmem>>, vector<1x16xf32>,
    %swap3A_91 = arith.constant 1 : i32
    %swap3A_92 = arith.index_cast %swap3A_91 : i32 to index
    %swap3A_93 = arith.constant 112 : index
    %swap3A_94 = tpu.vector_load %arg11[%swap3A_92, %swap3A_93] {strides = array<i32>} : memref<16x128xf32, #tpu.memory_space<vmem>>, vector<1x16xf32>,
    %swap3A_95 = vector.shape_cast %swap3A_94 : vector<1x16xf32> to vector<16xf32>
    %swap3A_96 = vector.shape_cast %broadcast_in_dim3A_1 : vector<16xf32> to vector<1x16xf32>
    tpu.vector_store %arg11[%swap3A_92, %swap3A_93], %swap3A_96 {strides = array<i32>} : memref<16x128xf32, #tpu.memory_space<vmem>>, vector<1x16xf32>,
    %swap3A_97 = arith.constant 2 : i32
    %swap3A_98 = arith.index_cast %swap3A_97 : i32 to index
    %swap3A_99 = arith.constant 0 : index
    %swap3A_100 = tpu.vector_load %arg11[%swap3A_98, %swap3A_99] {strides = array<i32>} : memref<16x128xf32, #tpu.memory_space<vmem>>, vector<1x16xf32>,
    %swap3A_101 = vector.shape_cast %swap3A_100 : vector<1x16xf32> to vector<16xf32>
    %swap3A_102 = vector.shape_cast %broadcast_in_dim3A_1 : vector<16xf32> to vector<1x16xf32>
    tpu.vector_store %arg11[%swap3A_98, %swap3A_99], %swap3A_102 {strides = array<i32>} : memref<16x128xf32, #tpu.memory_space<vmem>>, vector<1x16xf32>,
    %swap3A_103 = arith.constant 2 : i32
    %swap3A_104 = arith.index_cast %swap3A_103 : i32 to index
    %swap3A_105 = arith.constant 16 : index
    %swap3A_106 = tpu.vector_load %arg11[%swap3A_104, %swap3A_105] {strides = array<i32>} : memref<16x128xf32, #tpu.memory_space<vmem>>, vector<1x16xf32>,
    %swap3A_107 = vector.shape_cast %swap3A_106 : vector<1x16xf32> to vector<16xf32>
    %swap3A_108 = vector.shape_cast %broadcast_in_dim3A_1 : vector<16xf32> to vector<1x16xf32>
    tpu.vector_store %arg11[%swap3A_104, %swap3A_105], %swap3A_108 {strides = array<i32>} : memref<16x128xf32, #tpu.memory_space<vmem>>, vector<1x16xf32>,
    %swap3A_109 = arith.constant 2 : i32
    %swap3A_110 = arith.index_cast %swap3A_109 : i32 to index
    %swap3A_111 = arith.constant 32 : index
    %swap3A_112 = tpu.vector_load %arg11[%swap3A_110, %swap3A_111] {strides = array<i32>} : memref<16x128xf32, #tpu.memory_space<vmem>>, vector<1x16xf32>,
    %swap3A_113 = vector.shape_cast %swap3A_112 : vector<1x16xf32> to vector<16xf32>
    %swap3A_114 = vector.shape_cast %broadcast_in_dim3A_1 : vector<16xf32> to vector<1x16xf32>
    tpu.vector_store %arg11[%swap3A_110, %swap3A_111], %swap3A_114 {strides = array<i32>} : memref<16x128xf32, #tpu.memory_space<vmem>>, vector<1x16xf32>,
    %swap3A_115 = arith.constant 2 : i32
    %swap3A_116 = arith.index_cast %swap3A_115 : i32 to index
    %swap3A_117 = arith.constant 48 : index
    %swap3A_118 = tpu.vector_load %arg11[%swap3A_116, %swap3A_117] {strides = array<i32>} : memref<16x128xf32, #tpu.memory_space<vmem>>, vector<1x16xf32>,
    %swap3A_119 = vector.shape_cast %swap3A_118 : vector<1x16xf32> to vector<16xf32>
    %swap3A_120 = vector.shape_cast %broadcast_in_dim3A_1 : vector<16xf32> to vector<1x16xf32>
    tpu.vector_store %arg11[%swap3A_116, %swap3A_117], %swap3A_120 {strides = array<i32>} : memref<16x128xf32, #tpu.memory_space<vmem>>, vector<1x16xf32>,
    %swap3A_121 = arith.constant 2 : i32
    %swap3A_122 = arith.index_cast %swap3A_121 : i32 to index
    %swap3A_123 = arith.constant 64 : index
    %swap3A_124 = tpu.vector_load %arg11[%swap3A_122, %swap3A_123] {strides = array<i32>} : memref<16x128xf32, #tpu.memory_space<vmem>>, vector<1x16xf32>,
    %swap3A_125 = vector.shape_cast %swap3A_124 : vector<1x16xf32> to vector<16xf32>
    %swap3A_126 = vector.shape_cast %broadcast_in_dim3A_1 : vector<16xf32> to vector<1x16xf32>
    tpu.vector_store %arg11[%swap3A_122, %swap3A_123], %swap3A_126 {strides = array<i32>} : memref<16x128xf32, #tpu.memory_space<vmem>>, vector<1x16xf32>,
    %swap3A_127 = arith.constant 2 : i32
    %swap3A_128 = arith.index_cast %swap3A_127 : i32 to index
    %swap3A_129 = arith.constant 80 : index
    %swap3A_130 = tpu.vector_load %arg11[%swap3A_128, %swap3A_129] {strides = array<i32>} : memref<16x128xf32, #tpu.memory_space<vmem>>, vector<1x16xf32>,
    %swap3A_131 = vector.shape_cast %swap3A_130 : vector<1x16xf32> to vector<16xf32>
    %swap3A_132 = vector.shape_cast %broadcast_in_dim3A_1 : vector<16xf32> to vector<1x16xf32>
    tpu.vector_store %arg11[%swap3A_128, %swap3A_129], %swap3A_132 {strides = array<i32>} : memref<16x128xf32, #tpu.memory_space<vmem>>, vector<1x16xf32>,
    %swap3A_133 = arith.constant 2 : i32
    %swap3A_134 = arith.index_cast %swap3A_133 : i32 to index
    %swap3A_135 = arith.constant 96 : index
    %swap3A_136 = tpu.vector_load %arg11[%swap3A_134, %swap3A_135] {strides = array<i32>} : memref<16x128xf32, #tpu.memory_space<vmem>>, vector<1x16xf32>,
    %swap3A_137 = vector.shape_cast %swap3A_136 : vector<1x16xf32> to vector<16xf32>
    %swap3A_138 = vector.shape_cast %broadcast_in_dim3A_1 : vector<16xf32> to vector<1x16xf32>
    tpu.vector_store %arg11[%swap3A_134, %swap3A_135], %swap3A_138 {strides = array<i32>} : memref<16x128xf32, #tpu.memory_space<vmem>>, vector<1x16xf32>,
    %swap3A_139 = arith.constant 2 : i32
    %swap3A_140 = arith.index_cast %swap3A_139 : i32 to index
    %swap3A_141 = arith.constant 112 : index
    %swap3A_142 = tpu.vector_load %arg11[%swap3A_140, %swap3A_141] {strides = array<i32>} : memref<16x128xf32, #tpu.memory_space<vmem>>, vector<1x16xf32>,
    %swap3A_143 = vector.shape_cast %swap3A_142 : vector<1x16xf32> to vector<16xf32>
    %swap3A_144 = vector.shape_cast %broadcast_in_dim3A_1 : vector<16xf32> to vector<1x16xf32>
    tpu.vector_store %arg11[%swap3A_140, %swap3A_141], %swap3A_144 {strides = array<i32>} : memref<16x128xf32, #tpu.memory_space<vmem>>, vector<1x16xf32>,
    %swap3A_145 = arith.constant 3 : i32
    %swap3A_146 = arith.index_cast %swap3A_145 : i32 to index
    %swap3A_147 = arith.constant 0 : index
    %swap3A_148 = tpu.vector_load %arg11[%swap3A_146, %swap3A_147] {strides = array<i32>} : memref<16x128xf32, #tpu.memory_space<vmem>>, vector<1x16xf32>,
    %swap3A_149 = vector.shape_cast %swap3A_148 : vector<1x16xf32> to vector<16xf32>
    %swap3A_150 = vector.shape_cast %broadcast_in_dim3A_1 : vector<16xf32> to vector<1x16xf32>
    tpu.vector_store %arg11[%swap3A_146, %swap3A_147], %swap3A_150 {strides = array<i32>} : memref<16x128xf32, #tpu.memory_space<vmem>>, vector<1x16xf32>,
    %swap3A_151 = arith.constant 3 : i32
    %swap3A_152 = arith.index_cast %swap3A_151 : i32 to index
    %swap3A_153 = arith.constant 16 : index
    %swap3A_154 = tpu.vector_load %arg11[%swap3A_152, %swap3A_153] {strides = array<i32>} : memref<16x128xf32, #tpu.memory_space<vmem>>, vector<1x16xf32>,
    %swap3A_155 = vector.shape_cast %swap3A_154 : vector<1x16xf32> to vector<16xf32>
    %swap3A_156 = vector.shape_cast %broadcast_in_dim3A_1 : vector<16xf32> to vector<1x16xf32>
    tpu.vector_store %arg11[%swap3A_152, %swap3A_153], %swap3A_156 {strides = array<i32>} : memref<16x128xf32, #tpu.memory_space<vmem>>, vector<1x16xf32>,
    %swap3A_157 = arith.constant 3 : i32
    %swap3A_158 = arith.index_cast %swap3A_157 : i32 to index
    %swap3A_159 = arith.constant 32 : index
    %swap3A_160 = tpu.vector_load %arg11[%swap3A_158, %swap3A_159] {strides = array<i32>} : memref<16x128xf32, #tpu.memory_space<vmem>>, vector<1x16xf32>,
    %swap3A_161 = vector.shape_cast %swap3A_160 : vector<1x16xf32> to vector<16xf32>
    %swap3A_162 = vector.shape_cast %broadcast_in_dim3A_1 : vector<16xf32> to vector<1x16xf32>
    tpu.vector_store %arg11[%swap3A_158, %swap3A_159], %swap3A_162 {strides = array<i32>} : memref<16x128xf32, #tpu.memory_space<vmem>>, vector<1x16xf32>,
    %swap3A_163 = arith.constant 3 : i32
    %swap3A_164 = arith.index_cast %swap3A_163 : i32 to index
    %swap3A_165 = arith.constant 48 : index
    %swap3A_166 = tpu.vector_load %arg11[%swap3A_164, %swap3A_165] {strides = array<i32>} : memref<16x128xf32, #tpu.memory_space<vmem>>, vector<1x16xf32>,
    %swap3A_167 = vector.shape_cast %swap3A_166 : vector<1x16xf32> to vector<16xf32>
    %swap3A_168 = vector.shape_cast %broadcast_in_dim3A_1 : vector<16xf32> to vector<1x16xf32>
    tpu.vector_store %arg11[%swap3A_164, %swap3A_165], %swap3A_168 {strides = array<i32>} : memref<16x128xf32, #tpu.memory_space<vmem>>, vector<1x16xf32>,
    %swap3A_169 = arith.constant 3 : i32
    %swap3A_170 = arith.index_cast %swap3A_169 : i32 to index
    %swap3A_171 = arith.constant 64 : index
    %swap3A_172 = tpu.vector_load %arg11[%swap3A_170, %swap3A_171] {strides = array<i32>} : memref<16x128xf32, #tpu.memory_space<vmem>>, vector<1x16xf32>,
    %swap3A_173 = vector.shape_cast %swap3A_172 : vector<1x16xf32> to vector<16xf32>
    %swap3A_174 = vector.shape_cast %broadcast_in_dim3A_1 : vector<16xf32> to vector<1x16xf32>
    tpu.vector_store %arg11[%swap3A_170, %swap3A_171], %swap3A_174 {strides = array<i32>} : memref<16x128xf32, #tpu.memory_space<vmem>>, vector<1x16xf32>,
    %swap3A_175 = arith.constant 3 : i32
    %swap3A_176 = arith.index_cast %swap3A_175 : i32 to index
    %swap3A_177 = arith.constant 80 : index
    %swap3A_178 = tpu.vector_load %arg11[%swap3A_176, %swap3A_177] {strides = array<i32>} : memref<16x128xf32, #tpu.memory_space<vmem>>, vector<1x16xf32>,
    %swap3A_179 = vector.shape_cast %swap3A_178 : vector<1x16xf32> to vector<16xf32>
    %swap3A_180 = vector.shape_cast %broadcast_in_dim3A_1 : vector<16xf32> to vector<1x16xf32>
    tpu.vector_store %arg11[%swap3A_176, %swap3A_177], %swap3A_180 {strides = array<i32>} : memref<16x128xf32, #tpu.memory_space<vmem>>, vector<1x16xf32>,
    %swap3A_181 = arith.constant 3 : i32
    %swap3A_182 = arith.index_cast %swap3A_181 : i32 to index
    %swap3A_183 = arith.constant 96 : index
    %swap3A_184 = tpu.vector_load %arg11[%swap3A_182, %swap3A_183] {strides = array<i32>} : memref<16x128xf32, #tpu.memory_space<vmem>>, vector<1x16xf32>,
    %swap3A_185 = vector.shape_cast %swap3A_184 : vector<1x16xf32> to vector<16xf32>
    %swap3A_186 = vector.shape_cast %broadcast_in_dim3A_1 : vector<16xf32> to vector<1x16xf32>
    tpu.vector_store %arg11[%swap3A_182, %swap3A_183], %swap3A_186 {strides = array<i32>} : memref<16x128xf32, #tpu.memory_space<vmem>>, vector<1x16xf32>,
    %swap3A_187 = arith.constant 3 : i32
    %swap3A_188 = arith.index_cast %swap3A_187 : i32 to index
    %swap3A_189 = arith.constant 112 : index
    %swap3A_190 = tpu.vector_load %arg11[%swap3A_188, %swap3A_189] {strides = array<i32>} : memref<16x128xf32, #tpu.memory_space<vmem>>, vector<1x16xf32>,
    %swap3A_191 = vector.shape_cast %swap3A_190 : vector<1x16xf32> to vector<16xf32>
    %swap3A_192 = vector.shape_cast %broadcast_in_dim3A_1 : vector<16xf32> to vector<1x16xf32>
    tpu.vector_store %arg11[%swap3A_188, %swap3A_189], %swap3A_192 {strides = array<i32>} : memref<16x128xf32, #tpu.memory_space<vmem>>, vector<1x16xf32>,
    %swap3A_193 = arith.constant 4 : i32
    %swap3A_194 = arith.index_cast %swap3A_193 : i32 to index
    %swap3A_195 = arith.constant 0 : index
    %swap3A_196 = tpu.vector_load %arg11[%swap3A_194, %swap3A_195] {strides = array<i32>} : memref<16x128xf32, #tpu.memory_space<vmem>>, vector<1x16xf32>,
    %swap3A_197 = vector.shape_cast %swap3A_196 : vector<1x16xf32> to vector<16xf32>
    %swap3A_198 = vector.shape_cast %broadcast_in_dim3A_1 : vector<16xf32> to vector<1x16xf32>
    tpu.vector_store %arg11[%swap3A_194, %swap3A_195], %swap3A_198 {strides = array<i32>} : memref<16x128xf32, #tpu.memory_space<vmem>>, vector<1x16xf32>,
    %swap3A_199 = arith.constant 4 : i32
    %swap3A_200 = arith.index_cast %swap3A_199 : i32 to index
    %swap3A_201 = arith.constant 16 : index
    %swap3A_202 = tpu.vector_load %arg11[%swap3A_200, %swap3A_201] {strides = array<i32>} : memref<16x128xf32, #tpu.memory_space<vmem>>, vector<1x16xf32>,
    %swap3A_203 = vector.shape_cast %swap3A_202 : vector<1x16xf32> to vector<16xf32>
    %swap3A_204 = vector.shape_cast %broadcast_in_dim3A_1 : vector<16xf32> to vector<1x16xf32>
    tpu.vector_store %arg11[%swap3A_200, %swap3A_201], %swap3A_204 {strides = array<i32>} : memref<16x128xf32, #tpu.memory_space<vmem>>, vector<1x16xf32>,
    %swap3A_205 = arith.constant 4 : i32
    %swap3A_206 = arith.index_cast %swap3A_205 : i32 to index
    %swap3A_207 = arith.constant 32 : index
    %swap3A_208 = tpu.vector_load %arg11[%swap3A_206, %swap3A_207] {strides = array<i32>} : memref<16x128xf32, #tpu.memory_space<vmem>>, vector<1x16xf32>,
    %swap3A_209 = vector.shape_cast %swap3A_208 : vector<1x16xf32> to vector<16xf32>
    %swap3A_210 = vector.shape_cast %broadcast_in_dim3A_1 : vector<16xf32> to vector<1x16xf32>
    tpu.vector_store %arg11[%swap3A_206, %swap3A_207], %swap3A_210 {strides = array<i32>} : memref<16x128xf32, #tpu.memory_space<vmem>>, vector<1x16xf32>,
    %swap3A_211 = arith.constant 4 : i32
    %swap3A_212 = arith.index_cast %swap3A_211 : i32 to index
    %swap3A_213 = arith.constant 48 : index
    %swap3A_214 = tpu.vector_load %arg11[%swap3A_212, %swap3A_213] {strides = array<i32>} : memref<16x128xf32, #tpu.memory_space<vmem>>, vector<1x16xf32>,
    %swap3A_215 = vector.shape_cast %swap3A_214 : vector<1x16xf32> to vector<16xf32>
    %swap3A_216 = vector.shape_cast %broadcast_in_dim3A_1 : vector<16xf32> to vector<1x16xf32>
    tpu.vector_store %arg11[%swap3A_212, %swap3A_213], %swap3A_216 {strides = array<i32>} : memref<16x128xf32, #tpu.memory_space<vmem>>, vector<1x16xf32>,
    %swap3A_217 = arith.constant 4 : i32
    %swap3A_218 = arith.index_cast %swap3A_217 : i32 to index
    %swap3A_219 = arith.constant 64 : index
    %swap3A_220 = tpu.vector_load %arg11[%swap3A_218, %swap3A_219] {strides = array<i32>} : memref<16x128xf32, #tpu.memory_space<vmem>>, vector<1x16xf32>,
    %swap3A_221 = vector.shape_cast %swap3A_220 : vector<1x16xf32> to vector<16xf32>
    %swap3A_222 = vector.shape_cast %broadcast_in_dim3A_1 : vector<16xf32> to vector<1x16xf32>
    tpu.vector_store %arg11[%swap3A_218, %swap3A_219], %swap3A_222 {strides = array<i32>} : memref<16x128xf32, #tpu.memory_space<vmem>>, vector<1x16xf32>,
    %swap3A_223 = arith.constant 4 : i32
    %swap3A_224 = arith.index_cast %swap3A_223 : i32 to index
    %swap3A_225 = arith.constant 80 : index
    %swap3A_226 = tpu.vector_load %arg11[%swap3A_224, %swap3A_225] {strides = array<i32>} : memref<16x128xf32, #tpu.memory_space<vmem>>, vector<1x16xf32>,
    %swap3A_227 = vector.shape_cast %swap3A_226 : vector<1x16xf32> to vector<16xf32>
    %swap3A_228 = vector.shape_cast %broadcast_in_dim3A_1 : vector<16xf32> to vector<1x16xf32>
    tpu.vector_store %arg11[%swap3A_224, %swap3A_225], %swap3A_228 {strides = array<i32>} : memref<16x128xf32, #tpu.memory_space<vmem>>, vector<1x16xf32>,
    %swap3A_229 = arith.constant 4 : i32
    %swap3A_230 = arith.index_cast %swap3A_229 : i32 to index
    %swap3A_231 = arith.constant 96 : index
    %swap3A_232 = tpu.vector_load %arg11[%swap3A_230, %swap3A_231] {strides = array<i32>} : memref<16x128xf32, #tpu.memory_space<vmem>>, vector<1x16xf32>,
    %swap3A_233 = vector.shape_cast %swap3A_232 : vector<1x16xf32> to vector<16xf32>
    %swap3A_234 = vector.shape_cast %broadcast_in_dim3A_1 : vector<16xf32> to vector<1x16xf32>
    tpu.vector_store %arg11[%swap3A_230, %swap3A_231], %swap3A_234 {strides = array<i32>} : memref<16x128xf32, #tpu.memory_space<vmem>>, vector<1x16xf32>,
    %swap3A_235 = arith.constant 4 : i32
    %swap3A_236 = arith.index_cast %swap3A_235 : i32 to index
    %swap3A_237 = arith.constant 112 : index
    %swap3A_238 = tpu.vector_load %arg11[%swap3A_236, %swap3A_237] {strides = array<i32>} : memref<16x128xf32, #tpu.memory_space<vmem>>, vector<1x16xf32>,
    %swap3A_239 = vector.shape_cast %swap3A_238 : vector<1x16xf32> to vector<16xf32>
    %swap3A_240 = vector.shape_cast %broadcast_in_dim3A_1 : vector<16xf32> to vector<1x16xf32>
    tpu.vector_store %arg11[%swap3A_236, %swap3A_237], %swap3A_240 {strides = array<i32>} : memref<16x128xf32, #tpu.memory_space<vmem>>, vector<1x16xf32>,
    %swap3A_241 = arith.constant 5 : i32
    %swap3A_242 = arith.index_cast %swap3A_241 : i32 to index
    %swap3A_243 = arith.constant 0 : index
    %swap3A_244 = tpu.vector_load %arg11[%swap3A_242, %swap3A_243] {strides = array<i32>} : memref<16x128xf32, #tpu.memory_space<vmem>>, vector<1x16xf32>,
    %swap3A_245 = vector.shape_cast %swap3A_244 : vector<1x16xf32> to vector<16xf32>
    %swap3A_246 = vector.shape_cast %broadcast_in_dim3A_1 : vector<16xf32> to vector<1x16xf32>
    tpu.vector_store %arg11[%swap3A_242, %swap3A_243], %swap3A_246 {strides = array<i32>} : memref<16x128xf32, #tpu.memory_space<vmem>>, vector<1x16xf32>,
    %swap3A_247 = arith.constant 5 : i32
    %swap3A_248 = arith.index_cast %swap3A_247 : i32 to index
    %swap3A_249 = arith.constant 16 : index
    %swap3A_250 = tpu.vector_load %arg11[%swap3A_248, %swap3A_249] {strides = array<i32>} : memref<16x128xf32, #tpu.memory_space<vmem>>, vector<1x16xf32>,
    %swap3A_251 = vector.shape_cast %swap3A_250 : vector<1x16xf32> to vector<16xf32>
    %swap3A_252 = vector.shape_cast %broadcast_in_dim3A_1 : vector<16xf32> to vector<1x16xf32>
    tpu.vector_store %arg11[%swap3A_248, %swap3A_249], %swap3A_252 {strides = array<i32>} : memref<16x128xf32, #tpu.memory_space<vmem>>, vector<1x16xf32>,
    %swap3A_253 = arith.constant 5 : i32
    %swap3A_254 = arith.index_cast %swap3A_253 : i32 to index
    %swap3A_255 = arith.constant 32 : index
    %swap3A_256 = tpu.vector_load %arg11[%swap3A_254, %swap3A_255] {strides = array<i32>} : memref<16x128xf32, #tpu.memory_space<vmem>>, vector<1x16xf32>,
    %swap3A_257 = vector.shape_cast %swap3A_256 : vector<1x16xf32> to vector<16xf32>
    %swap3A_258 = vector.shape_cast %broadcast_in_dim3A_1 : vector<16xf32> to vector<1x16xf32>
    tpu.vector_store %arg11[%swap3A_254, %swap3A_255], %swap3A_258 {strides = array<i32>} : memref<16x128xf32, #tpu.memory_space<vmem>>, vector<1x16xf32>,
    %swap3A_259 = arith.constant 5 : i32
    %swap3A_260 = arith.index_cast %swap3A_259 : i32 to index
    %swap3A_261 = arith.constant 48 : index
    %swap3A_262 = tpu.vector_load %arg11[%swap3A_260, %swap3A_261] {strides = array<i32>} : memref<16x128xf32, #tpu.memory_space<vmem>>, vector<1x16xf32>,
    %swap3A_263 = vector.shape_cast %swap3A_262 : vector<1x16xf32> to vector<16xf32>
    %swap3A_264 = vector.shape_cast %broadcast_in_dim3A_1 : vector<16xf32> to vector<1x16xf32>
    tpu.vector_store %arg11[%swap3A_260, %swap3A_261], %swap3A_264 {strides = array<i32>} : memref<16x128xf32, #tpu.memory_space<vmem>>, vector<1x16xf32>,
    %swap3A_265 = arith.constant 5 : i32
    %swap3A_266 = arith.index_cast %swap3A_265 : i32 to index
    %swap3A_267 = arith.constant 64 : index
    %swap3A_268 = tpu.vector_load %arg11[%swap3A_266, %swap3A_267] {strides = array<i32>} : memref<16x128xf32, #tpu.memory_space<vmem>>, vector<1x16xf32>,
    %swap3A_269 = vector.shape_cast %swap3A_268 : vector<1x16xf32> to vector<16xf32>
    %swap3A_270 = vector.shape_cast %broadcast_in_dim3A_1 : vector<16xf32> to vector<1x16xf32>
    tpu.vector_store %arg11[%swap3A_266, %swap3A_267], %swap3A_270 {strides = array<i32>} : memref<16x128xf32, #tpu.memory_space<vmem>>, vector<1x16xf32>,
    %swap3A_271 = arith.constant 5 : i32
    %swap3A_272 = arith.index_cast %swap3A_271 : i32 to index
    %swap3A_273 = arith.constant 80 : index
    %swap3A_274 = tpu.vector_load %arg11[%swap3A_272, %swap3A_273] {strides = array<i32>} : memref<16x128xf32, #tpu.memory_space<vmem>>, vector<1x16xf32>,
    %swap3A_275 = vector.shape_cast %swap3A_274 : vector<1x16xf32> to vector<16xf32>
    %swap3A_276 = vector.shape_cast %broadcast_in_dim3A_1 : vector<16xf32> to vector<1x16xf32>
    tpu.vector_store %arg11[%swap3A_272, %swap3A_273], %swap3A_276 {strides = array<i32>} : memref<16x128xf32, #tpu.memory_space<vmem>>, vector<1x16xf32>,
    %swap3A_277 = arith.constant 5 : i32
    %swap3A_278 = arith.index_cast %swap3A_277 : i32 to index
    %swap3A_279 = arith.constant 96 : index
    %swap3A_280 = tpu.vector_load %arg11[%swap3A_278, %swap3A_279] {strides = array<i32>} : memref<16x128xf32, #tpu.memory_space<vmem>>, vector<1x16xf32>,
    %swap3A_281 = vector.shape_cast %swap3A_280 : vector<1x16xf32> to vector<16xf32>
    %swap3A_282 = vector.shape_cast %broadcast_in_dim3A_1 : vector<16xf32> to vector<1x16xf32>
    tpu.vector_store %arg11[%swap3A_278, %swap3A_279], %swap3A_282 {strides = array<i32>} : memref<16x128xf32, #tpu.memory_space<vmem>>, vector<1x16xf32>,
    %swap3A_283 = arith.constant 5 : i32
    %swap3A_284 = arith.index_cast %swap3A_283 : i32 to index
    %swap3A_285 = arith.constant 112 : index
    %swap3A_286 = tpu.vector_load %arg11[%swap3A_284, %swap3A_285] {strides = array<i32>} : memref<16x128xf32, #tpu.memory_space<vmem>>, vector<1x16xf32>,
    %swap3A_287 = vector.shape_cast %swap3A_286 : vector<1x16xf32> to vector<16xf32>
    %swap3A_288 = vector.shape_cast %broadcast_in_dim3A_1 : vector<16xf32> to vector<1x16xf32>
    tpu.vector_store %arg11[%swap3A_284, %swap3A_285], %swap3A_288 {strides = array<i32>} : memref<16x128xf32, #tpu.memory_space<vmem>>, vector<1x16xf32>,
    %swap3A_289 = arith.constant 6 : i32
    %swap3A_290 = arith.index_cast %swap3A_289 : i32 to index
    %swap3A_291 = arith.constant 0 : index
    %swap3A_292 = tpu.vector_load %arg11[%swap3A_290, %swap3A_291] {strides = array<i32>} : memref<16x128xf32, #tpu.memory_space<vmem>>, vector<1x16xf32>,
    %swap3A_293 = vector.shape_cast %swap3A_292 : vector<1x16xf32> to vector<16xf32>
    %swap3A_294 = vector.shape_cast %broadcast_in_dim3A_1 : vector<16xf32> to vector<1x16xf32>
    tpu.vector_store %arg11[%swap3A_290, %swap3A_291], %swap3A_294 {strides = array<i32>} : memref<16x128xf32, #tpu.memory_space<vmem>>, vector<1x16xf32>,
    %swap3A_295 = arith.constant 6 : i32
    %swap3A_296 = arith.index_cast %swap3A_295 : i32 to index
    %swap3A_297 = arith.constant 16 : index
    %swap3A_298 = tpu.vector_load %arg11[%swap3A_296, %swap3A_297] {strides = array<i32>} : memref<16x128xf32, #tpu.memory_space<vmem>>, vector<1x16xf32>,
    %swap3A_299 = vector.shape_cast %swap3A_298 : vector<1x16xf32> to vector<16xf32>
    %swap3A_300 = vector.shape_cast %broadcast_in_dim3A_1 : vector<16xf32> to vector<1x16xf32>
    tpu.vector_store %arg11[%swap3A_296, %swap3A_297], %swap3A_300 {strides = array<i32>} : memref<16x128xf32, #tpu.memory_space<vmem>>, vector<1x16xf32>,
    %swap3A_301 = arith.constant 6 : i32
    %swap3A_302 = arith.index_cast %swap3A_301 : i32 to index
    %swap3A_303 = arith.constant 32 : index
    %swap3A_304 = tpu.vector_load %arg11[%swap3A_302, %swap3A_303] {strides = array<i32>} : memref<16x128xf32, #tpu.memory_space<vmem>>, vector<1x16xf32>,
    %swap3A_305 = vector.shape_cast %swap3A_304 : vector<1x16xf32> to vector<16xf32>
    %swap3A_306 = vector.shape_cast %broadcast_in_dim3A_1 : vector<16xf32> to vector<1x16xf32>
    tpu.vector_store %arg11[%swap3A_302, %swap3A_303], %swap3A_306 {strides = array<i32>} : memref<16x128xf32, #tpu.memory_space<vmem>>, vector<1x16xf32>,
    %swap3A_307 = arith.constant 6 : i32
    %swap3A_308 = arith.index_cast %swap3A_307 : i32 to index
    %swap3A_309 = arith.constant 48 : index
    %swap3A_310 = tpu.vector_load %arg11[%swap3A_308, %swap3A_309] {strides = array<i32>} : memref<16x128xf32, #tpu.memory_space<vmem>>, vector<1x16xf32>,
    %swap3A_311 = vector.shape_cast %swap3A_310 : vector<1x16xf32> to vector<16xf32>
    %swap3A_312 = vector.shape_cast %broadcast_in_dim3A_1 : vector<16xf32> to vector<1x16xf32>
    tpu.vector_store %arg11[%swap3A_308, %swap3A_309], %swap3A_312 {strides = array<i32>} : memref<16x128xf32, #tpu.memory_space<vmem>>, vector<1x16xf32>,
    %swap3A_313 = arith.constant 6 : i32
    %swap3A_314 = arith.index_cast %swap3A_313 : i32 to index
    %swap3A_315 = arith.constant 64 : index
    %swap3A_316 = tpu.vector_load %arg11[%swap3A_314, %swap3A_315] {strides = array<i32>} : memref<16x128xf32, #tpu.memory_space<vmem>>, vector<1x16xf32>,
    %swap3A_317 = vector.shape_cast %swap3A_316 : vector<1x16xf32> to vector<16xf32>
    %swap3A_318 = vector.shape_cast %broadcast_in_dim3A_1 : vector<16xf32> to vector<1x16xf32>
    tpu.vector_store %arg11[%swap3A_314, %swap3A_315], %swap3A_318 {strides = array<i32>} : memref<16x128xf32, #tpu.memory_space<vmem>>, vector<1x16xf32>,
    %swap3A_319 = arith.constant 6 : i32
    %swap3A_320 = arith.index_cast %swap3A_319 : i32 to index
    %swap3A_321 = arith.constant 80 : index
    %swap3A_322 = tpu.vector_load %arg11[%swap3A_320, %swap3A_321] {strides = array<i32>} : memref<16x128xf32, #tpu.memory_space<vmem>>, vector<1x16xf32>,
    %swap3A_323 = vector.shape_cast %swap3A_322 : vector<1x16xf32> to vector<16xf32>
    %swap3A_324 = vector.shape_cast %broadcast_in_dim3A_1 : vector<16xf32> to vector<1x16xf32>
    tpu.vector_store %arg11[%swap3A_320, %swap3A_321], %swap3A_324 {strides = array<i32>} : memref<16x128xf32, #tpu.memory_space<vmem>>, vector<1x16xf32>,
    %swap3A_325 = arith.constant 6 : i32
    %swap3A_326 = arith.index_cast %swap3A_325 : i32 to index
    %swap3A_327 = arith.constant 96 : index
    %swap3A_328 = tpu.vector_load %arg11[%swap3A_326, %swap3A_327] {strides = array<i32>} : memref<16x128xf32, #tpu.memory_space<vmem>>, vector<1x16xf32>,
    %swap3A_329 = vector.shape_cast %swap3A_328 : vector<1x16xf32> to vector<16xf32>
    %swap3A_330 = vector.shape_cast %broadcast_in_dim3A_1 : vector<16xf32> to vector<1x16xf32>
    tpu.vector_store %arg11[%swap3A_326, %swap3A_327], %swap3A_330 {strides = array<i32>} : memref<16x128xf32, #tpu.memory_space<vmem>>, vector<1x16xf32>,
    %swap3A_331 = arith.constant 6 : i32
    %swap3A_332 = arith.index_cast %swap3A_331 : i32 to index
    %swap3A_333 = arith.constant 112 : index
    %swap3A_334 = tpu.vector_load %arg11[%swap3A_332, %swap3A_333] {strides = array<i32>} : memref<16x128xf32, #tpu.memory_space<vmem>>, vector<1x16xf32>,
    %swap3A_335 = vector.shape_cast %swap3A_334 : vector<1x16xf32> to vector<16xf32>
    %swap3A_336 = vector.shape_cast %broadcast_in_dim3A_1 : vector<16xf32> to vector<1x16xf32>
    tpu.vector_store %arg11[%swap3A_332, %swap3A_333], %swap3A_336 {strides = array<i32>} : memref<16x128xf32, #tpu.memory_space<vmem>>, vector<1x16xf32>,
    %swap3A_337 = arith.constant 7 : i32
    %swap3A_338 = arith.index_cast %swap3A_337 : i32 to index
    %swap3A_339 = arith.constant 0 : index
    %swap3A_340 = tpu.vector_load %arg11[%swap3A_338, %swap3A_339] {strides = array<i32>} : memref<16x128xf32, #tpu.memory_space<vmem>>, vector<1x16xf32>,
    %swap3A_341 = vector.shape_cast %swap3A_340 : vector<1x16xf32> to vector<16xf32>
    %swap3A_342 = vector.shape_cast %broadcast_in_dim3A_1 : vector<16xf32> to vector<1x16xf32>
    tpu.vector_store %arg11[%swap3A_338, %swap3A_339], %swap3A_342 {strides = array<i32>} : memref<16x128xf32, #tpu.memory_space<vmem>>, vector<1x16xf32>,
    %swap3A_343 = arith.constant 7 : i32
    %swap3A_344 = arith.index_cast %swap3A_343 : i32 to index
    %swap3A_345 = arith.constant 16 : index
    %swap3A_346 = tpu.vector_load %arg11[%swap3A_344, %swap3A_345] {strides = array<i32>} : memref<16x128xf32, #tpu.memory_space<vmem>>, vector<1x16xf32>,
    %swap3A_347 = vector.shape_cast %swap3A_346 : vector<1x16xf32> to vector<16xf32>
    %swap3A_348 = vector.shape_cast %broadcast_in_dim3A_1 : vector<16xf32> to vector<1x16xf32>
    tpu.vector_store %arg11[%swap3A_344, %swap3A_345], %swap3A_348 {strides = array<i32>} : memref<16x128xf32, #tpu.memory_space<vmem>>, vector<1x16xf32>,
    %swap3A_349 = arith.constant 7 : i32
    %swap3A_350 = arith.index_cast %swap3A_349 : i32 to index
    %swap3A_351 = arith.constant 32 : index
    %swap3A_352 = tpu.vector_load %arg11[%swap3A_350, %swap3A_351] {strides = array<i32>} : memref<16x128xf32, #tpu.memory_space<vmem>>, vector<1x16xf32>,
    %swap3A_353 = vector.shape_cast %swap3A_352 : vector<1x16xf32> to vector<16xf32>
    %swap3A_354 = vector.shape_cast %broadcast_in_dim3A_1 : vector<16xf32> to vector<1x16xf32>
    tpu.vector_store %arg11[%swap3A_350, %swap3A_351], %swap3A_354 {strides = array<i32>} : memref<16x128xf32, #tpu.memory_space<vmem>>, vector<1x16xf32>,
    %swap3A_355 = arith.constant 7 : i32
    %swap3A_356 = arith.index_cast %swap3A_355 : i32 to index
    %swap3A_357 = arith.constant 48 : index
    %swap3A_358 = tpu.vector_load %arg11[%swap3A_356, %swap3A_357] {strides = array<i32>} : memref<16x128xf32, #tpu.memory_space<vmem>>, vector<1x16xf32>,
    %swap3A_359 = vector.shape_cast %swap3A_358 : vector<1x16xf32> to vector<16xf32>
    %swap3A_360 = vector.shape_cast %broadcast_in_dim3A_1 : vector<16xf32> to vector<1x16xf32>
    tpu.vector_store %arg11[%swap3A_356, %swap3A_357], %swap3A_360 {strides = array<i32>} : memref<16x128xf32, #tpu.memory_space<vmem>>, vector<1x16xf32>,
    %swap3A_361 = arith.constant 7 : i32
    %swap3A_362 = arith.index_cast %swap3A_361 : i32 to index
    %swap3A_363 = arith.constant 64 : index
    %swap3A_364 = tpu.vector_load %arg11[%swap3A_362, %swap3A_363] {strides = array<i32>} : memref<16x128xf32, #tpu.memory_space<vmem>>, vector<1x16xf32>,
    %swap3A_365 = vector.shape_cast %swap3A_364 : vector<1x16xf32> to vector<16xf32>
    %swap3A_366 = vector.shape_cast %broadcast_in_dim3A_1 : vector<16xf32> to vector<1x16xf32>
    tpu.vector_store %arg11[%swap3A_362, %swap3A_363], %swap3A_366 {strides = array<i32>} : memref<16x128xf32, #tpu.memory_space<vmem>>, vector<1x16xf32>,
    %swap3A_367 = arith.constant 7 : i32
    %swap3A_368 = arith.index_cast %swap3A_367 : i32 to index
    %swap3A_369 = arith.constant 80 : index
    %swap3A_370 = tpu.vector_load %arg11[%swap3A_368, %swap3A_369] {strides = array<i32>} : memref<16x128xf32, #tpu.memory_space<vmem>>, vector<1x16xf32>,
    %swap3A_371 = vector.shape_cast %swap3A_370 : vector<1x16xf32> to vector<16xf32>
    %swap3A_372 = vector.shape_cast %broadcast_in_dim3A_1 : vector<16xf32> to vector<1x16xf32>
    tpu.vector_store %arg11[%swap3A_368, %swap3A_369], %swap3A_372 {strides = array<i32>} : memref<16x128xf32, #tpu.memory_space<vmem>>, vector<1x16xf32>,
    %swap3A_373 = arith.constant 7 : i32
    %swap3A_374 = arith.index_cast %swap3A_373 : i32 to index
    %swap3A_375 = arith.constant 96 : index
    %swap3A_376 = tpu.vector_load %arg11[%swap3A_374, %swap3A_375] {strides = array<i32>} : memref<16x128xf32, #tpu.memory_space<vmem>>, vector<1x16xf32>,
    %swap3A_377 = vector.shape_cast %swap3A_376 : vector<1x16xf32> to vector<16xf32>
    %swap3A_378 = vector.shape_cast %broadcast_in_dim3A_1 : vector<16xf32> to vector<1x16xf32>
    tpu.vector_store %arg11[%swap3A_374, %swap3A_375], %swap3A_378 {strides = array<i32>} : memref<16x128xf32, #tpu.memory_space<vmem>>, vector<1x16xf32>,
    %swap3A_379 = arith.constant 7 : i32
    %swap3A_380 = arith.index_cast %swap3A_379 : i32 to index
    %swap3A_381 = arith.constant 112 : index
    %swap3A_382 = tpu.vector_load %arg11[%swap3A_380, %swap3A_381] {strides = array<i32>} : memref<16x128xf32, #tpu.memory_space<vmem>>, vector<1x16xf32>,
    %swap3A_383 = vector.shape_cast %swap3A_382 : vector<1x16xf32> to vector<16xf32>
    %swap3A_384 = vector.shape_cast %broadcast_in_dim3A_1 : vector<16xf32> to vector<1x16xf32>
    tpu.vector_store %arg11[%swap3A_380, %swap3A_381], %swap3A_384 {strides = array<i32>} : memref<16x128xf32, #tpu.memory_space<vmem>>, vector<1x16xf32>,
    %swap3A_385 = arith.constant 8 : i32
    %swap3A_386 = arith.index_cast %swap3A_385 : i32 to index
    %swap3A_387 = arith.constant 0 : index
    %swap3A_388 = tpu.vector_load %arg11[%swap3A_386, %swap3A_387] {strides = array<i32>} : memref<16x128xf32, #tpu.memory_space<vmem>>, vector<1x16xf32>,
    %swap3A_389 = vector.shape_cast %swap3A_388 : vector<1x16xf32> to vector<16xf32>
    %swap3A_390 = vector.shape_cast %broadcast_in_dim3A_1 : vector<16xf32> to vector<1x16xf32>
    tpu.vector_store %arg11[%swap3A_386, %swap3A_387], %swap3A_390 {strides = array<i32>} : memref<16x128xf32, #tpu.memory_space<vmem>>, vector<1x16xf32>,
    %swap3A_391 = arith.constant 8 : i32
    %swap3A_392 = arith.index_cast %swap3A_391 : i32 to index
    %swap3A_393 = arith.constant 16 : index
    %swap3A_394 = tpu.vector_load %arg11[%swap3A_392, %swap3A_393] {strides = array<i32>} : memref<16x128xf32, #tpu.memory_space<vmem>>, vector<1x16xf32>,
    %swap3A_395 = vector.shape_cast %swap3A_394 : vector<1x16xf32> to vector<16xf32>
    %swap3A_396 = vector.shape_cast %broadcast_in_dim3A_1 : vector<16xf32> to vector<1x16xf32>
    tpu.vector_store %arg11[%swap3A_392, %swap3A_393], %swap3A_396 {strides = array<i32>} : memref<16x128xf32, #tpu.memory_space<vmem>>, vector<1x16xf32>,
    %swap3A_397 = arith.constant 8 : i32
    %swap3A_398 = arith.index_cast %swap3A_397 : i32 to index
    %swap3A_399 = arith.constant 32 : index
    %swap3A_400 = tpu.vector_load %arg11[%swap3A_398, %swap3A_399] {strides = array<i32>} : memref<16x128xf32, #tpu.memory_space<vmem>>, vector<1x16xf32>,
    %swap3A_401 = vector.shape_cast %swap3A_400 : vector<1x16xf32> to vector<16xf32>
    %swap3A_402 = vector.shape_cast %broadcast_in_dim3A_1 : vector<16xf32> to vector<1x16xf32>
    tpu.vector_store %arg11[%swap3A_398, %swap3A_399], %swap3A_402 {strides = array<i32>} : memref<16x128xf32, #tpu.memory_space<vmem>>, vector<1x16xf32>,
    %swap3A_403 = arith.constant 8 : i32
    %swap3A_404 = arith.index_cast %swap3A_403 : i32 to index
    %swap3A_405 = arith.constant 48 : index
    %swap3A_406 = tpu.vector_load %arg11[%swap3A_404, %swap3A_405] {strides = array<i32>} : memref<16x128xf32, #tpu.memory_space<vmem>>, vector<1x16xf32>,
    %swap3A_407 = vector.shape_cast %swap3A_406 : vector<1x16xf32> to vector<16xf32>
    %swap3A_408 = vector.shape_cast %broadcast_in_dim3A_1 : vector<16xf32> to vector<1x16xf32>
    tpu.vector_store %arg11[%swap3A_404, %swap3A_405], %swap3A_408 {strides = array<i32>} : memref<16x128xf32, #tpu.memory_space<vmem>>, vector<1x16xf32>,
    %swap3A_409 = arith.constant 8 : i32
    %swap3A_410 = arith.index_cast %swap3A_409 : i32 to index
    %swap3A_411 = arith.constant 64 : index
    %swap3A_412 = tpu.vector_load %arg11[%swap3A_410, %swap3A_411] {strides = array<i32>} : memref<16x128xf32, #tpu.memory_space<vmem>>, vector<1x16xf32>,
    %swap3A_413 = vector.shape_cast %swap3A_412 : vector<1x16xf32> to vector<16xf32>
    %swap3A_414 = vector.shape_cast %broadcast_in_dim3A_1 : vector<16xf32> to vector<1x16xf32>
    tpu.vector_store %arg11[%swap3A_410, %swap3A_411], %swap3A_414 {strides = array<i32>} : memref<16x128xf32, #tpu.memory_space<vmem>>, vector<1x16xf32>,
    %swap3A_415 = arith.constant 8 : i32
    %swap3A_416 = arith.index_cast %swap3A_415 : i32 to index
    %swap3A_417 = arith.constant 80 : index
    %swap3A_418 = tpu.vector_load %arg11[%swap3A_416, %swap3A_417] {strides = array<i32>} : memref<16x128xf32, #tpu.memory_space<vmem>>, vector<1x16xf32>,
    %swap3A_419 = vector.shape_cast %swap3A_418 : vector<1x16xf32> to vector<16xf32>
    %swap3A_420 = vector.shape_cast %broadcast_in_dim3A_1 : vector<16xf32> to vector<1x16xf32>
    tpu.vector_store %arg11[%swap3A_416, %swap3A_417], %swap3A_420 {strides = array<i32>} : memref<16x128xf32, #tpu.memory_space<vmem>>, vector<1x16xf32>,
    %swap3A_421 = arith.constant 8 : i32
    %swap3A_422 = arith.index_cast %swap3A_421 : i32 to index
    %swap3A_423 = arith.constant 96 : index
    %swap3A_424 = tpu.vector_load %arg11[%swap3A_422, %swap3A_423] {strides = array<i32>} : memref<16x128xf32, #tpu.memory_space<vmem>>, vector<1x16xf32>,
    %swap3A_425 = vector.shape_cast %swap3A_424 : vector<1x16xf32> to vector<16xf32>
    %swap3A_426 = vector.shape_cast %broadcast_in_dim3A_1 : vector<16xf32> to vector<1x16xf32>
    tpu.vector_store %arg11[%swap3A_422, %swap3A_423], %swap3A_426 {strides = array<i32>} : memref<16x128xf32, #tpu.memory_space<vmem>>, vector<1x16xf32>,
    %swap3A_427 = arith.constant 8 : i32
    %swap3A_428 = arith.index_cast %swap3A_427 : i32 to index
    %swap3A_429 = arith.constant 112 : index
    %swap3A_430 = tpu.vector_load %arg11[%swap3A_428, %swap3A_429] {strides = array<i32>} : memref<16x128xf32, #tpu.memory_space<vmem>>, vector<1x16xf32>,
    %swap3A_431 = vector.shape_cast %swap3A_430 : vector<1x16xf32> to vector<16xf32>
    %swap3A_432 = vector.shape_cast %broadcast_in_dim3A_1 : vector<16xf32> to vector<1x16xf32>
    tpu.vector_store %arg11[%swap3A_428, %swap3A_429], %swap3A_432 {strides = array<i32>} : memref<16x128xf32, #tpu.memory_space<vmem>>, vector<1x16xf32>,
    %swap3A_433 = arith.constant 9 : i32
    %swap3A_434 = arith.index_cast %swap3A_433 : i32 to index
    %swap3A_435 = arith.constant 0 : index
    %swap3A_436 = tpu.vector_load %arg11[%swap3A_434, %swap3A_435] {strides = array<i32>} : memref<16x128xf32, #tpu.memory_space<vmem>>, vector<1x16xf32>,
    %swap3A_437 = vector.shape_cast %swap3A_436 : vector<1x16xf32> to vector<16xf32>
    %swap3A_438 = vector.shape_cast %broadcast_in_dim3A_1 : vector<16xf32> to vector<1x16xf32>
    tpu.vector_store %arg11[%swap3A_434, %swap3A_435], %swap3A_438 {strides = array<i32>} : memref<16x128xf32, #tpu.memory_space<vmem>>, vector<1x16xf32>,
    %swap3A_439 = arith.constant 9 : i32
    %swap3A_440 = arith.index_cast %swap3A_439 : i32 to index
    %swap3A_441 = arith.constant 16 : index
    %swap3A_442 = tpu.vector_load %arg11[%swap3A_440, %swap3A_441] {strides = array<i32>} : memref<16x128xf32, #tpu.memory_space<vmem>>, vector<1x16xf32>,
    %swap3A_443 = vector.shape_cast %swap3A_442 : vector<1x16xf32> to vector<16xf32>
    %swap3A_444 = vector.shape_cast %broadcast_in_dim3A_1 : vector<16xf32> to vector<1x16xf32>
    tpu.vector_store %arg11[%swap3A_440, %swap3A_441], %swap3A_444 {strides = array<i32>} : memref<16x128xf32, #tpu.memory_space<vmem>>, vector<1x16xf32>,
    %swap3A_445 = arith.constant 9 : i32
    %swap3A_446 = arith.index_cast %swap3A_445 : i32 to index
    %swap3A_447 = arith.constant 32 : index
    %swap3A_448 = tpu.vector_load %arg11[%swap3A_446, %swap3A_447] {strides = array<i32>} : memref<16x128xf32, #tpu.memory_space<vmem>>, vector<1x16xf32>,
    %swap3A_449 = vector.shape_cast %swap3A_448 : vector<1x16xf32> to vector<16xf32>
    %swap3A_450 = vector.shape_cast %broadcast_in_dim3A_1 : vector<16xf32> to vector<1x16xf32>
    tpu.vector_store %arg11[%swap3A_446, %swap3A_447], %swap3A_450 {strides = array<i32>} : memref<16x128xf32, #tpu.memory_space<vmem>>, vector<1x16xf32>,
    %swap3A_451 = arith.constant 9 : i32
    %swap3A_452 = arith.index_cast %swap3A_451 : i32 to index
    %swap3A_453 = arith.constant 48 : index
    %swap3A_454 = tpu.vector_load %arg11[%swap3A_452, %swap3A_453] {strides = array<i32>} : memref<16x128xf32, #tpu.memory_space<vmem>>, vector<1x16xf32>,
    %swap3A_455 = vector.shape_cast %swap3A_454 : vector<1x16xf32> to vector<16xf32>
    %swap3A_456 = vector.shape_cast %broadcast_in_dim3A_1 : vector<16xf32> to vector<1x16xf32>
    tpu.vector_store %arg11[%swap3A_452, %swap3A_453], %swap3A_456 {strides = array<i32>} : memref<16x128xf32, #tpu.memory_space<vmem>>, vector<1x16xf32>,
    %swap3A_457 = arith.constant 9 : i32
    %swap3A_458 = arith.index_cast %swap3A_457 : i32 to index
    %swap3A_459 = arith.constant 64 : index
    %swap3A_460 = tpu.vector_load %arg11[%swap3A_458, %swap3A_459] {strides = array<i32>} : memref<16x128xf32, #tpu.memory_space<vmem>>, vector<1x16xf32>,
    %swap3A_461 = vector.shape_cast %swap3A_460 : vector<1x16xf32> to vector<16xf32>
    %swap3A_462 = vector.shape_cast %broadcast_in_dim3A_1 : vector<16xf32> to vector<1x16xf32>
    tpu.vector_store %arg11[%swap3A_458, %swap3A_459], %swap3A_462 {strides = array<i32>} : memref<16x128xf32, #tpu.memory_space<vmem>>, vector<1x16xf32>,
    %swap3A_463 = arith.constant 9 : i32
    %swap3A_464 = arith.index_cast %swap3A_463 : i32 to index
    %swap3A_465 = arith.constant 80 : index
    %swap3A_466 = tpu.vector_load %arg11[%swap3A_464, %swap3A_465] {strides = array<i32>} : memref<16x128xf32, #tpu.memory_space<vmem>>, vector<1x16xf32>,
    %swap3A_467 = vector.shape_cast %swap3A_466 : vector<1x16xf32> to vector<16xf32>
    %swap3A_468 = vector.shape_cast %broadcast_in_dim3A_1 : vector<16xf32> to vector<1x16xf32>
    tpu.vector_store %arg11[%swap3A_464, %swap3A_465], %swap3A_468 {strides = array<i32>} : memref<16x128xf32, #tpu.memory_space<vmem>>, vector<1x16xf32>,
    %swap3A_469 = arith.constant 9 : i32
    %swap3A_470 = arith.index_cast %swap3A_469 : i32 to index
    %swap3A_471 = arith.constant 96 : index
    %swap3A_472 = tpu.vector_load %arg11[%swap3A_470, %swap3A_471] {strides = array<i32>} : memref<16x128xf32, #tpu.memory_space<vmem>>, vector<1x16xf32>,
    %swap3A_473 = vector.shape_cast %swap3A_472 : vector<1x16xf32> to vector<16xf32>
    %swap3A_474 = vector.shape_cast %broadcast_in_dim3A_1 : vector<16xf32> to vector<1x16xf32>
    tpu.vector_store %arg11[%swap3A_470, %swap3A_471], %swap3A_474 {strides = array<i32>} : memref<16x128xf32, #tpu.memory_space<vmem>>, vector<1x16xf32>,
    %swap3A_475 = arith.constant 9 : i32
    %swap3A_476 = arith.index_cast %swap3A_475 : i32 to index
    %swap3A_477 = arith.constant 112 : index
    %swap3A_478 = tpu.vector_load %arg11[%swap3A_476, %swap3A_477] {strides = array<i32>} : memref<16x128xf32, #tpu.memory_space<vmem>>, vector<1x16xf32>,
    %swap3A_479 = vector.shape_cast %swap3A_478 : vector<1x16xf32> to vector<16xf32>
    %swap3A_480 = vector.shape_cast %broadcast_in_dim3A_1 : vector<16xf32> to vector<1x16xf32>
    tpu.vector_store %arg11[%swap3A_476, %swap3A_477], %swap3A_480 {strides = array<i32>} : memref<16x128xf32, #tpu.memory_space<vmem>>, vector<1x16xf32>,
    %swap3A_481 = arith.constant 10 : i32
    %swap3A_482 = arith.index_cast %swap3A_481 : i32 to index
    %swap3A_483 = arith.constant 0 : index
    %swap3A_484 = tpu.vector_load %arg11[%swap3A_482, %swap3A_483] {strides = array<i32>} : memref<16x128xf32, #tpu.memory_space<vmem>>, vector<1x16xf32>,
    %swap3A_485 = vector.shape_cast %swap3A_484 : vector<1x16xf32> to vector<16xf32>
    %swap3A_486 = vector.shape_cast %broadcast_in_dim3A_1 : vector<16xf32> to vector<1x16xf32>
    tpu.vector_store %arg11[%swap3A_482, %swap3A_483], %swap3A_486 {strides = array<i32>} : memref<16x128xf32, #tpu.memory_space<vmem>>, vector<1x16xf32>,
    %swap3A_487 = arith.constant 10 : i32
    %swap3A_488 = arith.index_cast %swap3A_487 : i32 to index
    %swap3A_489 = arith.constant 16 : index
    %swap3A_490 = tpu.vector_load %arg11[%swap3A_488, %swap3A_489] {strides = array<i32>} : memref<16x128xf32, #tpu.memory_space<vmem>>, vector<1x16xf32>,
    %swap3A_491 = vector.shape_cast %swap3A_490 : vector<1x16xf32> to vector<16xf32>
    %swap3A_492 = vector.shape_cast %broadcast_in_dim3A_1 : vector<16xf32> to vector<1x16xf32>
    tpu.vector_store %arg11[%swap3A_488, %swap3A_489], %swap3A_492 {strides = array<i32>} : memref<16x128xf32, #tpu.memory_space<vmem>>, vector<1x16xf32>,
    %swap3A_493 = arith.constant 10 : i32
    %swap3A_494 = arith.index_cast %swap3A_493 : i32 to index
    %swap3A_495 = arith.constant 32 : index
    %swap3A_496 = tpu.vector_load %arg11[%swap3A_494, %swap3A_495] {strides = array<i32>} : memref<16x128xf32, #tpu.memory_space<vmem>>, vector<1x16xf32>,
    %swap3A_497 = vector.shape_cast %swap3A_496 : vector<1x16xf32> to vector<16xf32>
    %swap3A_498 = vector.shape_cast %broadcast_in_dim3A_1 : vector<16xf32> to vector<1x16xf32>
    tpu.vector_store %arg11[%swap3A_494, %swap3A_495], %swap3A_498 {strides = array<i32>} : memref<16x128xf32, #tpu.memory_space<vmem>>, vector<1x16xf32>,
    %swap3A_499 = arith.constant 10 : i32
    %swap3A_500 = arith.index_cast %swap3A_499 : i32 to index
    %swap3A_501 = arith.constant 48 : index
    %swap3A_502 = tpu.vector_load %arg11[%swap3A_500, %swap3A_501] {strides = array<i32>} : memref<16x128xf32, #tpu.memory_space<vmem>>, vector<1x16xf32>,
    %swap3A_503 = vector.shape_cast %swap3A_502 : vector<1x16xf32> to vector<16xf32>
    %swap3A_504 = vector.shape_cast %broadcast_in_dim3A_1 : vector<16xf32> to vector<1x16xf32>
    tpu.vector_store %arg11[%swap3A_500, %swap3A_501], %swap3A_504 {strides = array<i32>} : memref<16x128xf32, #tpu.memory_space<vmem>>, vector<1x16xf32>,
    %swap3A_505 = arith.constant 10 : i32
    %swap3A_506 = arith.index_cast %swap3A_505 : i32 to index
    %swap3A_507 = arith.constant 64 : index
    %swap3A_508 = tpu.vector_load %arg11[%swap3A_506, %swap3A_507] {strides = array<i32>} : memref<16x128xf32, #tpu.memory_space<vmem>>, vector<1x16xf32>,
    %swap3A_509 = vector.shape_cast %swap3A_508 : vector<1x16xf32> to vector<16xf32>
    %swap3A_510 = vector.shape_cast %broadcast_in_dim3A_1 : vector<16xf32> to vector<1x16xf32>
    tpu.vector_store %arg11[%swap3A_506, %swap3A_507], %swap3A_510 {strides = array<i32>} : memref<16x128xf32, #tpu.memory_space<vmem>>, vector<1x16xf32>,
    %swap3A_511 = arith.constant 10 : i32
    %swap3A_512 = arith.index_cast %swap3A_511 : i32 to index
    %swap3A_513 = arith.constant 80 : index
    %swap3A_514 = tpu.vector_load %arg11[%swap3A_512, %swap3A_513] {strides = array<i32>} : memref<16x128xf32, #tpu.memory_space<vmem>>, vector<1x16xf32>,
    %swap3A_515 = vector.shape_cast %swap3A_514 : vector<1x16xf32> to vector<16xf32>
    %swap3A_516 = vector.shape_cast %broadcast_in_dim3A_1 : vector<16xf32> to vector<1x16xf32>
    tpu.vector_store %arg11[%swap3A_512, %swap3A_513], %swap3A_516 {strides = array<i32>} : memref<16x128xf32, #tpu.memory_space<vmem>>, vector<1x16xf32>,
    %swap3A_517 = arith.constant 10 : i32
    %swap3A_518 = arith.index_cast %swap3A_517 : i32 to index
    %swap3A_519 = arith.constant 96 : index
    %swap3A_520 = tpu.vector_load %arg11[%swap3A_518, %swap3A_519] {strides = array<i32>} : memref<16x128xf32, #tpu.memory_space<vmem>>, vector<1x16xf32>,
    %swap3A_521 = vector.shape_cast %swap3A_520 : vector<1x16xf32> to vector<16xf32>
    %swap3A_522 = vector.shape_cast %broadcast_in_dim3A_1 : vector<16xf32> to vector<1x16xf32>
    tpu.vector_store %arg11[%swap3A_518, %swap3A_519], %swap3A_522 {strides = array<i32>} : memref<16x128xf32, #tpu.memory_space<vmem>>, vector<1x16xf32>,
    %swap3A_523 = arith.constant 10 : i32
    %swap3A_524 = arith.index_cast %swap3A_523 : i32 to index
    %swap3A_525 = arith.constant 112 : index
    %swap3A_526 = tpu.vector_load %arg11[%swap3A_524, %swap3A_525] {strides = array<i32>} : memref<16x128xf32, #tpu.memory_space<vmem>>, vector<1x16xf32>,
    %swap3A_527 = vector.shape_cast %swap3A_526 : vector<1x16xf32> to vector<16xf32>
    %swap3A_528 = vector.shape_cast %broadcast_in_dim3A_1 : vector<16xf32> to vector<1x16xf32>
    tpu.vector_store %arg11[%swap3A_524, %swap3A_525], %swap3A_528 {strides = array<i32>} : memref<16x128xf32, #tpu.memory_space<vmem>>, vector<1x16xf32>,
    %swap3A_529 = arith.constant 11 : i32
    %swap3A_530 = arith.index_cast %swap3A_529 : i32 to index
    %swap3A_531 = arith.constant 0 : index
    %swap3A_532 = tpu.vector_load %arg11[%swap3A_530, %swap3A_531] {strides = array<i32>} : memref<16x128xf32, #tpu.memory_space<vmem>>, vector<1x16xf32>,
    %swap3A_533 = vector.shape_cast %swap3A_532 : vector<1x16xf32> to vector<16xf32>
    %swap3A_534 = vector.shape_cast %broadcast_in_dim3A_1 : vector<16xf32> to vector<1x16xf32>
    tpu.vector_store %arg11[%swap3A_530, %swap3A_531], %swap3A_534 {strides = array<i32>} : memref<16x128xf32, #tpu.memory_space<vmem>>, vector<1x16xf32>,
    %swap3A_535 = arith.constant 11 : i32
    %swap3A_536 = arith.index_cast %swap3A_535 : i32 to index
    %swap3A_537 = arith.constant 16 : index
    %swap3A_538 = tpu.vector_load %arg11[%swap3A_536, %swap3A_537] {strides = array<i32>} : memref<16x128xf32, #tpu.memory_space<vmem>>, vector<1x16xf32>,
    %swap3A_539 = vector.shape_cast %swap3A_538 : vector<1x16xf32> to vector<16xf32>
    %swap3A_540 = vector.shape_cast %broadcast_in_dim3A_1 : vector<16xf32> to vector<1x16xf32>
    tpu.vector_store %arg11[%swap3A_536, %swap3A_537], %swap3A_540 {strides = array<i32>} : memref<16x128xf32, #tpu.memory_space<vmem>>, vector<1x16xf32>,
    %swap3A_541 = arith.constant 11 : i32
    %swap3A_542 = arith.index_cast %swap3A_541 : i32 to index
    %swap3A_543 = arith.constant 32 : index
    %swap3A_544 = tpu.vector_load %arg11[%swap3A_542, %swap3A_543] {strides = array<i32>} : memref<16x128xf32, #tpu.memory_space<vmem>>, vector<1x16xf32>,
    %swap3A_545 = vector.shape_cast %swap3A_544 : vector<1x16xf32> to vector<16xf32>
    %swap3A_546 = vector.shape_cast %broadcast_in_dim3A_1 : vector<16xf32> to vector<1x16xf32>
    tpu.vector_store %arg11[%swap3A_542, %swap3A_543], %swap3A_546 {strides = array<i32>} : memref<16x128xf32, #tpu.memory_space<vmem>>, vector<1x16xf32>,
    %swap3A_547 = arith.constant 11 : i32
    %swap3A_548 = arith.index_cast %swap3A_547 : i32 to index
    %swap3A_549 = arith.constant 48 : index
    %swap3A_550 = tpu.vector_load %arg11[%swap3A_548, %swap3A_549] {strides = array<i32>} : memref<16x128xf32, #tpu.memory_space<vmem>>, vector<1x16xf32>,
    %swap3A_551 = vector.shape_cast %swap3A_550 : vector<1x16xf32> to vector<16xf32>
    %swap3A_552 = vector.shape_cast %broadcast_in_dim3A_1 : vector<16xf32> to vector<1x16xf32>
    tpu.vector_store %arg11[%swap3A_548, %swap3A_549], %swap3A_552 {strides = array<i32>} : memref<16x128xf32, #tpu.memory_space<vmem>>, vector<1x16xf32>,
    %swap3A_553 = arith.constant 11 : i32
    %swap3A_554 = arith.index_cast %swap3A_553 : i32 to index
    %swap3A_555 = arith.constant 64 : index
    %swap3A_556 = tpu.vector_load %arg11[%swap3A_554, %swap3A_555] {strides = array<i32>} : memref<16x128xf32, #tpu.memory_space<vmem>>, vector<1x16xf32>,
    %swap3A_557 = vector.shape_cast %swap3A_556 : vector<1x16xf32> to vector<16xf32>
    %swap3A_558 = vector.shape_cast %broadcast_in_dim3A_1 : vector<16xf32> to vector<1x16xf32>
    tpu.vector_store %arg11[%swap3A_554, %swap3A_555], %swap3A_558 {strides = array<i32>} : memref<16x128xf32, #tpu.memory_space<vmem>>, vector<1x16xf32>,
    %swap3A_559 = arith.constant 11 : i32
    %swap3A_560 = arith.index_cast %swap3A_559 : i32 to index
    %swap3A_561 = arith.constant 80 : index
    %swap3A_562 = tpu.vector_load %arg11[%swap3A_560, %swap3A_561] {strides = array<i32>} : memref<16x128xf32, #tpu.memory_space<vmem>>, vector<1x16xf32>,
    %swap3A_563 = vector.shape_cast %swap3A_562 : vector<1x16xf32> to vector<16xf32>
    %swap3A_564 = vector.shape_cast %broadcast_in_dim3A_1 : vector<16xf32> to vector<1x16xf32>
    tpu.vector_store %arg11[%swap3A_560, %swap3A_561], %swap3A_564 {strides = array<i32>} : memref<16x128xf32, #tpu.memory_space<vmem>>, vector<1x16xf32>,
    %swap3A_565 = arith.constant 11 : i32
    %swap3A_566 = arith.index_cast %swap3A_565 : i32 to index
    %swap3A_567 = arith.constant 96 : index
    %swap3A_568 = tpu.vector_load %arg11[%swap3A_566, %swap3A_567] {strides = array<i32>} : memref<16x128xf32, #tpu.memory_space<vmem>>, vector<1x16xf32>,
    %swap3A_569 = vector.shape_cast %swap3A_568 : vector<1x16xf32> to vector<16xf32>
    %swap3A_570 = vector.shape_cast %broadcast_in_dim3A_1 : vector<16xf32> to vector<1x16xf32>
    tpu.vector_store %arg11[%swap3A_566, %swap3A_567], %swap3A_570 {strides = array<i32>} : memref<16x128xf32, #tpu.memory_space<vmem>>, vector<1x16xf32>,
    %swap3A_571 = arith.constant 11 : i32
    %swap3A_572 = arith.index_cast %swap3A_571 : i32 to index
    %swap3A_573 = arith.constant 112 : index
    %swap3A_574 = tpu.vector_load %arg11[%swap3A_572, %swap3A_573] {strides = array<i32>} : memref<16x128xf32, #tpu.memory_space<vmem>>, vector<1x16xf32>,
    %swap3A_575 = vector.shape_cast %swap3A_574 : vector<1x16xf32> to vector<16xf32>
    %swap3A_576 = vector.shape_cast %broadcast_in_dim3A_1 : vector<16xf32> to vector<1x16xf32>
    tpu.vector_store %arg11[%swap3A_572, %swap3A_573], %swap3A_576 {strides = array<i32>} : memref<16x128xf32, #tpu.memory_space<vmem>>, vector<1x16xf32>,
    %swap3A_577 = arith.constant 12 : i32
    %swap3A_578 = arith.index_cast %swap3A_577 : i32 to index
    %swap3A_579 = arith.constant 0 : index
    %swap3A_580 = tpu.vector_load %arg11[%swap3A_578, %swap3A_579] {strides = array<i32>} : memref<16x128xf32, #tpu.memory_space<vmem>>, vector<1x16xf32>,
    %swap3A_581 = vector.shape_cast %swap3A_580 : vector<1x16xf32> to vector<16xf32>
    %swap3A_582 = vector.shape_cast %broadcast_in_dim3A_1 : vector<16xf32> to vector<1x16xf32>
    tpu.vector_store %arg11[%swap3A_578, %swap3A_579], %swap3A_582 {strides = array<i32>} : memref<16x128xf32, #tpu.memory_space<vmem>>, vector<1x16xf32>,
    %swap3A_583 = arith.constant 12 : i32
    %swap3A_584 = arith.index_cast %swap3A_583 : i32 to index
    %swap3A_585 = arith.constant 16 : index
    %swap3A_586 = tpu.vector_load %arg11[%swap3A_584, %swap3A_585] {strides = array<i32>} : memref<16x128xf32, #tpu.memory_space<vmem>>, vector<1x16xf32>,
    %swap3A_587 = vector.shape_cast %swap3A_586 : vector<1x16xf32> to vector<16xf32>
    %swap3A_588 = vector.shape_cast %broadcast_in_dim3A_1 : vector<16xf32> to vector<1x16xf32>
    tpu.vector_store %arg11[%swap3A_584, %swap3A_585], %swap3A_588 {strides = array<i32>} : memref<16x128xf32, #tpu.memory_space<vmem>>, vector<1x16xf32>,
    %swap3A_589 = arith.constant 12 : i32
    %swap3A_590 = arith.index_cast %swap3A_589 : i32 to index
    %swap3A_591 = arith.constant 32 : index
    %swap3A_592 = tpu.vector_load %arg11[%swap3A_590, %swap3A_591] {strides = array<i32>} : memref<16x128xf32, #tpu.memory_space<vmem>>, vector<1x16xf32>,
    %swap3A_593 = vector.shape_cast %swap3A_592 : vector<1x16xf32> to vector<16xf32>
    %swap3A_594 = vector.shape_cast %broadcast_in_dim3A_1 : vector<16xf32> to vector<1x16xf32>
    tpu.vector_store %arg11[%swap3A_590, %swap3A_591], %swap3A_594 {strides = array<i32>} : memref<16x128xf32, #tpu.memory_space<vmem>>, vector<1x16xf32>,
    %swap3A_595 = arith.constant 12 : i32
    %swap3A_596 = arith.index_cast %swap3A_595 : i32 to index
    %swap3A_597 = arith.constant 48 : index
    %swap3A_598 = tpu.vector_load %arg11[%swap3A_596, %swap3A_597] {strides = array<i32>} : memref<16x128xf32, #tpu.memory_space<vmem>>, vector<1x16xf32>,
    %swap3A_599 = vector.shape_cast %swap3A_598 : vector<1x16xf32> to vector<16xf32>
    %swap3A_600 = vector.shape_cast %broadcast_in_dim3A_1 : vector<16xf32> to vector<1x16xf32>
    tpu.vector_store %arg11[%swap3A_596, %swap3A_597], %swap3A_600 {strides = array<i32>} : memref<16x128xf32, #tpu.memory_space<vmem>>, vector<1x16xf32>,
    %swap3A_601 = arith.constant 12 : i32
    %swap3A_602 = arith.index_cast %swap3A_601 : i32 to index
    %swap3A_603 = arith.constant 64 : index
    %swap3A_604 = tpu.vector_load %arg11[%swap3A_602, %swap3A_603] {strides = array<i32>} : memref<16x128xf32, #tpu.memory_space<vmem>>, vector<1x16xf32>,
    %swap3A_605 = vector.shape_cast %swap3A_604 : vector<1x16xf32> to vector<16xf32>
    %swap3A_606 = vector.shape_cast %broadcast_in_dim3A_1 : vector<16xf32> to vector<1x16xf32>
    tpu.vector_store %arg11[%swap3A_602, %swap3A_603], %swap3A_606 {strides = array<i32>} : memref<16x128xf32, #tpu.memory_space<vmem>>, vector<1x16xf32>,
    %swap3A_607 = arith.constant 12 : i32
    %swap3A_608 = arith.index_cast %swap3A_607 : i32 to index
    %swap3A_609 = arith.constant 80 : index
    %swap3A_610 = tpu.vector_load %arg11[%swap3A_608, %swap3A_609] {strides = array<i32>} : memref<16x128xf32, #tpu.memory_space<vmem>>, vector<1x16xf32>,
    %swap3A_611 = vector.shape_cast %swap3A_610 : vector<1x16xf32> to vector<16xf32>
    %swap3A_612 = vector.shape_cast %broadcast_in_dim3A_1 : vector<16xf32> to vector<1x16xf32>
    tpu.vector_store %arg11[%swap3A_608, %swap3A_609], %swap3A_612 {strides = array<i32>} : memref<16x128xf32, #tpu.memory_space<vmem>>, vector<1x16xf32>,
    %swap3A_613 = arith.constant 12 : i32
    %swap3A_614 = arith.index_cast %swap3A_613 : i32 to index
    %swap3A_615 = arith.constant 96 : index
    %swap3A_616 = tpu.vector_load %arg11[%swap3A_614, %swap3A_615] {strides = array<i32>} : memref<16x128xf32, #tpu.memory_space<vmem>>, vector<1x16xf32>,
    %swap3A_617 = vector.shape_cast %swap3A_616 : vector<1x16xf32> to vector<16xf32>
    %swap3A_618 = vector.shape_cast %broadcast_in_dim3A_1 : vector<16xf32> to vector<1x16xf32>
    tpu.vector_store %arg11[%swap3A_614, %swap3A_615], %swap3A_618 {strides = array<i32>} : memref<16x128xf32, #tpu.memory_space<vmem>>, vector<1x16xf32>,
    %swap3A_619 = arith.constant 12 : i32
    %swap3A_620 = arith.index_cast %swap3A_619 : i32 to index
    %swap3A_621 = arith.constant 112 : index
    %swap3A_622 = tpu.vector_load %arg11[%swap3A_620, %swap3A_621] {strides = array<i32>} : memref<16x128xf32, #tpu.memory_space<vmem>>, vector<1x16xf32>,
    %swap3A_623 = vector.shape_cast %swap3A_622 : vector<1x16xf32> to vector<16xf32>
    %swap3A_624 = vector.shape_cast %broadcast_in_dim3A_1 : vector<16xf32> to vector<1x16xf32>
    tpu.vector_store %arg11[%swap3A_620, %swap3A_621], %swap3A_624 {strides = array<i32>} : memref<16x128xf32, #tpu.memory_space<vmem>>, vector<1x16xf32>,
    %swap3A_625 = arith.constant 13 : i32
    %swap3A_626 = arith.index_cast %swap3A_625 : i32 to index
    %swap3A_627 = arith.constant 0 : index
    %swap3A_628 = tpu.vector_load %arg11[%swap3A_626, %swap3A_627] {strides = array<i32>} : memref<16x128xf32, #tpu.memory_space<vmem>>, vector<1x16xf32>,
    %swap3A_629 = vector.shape_cast %swap3A_628 : vector<1x16xf32> to vector<16xf32>
    %swap3A_630 = vector.shape_cast %broadcast_in_dim3A_1 : vector<16xf32> to vector<1x16xf32>
    tpu.vector_store %arg11[%swap3A_626, %swap3A_627], %swap3A_630 {strides = array<i32>} : memref<16x128xf32, #tpu.memory_space<vmem>>, vector<1x16xf32>,
    %swap3A_631 = arith.constant 13 : i32
    %swap3A_632 = arith.index_cast %swap3A_631 : i32 to index
    %swap3A_633 = arith.constant 16 : index
    %swap3A_634 = tpu.vector_load %arg11[%swap3A_632, %swap3A_633] {strides = array<i32>} : memref<16x128xf32, #tpu.memory_space<vmem>>, vector<1x16xf32>,
    %swap3A_635 = vector.shape_cast %swap3A_634 : vector<1x16xf32> to vector<16xf32>
    %swap3A_636 = vector.shape_cast %broadcast_in_dim3A_1 : vector<16xf32> to vector<1x16xf32>
    tpu.vector_store %arg11[%swap3A_632, %swap3A_633], %swap3A_636 {strides = array<i32>} : memref<16x128xf32, #tpu.memory_space<vmem>>, vector<1x16xf32>,
    %swap3A_637 = arith.constant 13 : i32
    %swap3A_638 = arith.index_cast %swap3A_637 : i32 to index
    %swap3A_639 = arith.constant 32 : index
    %swap3A_640 = tpu.vector_load %arg11[%swap3A_638, %swap3A_639] {strides = array<i32>} : memref<16x128xf32, #tpu.memory_space<vmem>>, vector<1x16xf32>,
    %swap3A_641 = vector.shape_cast %swap3A_640 : vector<1x16xf32> to vector<16xf32>
    %swap3A_642 = vector.shape_cast %broadcast_in_dim3A_1 : vector<16xf32> to vector<1x16xf32>
    tpu.vector_store %arg11[%swap3A_638, %swap3A_639], %swap3A_642 {strides = array<i32>} : memref<16x128xf32, #tpu.memory_space<vmem>>, vector<1x16xf32>,
    %swap3A_643 = arith.constant 13 : i32
    %swap3A_644 = arith.index_cast %swap3A_643 : i32 to index
    %swap3A_645 = arith.constant 48 : index
    %swap3A_646 = tpu.vector_load %arg11[%swap3A_644, %swap3A_645] {strides = array<i32>} : memref<16x128xf32, #tpu.memory_space<vmem>>, vector<1x16xf32>,
    %swap3A_647 = vector.shape_cast %swap3A_646 : vector<1x16xf32> to vector<16xf32>
    %swap3A_648 = vector.shape_cast %broadcast_in_dim3A_1 : vector<16xf32> to vector<1x16xf32>
    tpu.vector_store %arg11[%swap3A_644, %swap3A_645], %swap3A_648 {strides = array<i32>} : memref<16x128xf32, #tpu.memory_space<vmem>>, vector<1x16xf32>,
    %swap3A_649 = arith.constant 13 : i32
    %swap3A_650 = arith.index_cast %swap3A_649 : i32 to index
    %swap3A_651 = arith.constant 64 : index
    %swap3A_652 = tpu.vector_load %arg11[%swap3A_650, %swap3A_651] {strides = array<i32>} : memref<16x128xf32, #tpu.memory_space<vmem>>, vector<1x16xf32>,
    %swap3A_653 = vector.shape_cast %swap3A_652 : vector<1x16xf32> to vector<16xf32>
    %swap3A_654 = vector.shape_cast %broadcast_in_dim3A_1 : vector<16xf32> to vector<1x16xf32>
    tpu.vector_store %arg11[%swap3A_650, %swap3A_651], %swap3A_654 {strides = array<i32>} : memref<16x128xf32, #tpu.memory_space<vmem>>, vector<1x16xf32>,
    %swap3A_655 = arith.constant 13 : i32
    %swap3A_656 = arith.index_cast %swap3A_655 : i32 to index
    %swap3A_657 = arith.constant 80 : index
    %swap3A_658 = tpu.vector_load %arg11[%swap3A_656, %swap3A_657] {strides = array<i32>} : memref<16x128xf32, #tpu.memory_space<vmem>>, vector<1x16xf32>,
    %swap3A_659 = vector.shape_cast %swap3A_658 : vector<1x16xf32> to vector<16xf32>
    %swap3A_660 = vector.shape_cast %broadcast_in_dim3A_1 : vector<16xf32> to vector<1x16xf32>
    tpu.vector_store %arg11[%swap3A_656, %swap3A_657], %swap3A_660 {strides = array<i32>} : memref<16x128xf32, #tpu.memory_space<vmem>>, vector<1x16xf32>,
    %swap3A_661 = arith.constant 13 : i32
    %swap3A_662 = arith.index_cast %swap3A_661 : i32 to index
    %swap3A_663 = arith.constant 96 : index
    %swap3A_664 = tpu.vector_load %arg11[%swap3A_662, %swap3A_663] {strides = array<i32>} : memref<16x128xf32, #tpu.memory_space<vmem>>, vector<1x16xf32>,
    %swap3A_665 = vector.shape_cast %swap3A_664 : vector<1x16xf32> to vector<16xf32>
    %swap3A_666 = vector.shape_cast %broadcast_in_dim3A_1 : vector<16xf32> to vector<1x16xf32>
    tpu.vector_store %arg11[%swap3A_662, %swap3A_663], %swap3A_666 {strides = array<i32>} : memref<16x128xf32, #tpu.memory_space<vmem>>, vector<1x16xf32>,
    %swap3A_667 = arith.constant 13 : i32
    %swap3A_668 = arith.index_cast %swap3A_667 : i32 to index
    %swap3A_669 = arith.constant 112 : index
    %swap3A_670 = tpu.vector_load %arg11[%swap3A_668, %swap3A_669] {strides = array<i32>} : memref<16x128xf32, #tpu.memory_space<vmem>>, vector<1x16xf32>,
    %swap3A_671 = vector.shape_cast %swap3A_670 : vector<1x16xf32> to vector<16xf32>
    %swap3A_672 = vector.shape_cast %broadcast_in_dim3A_1 : vector<16xf32> to vector<1x16xf32>
    tpu.vector_store %arg11[%swap3A_668, %swap3A_669], %swap3A_672 {strides = array<i32>} : memref<16x128xf32, #tpu.memory_space<vmem>>, vector<1x16xf32>,
    %swap3A_673 = arith.constant 14 : i32
    %swap3A_674 = arith.index_cast %swap3A_673 : i32 to index
    %swap3A_675 = arith.constant 0 : index
    %swap3A_676 = tpu.vector_load %arg11[%swap3A_674, %swap3A_675] {strides = array<i32>} : memref<16x128xf32, #tpu.memory_space<vmem>>, vector<1x16xf32>,
    %swap3A_677 = vector.shape_cast %swap3A_676 : vector<1x16xf32> to vector<16xf32>
    %swap3A_678 = vector.shape_cast %broadcast_in_dim3A_1 : vector<16xf32> to vector<1x16xf32>
    tpu.vector_store %arg11[%swap3A_674, %swap3A_675], %swap3A_678 {strides = array<i32>} : memref<16x128xf32, #tpu.memory_space<vmem>>, vector<1x16xf32>,
    %swap3A_679 = arith.constant 14 : i32
    %swap3A_680 = arith.index_cast %swap3A_679 : i32 to index
    %swap3A_681 = arith.constant 16 : index
    %swap3A_682 = tpu.vector_load %arg11[%swap3A_680, %swap3A_681] {strides = array<i32>} : memref<16x128xf32, #tpu.memory_space<vmem>>, vector<1x16xf32>,
    %swap3A_683 = vector.shape_cast %swap3A_682 : vector<1x16xf32> to vector<16xf32>
    %swap3A_684 = vector.shape_cast %broadcast_in_dim3A_1 : vector<16xf32> to vector<1x16xf32>
    tpu.vector_store %arg11[%swap3A_680, %swap3A_681], %swap3A_684 {strides = array<i32>} : memref<16x128xf32, #tpu.memory_space<vmem>>, vector<1x16xf32>,
    %swap3A_685 = arith.constant 14 : i32
    %swap3A_686 = arith.index_cast %swap3A_685 : i32 to index
    %swap3A_687 = arith.constant 32 : index
    %swap3A_688 = tpu.vector_load %arg11[%swap3A_686, %swap3A_687] {strides = array<i32>} : memref<16x128xf32, #tpu.memory_space<vmem>>, vector<1x16xf32>,
    %swap3A_689 = vector.shape_cast %swap3A_688 : vector<1x16xf32> to vector<16xf32>
    %swap3A_690 = vector.shape_cast %broadcast_in_dim3A_1 : vector<16xf32> to vector<1x16xf32>
    tpu.vector_store %arg11[%swap3A_686, %swap3A_687], %swap3A_690 {strides = array<i32>} : memref<16x128xf32, #tpu.memory_space<vmem>>, vector<1x16xf32>,
    %swap3A_691 = arith.constant 14 : i32
    %swap3A_692 = arith.index_cast %swap3A_691 : i32 to index
    %swap3A_693 = arith.constant 48 : index
    %swap3A_694 = tpu.vector_load %arg11[%swap3A_692, %swap3A_693] {strides = array<i32>} : memref<16x128xf32, #tpu.memory_space<vmem>>, vector<1x16xf32>,
    %swap3A_695 = vector.shape_cast %swap3A_694 : vector<1x16xf32> to vector<16xf32>
    %swap3A_696 = vector.shape_cast %broadcast_in_dim3A_1 : vector<16xf32> to vector<1x16xf32>
    tpu.vector_store %arg11[%swap3A_692, %swap3A_693], %swap3A_696 {strides = array<i32>} : memref<16x128xf32, #tpu.memory_space<vmem>>, vector<1x16xf32>,
    %swap3A_697 = arith.constant 14 : i32
    %swap3A_698 = arith.index_cast %swap3A_697 : i32 to index
    %swap3A_699 = arith.constant 64 : index
    %swap3A_700 = tpu.vector_load %arg11[%swap3A_698, %swap3A_699] {strides = array<i32>} : memref<16x128xf32, #tpu.memory_space<vmem>>, vector<1x16xf32>,
    %swap3A_701 = vector.shape_cast %swap3A_700 : vector<1x16xf32> to vector<16xf32>
    %swap3A_702 = vector.shape_cast %broadcast_in_dim3A_1 : vector<16xf32> to vector<1x16xf32>
    tpu.vector_store %arg11[%swap3A_698, %swap3A_699], %swap3A_702 {strides = array<i32>} : memref<16x128xf32, #tpu.memory_space<vmem>>, vector<1x16xf32>,
    %swap3A_703 = arith.constant 14 : i32
    %swap3A_704 = arith.index_cast %swap3A_703 : i32 to index
    %swap3A_705 = arith.constant 80 : index
    %swap3A_706 = tpu.vector_load %arg11[%swap3A_704, %swap3A_705] {strides = array<i32>} : memref<16x128xf32, #tpu.memory_space<vmem>>, vector<1x16xf32>,
    %swap3A_707 = vector.shape_cast %swap3A_706 : vector<1x16xf32> to vector<16xf32>
    %swap3A_708 = vector.shape_cast %broadcast_in_dim3A_1 : vector<16xf32> to vector<1x16xf32>
    tpu.vector_store %arg11[%swap3A_704, %swap3A_705], %swap3A_708 {strides = array<i32>} : memref<16x128xf32, #tpu.memory_space<vmem>>, vector<1x16xf32>,
    %swap3A_709 = arith.constant 14 : i32
    %swap3A_710 = arith.index_cast %swap3A_709 : i32 to index
    %swap3A_711 = arith.constant 96 : index
    %swap3A_712 = tpu.vector_load %arg11[%swap3A_710, %swap3A_711] {strides = array<i32>} : memref<16x128xf32, #tpu.memory_space<vmem>>, vector<1x16xf32>,
    %swap3A_713 = vector.shape_cast %swap3A_712 : vector<1x16xf32> to vector<16xf32>
    %swap3A_714 = vector.shape_cast %broadcast_in_dim3A_1 : vector<16xf32> to vector<1x16xf32>
    tpu.vector_store %arg11[%swap3A_710, %swap3A_711], %swap3A_714 {strides = array<i32>} : memref<16x128xf32, #tpu.memory_space<vmem>>, vector<1x16xf32>,
    %swap3A_715 = arith.constant 14 : i32
    %swap3A_716 = arith.index_cast %swap3A_715 : i32 to index
    %swap3A_717 = arith.constant 112 : index
    %swap3A_718 = tpu.vector_load %arg11[%swap3A_716, %swap3A_717] {strides = array<i32>} : memref<16x128xf32, #tpu.memory_space<vmem>>, vector<1x16xf32>,
    %swap3A_719 = vector.shape_cast %swap3A_718 : vector<1x16xf32> to vector<16xf32>
    %swap3A_720 = vector.shape_cast %broadcast_in_dim3A_1 : vector<16xf32> to vector<1x16xf32>
    tpu.vector_store %arg11[%swap3A_716, %swap3A_717], %swap3A_720 {strides = array<i32>} : memref<16x128xf32, #tpu.memory_space<vmem>>, vector<1x16xf32>,
    %swap3A_721 = arith.constant 15 : i32
    %swap3A_722 = arith.index_cast %swap3A_721 : i32 to index
    %swap3A_723 = arith.constant 0 : index
    %swap3A_724 = tpu.vector_load %arg11[%swap3A_722, %swap3A_723] {strides = array<i32>} : memref<16x128xf32, #tpu.memory_space<vmem>>, vector<1x16xf32>,
    %swap3A_725 = vector.shape_cast %swap3A_724 : vector<1x16xf32> to vector<16xf32>
    %swap3A_726 = vector.shape_cast %broadcast_in_dim3A_1 : vector<16xf32> to vector<1x16xf32>
    tpu.vector_store %arg11[%swap3A_722, %swap3A_723], %swap3A_726 {strides = array<i32>} : memref<16x128xf32, #tpu.memory_space<vmem>>, vector<1x16xf32>,
    %swap3A_727 = arith.constant 15 : i32
    %swap3A_728 = arith.index_cast %swap3A_727 : i32 to index
    %swap3A_729 = arith.constant 16 : index
    %swap3A_730 = tpu.vector_load %arg11[%swap3A_728, %swap3A_729] {strides = array<i32>} : memref<16x128xf32, #tpu.memory_space<vmem>>, vector<1x16xf32>,
    %swap3A_731 = vector.shape_cast %swap3A_730 : vector<1x16xf32> to vector<16xf32>
    %swap3A_732 = vector.shape_cast %broadcast_in_dim3A_1 : vector<16xf32> to vector<1x16xf32>
    tpu.vector_store %arg11[%swap3A_728, %swap3A_729], %swap3A_732 {strides = array<i32>} : memref<16x128xf32, #tpu.memory_space<vmem>>, vector<1x16xf32>,
    %swap3A_733 = arith.constant 15 : i32
    %swap3A_734 = arith.index_cast %swap3A_733 : i32 to index
    %swap3A_735 = arith.constant 32 : index
    %swap3A_736 = tpu.vector_load %arg11[%swap3A_734, %swap3A_735] {strides = array<i32>} : memref<16x128xf32, #tpu.memory_space<vmem>>, vector<1x16xf32>,
    %swap3A_737 = vector.shape_cast %swap3A_736 : vector<1x16xf32> to vector<16xf32>
    %swap3A_738 = vector.shape_cast %broadcast_in_dim3A_1 : vector<16xf32> to vector<1x16xf32>
    tpu.vector_store %arg11[%swap3A_734, %swap3A_735], %swap3A_738 {strides = array<i32>} : memref<16x128xf32, #tpu.memory_space<vmem>>, vector<1x16xf32>,
    %swap3A_739 = arith.constant 15 : i32
    %swap3A_740 = arith.index_cast %swap3A_739 : i32 to index
    %swap3A_741 = arith.constant 48 : index
    %swap3A_742 = tpu.vector_load %arg11[%swap3A_740, %swap3A_741] {strides = array<i32>} : memref<16x128xf32, #tpu.memory_space<vmem>>, vector<1x16xf32>,
    %swap3A_743 = vector.shape_cast %swap3A_742 : vector<1x16xf32> to vector<16xf32>
    %swap3A_744 = vector.shape_cast %broadcast_in_dim3A_1 : vector<16xf32> to vector<1x16xf32>
    tpu.vector_store %arg11[%swap3A_740, %swap3A_741], %swap3A_744 {strides = array<i32>} : memref<16x128xf32, #tpu.memory_space<vmem>>, vector<1x16xf32>,
    %swap3A_745 = arith.constant 15 : i32
    %swap3A_746 = arith.index_cast %swap3A_745 : i32 to index
    %swap3A_747 = arith.constant 64 : index
    %swap3A_748 = tpu.vector_load %arg11[%swap3A_746, %swap3A_747] {strides = array<i32>} : memref<16x128xf32, #tpu.memory_space<vmem>>, vector<1x16xf32>,
    %swap3A_749 = vector.shape_cast %swap3A_748 : vector<1x16xf32> to vector<16xf32>
    %swap3A_750 = vector.shape_cast %broadcast_in_dim3A_1 : vector<16xf32> to vector<1x16xf32>
    tpu.vector_store %arg11[%swap3A_746, %swap3A_747], %swap3A_750 {strides = array<i32>} : memref<16x128xf32, #tpu.memory_space<vmem>>, vector<1x16xf32>,
    %swap3A_751 = arith.constant 15 : i32
    %swap3A_752 = arith.index_cast %swap3A_751 : i32 to index
    %swap3A_753 = arith.constant 80 : index
    %swap3A_754 = tpu.vector_load %arg11[%swap3A_752, %swap3A_753] {strides = array<i32>} : memref<16x128xf32, #tpu.memory_space<vmem>>, vector<1x16xf32>,
    %swap3A_755 = vector.shape_cast %swap3A_754 : vector<1x16xf32> to vector<16xf32>
    %swap3A_756 = vector.shape_cast %broadcast_in_dim3A_1 : vector<16xf32> to vector<1x16xf32>
    tpu.vector_store %arg11[%swap3A_752, %swap3A_753], %swap3A_756 {strides = array<i32>} : memref<16x128xf32, #tpu.memory_space<vmem>>, vector<1x16xf32>,
    %swap3A_757 = arith.constant 15 : i32
    %swap3A_758 = arith.index_cast %swap3A_757 : i32 to index
    %swap3A_759 = arith.constant 96 : index
    %swap3A_760 = tpu.vector_load %arg11[%swap3A_758, %swap3A_759] {strides = array<i32>} : memref<16x128xf32, #tpu.memory_space<vmem>>, vector<1x16xf32>,
    %swap3A_761 = vector.shape_cast %swap3A_760 : vector<1x16xf32> to vector<16xf32>
    %swap3A_762 = vector.shape_cast %broadcast_in_dim3A_1 : vector<16xf32> to vector<1x16xf32>
    tpu.vector_store %arg11[%swap3A_758, %swap3A_759], %swap3A_762 {strides = array<i32>} : memref<16x128xf32, #tpu.memory_space<vmem>>, vector<1x16xf32>,
    %swap3A_763 = arith.constant 15 : i32
    %swap3A_764 = arith.index_cast %swap3A_763 : i32 to index
    %swap3A_765 = arith.constant 112 : index
    %swap3A_766 = tpu.vector_load %arg11[%swap3A_764, %swap3A_765] {strides = array<i32>} : memref<16x128xf32, #tpu.memory_space<vmem>>, vector<1x16xf32>,
    %swap3A_767 = vector.shape_cast %swap3A_766 : vector<1x16xf32> to vector<16xf32>
    %swap3A_768 = vector.shape_cast %broadcast_in_dim3A_1 : vector<16xf32> to vector<1x16xf32>
    tpu.vector_store %arg11[%swap3A_764, %swap3A_765], %swap3A_768 {strides = array<i32>} : memref<16x128xf32, #tpu.memory_space<vmem>>, vector<1x16xf32>,
    %mul3A_769 = arith.constant 640 : i32
    %mul3A_770 = arith.muli %arg1, %mul3A_769 : i32
    %add3A_771 = arith.constant 0 : i32
    %add3A_772 = arith.addi %mul3A_770, %add3A_771 : i32
    %dma_start3A = arith.constant 0 : i32
    %dma_start3A_773 = tpu.memref_slice %arg5[%add3A_772, %dma_start3A] : memref<10240x128xf32, #tpu.memory_space<vmem_shared>> -> memref<16x128xf32, #tpu.memory_space<vmem_shared>>
    %dma_start3A_774 = arith.constant 0 : i32
    %dma_start3A_775 = tpu.memref_slice %arg5[%add3A_772, %dma_start3A_774] : memref<10240x128xf32, #tpu.memory_space<vmem_shared>> -> memref<16x128xf32, #tpu.memory_space<vmem_shared>>
    tpu.enqueue_dma source(%arg11 : memref<16x128xf32, #tpu.memory_space<vmem>>) target(%dma_start3A_775 : memref<16x128xf32, #tpu.memory_space<vmem_shared>>) target_semaphore(%arg12 : memref<!tpu.dma_semaphore, #tpu.memory_space<semaphore_mem>>)
    %mul3A_776 = arith.constant 640 : i32
    %mul3A_777 = arith.muli %arg1, %mul3A_776 : i32
    %add3A_778 = arith.constant 16 : i32
    %add3A_779 = arith.addi %mul3A_777, %add3A_778 : i32
    %dma_start3A_780 = arith.constant 0 : i32
    %dma_start3A_781 = tpu.memref_slice %arg5[%add3A_779, %dma_start3A_780] : memref<10240x128xf32, #tpu.memory_space<vmem_shared>> -> memref<16x128xf32, #tpu.memory_space<vmem_shared>>
    %dma_start3A_782 = arith.constant 0 : i32
    %dma_start3A_783 = tpu.memref_slice %arg5[%add3A_779, %dma_start3A_782] : memref<10240x128xf32, #tpu.memory_space<vmem_shared>> -> memref<16x128xf32, #tpu.memory_space<vmem_shared>>
    tpu.enqueue_dma source(%arg11 : memref<16x128xf32, #tpu.memory_space<vmem>>) target(%dma_start3A_783 : memref<16x128xf32, #tpu.memory_space<vmem_shared>>) target_semaphore(%arg12 : memref<!tpu.dma_semaphore, #tpu.memory_space<semaphore_mem>>)
    %mul3A_784 = arith.constant 640 : i32
    %mul3A_785 = arith.muli %arg1, %mul3A_784 : i32
    %add3A_786 = arith.constant 32 : i32
    %add3A_787 = arith.addi %mul3A_785, %add3A_786 : i32
    %dma_start3A_788 = arith.constant 0 : i32
    %dma_start3A_789 = tpu.memref_slice %arg5[%add3A_787, %dma_start3A_788] : memref<10240x128xf32, #tpu.memory_space<vmem_shared>> -> memref<16x128xf32, #tpu.memory_space<vmem_shared>>
    %dma_start3A_790 = arith.constant 0 : i32
    %dma_start3A_791 = tpu.memref_slice %arg5[%add3A_787, %dma_start3A_790] : memref<10240x128xf32, #tpu.memory_space<vmem_shared>> -> memref<16x128xf32, #tpu.memory_space<vmem_shared>>
    tpu.enqueue_dma source(%arg11 : memref<16x128xf32, #tpu.memory_space<vmem>>) target(%dma_start3A_791 : memref<16x128xf32, #tpu.memory_space<vmem_shared>>) target_semaphore(%arg12 : memref<!tpu.dma_semaphore, #tpu.memory_space<semaphore_mem>>)
    %mul3A_792 = arith.constant 640 : i32
    %mul3A_793 = arith.muli %arg1, %mul3A_792 : i32
    %add3A_794 = arith.constant 48 : i32
    %add3A_795 = arith.addi %mul3A_793, %add3A_794 : i32
    %dma_start3A_796 = arith.constant 0 : i32
    %dma_start3A_797 = tpu.memref_slice %arg5[%add3A_795, %dma_start3A_796] : memref<10240x128xf32, #tpu.memory_space<vmem_shared>> -> memref<16x128xf32, #tpu.memory_space<vmem_shared>>
    %dma_start3A_798 = arith.constant 0 : i32
    %dma_start3A_799 = tpu.memref_slice %arg5[%add3A_795, %dma_start3A_798] : memref<10240x128xf32, #tpu.memory_space<vmem_shared>> -> memref<16x128xf32, #tpu.memory_space<vmem_shared>>
    tpu.enqueue_dma source(%arg11 : memref<16x128xf32, #tpu.memory_space<vmem>>) target(%dma_start3A_799 : memref<16x128xf32, #tpu.memory_space<vmem_shared>>) target_semaphore(%arg12 : memref<!tpu.dma_semaphore, #tpu.memory_space<semaphore_mem>>)
    %mul3A_800 = arith.constant 640 : i32
    %mul3A_801 = arith.muli %arg1, %mul3A_800 : i32
    %add3A_802 = arith.constant 64 : i32
    %add3A_803 = arith.addi %mul3A_801, %add3A_802 : i32
    %dma_start3A_804 = arith.constant 0 : i32
    %dma_start3A_805 = tpu.memref_slice %arg5[%add3A_803, %dma_start3A_804] : memref<10240x128xf32, #tpu.memory_space<vmem_shared>> -> memref<16x128xf32, #tpu.memory_space<vmem_shared>>
    %dma_start3A_806 = arith.constant 0 : i32
    %dma_start3A_807 = tpu.memref_slice %arg5[%add3A_803, %dma_start3A_806] : memref<10240x128xf32, #tpu.memory_space<vmem_shared>> -> memref<16x128xf32, #tpu.memory_space<vmem_shared>>
    tpu.enqueue_dma source(%arg11 : memref<16x128xf32, #tpu.memory_space<vmem>>) target(%dma_start3A_807 : memref<16x128xf32, #tpu.memory_space<vmem_shared>>) target_semaphore(%arg12 : memref<!tpu.dma_semaphore, #tpu.memory_space<semaphore_mem>>)
    %mul3A_808 = arith.constant 640 : i32
    %mul3A_809 = arith.muli %arg1, %mul3A_808 : i32
    %add3A_810 = arith.constant 80 : i32
    %add3A_811 = arith.addi %mul3A_809, %add3A_810 : i32
    %dma_start3A_812 = arith.constant 0 : i32
    %dma_start3A_813 = tpu.memref_slice %arg5[%add3A_811, %dma_start3A_812] : memref<10240x128xf32, #tpu.memory_space<vmem_shared>> -> memref<16x128xf32, #tpu.memory_space<vmem_shared>>
    %dma_start3A_814 = arith.constant 0 : i32
    %dma_start3A_815 = tpu.memref_slice %arg5[%add3A_811, %dma_start3A_814] : memref<10240x128xf32, #tpu.memory_space<vmem_shared>> -> memref<16x128xf32, #tpu.memory_space<vmem_shared>>
    tpu.enqueue_dma source(%arg11 : memref<16x128xf32, #tpu.memory_space<vmem>>) target(%dma_start3A_815 : memref<16x128xf32, #tpu.memory_space<vmem_shared>>) target_semaphore(%arg12 : memref<!tpu.dma_semaphore, #tpu.memory_space<semaphore_mem>>)
    %mul3A_816 = arith.constant 640 : i32
    %mul3A_817 = arith.muli %arg1, %mul3A_816 : i32
    %add3A_818 = arith.constant 96 : i32
    %add3A_819 = arith.addi %mul3A_817, %add3A_818 : i32
    %dma_start3A_820 = arith.constant 0 : i32
    %dma_start3A_821 = tpu.memref_slice %arg5[%add3A_819, %dma_start3A_820] : memref<10240x128xf32, #tpu.memory_space<vmem_shared>> -> memref<16x128xf32, #tpu.memory_space<vmem_shared>>
    %dma_start3A_822 = arith.constant 0 : i32
    %dma_start3A_823 = tpu.memref_slice %arg5[%add3A_819, %dma_start3A_822] : memref<10240x128xf32, #tpu.memory_space<vmem_shared>> -> memref<16x128xf32, #tpu.memory_space<vmem_shared>>
    tpu.enqueue_dma source(%arg11 : memref<16x128xf32, #tpu.memory_space<vmem>>) target(%dma_start3A_823 : memref<16x128xf32, #tpu.memory_space<vmem_shared>>) target_semaphore(%arg12 : memref<!tpu.dma_semaphore, #tpu.memory_space<semaphore_mem>>)
    %mul3A_824 = arith.constant 640 : i32
    %mul3A_825 = arith.muli %arg1, %mul3A_824 : i32
    %add3A_826 = arith.constant 112 : i32
    %add3A_827 = arith.addi %mul3A_825, %add3A_826 : i32
    %dma_start3A_828 = arith.constant 0 : i32
    %dma_start3A_829 = tpu.memref_slice %arg5[%add3A_827, %dma_start3A_828] : memref<10240x128xf32, #tpu.memory_space<vmem_shared>> -> memref<16x128xf32, #tpu.memory_space<vmem_shared>>
    %dma_start3A_830 = arith.constant 0 : i32
    %dma_start3A_831 = tpu.memref_slice %arg5[%add3A_827, %dma_start3A_830] : memref<10240x128xf32, #tpu.memory_space<vmem_shared>> -> memref<16x128xf32, #tpu.memory_space<vmem_shared>>
    tpu.enqueue_dma source(%arg11 : memref<16x128xf32, #tpu.memory_space<vmem>>) target(%dma_start3A_831 : memref<16x128xf32, #tpu.memory_space<vmem_shared>>) target_semaphore(%arg12 : memref<!tpu.dma_semaphore, #tpu.memory_space<semaphore_mem>>)
    %mul3A_832 = arith.constant 640 : i32
    %mul3A_833 = arith.muli %arg1, %mul3A_832 : i32
    %add3A_834 = arith.constant 128 : i32
    %add3A_835 = arith.addi %mul3A_833, %add3A_834 : i32
    %dma_start3A_836 = arith.constant 0 : i32
    %dma_start3A_837 = tpu.memref_slice %arg5[%add3A_835, %dma_start3A_836] : memref<10240x128xf32, #tpu.memory_space<vmem_shared>> -> memref<16x128xf32, #tpu.memory_space<vmem_shared>>
    %dma_start3A_838 = arith.constant 0 : i32
    %dma_start3A_839 = tpu.memref_slice %arg5[%add3A_835, %dma_start3A_838] : memref<10240x128xf32, #tpu.memory_space<vmem_shared>> -> memref<16x128xf32, #tpu.memory_space<vmem_shared>>
    tpu.enqueue_dma source(%arg11 : memref<16x128xf32, #tpu.memory_space<vmem>>) target(%dma_start3A_839 : memref<16x128xf32, #tpu.memory_space<vmem_shared>>) target_semaphore(%arg12 : memref<!tpu.dma_semaphore, #tpu.memory_space<semaphore_mem>>)
    %mul3A_840 = arith.constant 640 : i32
    %mul3A_841 = arith.muli %arg1, %mul3A_840 : i32
    %add3A_842 = arith.constant 144 : i32
    %add3A_843 = arith.addi %mul3A_841, %add3A_842 : i32
    %dma_start3A_844 = arith.constant 0 : i32
    %dma_start3A_845 = tpu.memref_slice %arg5[%add3A_843, %dma_start3A_844] : memref<10240x128xf32, #tpu.memory_space<vmem_shared>> -> memref<16x128xf32, #tpu.memory_space<vmem_shared>>
    %dma_start3A_846 = arith.constant 0 : i32
    %dma_start3A_847 = tpu.memref_slice %arg5[%add3A_843, %dma_start3A_846] : memref<10240x128xf32, #tpu.memory_space<vmem_shared>> -> memref<16x128xf32, #tpu.memory_space<vmem_shared>>
    tpu.enqueue_dma source(%arg11 : memref<16x128xf32, #tpu.memory_space<vmem>>) target(%dma_start3A_847 : memref<16x128xf32, #tpu.memory_space<vmem_shared>>) target_semaphore(%arg12 : memref<!tpu.dma_semaphore, #tpu.memory_space<semaphore_mem>>)
    %mul3A_848 = arith.constant 640 : i32
    %mul3A_849 = arith.muli %arg1, %mul3A_848 : i32
    %add3A_850 = arith.constant 160 : i32
    %add3A_851 = arith.addi %mul3A_849, %add3A_850 : i32
    %dma_start3A_852 = arith.constant 0 : i32
    %dma_start3A_853 = tpu.memref_slice %arg5[%add3A_851, %dma_start3A_852] : memref<10240x128xf32, #tpu.memory_space<vmem_shared>> -> memref<16x128xf32, #tpu.memory_space<vmem_shared>>
    %dma_start3A_854 = arith.constant 0 : i32
    %dma_start3A_855 = tpu.memref_slice %arg5[%add3A_851, %dma_start3A_854] : memref<10240x128xf32, #tpu.memory_space<vmem_shared>> -> memref<16x128xf32, #tpu.memory_space<vmem_shared>>
    tpu.enqueue_dma source(%arg11 : memref<16x128xf32, #tpu.memory_space<vmem>>) target(%dma_start3A_855 : memref<16x128xf32, #tpu.memory_space<vmem_shared>>) target_semaphore(%arg12 : memref<!tpu.dma_semaphore, #tpu.memory_space<semaphore_mem>>)
    %mul3A_856 = arith.constant 640 : i32
    %mul3A_857 = arith.muli %arg1, %mul3A_856 : i32
    %add3A_858 = arith.constant 176 : i32
    %add3A_859 = arith.addi %mul3A_857, %add3A_858 : i32
    %dma_start3A_860 = arith.constant 0 : i32
    %dma_start3A_861 = tpu.memref_slice %arg5[%add3A_859, %dma_start3A_860] : memref<10240x128xf32, #tpu.memory_space<vmem_shared>> -> memref<16x128xf32, #tpu.memory_space<vmem_shared>>
    %dma_start3A_862 = arith.constant 0 : i32
    %dma_start3A_863 = tpu.memref_slice %arg5[%add3A_859, %dma_start3A_862] : memref<10240x128xf32, #tpu.memory_space<vmem_shared>> -> memref<16x128xf32, #tpu.memory_space<vmem_shared>>
    tpu.enqueue_dma source(%arg11 : memref<16x128xf32, #tpu.memory_space<vmem>>) target(%dma_start3A_863 : memref<16x128xf32, #tpu.memory_space<vmem_shared>>) target_semaphore(%arg12 : memref<!tpu.dma_semaphore, #tpu.memory_space<semaphore_mem>>)
    %mul3A_864 = arith.constant 640 : i32
    %mul3A_865 = arith.muli %arg1, %mul3A_864 : i32
    %add3A_866 = arith.constant 192 : i32
    %add3A_867 = arith.addi %mul3A_865, %add3A_866 : i32
    %dma_start3A_868 = arith.constant 0 : i32
    %dma_start3A_869 = tpu.memref_slice %arg5[%add3A_867, %dma_start3A_868] : memref<10240x128xf32, #tpu.memory_space<vmem_shared>> -> memref<16x128xf32, #tpu.memory_space<vmem_shared>>
    %dma_start3A_870 = arith.constant 0 : i32
    %dma_start3A_871 = tpu.memref_slice %arg5[%add3A_867, %dma_start3A_870] : memref<10240x128xf32, #tpu.memory_space<vmem_shared>> -> memref<16x128xf32, #tpu.memory_space<vmem_shared>>
    tpu.enqueue_dma source(%arg11 : memref<16x128xf32, #tpu.memory_space<vmem>>) target(%dma_start3A_871 : memref<16x128xf32, #tpu.memory_space<vmem_shared>>) target_semaphore(%arg12 : memref<!tpu.dma_semaphore, #tpu.memory_space<semaphore_mem>>)
    %mul3A_872 = arith.constant 640 : i32
    %mul3A_873 = arith.muli %arg1, %mul3A_872 : i32
    %add3A_874 = arith.constant 208 : i32
    %add3A_875 = arith.addi %mul3A_873, %add3A_874 : i32
    %dma_start3A_876 = arith.constant 0 : i32
    %dma_start3A_877 = tpu.memref_slice %arg5[%add3A_875, %dma_start3A_876] : memref<10240x128xf32, #tpu.memory_space<vmem_shared>> -> memref<16x128xf32, #tpu.memory_space<vmem_shared>>
    %dma_start3A_878 = arith.constant 0 : i32
    %dma_start3A_879 = tpu.memref_slice %arg5[%add3A_875, %dma_start3A_878] : memref<10240x128xf32, #tpu.memory_space<vmem_shared>> -> memref<16x128xf32, #tpu.memory_space<vmem_shared>>
    tpu.enqueue_dma source(%arg11 : memref<16x128xf32, #tpu.memory_space<vmem>>) target(%dma_start3A_879 : memref<16x128xf32, #tpu.memory_space<vmem_shared>>) target_semaphore(%arg12 : memref<!tpu.dma_semaphore, #tpu.memory_space<semaphore_mem>>)
    %mul3A_880 = arith.constant 640 : i32
    %mul3A_881 = arith.muli %arg1, %mul3A_880 : i32
    %add3A_882 = arith.constant 224 : i32
    %add3A_883 = arith.addi %mul3A_881, %add3A_882 : i32
    %dma_start3A_884 = arith.constant 0 : i32
    %dma_start3A_885 = tpu.memref_slice %arg5[%add3A_883, %dma_start3A_884] : memref<10240x128xf32, #tpu.memory_space<vmem_shared>> -> memref<16x128xf32, #tpu.memory_space<vmem_shared>>
    %dma_start3A_886 = arith.constant 0 : i32
    %dma_start3A_887 = tpu.memref_slice %arg5[%add3A_883, %dma_start3A_886] : memref<10240x128xf32, #tpu.memory_space<vmem_shared>> -> memref<16x128xf32, #tpu.memory_space<vmem_shared>>
    tpu.enqueue_dma source(%arg11 : memref<16x128xf32, #tpu.memory_space<vmem>>) target(%dma_start3A_887 : memref<16x128xf32, #tpu.memory_space<vmem_shared>>) target_semaphore(%arg12 : memref<!tpu.dma_semaphore, #tpu.memory_space<semaphore_mem>>)
    %mul3A_888 = arith.constant 640 : i32
    %mul3A_889 = arith.muli %arg1, %mul3A_888 : i32
    %add3A_890 = arith.constant 240 : i32
    %add3A_891 = arith.addi %mul3A_889, %add3A_890 : i32
    %dma_start3A_892 = arith.constant 0 : i32
    %dma_start3A_893 = tpu.memref_slice %arg5[%add3A_891, %dma_start3A_892] : memref<10240x128xf32, #tpu.memory_space<vmem_shared>> -> memref<16x128xf32, #tpu.memory_space<vmem_shared>>
    %dma_start3A_894 = arith.constant 0 : i32
    %dma_start3A_895 = tpu.memref_slice %arg5[%add3A_891, %dma_start3A_894] : memref<10240x128xf32, #tpu.memory_space<vmem_shared>> -> memref<16x128xf32, #tpu.memory_space<vmem_shared>>
    tpu.enqueue_dma source(%arg11 : memref<16x128xf32, #tpu.memory_space<vmem>>) target(%dma_start3A_895 : memref<16x128xf32, #tpu.memory_space<vmem_shared>>) target_semaphore(%arg12 : memref<!tpu.dma_semaphore, #tpu.memory_space<semaphore_mem>>)
    %mul3A_896 = arith.constant 640 : i32
    %mul3A_897 = arith.muli %arg1, %mul3A_896 : i32
    %add3A_898 = arith.constant 256 : i32
    %add3A_899 = arith.addi %mul3A_897, %add3A_898 : i32
    %dma_start3A_900 = arith.constant 0 : i32
    %dma_start3A_901 = tpu.memref_slice %arg5[%add3A_899, %dma_start3A_900] : memref<10240x128xf32, #tpu.memory_space<vmem_shared>> -> memref<16x128xf32, #tpu.memory_space<vmem_shared>>
    %dma_start3A_902 = arith.constant 0 : i32
    %dma_start3A_903 = tpu.memref_slice %arg5[%add3A_899, %dma_start3A_902] : memref<10240x128xf32, #tpu.memory_space<vmem_shared>> -> memref<16x128xf32, #tpu.memory_space<vmem_shared>>
    tpu.enqueue_dma source(%arg11 : memref<16x128xf32, #tpu.memory_space<vmem>>) target(%dma_start3A_903 : memref<16x128xf32, #tpu.memory_space<vmem_shared>>) target_semaphore(%arg12 : memref<!tpu.dma_semaphore, #tpu.memory_space<semaphore_mem>>)
    %mul3A_904 = arith.constant 640 : i32
    %mul3A_905 = arith.muli %arg1, %mul3A_904 : i32
    %add3A_906 = arith.constant 272 : i32
    %add3A_907 = arith.addi %mul3A_905, %add3A_906 : i32
    %dma_start3A_908 = arith.constant 0 : i32
    %dma_start3A_909 = tpu.memref_slice %arg5[%add3A_907, %dma_start3A_908] : memref<10240x128xf32, #tpu.memory_space<vmem_shared>> -> memref<16x128xf32, #tpu.memory_space<vmem_shared>>
    %dma_start3A_910 = arith.constant 0 : i32
    %dma_start3A_911 = tpu.memref_slice %arg5[%add3A_907, %dma_start3A_910] : memref<10240x128xf32, #tpu.memory_space<vmem_shared>> -> memref<16x128xf32, #tpu.memory_space<vmem_shared>>
    tpu.enqueue_dma source(%arg11 : memref<16x128xf32, #tpu.memory_space<vmem>>) target(%dma_start3A_911 : memref<16x128xf32, #tpu.memory_space<vmem_shared>>) target_semaphore(%arg12 : memref<!tpu.dma_semaphore, #tpu.memory_space<semaphore_mem>>)
    %mul3A_912 = arith.constant 640 : i32
    %mul3A_913 = arith.muli %arg1, %mul3A_912 : i32
    %add3A_914 = arith.constant 288 : i32
    %add3A_915 = arith.addi %mul3A_913, %add3A_914 : i32
    %dma_start3A_916 = arith.constant 0 : i32
    %dma_start3A_917 = tpu.memref_slice %arg5[%add3A_915, %dma_start3A_916] : memref<10240x128xf32, #tpu.memory_space<vmem_shared>> -> memref<16x128xf32, #tpu.memory_space<vmem_shared>>
    %dma_start3A_918 = arith.constant 0 : i32
    %dma_start3A_919 = tpu.memref_slice %arg5[%add3A_915, %dma_start3A_918] : memref<10240x128xf32, #tpu.memory_space<vmem_shared>> -> memref<16x128xf32, #tpu.memory_space<vmem_shared>>
    tpu.enqueue_dma source(%arg11 : memref<16x128xf32, #tpu.memory_space<vmem>>) target(%dma_start3A_919 : memref<16x128xf32, #tpu.memory_space<vmem_shared>>) target_semaphore(%arg12 : memref<!tpu.dma_semaphore, #tpu.memory_space<semaphore_mem>>)
    %mul3A_920 = arith.constant 640 : i32
    %mul3A_921 = arith.muli %arg1, %mul3A_920 : i32
    %add3A_922 = arith.constant 304 : i32
    %add3A_923 = arith.addi %mul3A_921, %add3A_922 : i32
    %dma_start3A_924 = arith.constant 0 : i32
    %dma_start3A_925 = tpu.memref_slice %arg5[%add3A_923, %dma_start3A_924] : memref<10240x128xf32, #tpu.memory_space<vmem_shared>> -> memref<16x128xf32, #tpu.memory_space<vmem_shared>>
    %dma_start3A_926 = arith.constant 0 : i32
    %dma_start3A_927 = tpu.memref_slice %arg5[%add3A_923, %dma_start3A_926] : memref<10240x128xf32, #tpu.memory_space<vmem_shared>> -> memref<16x128xf32, #tpu.memory_space<vmem_shared>>
    tpu.enqueue_dma source(%arg11 : memref<16x128xf32, #tpu.memory_space<vmem>>) target(%dma_start3A_927 : memref<16x128xf32, #tpu.memory_space<vmem_shared>>) target_semaphore(%arg12 : memref<!tpu.dma_semaphore, #tpu.memory_space<semaphore_mem>>)
    %mul3A_928 = arith.constant 640 : i32
    %mul3A_929 = arith.muli %arg1, %mul3A_928 : i32
    %add3A_930 = arith.constant 320 : i32
    %add3A_931 = arith.addi %mul3A_929, %add3A_930 : i32
    %dma_start3A_932 = arith.constant 0 : i32
    %dma_start3A_933 = tpu.memref_slice %arg5[%add3A_931, %dma_start3A_932] : memref<10240x128xf32, #tpu.memory_space<vmem_shared>> -> memref<16x128xf32, #tpu.memory_space<vmem_shared>>
    %dma_start3A_934 = arith.constant 0 : i32
    %dma_start3A_935 = tpu.memref_slice %arg5[%add3A_931, %dma_start3A_934] : memref<10240x128xf32, #tpu.memory_space<vmem_shared>> -> memref<16x128xf32, #tpu.memory_space<vmem_shared>>
    tpu.enqueue_dma source(%arg11 : memref<16x128xf32, #tpu.memory_space<vmem>>) target(%dma_start3A_935 : memref<16x128xf32, #tpu.memory_space<vmem_shared>>) target_semaphore(%arg12 : memref<!tpu.dma_semaphore, #tpu.memory_space<semaphore_mem>>)
    %mul3A_936 = arith.constant 640 : i32
    %mul3A_937 = arith.muli %arg1, %mul3A_936 : i32
    %add3A_938 = arith.constant 336 : i32
    %add3A_939 = arith.addi %mul3A_937, %add3A_938 : i32
    %dma_start3A_940 = arith.constant 0 : i32
    %dma_start3A_941 = tpu.memref_slice %arg5[%add3A_939, %dma_start3A_940] : memref<10240x128xf32, #tpu.memory_space<vmem_shared>> -> memref<16x128xf32, #tpu.memory_space<vmem_shared>>
    %dma_start3A_942 = arith.constant 0 : i32
    %dma_start3A_943 = tpu.memref_slice %arg5[%add3A_939, %dma_start3A_942] : memref<10240x128xf32, #tpu.memory_space<vmem_shared>> -> memref<16x128xf32, #tpu.memory_space<vmem_shared>>
    tpu.enqueue_dma source(%arg11 : memref<16x128xf32, #tpu.memory_space<vmem>>) target(%dma_start3A_943 : memref<16x128xf32, #tpu.memory_space<vmem_shared>>) target_semaphore(%arg12 : memref<!tpu.dma_semaphore, #tpu.memory_space<semaphore_mem>>)
    %mul3A_944 = arith.constant 640 : i32
    %mul3A_945 = arith.muli %arg1, %mul3A_944 : i32
    %add3A_946 = arith.constant 352 : i32
    %add3A_947 = arith.addi %mul3A_945, %add3A_946 : i32
    %dma_start3A_948 = arith.constant 0 : i32
    %dma_start3A_949 = tpu.memref_slice %arg5[%add3A_947, %dma_start3A_948] : memref<10240x128xf32, #tpu.memory_space<vmem_shared>> -> memref<16x128xf32, #tpu.memory_space<vmem_shared>>
    %dma_start3A_950 = arith.constant 0 : i32
    %dma_start3A_951 = tpu.memref_slice %arg5[%add3A_947, %dma_start3A_950] : memref<10240x128xf32, #tpu.memory_space<vmem_shared>> -> memref<16x128xf32, #tpu.memory_space<vmem_shared>>
    tpu.enqueue_dma source(%arg11 : memref<16x128xf32, #tpu.memory_space<vmem>>) target(%dma_start3A_951 : memref<16x128xf32, #tpu.memory_space<vmem_shared>>) target_semaphore(%arg12 : memref<!tpu.dma_semaphore, #tpu.memory_space<semaphore_mem>>)
    %mul3A_952 = arith.constant 640 : i32
    %mul3A_953 = arith.muli %arg1, %mul3A_952 : i32
    %add3A_954 = arith.constant 368 : i32
    %add3A_955 = arith.addi %mul3A_953, %add3A_954 : i32
    %dma_start3A_956 = arith.constant 0 : i32
    %dma_start3A_957 = tpu.memref_slice %arg5[%add3A_955, %dma_start3A_956] : memref<10240x128xf32, #tpu.memory_space<vmem_shared>> -> memref<16x128xf32, #tpu.memory_space<vmem_shared>>
    %dma_start3A_958 = arith.constant 0 : i32
    %dma_start3A_959 = tpu.memref_slice %arg5[%add3A_955, %dma_start3A_958] : memref<10240x128xf32, #tpu.memory_space<vmem_shared>> -> memref<16x128xf32, #tpu.memory_space<vmem_shared>>
    tpu.enqueue_dma source(%arg11 : memref<16x128xf32, #tpu.memory_space<vmem>>) target(%dma_start3A_959 : memref<16x128xf32, #tpu.memory_space<vmem_shared>>) target_semaphore(%arg12 : memref<!tpu.dma_semaphore, #tpu.memory_space<semaphore_mem>>)
    %mul3A_960 = arith.constant 640 : i32
    %mul3A_961 = arith.muli %arg1, %mul3A_960 : i32
    %add3A_962 = arith.constant 384 : i32
    %add3A_963 = arith.addi %mul3A_961, %add3A_962 : i32
    %dma_start3A_964 = arith.constant 0 : i32
    %dma_start3A_965 = tpu.memref_slice %arg5[%add3A_963, %dma_start3A_964] : memref<10240x128xf32, #tpu.memory_space<vmem_shared>> -> memref<16x128xf32, #tpu.memory_space<vmem_shared>>
    %dma_start3A_966 = arith.constant 0 : i32
    %dma_start3A_967 = tpu.memref_slice %arg5[%add3A_963, %dma_start3A_966] : memref<10240x128xf32, #tpu.memory_space<vmem_shared>> -> memref<16x128xf32, #tpu.memory_space<vmem_shared>>
    tpu.enqueue_dma source(%arg11 : memref<16x128xf32, #tpu.memory_space<vmem>>) target(%dma_start3A_967 : memref<16x128xf32, #tpu.memory_space<vmem_shared>>) target_semaphore(%arg12 : memref<!tpu.dma_semaphore, #tpu.memory_space<semaphore_mem>>)
    %mul3A_968 = arith.constant 640 : i32
    %mul3A_969 = arith.muli %arg1, %mul3A_968 : i32
    %add3A_970 = arith.constant 400 : i32
    %add3A_971 = arith.addi %mul3A_969, %add3A_970 : i32
    %dma_start3A_972 = arith.constant 0 : i32
    %dma_start3A_973 = tpu.memref_slice %arg5[%add3A_971, %dma_start3A_972] : memref<10240x128xf32, #tpu.memory_space<vmem_shared>> -> memref<16x128xf32, #tpu.memory_space<vmem_shared>>
    %dma_start3A_974 = arith.constant 0 : i32
    %dma_start3A_975 = tpu.memref_slice %arg5[%add3A_971, %dma_start3A_974] : memref<10240x128xf32, #tpu.memory_space<vmem_shared>> -> memref<16x128xf32, #tpu.memory_space<vmem_shared>>
    tpu.enqueue_dma source(%arg11 : memref<16x128xf32, #tpu.memory_space<vmem>>) target(%dma_start3A_975 : memref<16x128xf32, #tpu.memory_space<vmem_shared>>) target_semaphore(%arg12 : memref<!tpu.dma_semaphore, #tpu.memory_space<semaphore_mem>>)
    %mul3A_976 = arith.constant 640 : i32
    %mul3A_977 = arith.muli %arg1, %mul3A_976 : i32
    %add3A_978 = arith.constant 416 : i32
    %add3A_979 = arith.addi %mul3A_977, %add3A_978 : i32
    %dma_start3A_980 = arith.constant 0 : i32
    %dma_start3A_981 = tpu.memref_slice %arg5[%add3A_979, %dma_start3A_980] : memref<10240x128xf32, #tpu.memory_space<vmem_shared>> -> memref<16x128xf32, #tpu.memory_space<vmem_shared>>
    %dma_start3A_982 = arith.constant 0 : i32
    %dma_start3A_983 = tpu.memref_slice %arg5[%add3A_979, %dma_start3A_982] : memref<10240x128xf32, #tpu.memory_space<vmem_shared>> -> memref<16x128xf32, #tpu.memory_space<vmem_shared>>
    tpu.enqueue_dma source(%arg11 : memref<16x128xf32, #tpu.memory_space<vmem>>) target(%dma_start3A_983 : memref<16x128xf32, #tpu.memory_space<vmem_shared>>) target_semaphore(%arg12 : memref<!tpu.dma_semaphore, #tpu.memory_space<semaphore_mem>>)
    %mul3A_984 = arith.constant 640 : i32
    %mul3A_985 = arith.muli %arg1, %mul3A_984 : i32
    %add3A_986 = arith.constant 432 : i32
    %add3A_987 = arith.addi %mul3A_985, %add3A_986 : i32
    %dma_start3A_988 = arith.constant 0 : i32
    %dma_start3A_989 = tpu.memref_slice %arg5[%add3A_987, %dma_start3A_988] : memref<10240x128xf32, #tpu.memory_space<vmem_shared>> -> memref<16x128xf32, #tpu.memory_space<vmem_shared>>
    %dma_start3A_990 = arith.constant 0 : i32
    %dma_start3A_991 = tpu.memref_slice %arg5[%add3A_987, %dma_start3A_990] : memref<10240x128xf32, #tpu.memory_space<vmem_shared>> -> memref<16x128xf32, #tpu.memory_space<vmem_shared>>
    tpu.enqueue_dma source(%arg11 : memref<16x128xf32, #tpu.memory_space<vmem>>) target(%dma_start3A_991 : memref<16x128xf32, #tpu.memory_space<vmem_shared>>) target_semaphore(%arg12 : memref<!tpu.dma_semaphore, #tpu.memory_space<semaphore_mem>>)
    %mul3A_992 = arith.constant 640 : i32
    %mul3A_993 = arith.muli %arg1, %mul3A_992 : i32
    %add3A_994 = arith.constant 448 : i32
    %add3A_995 = arith.addi %mul3A_993, %add3A_994 : i32
    %dma_start3A_996 = arith.constant 0 : i32
    %dma_start3A_997 = tpu.memref_slice %arg5[%add3A_995, %dma_start3A_996] : memref<10240x128xf32, #tpu.memory_space<vmem_shared>> -> memref<16x128xf32, #tpu.memory_space<vmem_shared>>
    %dma_start3A_998 = arith.constant 0 : i32
    %dma_start3A_999 = tpu.memref_slice %arg5[%add3A_995, %dma_start3A_998] : memref<10240x128xf32, #tpu.memory_space<vmem_shared>> -> memref<16x128xf32, #tpu.memory_space<vmem_shared>>
    tpu.enqueue_dma source(%arg11 : memref<16x128xf32, #tpu.memory_space<vmem>>) target(%dma_start3A_999 : memref<16x128xf32, #tpu.memory_space<vmem_shared>>) target_semaphore(%arg12 : memref<!tpu.dma_semaphore, #tpu.memory_space<semaphore_mem>>)
    %mul3A_1000 = arith.constant 640 : i32
    %mul3A_1001 = arith.muli %arg1, %mul3A_1000 : i32
    %add3A_1002 = arith.constant 464 : i32
    %add3A_1003 = arith.addi %mul3A_1001, %add3A_1002 : i32
    %dma_start3A_1004 = arith.constant 0 : i32
    %dma_start3A_1005 = tpu.memref_slice %arg5[%add3A_1003, %dma_start3A_1004] : memref<10240x128xf32, #tpu.memory_space<vmem_shared>> -> memref<16x128xf32, #tpu.memory_space<vmem_shared>>
    %dma_start3A_1006 = arith.constant 0 : i32
    %dma_start3A_1007 = tpu.memref_slice %arg5[%add3A_1003, %dma_start3A_1006] : memref<10240x128xf32, #tpu.memory_space<vmem_shared>> -> memref<16x128xf32, #tpu.memory_space<vmem_shared>>
    tpu.enqueue_dma source(%arg11 : memref<16x128xf32, #tpu.memory_space<vmem>>) target(%dma_start3A_1007 : memref<16x128xf32, #tpu.memory_space<vmem_shared>>) target_semaphore(%arg12 : memref<!tpu.dma_semaphore, #tpu.memory_space<semaphore_mem>>)
    %mul3A_1008 = arith.constant 640 : i32
    %mul3A_1009 = arith.muli %arg1, %mul3A_1008 : i32
    %add3A_1010 = arith.constant 480 : i32
    %add3A_1011 = arith.addi %mul3A_1009, %add3A_1010 : i32
    %dma_start3A_1012 = arith.constant 0 : i32
    %dma_start3A_1013 = tpu.memref_slice %arg5[%add3A_1011, %dma_start3A_1012] : memref<10240x128xf32, #tpu.memory_space<vmem_shared>> -> memref<16x128xf32, #tpu.memory_space<vmem_shared>>
    %dma_start3A_1014 = arith.constant 0 : i32
    %dma_start3A_1015 = tpu.memref_slice %arg5[%add3A_1011, %dma_start3A_1014] : memref<10240x128xf32, #tpu.memory_space<vmem_shared>> -> memref<16x128xf32, #tpu.memory_space<vmem_shared>>
    tpu.enqueue_dma source(%arg11 : memref<16x128xf32, #tpu.memory_space<vmem>>) target(%dma_start3A_1015 : memref<16x128xf32, #tpu.memory_space<vmem_shared>>) target_semaphore(%arg12 : memref<!tpu.dma_semaphore, #tpu.memory_space<semaphore_mem>>)
    %mul3A_1016 = arith.constant 640 : i32
    %mul3A_1017 = arith.muli %arg1, %mul3A_1016 : i32
    %add3A_1018 = arith.constant 496 : i32
    %add3A_1019 = arith.addi %mul3A_1017, %add3A_1018 : i32
    %dma_start3A_1020 = arith.constant 0 : i32
    %dma_start3A_1021 = tpu.memref_slice %arg5[%add3A_1019, %dma_start3A_1020] : memref<10240x128xf32, #tpu.memory_space<vmem_shared>> -> memref<16x128xf32, #tpu.memory_space<vmem_shared>>
    %dma_start3A_1022 = arith.constant 0 : i32
    %dma_start3A_1023 = tpu.memref_slice %arg5[%add3A_1019, %dma_start3A_1022] : memref<10240x128xf32, #tpu.memory_space<vmem_shared>> -> memref<16x128xf32, #tpu.memory_space<vmem_shared>>
    tpu.enqueue_dma source(%arg11 : memref<16x128xf32, #tpu.memory_space<vmem>>) target(%dma_start3A_1023 : memref<16x128xf32, #tpu.memory_space<vmem_shared>>) target_semaphore(%arg12 : memref<!tpu.dma_semaphore, #tpu.memory_space<semaphore_mem>>)
    %mul3A_1024 = arith.constant 640 : i32
    %mul3A_1025 = arith.muli %arg1, %mul3A_1024 : i32
    %add3A_1026 = arith.constant 512 : i32
    %add3A_1027 = arith.addi %mul3A_1025, %add3A_1026 : i32
    %dma_start3A_1028 = arith.constant 0 : i32
    %dma_start3A_1029 = tpu.memref_slice %arg5[%add3A_1027, %dma_start3A_1028] : memref<10240x128xf32, #tpu.memory_space<vmem_shared>> -> memref<16x128xf32, #tpu.memory_space<vmem_shared>>
    %dma_start3A_1030 = arith.constant 0 : i32
    %dma_start3A_1031 = tpu.memref_slice %arg5[%add3A_1027, %dma_start3A_1030] : memref<10240x128xf32, #tpu.memory_space<vmem_shared>> -> memref<16x128xf32, #tpu.memory_space<vmem_shared>>
    tpu.enqueue_dma source(%arg11 : memref<16x128xf32, #tpu.memory_space<vmem>>) target(%dma_start3A_1031 : memref<16x128xf32, #tpu.memory_space<vmem_shared>>) target_semaphore(%arg12 : memref<!tpu.dma_semaphore, #tpu.memory_space<semaphore_mem>>)
    %mul3A_1032 = arith.constant 640 : i32
    %mul3A_1033 = arith.muli %arg1, %mul3A_1032 : i32
    %add3A_1034 = arith.constant 528 : i32
    %add3A_1035 = arith.addi %mul3A_1033, %add3A_1034 : i32
    %dma_start3A_1036 = arith.constant 0 : i32
    %dma_start3A_1037 = tpu.memref_slice %arg5[%add3A_1035, %dma_start3A_1036] : memref<10240x128xf32, #tpu.memory_space<vmem_shared>> -> memref<16x128xf32, #tpu.memory_space<vmem_shared>>
    %dma_start3A_1038 = arith.constant 0 : i32
    %dma_start3A_1039 = tpu.memref_slice %arg5[%add3A_1035, %dma_start3A_1038] : memref<10240x128xf32, #tpu.memory_space<vmem_shared>> -> memref<16x128xf32, #tpu.memory_space<vmem_shared>>
    tpu.enqueue_dma source(%arg11 : memref<16x128xf32, #tpu.memory_space<vmem>>) target(%dma_start3A_1039 : memref<16x128xf32, #tpu.memory_space<vmem_shared>>) target_semaphore(%arg12 : memref<!tpu.dma_semaphore, #tpu.memory_space<semaphore_mem>>)
    %mul3A_1040 = arith.constant 640 : i32
    %mul3A_1041 = arith.muli %arg1, %mul3A_1040 : i32
    %add3A_1042 = arith.constant 544 : i32
    %add3A_1043 = arith.addi %mul3A_1041, %add3A_1042 : i32
    %dma_start3A_1044 = arith.constant 0 : i32
    %dma_start3A_1045 = tpu.memref_slice %arg5[%add3A_1043, %dma_start3A_1044] : memref<10240x128xf32, #tpu.memory_space<vmem_shared>> -> memref<16x128xf32, #tpu.memory_space<vmem_shared>>
    %dma_start3A_1046 = arith.constant 0 : i32
    %dma_start3A_1047 = tpu.memref_slice %arg5[%add3A_1043, %dma_start3A_1046] : memref<10240x128xf32, #tpu.memory_space<vmem_shared>> -> memref<16x128xf32, #tpu.memory_space<vmem_shared>>
    tpu.enqueue_dma source(%arg11 : memref<16x128xf32, #tpu.memory_space<vmem>>) target(%dma_start3A_1047 : memref<16x128xf32, #tpu.memory_space<vmem_shared>>) target_semaphore(%arg12 : memref<!tpu.dma_semaphore, #tpu.memory_space<semaphore_mem>>)
    %mul3A_1048 = arith.constant 640 : i32
    %mul3A_1049 = arith.muli %arg1, %mul3A_1048 : i32
    %add3A_1050 = arith.constant 560 : i32
    %add3A_1051 = arith.addi %mul3A_1049, %add3A_1050 : i32
    %dma_start3A_1052 = arith.constant 0 : i32
    %dma_start3A_1053 = tpu.memref_slice %arg5[%add3A_1051, %dma_start3A_1052] : memref<10240x128xf32, #tpu.memory_space<vmem_shared>> -> memref<16x128xf32, #tpu.memory_space<vmem_shared>>
    %dma_start3A_1054 = arith.constant 0 : i32
    %dma_start3A_1055 = tpu.memref_slice %arg5[%add3A_1051, %dma_start3A_1054] : memref<10240x128xf32, #tpu.memory_space<vmem_shared>> -> memref<16x128xf32, #tpu.memory_space<vmem_shared>>
    tpu.enqueue_dma source(%arg11 : memref<16x128xf32, #tpu.memory_space<vmem>>) target(%dma_start3A_1055 : memref<16x128xf32, #tpu.memory_space<vmem_shared>>) target_semaphore(%arg12 : memref<!tpu.dma_semaphore, #tpu.memory_space<semaphore_mem>>)
    %mul3A_1056 = arith.constant 640 : i32
    %mul3A_1057 = arith.muli %arg1, %mul3A_1056 : i32
    %add3A_1058 = arith.constant 576 : i32
    %add3A_1059 = arith.addi %mul3A_1057, %add3A_1058 : i32
    %dma_start3A_1060 = arith.constant 0 : i32
    %dma_start3A_1061 = tpu.memref_slice %arg5[%add3A_1059, %dma_start3A_1060] : memref<10240x128xf32, #tpu.memory_space<vmem_shared>> -> memref<16x128xf32, #tpu.memory_space<vmem_shared>>
    %dma_start3A_1062 = arith.constant 0 : i32
    %dma_start3A_1063 = tpu.memref_slice %arg5[%add3A_1059, %dma_start3A_1062] : memref<10240x128xf32, #tpu.memory_space<vmem_shared>> -> memref<16x128xf32, #tpu.memory_space<vmem_shared>>
    tpu.enqueue_dma source(%arg11 : memref<16x128xf32, #tpu.memory_space<vmem>>) target(%dma_start3A_1063 : memref<16x128xf32, #tpu.memory_space<vmem_shared>>) target_semaphore(%arg12 : memref<!tpu.dma_semaphore, #tpu.memory_space<semaphore_mem>>)
    %mul3A_1064 = arith.constant 640 : i32
    %mul3A_1065 = arith.muli %arg1, %mul3A_1064 : i32
    %add3A_1066 = arith.constant 592 : i32
    %add3A_1067 = arith.addi %mul3A_1065, %add3A_1066 : i32
    %dma_start3A_1068 = arith.constant 0 : i32
    %dma_start3A_1069 = tpu.memref_slice %arg5[%add3A_1067, %dma_start3A_1068] : memref<10240x128xf32, #tpu.memory_space<vmem_shared>> -> memref<16x128xf32, #tpu.memory_space<vmem_shared>>
    %dma_start3A_1070 = arith.constant 0 : i32
    %dma_start3A_1071 = tpu.memref_slice %arg5[%add3A_1067, %dma_start3A_1070] : memref<10240x128xf32, #tpu.memory_space<vmem_shared>> -> memref<16x128xf32, #tpu.memory_space<vmem_shared>>
    tpu.enqueue_dma source(%arg11 : memref<16x128xf32, #tpu.memory_space<vmem>>) target(%dma_start3A_1071 : memref<16x128xf32, #tpu.memory_space<vmem_shared>>) target_semaphore(%arg12 : memref<!tpu.dma_semaphore, #tpu.memory_space<semaphore_mem>>)
    %mul3A_1072 = arith.constant 640 : i32
    %mul3A_1073 = arith.muli %arg1, %mul3A_1072 : i32
    %add3A_1074 = arith.constant 608 : i32
    %add3A_1075 = arith.addi %mul3A_1073, %add3A_1074 : i32
    %dma_start3A_1076 = arith.constant 0 : i32
    %dma_start3A_1077 = tpu.memref_slice %arg5[%add3A_1075, %dma_start3A_1076] : memref<10240x128xf32, #tpu.memory_space<vmem_shared>> -> memref<16x128xf32, #tpu.memory_space<vmem_shared>>
    %dma_start3A_1078 = arith.constant 0 : i32
    %dma_start3A_1079 = tpu.memref_slice %arg5[%add3A_1075, %dma_start3A_1078] : memref<10240x128xf32, #tpu.memory_space<vmem_shared>> -> memref<16x128xf32, #tpu.memory_space<vmem_shared>>
    tpu.enqueue_dma source(%arg11 : memref<16x128xf32, #tpu.memory_space<vmem>>) target(%dma_start3A_1079 : memref<16x128xf32, #tpu.memory_space<vmem_shared>>) target_semaphore(%arg12 : memref<!tpu.dma_semaphore, #tpu.memory_space<semaphore_mem>>)
    %mul3A_1080 = arith.constant 640 : i32
    %mul3A_1081 = arith.muli %arg1, %mul3A_1080 : i32
    %add3A_1082 = arith.constant 624 : i32
    %add3A_1083 = arith.addi %mul3A_1081, %add3A_1082 : i32
    %dma_start3A_1084 = arith.constant 0 : i32
    %dma_start3A_1085 = tpu.memref_slice %arg5[%add3A_1083, %dma_start3A_1084] : memref<10240x128xf32, #tpu.memory_space<vmem_shared>> -> memref<16x128xf32, #tpu.memory_space<vmem_shared>>
    %dma_start3A_1086 = arith.constant 0 : i32
    %dma_start3A_1087 = tpu.memref_slice %arg5[%add3A_1083, %dma_start3A_1086] : memref<10240x128xf32, #tpu.memory_space<vmem_shared>> -> memref<16x128xf32, #tpu.memory_space<vmem_shared>>
    tpu.enqueue_dma source(%arg11 : memref<16x128xf32, #tpu.memory_space<vmem>>) target(%dma_start3A_1087 : memref<16x128xf32, #tpu.memory_space<vmem_shared>>) target_semaphore(%arg12 : memref<!tpu.dma_semaphore, #tpu.memory_space<semaphore_mem>>)
    %mul3A_1088 = arith.constant 640 : i32
    %mul3A_1089 = arith.muli %arg1, %mul3A_1088 : i32
    %add3A_1090 = arith.constant 0 : i32
    %add3A_1091 = arith.addi %mul3A_1089, %add3A_1090 : i32
    %dma_wait3A = arith.constant 0 : i32
    %dma_wait3A_1092 = tpu.memref_slice %arg5[%add3A_1091, %dma_wait3A] : memref<10240x128xf32, #tpu.memory_space<vmem_shared>> -> memref<16x128xf32, #tpu.memory_space<vmem_shared>>
    %dma_wait3A_1093 = arith.constant 0 : i32
    %dma_wait3A_1094 = tpu.memref_slice %arg5[%add3A_1091, %dma_wait3A_1093] : memref<10240x128xf32, #tpu.memory_space<vmem_shared>> -> memref<16x128xf32, #tpu.memory_space<vmem_shared>>
    tpu.wait_dma2 semaphore(%arg12 : memref<!tpu.dma_semaphore, #tpu.memory_space<semaphore_mem>>) src(%arg11 : memref<16x128xf32, #tpu.memory_space<vmem>>) dst(%dma_wait3A_1094 : memref<16x128xf32, #tpu.memory_space<vmem_shared>>)
    %mul3A_1095 = arith.constant 640 : i32
    %mul3A_1096 = arith.muli %arg1, %mul3A_1095 : i32
    %add3A_1097 = arith.constant 16 : i32
    %add3A_1098 = arith.addi %mul3A_1096, %add3A_1097 : i32
    %dma_wait3A_1099 = arith.constant 0 : i32
    %dma_wait3A_1100 = tpu.memref_slice %arg5[%add3A_1098, %dma_wait3A_1099] : memref<10240x128xf32, #tpu.memory_space<vmem_shared>> -> memref<16x128xf32, #tpu.memory_space<vmem_shared>>
    %dma_wait3A_1101 = arith.constant 0 : i32
    %dma_wait3A_1102 = tpu.memref_slice %arg5[%add3A_1098, %dma_wait3A_1101] : memref<10240x128xf32, #tpu.memory_space<vmem_shared>> -> memref<16x128xf32, #tpu.memory_space<vmem_shared>>
    tpu.wait_dma2 semaphore(%arg12 : memref<!tpu.dma_semaphore, #tpu.memory_space<semaphore_mem>>) src(%arg11 : memref<16x128xf32, #tpu.memory_space<vmem>>) dst(%dma_wait3A_1102 : memref<16x128xf32, #tpu.memory_space<vmem_shared>>)
    %mul3A_1103 = arith.constant 640 : i32
    %mul3A_1104 = arith.muli %arg1, %mul3A_1103 : i32
    %add3A_1105 = arith.constant 32 : i32
    %add3A_1106 = arith.addi %mul3A_1104, %add3A_1105 : i32
    %dma_wait3A_1107 = arith.constant 0 : i32
    %dma_wait3A_1108 = tpu.memref_slice %arg5[%add3A_1106, %dma_wait3A_1107] : memref<10240x128xf32, #tpu.memory_space<vmem_shared>> -> memref<16x128xf32, #tpu.memory_space<vmem_shared>>
    %dma_wait3A_1109 = arith.constant 0 : i32
    %dma_wait3A_1110 = tpu.memref_slice %arg5[%add3A_1106, %dma_wait3A_1109] : memref<10240x128xf32, #tpu.memory_space<vmem_shared>> -> memref<16x128xf32, #tpu.memory_space<vmem_shared>>
    tpu.wait_dma2 semaphore(%arg12 : memref<!tpu.dma_semaphore, #tpu.memory_space<semaphore_mem>>) src(%arg11 : memref<16x128xf32, #tpu.memory_space<vmem>>) dst(%dma_wait3A_1110 : memref<16x128xf32, #tpu.memory_space<vmem_shared>>)
    %mul3A_1111 = arith.constant 640 : i32
    %mul3A_1112 = arith.muli %arg1, %mul3A_1111 : i32
    %add3A_1113 = arith.constant 48 : i32
    %add3A_1114 = arith.addi %mul3A_1112, %add3A_1113 : i32
    %dma_wait3A_1115 = arith.constant 0 : i32
    %dma_wait3A_1116 = tpu.memref_slice %arg5[%add3A_1114, %dma_wait3A_1115] : memref<10240x128xf32, #tpu.memory_space<vmem_shared>> -> memref<16x128xf32, #tpu.memory_space<vmem_shared>>
    %dma_wait3A_1117 = arith.constant 0 : i32
    %dma_wait3A_1118 = tpu.memref_slice %arg5[%add3A_1114, %dma_wait3A_1117] : memref<10240x128xf32, #tpu.memory_space<vmem_shared>> -> memref<16x128xf32, #tpu.memory_space<vmem_shared>>
    tpu.wait_dma2 semaphore(%arg12 : memref<!tpu.dma_semaphore, #tpu.memory_space<semaphore_mem>>) src(%arg11 : memref<16x128xf32, #tpu.memory_space<vmem>>) dst(%dma_wait3A_1118 : memref<16x128xf32, #tpu.memory_space<vmem_shared>>)
    %mul3A_1119 = arith.constant 640 : i32
    %mul3A_1120 = arith.muli %arg1, %mul3A_1119 : i32
    %add3A_1121 = arith.constant 64 : i32
    %add3A_1122 = arith.addi %mul3A_1120, %add3A_1121 : i32
    %dma_wait3A_1123 = arith.constant 0 : i32
    %dma_wait3A_1124 = tpu.memref_slice %arg5[%add3A_1122, %dma_wait3A_1123] : memref<10240x128xf32, #tpu.memory_space<vmem_shared>> -> memref<16x128xf32, #tpu.memory_space<vmem_shared>>
    %dma_wait3A_1125 = arith.constant 0 : i32
    %dma_wait3A_1126 = tpu.memref_slice %arg5[%add3A_1122, %dma_wait3A_1125] : memref<10240x128xf32, #tpu.memory_space<vmem_shared>> -> memref<16x128xf32, #tpu.memory_space<vmem_shared>>
    tpu.wait_dma2 semaphore(%arg12 : memref<!tpu.dma_semaphore, #tpu.memory_space<semaphore_mem>>) src(%arg11 : memref<16x128xf32, #tpu.memory_space<vmem>>) dst(%dma_wait3A_1126 : memref<16x128xf32, #tpu.memory_space<vmem_shared>>)
    %mul3A_1127 = arith.constant 640 : i32
    %mul3A_1128 = arith.muli %arg1, %mul3A_1127 : i32
    %add3A_1129 = arith.constant 80 : i32
    %add3A_1130 = arith.addi %mul3A_1128, %add3A_1129 : i32
    %dma_wait3A_1131 = arith.constant 0 : i32
    %dma_wait3A_1132 = tpu.memref_slice %arg5[%add3A_1130, %dma_wait3A_1131] : memref<10240x128xf32, #tpu.memory_space<vmem_shared>> -> memref<16x128xf32, #tpu.memory_space<vmem_shared>>
    %dma_wait3A_1133 = arith.constant 0 : i32
    %dma_wait3A_1134 = tpu.memref_slice %arg5[%add3A_1130, %dma_wait3A_1133] : memref<10240x128xf32, #tpu.memory_space<vmem_shared>> -> memref<16x128xf32, #tpu.memory_space<vmem_shared>>
    tpu.wait_dma2 semaphore(%arg12 : memref<!tpu.dma_semaphore, #tpu.memory_space<semaphore_mem>>) src(%arg11 : memref<16x128xf32, #tpu.memory_space<vmem>>) dst(%dma_wait3A_1134 : memref<16x128xf32, #tpu.memory_space<vmem_shared>>)
    %mul3A_1135 = arith.constant 640 : i32
    %mul3A_1136 = arith.muli %arg1, %mul3A_1135 : i32
    %add3A_1137 = arith.constant 96 : i32
    %add3A_1138 = arith.addi %mul3A_1136, %add3A_1137 : i32
    %dma_wait3A_1139 = arith.constant 0 : i32
    %dma_wait3A_1140 = tpu.memref_slice %arg5[%add3A_1138, %dma_wait3A_1139] : memref<10240x128xf32, #tpu.memory_space<vmem_shared>> -> memref<16x128xf32, #tpu.memory_space<vmem_shared>>
    %dma_wait3A_1141 = arith.constant 0 : i32
    %dma_wait3A_1142 = tpu.memref_slice %arg5[%add3A_1138, %dma_wait3A_1141] : memref<10240x128xf32, #tpu.memory_space<vmem_shared>> -> memref<16x128xf32, #tpu.memory_space<vmem_shared>>
    tpu.wait_dma2 semaphore(%arg12 : memref<!tpu.dma_semaphore, #tpu.memory_space<semaphore_mem>>) src(%arg11 : memref<16x128xf32, #tpu.memory_space<vmem>>) dst(%dma_wait3A_1142 : memref<16x128xf32, #tpu.memory_space<vmem_shared>>)
    %mul3A_1143 = arith.constant 640 : i32
    %mul3A_1144 = arith.muli %arg1, %mul3A_1143 : i32
    %add3A_1145 = arith.constant 112 : i32
    %add3A_1146 = arith.addi %mul3A_1144, %add3A_1145 : i32
    %dma_wait3A_1147 = arith.constant 0 : i32
    %dma_wait3A_1148 = tpu.memref_slice %arg5[%add3A_1146, %dma_wait3A_1147] : memref<10240x128xf32, #tpu.memory_space<vmem_shared>> -> memref<16x128xf32, #tpu.memory_space<vmem_shared>>
    %dma_wait3A_1149 = arith.constant 0 : i32
    %dma_wait3A_1150 = tpu.memref_slice %arg5[%add3A_1146, %dma_wait3A_1149] : memref<10240x128xf32, #tpu.memory_space<vmem_shared>> -> memref<16x128xf32, #tpu.memory_space<vmem_shared>>
    tpu.wait_dma2 semaphore(%arg12 : memref<!tpu.dma_semaphore, #tpu.memory_space<semaphore_mem>>) src(%arg11 : memref<16x128xf32, #tpu.memory_space<vmem>>) dst(%dma_wait3A_1150 : memref<16x128xf32, #tpu.memory_space<vmem_shared>>)
    %mul3A_1151 = arith.constant 640 : i32
    %mul3A_1152 = arith.muli %arg1, %mul3A_1151 : i32
    %add3A_1153 = arith.constant 128 : i32
    %add3A_1154 = arith.addi %mul3A_1152, %add3A_1153 : i32
    %dma_wait3A_1155 = arith.constant 0 : i32
    %dma_wait3A_1156 = tpu.memref_slice %arg5[%add3A_1154, %dma_wait3A_1155] : memref<10240x128xf32, #tpu.memory_space<vmem_shared>> -> memref<16x128xf32, #tpu.memory_space<vmem_shared>>
    %dma_wait3A_1157 = arith.constant 0 : i32
    %dma_wait3A_1158 = tpu.memref_slice %arg5[%add3A_1154, %dma_wait3A_1157] : memref<10240x128xf32, #tpu.memory_space<vmem_shared>> -> memref<16x128xf32, #tpu.memory_space<vmem_shared>>
    tpu.wait_dma2 semaphore(%arg12 : memref<!tpu.dma_semaphore, #tpu.memory_space<semaphore_mem>>) src(%arg11 : memref<16x128xf32, #tpu.memory_space<vmem>>) dst(%dma_wait3A_1158 : memref<16x128xf32, #tpu.memory_space<vmem_shared>>)
    %mul3A_1159 = arith.constant 640 : i32
    %mul3A_1160 = arith.muli %arg1, %mul3A_1159 : i32
    %add3A_1161 = arith.constant 144 : i32
    %add3A_1162 = arith.addi %mul3A_1160, %add3A_1161 : i32
    %dma_wait3A_1163 = arith.constant 0 : i32
    %dma_wait3A_1164 = tpu.memref_slice %arg5[%add3A_1162, %dma_wait3A_1163] : memref<10240x128xf32, #tpu.memory_space<vmem_shared>> -> memref<16x128xf32, #tpu.memory_space<vmem_shared>>
    %dma_wait3A_1165 = arith.constant 0 : i32
    %dma_wait3A_1166 = tpu.memref_slice %arg5[%add3A_1162, %dma_wait3A_1165] : memref<10240x128xf32, #tpu.memory_space<vmem_shared>> -> memref<16x128xf32, #tpu.memory_space<vmem_shared>>
    tpu.wait_dma2 semaphore(%arg12 : memref<!tpu.dma_semaphore, #tpu.memory_space<semaphore_mem>>) src(%arg11 : memref<16x128xf32, #tpu.memory_space<vmem>>) dst(%dma_wait3A_1166 : memref<16x128xf32, #tpu.memory_space<vmem_shared>>)
    %mul3A_1167 = arith.constant 640 : i32
    %mul3A_1168 = arith.muli %arg1, %mul3A_1167 : i32
    %add3A_1169 = arith.constant 160 : i32
    %add3A_1170 = arith.addi %mul3A_1168, %add3A_1169 : i32
    %dma_wait3A_1171 = arith.constant 0 : i32
    %dma_wait3A_1172 = tpu.memref_slice %arg5[%add3A_1170, %dma_wait3A_1171] : memref<10240x128xf32, #tpu.memory_space<vmem_shared>> -> memref<16x128xf32, #tpu.memory_space<vmem_shared>>
    %dma_wait3A_1173 = arith.constant 0 : i32
    %dma_wait3A_1174 = tpu.memref_slice %arg5[%add3A_1170, %dma_wait3A_1173] : memref<10240x128xf32, #tpu.memory_space<vmem_shared>> -> memref<16x128xf32, #tpu.memory_space<vmem_shared>>
    tpu.wait_dma2 semaphore(%arg12 : memref<!tpu.dma_semaphore, #tpu.memory_space<semaphore_mem>>) src(%arg11 : memref<16x128xf32, #tpu.memory_space<vmem>>) dst(%dma_wait3A_1174 : memref<16x128xf32, #tpu.memory_space<vmem_shared>>)
    %mul3A_1175 = arith.constant 640 : i32
    %mul3A_1176 = arith.muli %arg1, %mul3A_1175 : i32
    %add3A_1177 = arith.constant 176 : i32
    %add3A_1178 = arith.addi %mul3A_1176, %add3A_1177 : i32
    %dma_wait3A_1179 = arith.constant 0 : i32
    %dma_wait3A_1180 = tpu.memref_slice %arg5[%add3A_1178, %dma_wait3A_1179] : memref<10240x128xf32, #tpu.memory_space<vmem_shared>> -> memref<16x128xf32, #tpu.memory_space<vmem_shared>>
    %dma_wait3A_1181 = arith.constant 0 : i32
    %dma_wait3A_1182 = tpu.memref_slice %arg5[%add3A_1178, %dma_wait3A_1181] : memref<10240x128xf32, #tpu.memory_space<vmem_shared>> -> memref<16x128xf32, #tpu.memory_space<vmem_shared>>
    tpu.wait_dma2 semaphore(%arg12 : memref<!tpu.dma_semaphore, #tpu.memory_space<semaphore_mem>>) src(%arg11 : memref<16x128xf32, #tpu.memory_space<vmem>>) dst(%dma_wait3A_1182 : memref<16x128xf32, #tpu.memory_space<vmem_shared>>)
    %mul3A_1183 = arith.constant 640 : i32
    %mul3A_1184 = arith.muli %arg1, %mul3A_1183 : i32
    %add3A_1185 = arith.constant 192 : i32
    %add3A_1186 = arith.addi %mul3A_1184, %add3A_1185 : i32
    %dma_wait3A_1187 = arith.constant 0 : i32
    %dma_wait3A_1188 = tpu.memref_slice %arg5[%add3A_1186, %dma_wait3A_1187] : memref<10240x128xf32, #tpu.memory_space<vmem_shared>> -> memref<16x128xf32, #tpu.memory_space<vmem_shared>>
    %dma_wait3A_1189 = arith.constant 0 : i32
    %dma_wait3A_1190 = tpu.memref_slice %arg5[%add3A_1186, %dma_wait3A_1189] : memref<10240x128xf32, #tpu.memory_space<vmem_shared>> -> memref<16x128xf32, #tpu.memory_space<vmem_shared>>
    tpu.wait_dma2 semaphore(%arg12 : memref<!tpu.dma_semaphore, #tpu.memory_space<semaphore_mem>>) src(%arg11 : memref<16x128xf32, #tpu.memory_space<vmem>>) dst(%dma_wait3A_1190 : memref<16x128xf32, #tpu.memory_space<vmem_shared>>)
    %mul3A_1191 = arith.constant 640 : i32
    %mul3A_1192 = arith.muli %arg1, %mul3A_1191 : i32
    %add3A_1193 = arith.constant 208 : i32
    %add3A_1194 = arith.addi %mul3A_1192, %add3A_1193 : i32
    %dma_wait3A_1195 = arith.constant 0 : i32
    %dma_wait3A_1196 = tpu.memref_slice %arg5[%add3A_1194, %dma_wait3A_1195] : memref<10240x128xf32, #tpu.memory_space<vmem_shared>> -> memref<16x128xf32, #tpu.memory_space<vmem_shared>>
    %dma_wait3A_1197 = arith.constant 0 : i32
    %dma_wait3A_1198 = tpu.memref_slice %arg5[%add3A_1194, %dma_wait3A_1197] : memref<10240x128xf32, #tpu.memory_space<vmem_shared>> -> memref<16x128xf32, #tpu.memory_space<vmem_shared>>
    tpu.wait_dma2 semaphore(%arg12 : memref<!tpu.dma_semaphore, #tpu.memory_space<semaphore_mem>>) src(%arg11 : memref<16x128xf32, #tpu.memory_space<vmem>>) dst(%dma_wait3A_1198 : memref<16x128xf32, #tpu.memory_space<vmem_shared>>)
    %mul3A_1199 = arith.constant 640 : i32
    %mul3A_1200 = arith.muli %arg1, %mul3A_1199 : i32
    %add3A_1201 = arith.constant 224 : i32
    %add3A_1202 = arith.addi %mul3A_1200, %add3A_1201 : i32
    %dma_wait3A_1203 = arith.constant 0 : i32
    %dma_wait3A_1204 = tpu.memref_slice %arg5[%add3A_1202, %dma_wait3A_1203] : memref<10240x128xf32, #tpu.memory_space<vmem_shared>> -> memref<16x128xf32, #tpu.memory_space<vmem_shared>>
    %dma_wait3A_1205 = arith.constant 0 : i32
    %dma_wait3A_1206 = tpu.memref_slice %arg5[%add3A_1202, %dma_wait3A_1205] : memref<10240x128xf32, #tpu.memory_space<vmem_shared>> -> memref<16x128xf32, #tpu.memory_space<vmem_shared>>
    tpu.wait_dma2 semaphore(%arg12 : memref<!tpu.dma_semaphore, #tpu.memory_space<semaphore_mem>>) src(%arg11 : memref<16x128xf32, #tpu.memory_space<vmem>>) dst(%dma_wait3A_1206 : memref<16x128xf32, #tpu.memory_space<vmem_shared>>)
    %mul3A_1207 = arith.constant 640 : i32
    %mul3A_1208 = arith.muli %arg1, %mul3A_1207 : i32
    %add3A_1209 = arith.constant 240 : i32
    %add3A_1210 = arith.addi %mul3A_1208, %add3A_1209 : i32
    %dma_wait3A_1211 = arith.constant 0 : i32
    %dma_wait3A_1212 = tpu.memref_slice %arg5[%add3A_1210, %dma_wait3A_1211] : memref<10240x128xf32, #tpu.memory_space<vmem_shared>> -> memref<16x128xf32, #tpu.memory_space<vmem_shared>>
    %dma_wait3A_1213 = arith.constant 0 : i32
    %dma_wait3A_1214 = tpu.memref_slice %arg5[%add3A_1210, %dma_wait3A_1213] : memref<10240x128xf32, #tpu.memory_space<vmem_shared>> -> memref<16x128xf32, #tpu.memory_space<vmem_shared>>
    tpu.wait_dma2 semaphore(%arg12 : memref<!tpu.dma_semaphore, #tpu.memory_space<semaphore_mem>>) src(%arg11 : memref<16x128xf32, #tpu.memory_space<vmem>>) dst(%dma_wait3A_1214 : memref<16x128xf32, #tpu.memory_space<vmem_shared>>)
    %mul3A_1215 = arith.constant 640 : i32
    %mul3A_1216 = arith.muli %arg1, %mul3A_1215 : i32
    %add3A_1217 = arith.constant 256 : i32
    %add3A_1218 = arith.addi %mul3A_1216, %add3A_1217 : i32
    %dma_wait3A_1219 = arith.constant 0 : i32
    %dma_wait3A_1220 = tpu.memref_slice %arg5[%add3A_1218, %dma_wait3A_1219] : memref<10240x128xf32, #tpu.memory_space<vmem_shared>> -> memref<16x128xf32, #tpu.memory_space<vmem_shared>>
    %dma_wait3A_1221 = arith.constant 0 : i32
    %dma_wait3A_1222 = tpu.memref_slice %arg5[%add3A_1218, %dma_wait3A_1221] : memref<10240x128xf32, #tpu.memory_space<vmem_shared>> -> memref<16x128xf32, #tpu.memory_space<vmem_shared>>
    tpu.wait_dma2 semaphore(%arg12 : memref<!tpu.dma_semaphore, #tpu.memory_space<semaphore_mem>>) src(%arg11 : memref<16x128xf32, #tpu.memory_space<vmem>>) dst(%dma_wait3A_1222 : memref<16x128xf32, #tpu.memory_space<vmem_shared>>)
    %mul3A_1223 = arith.constant 640 : i32
    %mul3A_1224 = arith.muli %arg1, %mul3A_1223 : i32
    %add3A_1225 = arith.constant 272 : i32
    %add3A_1226 = arith.addi %mul3A_1224, %add3A_1225 : i32
    %dma_wait3A_1227 = arith.constant 0 : i32
    %dma_wait3A_1228 = tpu.memref_slice %arg5[%add3A_1226, %dma_wait3A_1227] : memref<10240x128xf32, #tpu.memory_space<vmem_shared>> -> memref<16x128xf32, #tpu.memory_space<vmem_shared>>
    %dma_wait3A_1229 = arith.constant 0 : i32
    %dma_wait3A_1230 = tpu.memref_slice %arg5[%add3A_1226, %dma_wait3A_1229] : memref<10240x128xf32, #tpu.memory_space<vmem_shared>> -> memref<16x128xf32, #tpu.memory_space<vmem_shared>>
    tpu.wait_dma2 semaphore(%arg12 : memref<!tpu.dma_semaphore, #tpu.memory_space<semaphore_mem>>) src(%arg11 : memref<16x128xf32, #tpu.memory_space<vmem>>) dst(%dma_wait3A_1230 : memref<16x128xf32, #tpu.memory_space<vmem_shared>>)
    %mul3A_1231 = arith.constant 640 : i32
    %mul3A_1232 = arith.muli %arg1, %mul3A_1231 : i32
    %add3A_1233 = arith.constant 288 : i32
    %add3A_1234 = arith.addi %mul3A_1232, %add3A_1233 : i32
    %dma_wait3A_1235 = arith.constant 0 : i32
    %dma_wait3A_1236 = tpu.memref_slice %arg5[%add3A_1234, %dma_wait3A_1235] : memref<10240x128xf32, #tpu.memory_space<vmem_shared>> -> memref<16x128xf32, #tpu.memory_space<vmem_shared>>
    %dma_wait3A_1237 = arith.constant 0 : i32
    %dma_wait3A_1238 = tpu.memref_slice %arg5[%add3A_1234, %dma_wait3A_1237] : memref<10240x128xf32, #tpu.memory_space<vmem_shared>> -> memref<16x128xf32, #tpu.memory_space<vmem_shared>>
    tpu.wait_dma2 semaphore(%arg12 : memref<!tpu.dma_semaphore, #tpu.memory_space<semaphore_mem>>) src(%arg11 : memref<16x128xf32, #tpu.memory_space<vmem>>) dst(%dma_wait3A_1238 : memref<16x128xf32, #tpu.memory_space<vmem_shared>>)
    %mul3A_1239 = arith.constant 640 : i32
    %mul3A_1240 = arith.muli %arg1, %mul3A_1239 : i32
    %add3A_1241 = arith.constant 304 : i32
    %add3A_1242 = arith.addi %mul3A_1240, %add3A_1241 : i32
    %dma_wait3A_1243 = arith.constant 0 : i32
    %dma_wait3A_1244 = tpu.memref_slice %arg5[%add3A_1242, %dma_wait3A_1243] : memref<10240x128xf32, #tpu.memory_space<vmem_shared>> -> memref<16x128xf32, #tpu.memory_space<vmem_shared>>
    %dma_wait3A_1245 = arith.constant 0 : i32
    %dma_wait3A_1246 = tpu.memref_slice %arg5[%add3A_1242, %dma_wait3A_1245] : memref<10240x128xf32, #tpu.memory_space<vmem_shared>> -> memref<16x128xf32, #tpu.memory_space<vmem_shared>>
    tpu.wait_dma2 semaphore(%arg12 : memref<!tpu.dma_semaphore, #tpu.memory_space<semaphore_mem>>) src(%arg11 : memref<16x128xf32, #tpu.memory_space<vmem>>) dst(%dma_wait3A_1246 : memref<16x128xf32, #tpu.memory_space<vmem_shared>>)
    %mul3A_1247 = arith.constant 640 : i32
    %mul3A_1248 = arith.muli %arg1, %mul3A_1247 : i32
    %add3A_1249 = arith.constant 320 : i32
    %add3A_1250 = arith.addi %mul3A_1248, %add3A_1249 : i32
    %dma_wait3A_1251 = arith.constant 0 : i32
    %dma_wait3A_1252 = tpu.memref_slice %arg5[%add3A_1250, %dma_wait3A_1251] : memref<10240x128xf32, #tpu.memory_space<vmem_shared>> -> memref<16x128xf32, #tpu.memory_space<vmem_shared>>
    %dma_wait3A_1253 = arith.constant 0 : i32
    %dma_wait3A_1254 = tpu.memref_slice %arg5[%add3A_1250, %dma_wait3A_1253] : memref<10240x128xf32, #tpu.memory_space<vmem_shared>> -> memref<16x128xf32, #tpu.memory_space<vmem_shared>>
    tpu.wait_dma2 semaphore(%arg12 : memref<!tpu.dma_semaphore, #tpu.memory_space<semaphore_mem>>) src(%arg11 : memref<16x128xf32, #tpu.memory_space<vmem>>) dst(%dma_wait3A_1254 : memref<16x128xf32, #tpu.memory_space<vmem_shared>>)
    %mul3A_1255 = arith.constant 640 : i32
    %mul3A_1256 = arith.muli %arg1, %mul3A_1255 : i32
    %add3A_1257 = arith.constant 336 : i32
    %add3A_1258 = arith.addi %mul3A_1256, %add3A_1257 : i32
    %dma_wait3A_1259 = arith.constant 0 : i32
    %dma_wait3A_1260 = tpu.memref_slice %arg5[%add3A_1258, %dma_wait3A_1259] : memref<10240x128xf32, #tpu.memory_space<vmem_shared>> -> memref<16x128xf32, #tpu.memory_space<vmem_shared>>
    %dma_wait3A_1261 = arith.constant 0 : i32
    %dma_wait3A_1262 = tpu.memref_slice %arg5[%add3A_1258, %dma_wait3A_1261] : memref<10240x128xf32, #tpu.memory_space<vmem_shared>> -> memref<16x128xf32, #tpu.memory_space<vmem_shared>>
    tpu.wait_dma2 semaphore(%arg12 : memref<!tpu.dma_semaphore, #tpu.memory_space<semaphore_mem>>) src(%arg11 : memref<16x128xf32, #tpu.memory_space<vmem>>) dst(%dma_wait3A_1262 : memref<16x128xf32, #tpu.memory_space<vmem_shared>>)
    %mul3A_1263 = arith.constant 640 : i32
    %mul3A_1264 = arith.muli %arg1, %mul3A_1263 : i32
    %add3A_1265 = arith.constant 352 : i32
    %add3A_1266 = arith.addi %mul3A_1264, %add3A_1265 : i32
    %dma_wait3A_1267 = arith.constant 0 : i32
    %dma_wait3A_1268 = tpu.memref_slice %arg5[%add3A_1266, %dma_wait3A_1267] : memref<10240x128xf32, #tpu.memory_space<vmem_shared>> -> memref<16x128xf32, #tpu.memory_space<vmem_shared>>
    %dma_wait3A_1269 = arith.constant 0 : i32
    %dma_wait3A_1270 = tpu.memref_slice %arg5[%add3A_1266, %dma_wait3A_1269] : memref<10240x128xf32, #tpu.memory_space<vmem_shared>> -> memref<16x128xf32, #tpu.memory_space<vmem_shared>>
    tpu.wait_dma2 semaphore(%arg12 : memref<!tpu.dma_semaphore, #tpu.memory_space<semaphore_mem>>) src(%arg11 : memref<16x128xf32, #tpu.memory_space<vmem>>) dst(%dma_wait3A_1270 : memref<16x128xf32, #tpu.memory_space<vmem_shared>>)
    %mul3A_1271 = arith.constant 640 : i32
    %mul3A_1272 = arith.muli %arg1, %mul3A_1271 : i32
    %add3A_1273 = arith.constant 368 : i32
    %add3A_1274 = arith.addi %mul3A_1272, %add3A_1273 : i32
    %dma_wait3A_1275 = arith.constant 0 : i32
    %dma_wait3A_1276 = tpu.memref_slice %arg5[%add3A_1274, %dma_wait3A_1275] : memref<10240x128xf32, #tpu.memory_space<vmem_shared>> -> memref<16x128xf32, #tpu.memory_space<vmem_shared>>
    %dma_wait3A_1277 = arith.constant 0 : i32
    %dma_wait3A_1278 = tpu.memref_slice %arg5[%add3A_1274, %dma_wait3A_1277] : memref<10240x128xf32, #tpu.memory_space<vmem_shared>> -> memref<16x128xf32, #tpu.memory_space<vmem_shared>>
    tpu.wait_dma2 semaphore(%arg12 : memref<!tpu.dma_semaphore, #tpu.memory_space<semaphore_mem>>) src(%arg11 : memref<16x128xf32, #tpu.memory_space<vmem>>) dst(%dma_wait3A_1278 : memref<16x128xf32, #tpu.memory_space<vmem_shared>>)
    %mul3A_1279 = arith.constant 640 : i32
    %mul3A_1280 = arith.muli %arg1, %mul3A_1279 : i32
    %add3A_1281 = arith.constant 384 : i32
    %add3A_1282 = arith.addi %mul3A_1280, %add3A_1281 : i32
    %dma_wait3A_1283 = arith.constant 0 : i32
    %dma_wait3A_1284 = tpu.memref_slice %arg5[%add3A_1282, %dma_wait3A_1283] : memref<10240x128xf32, #tpu.memory_space<vmem_shared>> -> memref<16x128xf32, #tpu.memory_space<vmem_shared>>
    %dma_wait3A_1285 = arith.constant 0 : i32
    %dma_wait3A_1286 = tpu.memref_slice %arg5[%add3A_1282, %dma_wait3A_1285] : memref<10240x128xf32, #tpu.memory_space<vmem_shared>> -> memref<16x128xf32, #tpu.memory_space<vmem_shared>>
    tpu.wait_dma2 semaphore(%arg12 : memref<!tpu.dma_semaphore, #tpu.memory_space<semaphore_mem>>) src(%arg11 : memref<16x128xf32, #tpu.memory_space<vmem>>) dst(%dma_wait3A_1286 : memref<16x128xf32, #tpu.memory_space<vmem_shared>>)
    %mul3A_1287 = arith.constant 640 : i32
    %mul3A_1288 = arith.muli %arg1, %mul3A_1287 : i32
    %add3A_1289 = arith.constant 400 : i32
    %add3A_1290 = arith.addi %mul3A_1288, %add3A_1289 : i32
    %dma_wait3A_1291 = arith.constant 0 : i32
    %dma_wait3A_1292 = tpu.memref_slice %arg5[%add3A_1290, %dma_wait3A_1291] : memref<10240x128xf32, #tpu.memory_space<vmem_shared>> -> memref<16x128xf32, #tpu.memory_space<vmem_shared>>
    %dma_wait3A_1293 = arith.constant 0 : i32
    %dma_wait3A_1294 = tpu.memref_slice %arg5[%add3A_1290, %dma_wait3A_1293] : memref<10240x128xf32, #tpu.memory_space<vmem_shared>> -> memref<16x128xf32, #tpu.memory_space<vmem_shared>>
    tpu.wait_dma2 semaphore(%arg12 : memref<!tpu.dma_semaphore, #tpu.memory_space<semaphore_mem>>) src(%arg11 : memref<16x128xf32, #tpu.memory_space<vmem>>) dst(%dma_wait3A_1294 : memref<16x128xf32, #tpu.memory_space<vmem_shared>>)
    %mul3A_1295 = arith.constant 640 : i32
    %mul3A_1296 = arith.muli %arg1, %mul3A_1295 : i32
    %add3A_1297 = arith.constant 416 : i32
    %add3A_1298 = arith.addi %mul3A_1296, %add3A_1297 : i32
    %dma_wait3A_1299 = arith.constant 0 : i32
    %dma_wait3A_1300 = tpu.memref_slice %arg5[%add3A_1298, %dma_wait3A_1299] : memref<10240x128xf32, #tpu.memory_space<vmem_shared>> -> memref<16x128xf32, #tpu.memory_space<vmem_shared>>
    %dma_wait3A_1301 = arith.constant 0 : i32
    %dma_wait3A_1302 = tpu.memref_slice %arg5[%add3A_1298, %dma_wait3A_1301] : memref<10240x128xf32, #tpu.memory_space<vmem_shared>> -> memref<16x128xf32, #tpu.memory_space<vmem_shared>>
    tpu.wait_dma2 semaphore(%arg12 : memref<!tpu.dma_semaphore, #tpu.memory_space<semaphore_mem>>) src(%arg11 : memref<16x128xf32, #tpu.memory_space<vmem>>) dst(%dma_wait3A_1302 : memref<16x128xf32, #tpu.memory_space<vmem_shared>>)
    %mul3A_1303 = arith.constant 640 : i32
    %mul3A_1304 = arith.muli %arg1, %mul3A_1303 : i32
    %add3A_1305 = arith.constant 432 : i32
    %add3A_1306 = arith.addi %mul3A_1304, %add3A_1305 : i32
    %dma_wait3A_1307 = arith.constant 0 : i32
    %dma_wait3A_1308 = tpu.memref_slice %arg5[%add3A_1306, %dma_wait3A_1307] : memref<10240x128xf32, #tpu.memory_space<vmem_shared>> -> memref<16x128xf32, #tpu.memory_space<vmem_shared>>
    %dma_wait3A_1309 = arith.constant 0 : i32
    %dma_wait3A_1310 = tpu.memref_slice %arg5[%add3A_1306, %dma_wait3A_1309] : memref<10240x128xf32, #tpu.memory_space<vmem_shared>> -> memref<16x128xf32, #tpu.memory_space<vmem_shared>>
    tpu.wait_dma2 semaphore(%arg12 : memref<!tpu.dma_semaphore, #tpu.memory_space<semaphore_mem>>) src(%arg11 : memref<16x128xf32, #tpu.memory_space<vmem>>) dst(%dma_wait3A_1310 : memref<16x128xf32, #tpu.memory_space<vmem_shared>>)
    %mul3A_1311 = arith.constant 640 : i32
    %mul3A_1312 = arith.muli %arg1, %mul3A_1311 : i32
    %add3A_1313 = arith.constant 448 : i32
    %add3A_1314 = arith.addi %mul3A_1312, %add3A_1313 : i32
    %dma_wait3A_1315 = arith.constant 0 : i32
    %dma_wait3A_1316 = tpu.memref_slice %arg5[%add3A_1314, %dma_wait3A_1315] : memref<10240x128xf32, #tpu.memory_space<vmem_shared>> -> memref<16x128xf32, #tpu.memory_space<vmem_shared>>
    %dma_wait3A_1317 = arith.constant 0 : i32
    %dma_wait3A_1318 = tpu.memref_slice %arg5[%add3A_1314, %dma_wait3A_1317] : memref<10240x128xf32, #tpu.memory_space<vmem_shared>> -> memref<16x128xf32, #tpu.memory_space<vmem_shared>>
    tpu.wait_dma2 semaphore(%arg12 : memref<!tpu.dma_semaphore, #tpu.memory_space<semaphore_mem>>) src(%arg11 : memref<16x128xf32, #tpu.memory_space<vmem>>) dst(%dma_wait3A_1318 : memref<16x128xf32, #tpu.memory_space<vmem_shared>>)
    %mul3A_1319 = arith.constant 640 : i32
    %mul3A_1320 = arith.muli %arg1, %mul3A_1319 : i32
    %add3A_1321 = arith.constant 464 : i32
    %add3A_1322 = arith.addi %mul3A_1320, %add3A_1321 : i32
    %dma_wait3A_1323 = arith.constant 0 : i32
    %dma_wait3A_1324 = tpu.memref_slice %arg5[%add3A_1322, %dma_wait3A_1323] : memref<10240x128xf32, #tpu.memory_space<vmem_shared>> -> memref<16x128xf32, #tpu.memory_space<vmem_shared>>
    %dma_wait3A_1325 = arith.constant 0 : i32
    %dma_wait3A_1326 = tpu.memref_slice %arg5[%add3A_1322, %dma_wait3A_1325] : memref<10240x128xf32, #tpu.memory_space<vmem_shared>> -> memref<16x128xf32, #tpu.memory_space<vmem_shared>>
    tpu.wait_dma2 semaphore(%arg12 : memref<!tpu.dma_semaphore, #tpu.memory_space<semaphore_mem>>) src(%arg11 : memref<16x128xf32, #tpu.memory_space<vmem>>) dst(%dma_wait3A_1326 : memref<16x128xf32, #tpu.memory_space<vmem_shared>>)
    %mul3A_1327 = arith.constant 640 : i32
    %mul3A_1328 = arith.muli %arg1, %mul3A_1327 : i32
    %add3A_1329 = arith.constant 480 : i32
    %add3A_1330 = arith.addi %mul3A_1328, %add3A_1329 : i32
    %dma_wait3A_1331 = arith.constant 0 : i32
    %dma_wait3A_1332 = tpu.memref_slice %arg5[%add3A_1330, %dma_wait3A_1331] : memref<10240x128xf32, #tpu.memory_space<vmem_shared>> -> memref<16x128xf32, #tpu.memory_space<vmem_shared>>
    %dma_wait3A_1333 = arith.constant 0 : i32
    %dma_wait3A_1334 = tpu.memref_slice %arg5[%add3A_1330, %dma_wait3A_1333] : memref<10240x128xf32, #tpu.memory_space<vmem_shared>> -> memref<16x128xf32, #tpu.memory_space<vmem_shared>>
    tpu.wait_dma2 semaphore(%arg12 : memref<!tpu.dma_semaphore, #tpu.memory_space<semaphore_mem>>) src(%arg11 : memref<16x128xf32, #tpu.memory_space<vmem>>) dst(%dma_wait3A_1334 : memref<16x128xf32, #tpu.memory_space<vmem_shared>>)
    %mul3A_1335 = arith.constant 640 : i32
    %mul3A_1336 = arith.muli %arg1, %mul3A_1335 : i32
    %add3A_1337 = arith.constant 496 : i32
    %add3A_1338 = arith.addi %mul3A_1336, %add3A_1337 : i32
    %dma_wait3A_1339 = arith.constant 0 : i32
    %dma_wait3A_1340 = tpu.memref_slice %arg5[%add3A_1338, %dma_wait3A_1339] : memref<10240x128xf32, #tpu.memory_space<vmem_shared>> -> memref<16x128xf32, #tpu.memory_space<vmem_shared>>
    %dma_wait3A_1341 = arith.constant 0 : i32
    %dma_wait3A_1342 = tpu.memref_slice %arg5[%add3A_1338, %dma_wait3A_1341] : memref<10240x128xf32, #tpu.memory_space<vmem_shared>> -> memref<16x128xf32, #tpu.memory_space<vmem_shared>>
    tpu.wait_dma2 semaphore(%arg12 : memref<!tpu.dma_semaphore, #tpu.memory_space<semaphore_mem>>) src(%arg11 : memref<16x128xf32, #tpu.memory_space<vmem>>) dst(%dma_wait3A_1342 : memref<16x128xf32, #tpu.memory_space<vmem_shared>>)
    %mul3A_1343 = arith.constant 640 : i32
    %mul3A_1344 = arith.muli %arg1, %mul3A_1343 : i32
    %add3A_1345 = arith.constant 512 : i32
    %add3A_1346 = arith.addi %mul3A_1344, %add3A_1345 : i32
    %dma_wait3A_1347 = arith.constant 0 : i32
    %dma_wait3A_1348 = tpu.memref_slice %arg5[%add3A_1346, %dma_wait3A_1347] : memref<10240x128xf32, #tpu.memory_space<vmem_shared>> -> memref<16x128xf32, #tpu.memory_space<vmem_shared>>
    %dma_wait3A_1349 = arith.constant 0 : i32
    %dma_wait3A_1350 = tpu.memref_slice %arg5[%add3A_1346, %dma_wait3A_1349] : memref<10240x128xf32, #tpu.memory_space<vmem_shared>> -> memref<16x128xf32, #tpu.memory_space<vmem_shared>>
    tpu.wait_dma2 semaphore(%arg12 : memref<!tpu.dma_semaphore, #tpu.memory_space<semaphore_mem>>) src(%arg11 : memref<16x128xf32, #tpu.memory_space<vmem>>) dst(%dma_wait3A_1350 : memref<16x128xf32, #tpu.memory_space<vmem_shared>>)
    %mul3A_1351 = arith.constant 640 : i32
    %mul3A_1352 = arith.muli %arg1, %mul3A_1351 : i32
    %add3A_1353 = arith.constant 528 : i32
    %add3A_1354 = arith.addi %mul3A_1352, %add3A_1353 : i32
    %dma_wait3A_1355 = arith.constant 0 : i32
    %dma_wait3A_1356 = tpu.memref_slice %arg5[%add3A_1354, %dma_wait3A_1355] : memref<10240x128xf32, #tpu.memory_space<vmem_shared>> -> memref<16x128xf32, #tpu.memory_space<vmem_shared>>
    %dma_wait3A_1357 = arith.constant 0 : i32
    %dma_wait3A_1358 = tpu.memref_slice %arg5[%add3A_1354, %dma_wait3A_1357] : memref<10240x128xf32, #tpu.memory_space<vmem_shared>> -> memref<16x128xf32, #tpu.memory_space<vmem_shared>>
    tpu.wait_dma2 semaphore(%arg12 : memref<!tpu.dma_semaphore, #tpu.memory_space<semaphore_mem>>) src(%arg11 : memref<16x128xf32, #tpu.memory_space<vmem>>) dst(%dma_wait3A_1358 : memref<16x128xf32, #tpu.memory_space<vmem_shared>>)
    %mul3A_1359 = arith.constant 640 : i32
    %mul3A_1360 = arith.muli %arg1, %mul3A_1359 : i32
    %add3A_1361 = arith.constant 544 : i32
    %add3A_1362 = arith.addi %mul3A_1360, %add3A_1361 : i32
    %dma_wait3A_1363 = arith.constant 0 : i32
    %dma_wait3A_1364 = tpu.memref_slice %arg5[%add3A_1362, %dma_wait3A_1363] : memref<10240x128xf32, #tpu.memory_space<vmem_shared>> -> memref<16x128xf32, #tpu.memory_space<vmem_shared>>
    %dma_wait3A_1365 = arith.constant 0 : i32
    %dma_wait3A_1366 = tpu.memref_slice %arg5[%add3A_1362, %dma_wait3A_1365] : memref<10240x128xf32, #tpu.memory_space<vmem_shared>> -> memref<16x128xf32, #tpu.memory_space<vmem_shared>>
    tpu.wait_dma2 semaphore(%arg12 : memref<!tpu.dma_semaphore, #tpu.memory_space<semaphore_mem>>) src(%arg11 : memref<16x128xf32, #tpu.memory_space<vmem>>) dst(%dma_wait3A_1366 : memref<16x128xf32, #tpu.memory_space<vmem_shared>>)
    %mul3A_1367 = arith.constant 640 : i32
    %mul3A_1368 = arith.muli %arg1, %mul3A_1367 : i32
    %add3A_1369 = arith.constant 560 : i32
    %add3A_1370 = arith.addi %mul3A_1368, %add3A_1369 : i32
    %dma_wait3A_1371 = arith.constant 0 : i32
    %dma_wait3A_1372 = tpu.memref_slice %arg5[%add3A_1370, %dma_wait3A_1371] : memref<10240x128xf32, #tpu.memory_space<vmem_shared>> -> memref<16x128xf32, #tpu.memory_space<vmem_shared>>
    %dma_wait3A_1373 = arith.constant 0 : i32
    %dma_wait3A_1374 = tpu.memref_slice %arg5[%add3A_1370, %dma_wait3A_1373] : memref<10240x128xf32, #tpu.memory_space<vmem_shared>> -> memref<16x128xf32, #tpu.memory_space<vmem_shared>>
    tpu.wait_dma2 semaphore(%arg12 : memref<!tpu.dma_semaphore, #tpu.memory_space<semaphore_mem>>) src(%arg11 : memref<16x128xf32, #tpu.memory_space<vmem>>) dst(%dma_wait3A_1374 : memref<16x128xf32, #tpu.memory_space<vmem_shared>>)
    %mul3A_1375 = arith.constant 640 : i32
    %mul3A_1376 = arith.muli %arg1, %mul3A_1375 : i32
    %add3A_1377 = arith.constant 576 : i32
    %add3A_1378 = arith.addi %mul3A_1376, %add3A_1377 : i32
    %dma_wait3A_1379 = arith.constant 0 : i32
    %dma_wait3A_1380 = tpu.memref_slice %arg5[%add3A_1378, %dma_wait3A_1379] : memref<10240x128xf32, #tpu.memory_space<vmem_shared>> -> memref<16x128xf32, #tpu.memory_space<vmem_shared>>
    %dma_wait3A_1381 = arith.constant 0 : i32
    %dma_wait3A_1382 = tpu.memref_slice %arg5[%add3A_1378, %dma_wait3A_1381] : memref<10240x128xf32, #tpu.memory_space<vmem_shared>> -> memref<16x128xf32, #tpu.memory_space<vmem_shared>>
    tpu.wait_dma2 semaphore(%arg12 : memref<!tpu.dma_semaphore, #tpu.memory_space<semaphore_mem>>) src(%arg11 : memref<16x128xf32, #tpu.memory_space<vmem>>) dst(%dma_wait3A_1382 : memref<16x128xf32, #tpu.memory_space<vmem_shared>>)
    %mul3A_1383 = arith.constant 640 : i32
    %mul3A_1384 = arith.muli %arg1, %mul3A_1383 : i32
    %add3A_1385 = arith.constant 592 : i32
    %add3A_1386 = arith.addi %mul3A_1384, %add3A_1385 : i32
    %dma_wait3A_1387 = arith.constant 0 : i32
    %dma_wait3A_1388 = tpu.memref_slice %arg5[%add3A_1386, %dma_wait3A_1387] : memref<10240x128xf32, #tpu.memory_space<vmem_shared>> -> memref<16x128xf32, #tpu.memory_space<vmem_shared>>
    %dma_wait3A_1389 = arith.constant 0 : i32
    %dma_wait3A_1390 = tpu.memref_slice %arg5[%add3A_1386, %dma_wait3A_1389] : memref<10240x128xf32, #tpu.memory_space<vmem_shared>> -> memref<16x128xf32, #tpu.memory_space<vmem_shared>>
    tpu.wait_dma2 semaphore(%arg12 : memref<!tpu.dma_semaphore, #tpu.memory_space<semaphore_mem>>) src(%arg11 : memref<16x128xf32, #tpu.memory_space<vmem>>) dst(%dma_wait3A_1390 : memref<16x128xf32, #tpu.memory_space<vmem_shared>>)
    %mul3A_1391 = arith.constant 640 : i32
    %mul3A_1392 = arith.muli %arg1, %mul3A_1391 : i32
    %add3A_1393 = arith.constant 608 : i32
    %add3A_1394 = arith.addi %mul3A_1392, %add3A_1393 : i32
    %dma_wait3A_1395 = arith.constant 0 : i32
    %dma_wait3A_1396 = tpu.memref_slice %arg5[%add3A_1394, %dma_wait3A_1395] : memref<10240x128xf32, #tpu.memory_space<vmem_shared>> -> memref<16x128xf32, #tpu.memory_space<vmem_shared>>
    %dma_wait3A_1397 = arith.constant 0 : i32
    %dma_wait3A_1398 = tpu.memref_slice %arg5[%add3A_1394, %dma_wait3A_1397] : memref<10240x128xf32, #tpu.memory_space<vmem_shared>> -> memref<16x128xf32, #tpu.memory_space<vmem_shared>>
    tpu.wait_dma2 semaphore(%arg12 : memref<!tpu.dma_semaphore, #tpu.memory_space<semaphore_mem>>) src(%arg11 : memref<16x128xf32, #tpu.memory_space<vmem>>) dst(%dma_wait3A_1398 : memref<16x128xf32, #tpu.memory_space<vmem_shared>>)
    %mul3A_1399 = arith.constant 640 : i32
    %mul3A_1400 = arith.muli %arg1, %mul3A_1399 : i32
    %add3A_1401 = arith.constant 624 : i32
    %add3A_1402 = arith.addi %mul3A_1400, %add3A_1401 : i32
    %dma_wait3A_1403 = arith.constant 0 : i32
    %dma_wait3A_1404 = tpu.memref_slice %arg5[%add3A_1402, %dma_wait3A_1403] : memref<10240x128xf32, #tpu.memory_space<vmem_shared>> -> memref<16x128xf32, #tpu.memory_space<vmem_shared>>
    %dma_wait3A_1405 = arith.constant 0 : i32
    %dma_wait3A_1406 = tpu.memref_slice %arg5[%add3A_1402, %dma_wait3A_1405] : memref<10240x128xf32, #tpu.memory_space<vmem_shared>> -> memref<16x128xf32, #tpu.memory_space<vmem_shared>>
    tpu.wait_dma2 semaphore(%arg12 : memref<!tpu.dma_semaphore, #tpu.memory_space<semaphore_mem>>) src(%arg11 : memref<16x128xf32, #tpu.memory_space<vmem>>) dst(%dma_wait3A_1406 : memref<16x128xf32, #tpu.memory_space<vmem_shared>>)
    %barrier3A = arith.constant 0 : index
    tpu.barrier barrier_id(%barrier3A)
    %dma_start3A_1407 = arith.constant 0 : i32
    %dma_start3A_1408 = arith.constant 0 : i32
    %dma_start3A_1409 = arith.constant 0 : i32
    %dma_start3A_1410 = arith.constant 0 : i32
    %dma_start3A_1411 = arith.constant 0 : i32
    %dma_start3A_1412 = tpu.memref_slice %arg6[%dma_start3A_1409, %dma_start3A_1410, %dma_start3A_1411] : memref<8x2x80xi32, #tpu.memory_space<vmem>> -> memref<1x1x80xi32, #tpu.memory_space<vmem>>
    %dma_start3A_1413 = tpu.memref_squeeze %dma_start3A_1412 : memref<1x1x80xi32, #tpu.memory_space<vmem>> -> memref<80xi32, #tpu.memory_space<vmem>>
    %dma_start3A_1414 = arith.constant 0 : i32
    %dma_start3A_1415 = tpu.memref_slice %arg3[%dma_start3A_1407, %add3A, %dma_start3A_1408, %dma_start3A_1414] : memref<2x32x128x80xi32, #tpu.memory_space<hbm>> -> memref<1x1x1x80xi32, #tpu.memory_space<hbm>>
    %dma_start3A_1416 = tpu.memref_squeeze %dma_start3A_1415 : memref<1x1x1x80xi32, #tpu.memory_space<hbm>> -> memref<80xi32, #tpu.memory_space<hbm>>
    %dma_start3A_1417 = arith.constant 0 : i32
    %dma_start3A_1418 = tpu.memref_slice %arg6[%dma_start3A_1409, %dma_start3A_1410, %dma_start3A_1417] : memref<8x2x80xi32, #tpu.memory_space<vmem>> -> memref<1x1x80xi32, #tpu.memory_space<vmem>>
    %dma_start3A_1419 = tpu.memref_squeeze %dma_start3A_1418 : memref<1x1x80xi32, #tpu.memory_space<vmem>> -> memref<80xi32, #tpu.memory_space<vmem>>
    %dma_start3A_1420 = arith.constant 0 : i32
    %dma_start3A_1421 = tpu.memref_slice %arg3[%dma_start3A_1407, %add3A, %dma_start3A_1408, %dma_start3A_1420] : memref<2x32x128x80xi32, #tpu.memory_space<hbm>> -> memref<1x1x1x80xi32, #tpu.memory_space<hbm>>
    %dma_start3A_1422 = tpu.memref_squeeze %dma_start3A_1421 : memref<1x1x1x80xi32, #tpu.memory_space<hbm>> -> memref<80xi32, #tpu.memory_space<hbm>>
    tpu.enqueue_dma source(%dma_start3A_1422 : memref<80xi32, #tpu.memory_space<hbm>>) target(%dma_start3A_1419 : memref<80xi32, #tpu.memory_space<vmem>>) target_semaphore(%arg20 : memref<!tpu.dma_semaphore, #tpu.memory_space<semaphore_mem>>)
    %dma_start3A_1423 = arith.constant 1 : i32
    %dma_start3A_1424 = arith.constant 0 : i32
    %dma_start3A_1425 = arith.constant 0 : i32
    %dma_start3A_1426 = arith.constant 1 : i32
    %dma_start3A_1427 = arith.constant 0 : i32
    %dma_start3A_1428 = tpu.memref_slice %arg6[%dma_start3A_1425, %dma_start3A_1426, %dma_start3A_1427] : memref<8x2x80xi32, #tpu.memory_space<vmem>> -> memref<1x1x80xi32, #tpu.memory_space<vmem>>
    %dma_start3A_1429 = tpu.memref_squeeze %dma_start3A_1428 : memref<1x1x80xi32, #tpu.memory_space<vmem>> -> memref<80xi32, #tpu.memory_space<vmem>>
    %dma_start3A_1430 = arith.constant 0 : i32
    %dma_start3A_1431 = tpu.memref_slice %arg3[%dma_start3A_1423, %add3A, %dma_start3A_1424, %dma_start3A_1430] : memref<2x32x128x80xi32, #tpu.memory_space<hbm>> -> memref<1x1x1x80xi32, #tpu.memory_space<hbm>>
    %dma_start3A_1432 = tpu.memref_squeeze %dma_start3A_1431 : memref<1x1x1x80xi32, #tpu.memory_space<hbm>> -> memref<80xi32, #tpu.memory_space<hbm>>
    %dma_start3A_1433 = arith.constant 0 : i32
    %dma_start3A_1434 = tpu.memref_slice %arg6[%dma_start3A_1425, %dma_start3A_1426, %dma_start3A_1433] : memref<8x2x80xi32, #tpu.memory_space<vmem>> -> memref<1x1x80xi32, #tpu.memory_space<vmem>>
    %dma_start3A_1435 = tpu.memref_squeeze %dma_start3A_1434 : memref<1x1x80xi32, #tpu.memory_space<vmem>> -> memref<80xi32, #tpu.memory_space<vmem>>
    %dma_start3A_1436 = arith.constant 0 : i32
    %dma_start3A_1437 = tpu.memref_slice %arg3[%dma_start3A_1423, %add3A, %dma_start3A_1424, %dma_start3A_1436] : memref<2x32x128x80xi32, #tpu.memory_space<hbm>> -> memref<1x1x1x80xi32, #tpu.memory_space<hbm>>
    %dma_start3A_1438 = tpu.memref_squeeze %dma_start3A_1437 : memref<1x1x1x80xi32, #tpu.memory_space<hbm>> -> memref<80xi32, #tpu.memory_space<hbm>>
    tpu.enqueue_dma source(%dma_start3A_1438 : memref<80xi32, #tpu.memory_space<hbm>>) target(%dma_start3A_1435 : memref<80xi32, #tpu.memory_space<vmem>>) target_semaphore(%arg20 : memref<!tpu.dma_semaphore, #tpu.memory_space<semaphore_mem>>)
    %dma_start3A_1439 = arith.constant 0 : i32
    %dma_start3A_1440 = arith.constant 1 : i32
    %dma_start3A_1441 = arith.constant 1 : i32
    %dma_start3A_1442 = arith.constant 0 : i32
    %dma_start3A_1443 = arith.constant 0 : i32
    %dma_start3A_1444 = tpu.memref_slice %arg6[%dma_start3A_1441, %dma_start3A_1442, %dma_start3A_1443] : memref<8x2x80xi32, #tpu.memory_space<vmem>> -> memref<1x1x80xi32, #tpu.memory_space<vmem>>
    %dma_start3A_1445 = tpu.memref_squeeze %dma_start3A_1444 : memref<1x1x80xi32, #tpu.memory_space<vmem>> -> memref<80xi32, #tpu.memory_space<vmem>>
    %dma_start3A_1446 = arith.constant 0 : i32
    %dma_start3A_1447 = tpu.memref_slice %arg3[%dma_start3A_1439, %add3A, %dma_start3A_1440, %dma_start3A_1446] : memref<2x32x128x80xi32, #tpu.memory_space<hbm>> -> memref<1x1x1x80xi32, #tpu.memory_space<hbm>>
    %dma_start3A_1448 = tpu.memref_squeeze %dma_start3A_1447 : memref<1x1x1x80xi32, #tpu.memory_space<hbm>> -> memref<80xi32, #tpu.memory_space<hbm>>
    %dma_start3A_1449 = arith.constant 0 : i32
    %dma_start3A_1450 = tpu.memref_slice %arg6[%dma_start3A_1441, %dma_start3A_1442, %dma_start3A_1449] : memref<8x2x80xi32, #tpu.memory_space<vmem>> -> memref<1x1x80xi32, #tpu.memory_space<vmem>>
    %dma_start3A_1451 = tpu.memref_squeeze %dma_start3A_1450 : memref<1x1x80xi32, #tpu.memory_space<vmem>> -> memref<80xi32, #tpu.memory_space<vmem>>
    %dma_start3A_1452 = arith.constant 0 : i32
    %dma_start3A_1453 = tpu.memref_slice %arg3[%dma_start3A_1439, %add3A, %dma_start3A_1440, %dma_start3A_1452] : memref<2x32x128x80xi32, #tpu.memory_space<hbm>> -> memref<1x1x1x80xi32, #tpu.memory_space<hbm>>
    %dma_start3A_1454 = tpu.memref_squeeze %dma_start3A_1453 : memref<1x1x1x80xi32, #tpu.memory_space<hbm>> -> memref<80xi32, #tpu.memory_space<hbm>>
    tpu.enqueue_dma source(%dma_start3A_1454 : memref<80xi32, #tpu.memory_space<hbm>>) target(%dma_start3A_1451 : memref<80xi32, #tpu.memory_space<vmem>>) target_semaphore(%arg21 : memref<!tpu.dma_semaphore, #tpu.memory_space<semaphore_mem>>)
    %dma_start3A_1455 = arith.constant 1 : i32
    %dma_start3A_1456 = arith.constant 1 : i32
    %dma_start3A_1457 = arith.constant 1 : i32
    %dma_start3A_1458 = arith.constant 1 : i32
    %dma_start3A_1459 = arith.constant 0 : i32
    %dma_start3A_1460 = tpu.memref_slice %arg6[%dma_start3A_1457, %dma_start3A_1458, %dma_start3A_1459] : memref<8x2x80xi32, #tpu.memory_space<vmem>> -> memref<1x1x80xi32, #tpu.memory_space<vmem>>
    %dma_start3A_1461 = tpu.memref_squeeze %dma_start3A_1460 : memref<1x1x80xi32, #tpu.memory_space<vmem>> -> memref<80xi32, #tpu.memory_space<vmem>>
    %dma_start3A_1462 = arith.constant 0 : i32
    %dma_start3A_1463 = tpu.memref_slice %arg3[%dma_start3A_1455, %add3A, %dma_start3A_1456, %dma_start3A_1462] : memref<2x32x128x80xi32, #tpu.memory_space<hbm>> -> memref<1x1x1x80xi32, #tpu.memory_space<hbm>>
    %dma_start3A_1464 = tpu.memref_squeeze %dma_start3A_1463 : memref<1x1x1x80xi32, #tpu.memory_space<hbm>> -> memref<80xi32, #tpu.memory_space<hbm>>
    %dma_start3A_1465 = arith.constant 0 : i32
    %dma_start3A_1466 = tpu.memref_slice %arg6[%dma_start3A_1457, %dma_start3A_1458, %dma_start3A_1465] : memref<8x2x80xi32, #tpu.memory_space<vmem>> -> memref<1x1x80xi32, #tpu.memory_space<vmem>>
    %dma_start3A_1467 = tpu.memref_squeeze %dma_start3A_1466 : memref<1x1x80xi32, #tpu.memory_space<vmem>> -> memref<80xi32, #tpu.memory_space<vmem>>
    %dma_start3A_1468 = arith.constant 0 : i32
    %dma_start3A_1469 = tpu.memref_slice %arg3[%dma_start3A_1455, %add3A, %dma_start3A_1456, %dma_start3A_1468] : memref<2x32x128x80xi32, #tpu.memory_space<hbm>> -> memref<1x1x1x80xi32, #tpu.memory_space<hbm>>
    %dma_start3A_1470 = tpu.memref_squeeze %dma_start3A_1469 : memref<1x1x1x80xi32, #tpu.memory_space<hbm>> -> memref<80xi32, #tpu.memory_space<hbm>>
    tpu.enqueue_dma source(%dma_start3A_1470 : memref<80xi32, #tpu.memory_space<hbm>>) target(%dma_start3A_1467 : memref<80xi32, #tpu.memory_space<vmem>>) target_semaphore(%arg21 : memref<!tpu.dma_semaphore, #tpu.memory_space<semaphore_mem>>)
    %dma_start3A_1471 = arith.constant 0 : i32
    %dma_start3A_1472 = arith.constant 2 : i32
    %dma_start3A_1473 = arith.constant 2 : i32
    %dma_start3A_1474 = arith.constant 0 : i32
    %dma_start3A_1475 = arith.constant 0 : i32
    %dma_start3A_1476 = tpu.memref_slice %arg6[%dma_start3A_1473, %dma_start3A_1474, %dma_start3A_1475] : memref<8x2x80xi32, #tpu.memory_space<vmem>> -> memref<1x1x80xi32, #tpu.memory_space<vmem>>
    %dma_start3A_1477 = tpu.memref_squeeze %dma_start3A_1476 : memref<1x1x80xi32, #tpu.memory_space<vmem>> -> memref<80xi32, #tpu.memory_space<vmem>>
    %dma_start3A_1478 = arith.constant 0 : i32
    %dma_start3A_1479 = tpu.memref_slice %arg3[%dma_start3A_1471, %add3A, %dma_start3A_1472, %dma_start3A_1478] : memref<2x32x128x80xi32, #tpu.memory_space<hbm>> -> memref<1x1x1x80xi32, #tpu.memory_space<hbm>>
    %dma_start3A_1480 = tpu.memref_squeeze %dma_start3A_1479 : memref<1x1x1x80xi32, #tpu.memory_space<hbm>> -> memref<80xi32, #tpu.memory_space<hbm>>
    %dma_start3A_1481 = arith.constant 0 : i32
    %dma_start3A_1482 = tpu.memref_slice %arg6[%dma_start3A_1473, %dma_start3A_1474, %dma_start3A_1481] : memref<8x2x80xi32, #tpu.memory_space<vmem>> -> memref<1x1x80xi32, #tpu.memory_space<vmem>>
    %dma_start3A_1483 = tpu.memref_squeeze %dma_start3A_1482 : memref<1x1x80xi32, #tpu.memory_space<vmem>> -> memref<80xi32, #tpu.memory_space<vmem>>
    %dma_start3A_1484 = arith.constant 0 : i32
    %dma_start3A_1485 = tpu.memref_slice %arg3[%dma_start3A_1471, %add3A, %dma_start3A_1472, %dma_start3A_1484] : memref<2x32x128x80xi32, #tpu.memory_space<hbm>> -> memref<1x1x1x80xi32, #tpu.memory_space<hbm>>
    %dma_start3A_1486 = tpu.memref_squeeze %dma_start3A_1485 : memref<1x1x1x80xi32, #tpu.memory_space<hbm>> -> memref<80xi32, #tpu.memory_space<hbm>>
    tpu.enqueue_dma source(%dma_start3A_1486 : memref<80xi32, #tpu.memory_space<hbm>>) target(%dma_start3A_1483 : memref<80xi32, #tpu.memory_space<vmem>>) target_semaphore(%arg22 : memref<!tpu.dma_semaphore, #tpu.memory_space<semaphore_mem>>)
    %dma_start3A_1487 = arith.constant 1 : i32
    %dma_start3A_1488 = arith.constant 2 : i32
    %dma_start3A_1489 = arith.constant 2 : i32
    %dma_start3A_1490 = arith.constant 1 : i32
    %dma_start3A_1491 = arith.constant 0 : i32
    %dma_start3A_1492 = tpu.memref_slice %arg6[%dma_start3A_1489, %dma_start3A_1490, %dma_start3A_1491] : memref<8x2x80xi32, #tpu.memory_space<vmem>> -> memref<1x1x80xi32, #tpu.memory_space<vmem>>
    %dma_start3A_1493 = tpu.memref_squeeze %dma_start3A_1492 : memref<1x1x80xi32, #tpu.memory_space<vmem>> -> memref<80xi32, #tpu.memory_space<vmem>>
    %dma_start3A_1494 = arith.constant 0 : i32
    %dma_start3A_1495 = tpu.memref_slice %arg3[%dma_start3A_1487, %add3A, %dma_start3A_1488, %dma_start3A_1494] : memref<2x32x128x80xi32, #tpu.memory_space<hbm>> -> memref<1x1x1x80xi32, #tpu.memory_space<hbm>>
    %dma_start3A_1496 = tpu.memref_squeeze %dma_start3A_1495 : memref<1x1x1x80xi32, #tpu.memory_space<hbm>> -> memref<80xi32, #tpu.memory_space<hbm>>
    %dma_start3A_1497 = arith.constant 0 : i32
    %dma_start3A_1498 = tpu.memref_slice %arg6[%dma_start3A_1489, %dma_start3A_1490, %dma_start3A_1497] : memref<8x2x80xi32, #tpu.memory_space<vmem>> -> memref<1x1x80xi32, #tpu.memory_space<vmem>>
    %dma_start3A_1499 = tpu.memref_squeeze %dma_start3A_1498 : memref<1x1x80xi32, #tpu.memory_space<vmem>> -> memref<80xi32, #tpu.memory_space<vmem>>
    %dma_start3A_1500 = arith.constant 0 : i32
    %dma_start3A_1501 = tpu.memref_slice %arg3[%dma_start3A_1487, %add3A, %dma_start3A_1488, %dma_start3A_1500] : memref<2x32x128x80xi32, #tpu.memory_space<hbm>> -> memref<1x1x1x80xi32, #tpu.memory_space<hbm>>
    %dma_start3A_1502 = tpu.memref_squeeze %dma_start3A_1501 : memref<1x1x1x80xi32, #tpu.memory_space<hbm>> -> memref<80xi32, #tpu.memory_space<hbm>>
    tpu.enqueue_dma source(%dma_start3A_1502 : memref<80xi32, #tpu.memory_space<hbm>>) target(%dma_start3A_1499 : memref<80xi32, #tpu.memory_space<vmem>>) target_semaphore(%arg22 : memref<!tpu.dma_semaphore, #tpu.memory_space<semaphore_mem>>)
    %dma_start3A_1503 = arith.constant 0 : i32
    %dma_start3A_1504 = arith.constant 3 : i32
    %dma_start3A_1505 = arith.constant 3 : i32
    %dma_start3A_1506 = arith.constant 0 : i32
    %dma_start3A_1507 = arith.constant 0 : i32
    %dma_start3A_1508 = tpu.memref_slice %arg6[%dma_start3A_1505, %dma_start3A_1506, %dma_start3A_1507] : memref<8x2x80xi32, #tpu.memory_space<vmem>> -> memref<1x1x80xi32, #tpu.memory_space<vmem>>
    %dma_start3A_1509 = tpu.memref_squeeze %dma_start3A_1508 : memref<1x1x80xi32, #tpu.memory_space<vmem>> -> memref<80xi32, #tpu.memory_space<vmem>>
    %dma_start3A_1510 = arith.constant 0 : i32
    %dma_start3A_1511 = tpu.memref_slice %arg3[%dma_start3A_1503, %add3A, %dma_start3A_1504, %dma_start3A_1510] : memref<2x32x128x80xi32, #tpu.memory_space<hbm>> -> memref<1x1x1x80xi32, #tpu.memory_space<hbm>>
    %dma_start3A_1512 = tpu.memref_squeeze %dma_start3A_1511 : memref<1x1x1x80xi32, #tpu.memory_space<hbm>> -> memref<80xi32, #tpu.memory_space<hbm>>
    %dma_start3A_1513 = arith.constant 0 : i32
    %dma_start3A_1514 = tpu.memref_slice %arg6[%dma_start3A_1505, %dma_start3A_1506, %dma_start3A_1513] : memref<8x2x80xi32, #tpu.memory_space<vmem>> -> memref<1x1x80xi32, #tpu.memory_space<vmem>>
    %dma_start3A_1515 = tpu.memref_squeeze %dma_start3A_1514 : memref<1x1x80xi32, #tpu.memory_space<vmem>> -> memref<80xi32, #tpu.memory_space<vmem>>
    %dma_start3A_1516 = arith.constant 0 : i32
    %dma_start3A_1517 = tpu.memref_slice %arg3[%dma_start3A_1503, %add3A, %dma_start3A_1504, %dma_start3A_1516] : memref<2x32x128x80xi32, #tpu.memory_space<hbm>> -> memref<1x1x1x80xi32, #tpu.memory_space<hbm>>
    %dma_start3A_1518 = tpu.memref_squeeze %dma_start3A_1517 : memref<1x1x1x80xi32, #tpu.memory_space<hbm>> -> memref<80xi32, #tpu.memory_space<hbm>>
    tpu.enqueue_dma source(%dma_start3A_1518 : memref<80xi32, #tpu.memory_space<hbm>>) target(%dma_start3A_1515 : memref<80xi32, #tpu.memory_space<vmem>>) target_semaphore(%arg23 : memref<!tpu.dma_semaphore, #tpu.memory_space<semaphore_mem>>)
    %dma_start3A_1519 = arith.constant 1 : i32
    %dma_start3A_1520 = arith.constant 3 : i32
    %dma_start3A_1521 = arith.constant 3 : i32
    %dma_start3A_1522 = arith.constant 1 : i32
    %dma_start3A_1523 = arith.constant 0 : i32
    %dma_start3A_1524 = tpu.memref_slice %arg6[%dma_start3A_1521, %dma_start3A_1522, %dma_start3A_1523] : memref<8x2x80xi32, #tpu.memory_space<vmem>> -> memref<1x1x80xi32, #tpu.memory_space<vmem>>
    %dma_start3A_1525 = tpu.memref_squeeze %dma_start3A_1524 : memref<1x1x80xi32, #tpu.memory_space<vmem>> -> memref<80xi32, #tpu.memory_space<vmem>>
    %dma_start3A_1526 = arith.constant 0 : i32
    %dma_start3A_1527 = tpu.memref_slice %arg3[%dma_start3A_1519, %add3A, %dma_start3A_1520, %dma_start3A_1526] : memref<2x32x128x80xi32, #tpu.memory_space<hbm>> -> memref<1x1x1x80xi32, #tpu.memory_space<hbm>>
    %dma_start3A_1528 = tpu.memref_squeeze %dma_start3A_1527 : memref<1x1x1x80xi32, #tpu.memory_space<hbm>> -> memref<80xi32, #tpu.memory_space<hbm>>
    %dma_start3A_1529 = arith.constant 0 : i32
    %dma_start3A_1530 = tpu.memref_slice %arg6[%dma_start3A_1521, %dma_start3A_1522, %dma_start3A_1529] : memref<8x2x80xi32, #tpu.memory_space<vmem>> -> memref<1x1x80xi32, #tpu.memory_space<vmem>>
    %dma_start3A_1531 = tpu.memref_squeeze %dma_start3A_1530 : memref<1x1x80xi32, #tpu.memory_space<vmem>> -> memref<80xi32, #tpu.memory_space<vmem>>
    %dma_start3A_1532 = arith.constant 0 : i32
    %dma_start3A_1533 = tpu.memref_slice %arg3[%dma_start3A_1519, %add3A, %dma_start3A_1520, %dma_start3A_1532] : memref<2x32x128x80xi32, #tpu.memory_space<hbm>> -> memref<1x1x1x80xi32, #tpu.memory_space<hbm>>
    %dma_start3A_1534 = tpu.memref_squeeze %dma_start3A_1533 : memref<1x1x1x80xi32, #tpu.memory_space<hbm>> -> memref<80xi32, #tpu.memory_space<hbm>>
    tpu.enqueue_dma source(%dma_start3A_1534 : memref<80xi32, #tpu.memory_space<hbm>>) target(%dma_start3A_1531 : memref<80xi32, #tpu.memory_space<vmem>>) target_semaphore(%arg23 : memref<!tpu.dma_semaphore, #tpu.memory_space<semaphore_mem>>)
    %dma_wait3A_1535 = arith.constant 0 : i32
    %dma_wait3A_1536 = arith.constant 0 : i32
    %dma_wait3A_1537 = arith.constant 0 : i32
    %dma_wait3A_1538 = arith.constant 0 : i32
    %dma_wait3A_1539 = arith.constant 0 : i32
    %dma_wait3A_1540 = tpu.memref_slice %arg6[%dma_wait3A_1537, %dma_wait3A_1538, %dma_wait3A_1539] : memref<8x2x80xi32, #tpu.memory_space<vmem>> -> memref<1x1x80xi32, #tpu.memory_space<vmem>>
    %dma_wait3A_1541 = tpu.memref_squeeze %dma_wait3A_1540 : memref<1x1x80xi32, #tpu.memory_space<vmem>> -> memref<80xi32, #tpu.memory_space<vmem>>
    %dma_wait3A_1542 = arith.constant 0 : i32
    %dma_wait3A_1543 = tpu.memref_slice %arg3[%dma_wait3A_1535, %add3A, %dma_wait3A_1536, %dma_wait3A_1542] : memref<2x32x128x80xi32, #tpu.memory_space<hbm>> -> memref<1x1x1x80xi32, #tpu.memory_space<hbm>>
    %dma_wait3A_1544 = tpu.memref_squeeze %dma_wait3A_1543 : memref<1x1x1x80xi32, #tpu.memory_space<hbm>> -> memref<80xi32, #tpu.memory_space<hbm>>
    %dma_wait3A_1545 = arith.constant 0 : i32
    %dma_wait3A_1546 = tpu.memref_slice %arg6[%dma_wait3A_1537, %dma_wait3A_1538, %dma_wait3A_1545] : memref<8x2x80xi32, #tpu.memory_space<vmem>> -> memref<1x1x80xi32, #tpu.memory_space<vmem>>
    %dma_wait3A_1547 = tpu.memref_squeeze %dma_wait3A_1546 : memref<1x1x80xi32, #tpu.memory_space<vmem>> -> memref<80xi32, #tpu.memory_space<vmem>>
    %dma_wait3A_1548 = arith.constant 0 : i32
    %dma_wait3A_1549 = tpu.memref_slice %arg3[%dma_wait3A_1535, %add3A, %dma_wait3A_1536, %dma_wait3A_1548] : memref<2x32x128x80xi32, #tpu.memory_space<hbm>> -> memref<1x1x1x80xi32, #tpu.memory_space<hbm>>
    %dma_wait3A_1550 = tpu.memref_squeeze %dma_wait3A_1549 : memref<1x1x1x80xi32, #tpu.memory_space<hbm>> -> memref<80xi32, #tpu.memory_space<hbm>>
    tpu.wait_dma2 semaphore(%arg20 : memref<!tpu.dma_semaphore, #tpu.memory_space<semaphore_mem>>) src(%dma_wait3A_1550 : memref<80xi32, #tpu.memory_space<hbm>>) dst(%dma_wait3A_1547 : memref<80xi32, #tpu.memory_space<vmem>>)
    %dma_wait3A_1551 = arith.constant 1 : i32
    %dma_wait3A_1552 = arith.constant 0 : i32
    %dma_wait3A_1553 = arith.constant 0 : i32
    %dma_wait3A_1554 = arith.constant 1 : i32
    %dma_wait3A_1555 = arith.constant 0 : i32
    %dma_wait3A_1556 = tpu.memref_slice %arg6[%dma_wait3A_1553, %dma_wait3A_1554, %dma_wait3A_1555] : memref<8x2x80xi32, #tpu.memory_space<vmem>> -> memref<1x1x80xi32, #tpu.memory_space<vmem>>
    %dma_wait3A_1557 = tpu.memref_squeeze %dma_wait3A_1556 : memref<1x1x80xi32, #tpu.memory_space<vmem>> -> memref<80xi32, #tpu.memory_space<vmem>>
    %dma_wait3A_1558 = arith.constant 0 : i32
    %dma_wait3A_1559 = tpu.memref_slice %arg3[%dma_wait3A_1551, %add3A, %dma_wait3A_1552, %dma_wait3A_1558] : memref<2x32x128x80xi32, #tpu.memory_space<hbm>> -> memref<1x1x1x80xi32, #tpu.memory_space<hbm>>
    %dma_wait3A_1560 = tpu.memref_squeeze %dma_wait3A_1559 : memref<1x1x1x80xi32, #tpu.memory_space<hbm>> -> memref<80xi32, #tpu.memory_space<hbm>>
    %dma_wait3A_1561 = arith.constant 0 : i32
    %dma_wait3A_1562 = tpu.memref_slice %arg6[%dma_wait3A_1553, %dma_wait3A_1554, %dma_wait3A_1561] : memref<8x2x80xi32, #tpu.memory_space<vmem>> -> memref<1x1x80xi32, #tpu.memory_space<vmem>>
    %dma_wait3A_1563 = tpu.memref_squeeze %dma_wait3A_1562 : memref<1x1x80xi32, #tpu.memory_space<vmem>> -> memref<80xi32, #tpu.memory_space<vmem>>
    %dma_wait3A_1564 = arith.constant 0 : i32
    %dma_wait3A_1565 = tpu.memref_slice %arg3[%dma_wait3A_1551, %add3A, %dma_wait3A_1552, %dma_wait3A_1564] : memref<2x32x128x80xi32, #tpu.memory_space<hbm>> -> memref<1x1x1x80xi32, #tpu.memory_space<hbm>>
    %dma_wait3A_1566 = tpu.memref_squeeze %dma_wait3A_1565 : memref<1x1x1x80xi32, #tpu.memory_space<hbm>> -> memref<80xi32, #tpu.memory_space<hbm>>
    tpu.wait_dma2 semaphore(%arg20 : memref<!tpu.dma_semaphore, #tpu.memory_space<semaphore_mem>>) src(%dma_wait3A_1566 : memref<80xi32, #tpu.memory_space<hbm>>) dst(%dma_wait3A_1563 : memref<80xi32, #tpu.memory_space<vmem>>)
    %dma_start3A_1567 = arith.constant 0 : i32
    %dma_start3A_1568 = arith.constant 0 : i32
    %dma_start3A_1569 = arith.constant 0 : i32
    %dma_start3A_1570 = tpu.memref_slice %arg6[%dma_start3A_1567, %dma_start3A_1568, %dma_start3A_1569] : memref<8x2x80xi32, #tpu.memory_space<vmem>> -> memref<1x1x80xi32, #tpu.memory_space<vmem>>
    %dma_start3A_1571 = tpu.memref_squeeze %dma_start3A_1570 : memref<1x1x80xi32, #tpu.memory_space<vmem>> -> memref<80xi32, #tpu.memory_space<vmem>>
    %dma_start3A_1572 = arith.constant 0 : i32
    %dma_start3A_1573 = arith.constant 0 : i32
    %dma_start3A_1574 = tpu.memref_slice %arg2[%dma_start3A_1572, %dma_start3A_1573] : memref<10240x128xf32, #tpu.memory_space<hbm>> -> memref<10240x128xf32, #tpu.memory_space<hbm>>
    tpu.enqueue_indirect_dma source(%dma_start3A_1574 : memref<10240x128xf32, #tpu.memory_space<hbm>>) target(%arg7 : memref<80x128xf32, #tpu.memory_space<vmem>>) offsets(%dma_start3A_1571 : memref<80xi32, #tpu.memory_space<vmem>>) semaphore(%arg12 : memref<!tpu.dma_semaphore, #tpu.memory_space<semaphore_mem>>)
    %dma_wait3A_1575 = arith.constant 0 : i32
    %dma_wait3A_1576 = arith.constant 0 : i32
    %dma_wait3A_1577 = arith.constant 1 : i32
    %dma_wait3A_1578 = arith.constant 0 : i32
    %dma_wait3A_1579 = arith.constant 0 : i32
    %dma_wait3A_1580 = tpu.memref_slice %arg6[%dma_wait3A_1577, %dma_wait3A_1578, %dma_wait3A_1579] : memref<8x2x80xi32, #tpu.memory_space<vmem>> -> memref<1x1x80xi32, #tpu.memory_space<vmem>>
    %dma_wait3A_1581 = tpu.memref_squeeze %dma_wait3A_1580 : memref<1x1x80xi32, #tpu.memory_space<vmem>> -> memref<80xi32, #tpu.memory_space<vmem>>
    %dma_wait3A_1582 = arith.constant 0 : i32
    %dma_wait3A_1583 = tpu.memref_slice %arg3[%dma_wait3A_1575, %add3A, %dma_wait3A_1576, %dma_wait3A_1582] : memref<2x32x128x80xi32, #tpu.memory_space<hbm>> -> memref<1x1x1x80xi32, #tpu.memory_space<hbm>>
    %dma_wait3A_1584 = tpu.memref_squeeze %dma_wait3A_1583 : memref<1x1x1x80xi32, #tpu.memory_space<hbm>> -> memref<80xi32, #tpu.memory_space<hbm>>
    %dma_wait3A_1585 = arith.constant 0 : i32
    %dma_wait3A_1586 = tpu.memref_slice %arg6[%dma_wait3A_1577, %dma_wait3A_1578, %dma_wait3A_1585] : memref<8x2x80xi32, #tpu.memory_space<vmem>> -> memref<1x1x80xi32, #tpu.memory_space<vmem>>
    %dma_wait3A_1587 = tpu.memref_squeeze %dma_wait3A_1586 : memref<1x1x80xi32, #tpu.memory_space<vmem>> -> memref<80xi32, #tpu.memory_space<vmem>>
    %dma_wait3A_1588 = arith.constant 0 : i32
    %dma_wait3A_1589 = tpu.memref_slice %arg3[%dma_wait3A_1575, %add3A, %dma_wait3A_1576, %dma_wait3A_1588] : memref<2x32x128x80xi32, #tpu.memory_space<hbm>> -> memref<1x1x1x80xi32, #tpu.memory_space<hbm>>
    %dma_wait3A_1590 = tpu.memref_squeeze %dma_wait3A_1589 : memref<1x1x1x80xi32, #tpu.memory_space<hbm>> -> memref<80xi32, #tpu.memory_space<hbm>>
    tpu.wait_dma2 semaphore(%arg21 : memref<!tpu.dma_semaphore, #tpu.memory_space<semaphore_mem>>) src(%dma_wait3A_1590 : memref<80xi32, #tpu.memory_space<hbm>>) dst(%dma_wait3A_1587 : memref<80xi32, #tpu.memory_space<vmem>>)
    %dma_wait3A_1591 = arith.constant 1 : i32
    %dma_wait3A_1592 = arith.constant 0 : i32
    %dma_wait3A_1593 = arith.constant 1 : i32
    %dma_wait3A_1594 = arith.constant 1 : i32
    %dma_wait3A_1595 = arith.constant 0 : i32
    %dma_wait3A_1596 = tpu.memref_slice %arg6[%dma_wait3A_1593, %dma_wait3A_1594, %dma_wait3A_1595] : memref<8x2x80xi32, #tpu.memory_space<vmem>> -> memref<1x1x80xi32, #tpu.memory_space<vmem>>
    %dma_wait3A_1597 = tpu.memref_squeeze %dma_wait3A_1596 : memref<1x1x80xi32, #tpu.memory_space<vmem>> -> memref<80xi32, #tpu.memory_space<vmem>>
    %dma_wait3A_1598 = arith.constant 0 : i32
    %dma_wait3A_1599 = tpu.memref_slice %arg3[%dma_wait3A_1591, %add3A, %dma_wait3A_1592, %dma_wait3A_1598] : memref<2x32x128x80xi32, #tpu.memory_space<hbm>> -> memref<1x1x1x80xi32, #tpu.memory_space<hbm>>
    %dma_wait3A_1600 = tpu.memref_squeeze %dma_wait3A_1599 : memref<1x1x1x80xi32, #tpu.memory_space<hbm>> -> memref<80xi32, #tpu.memory_space<hbm>>
    %dma_wait3A_1601 = arith.constant 0 : i32
    %dma_wait3A_1602 = tpu.memref_slice %arg6[%dma_wait3A_1593, %dma_wait3A_1594, %dma_wait3A_1601] : memref<8x2x80xi32, #tpu.memory_space<vmem>> -> memref<1x1x80xi32, #tpu.memory_space<vmem>>
    %dma_wait3A_1603 = tpu.memref_squeeze %dma_wait3A_1602 : memref<1x1x80xi32, #tpu.memory_space<vmem>> -> memref<80xi32, #tpu.memory_space<vmem>>
    %dma_wait3A_1604 = arith.constant 0 : i32
    %dma_wait3A_1605 = tpu.memref_slice %arg3[%dma_wait3A_1591, %add3A, %dma_wait3A_1592, %dma_wait3A_1604] : memref<2x32x128x80xi32, #tpu.memory_space<hbm>> -> memref<1x1x1x80xi32, #tpu.memory_space<hbm>>
    %dma_wait3A_1606 = tpu.memref_squeeze %dma_wait3A_1605 : memref<1x1x1x80xi32, #tpu.memory_space<hbm>> -> memref<80xi32, #tpu.memory_space<hbm>>
    tpu.wait_dma2 semaphore(%arg21 : memref<!tpu.dma_semaphore, #tpu.memory_space<semaphore_mem>>) src(%dma_wait3A_1606 : memref<80xi32, #tpu.memory_space<hbm>>) dst(%dma_wait3A_1603 : memref<80xi32, #tpu.memory_space<vmem>>)
    %dma_start3A_1607 = arith.constant 1 : i32
    %dma_start3A_1608 = arith.constant 0 : i32
    %dma_start3A_1609 = arith.constant 0 : i32
    %dma_start3A_1610 = tpu.memref_slice %arg6[%dma_start3A_1607, %dma_start3A_1608, %dma_start3A_1609] : memref<8x2x80xi32, #tpu.memory_space<vmem>> -> memref<1x1x80xi32, #tpu.memory_space<vmem>>
    %dma_start3A_1611 = tpu.memref_squeeze %dma_start3A_1610 : memref<1x1x80xi32, #tpu.memory_space<vmem>> -> memref<80xi32, #tpu.memory_space<vmem>>
    %dma_start3A_1612 = arith.constant 0 : i32
    %dma_start3A_1613 = arith.constant 0 : i32
    %dma_start3A_1614 = tpu.memref_slice %arg2[%dma_start3A_1612, %dma_start3A_1613] : memref<10240x128xf32, #tpu.memory_space<hbm>> -> memref<10240x128xf32, #tpu.memory_space<hbm>>
    tpu.enqueue_indirect_dma source(%dma_start3A_1614 : memref<10240x128xf32, #tpu.memory_space<hbm>>) target(%arg8 : memref<80x128xf32, #tpu.memory_space<vmem>>) offsets(%dma_start3A_1611 : memref<80xi32, #tpu.memory_space<vmem>>) semaphore(%arg13 : memref<!tpu.dma_semaphore, #tpu.memory_space<semaphore_mem>>)
    %scan3A = arith.constant 0 : i32
    %scan3A_1615 = arith.constant 16 : i32
    %scan3A_1616 = arith.addi %scan3A, %scan3A_1615 : i32
    %scan3A_1617 = arith.constant 1 : i32
    scf.for %scan3A_1640 = %scan3A to %scan3A_1616 step %scan3A_1617  : i32 {
      %mul3A_1641 = arith.constant 8 : i32
      %mul3A_1642 = arith.muli %scan3A_1640, %mul3A_1641 : i32
      %add3A_1643 = arith.constant 0 : i32
      %add3A_1644 = arith.addi %add3A_1643, %mul3A_1642 : i32
      %add3A_1645 = arith.constant 0 : i32
      %add3A_1646 = arith.addi %add3A_1644, %add3A_1645 : i32
      %gt3A = arith.constant 0 : i32
      %gt3A_1647 = arith.cmpi sgt, %add3A_1644, %gt3A : i32
      %convert_element_type3A = arith.extui %gt3A_1647 : i1 to i32
      %cond3A = arith.constant 0 : i32
      %cond3A_1648 = arith.cmpi ne, %convert_element_type3A, %cond3A : i32
      scf.if %cond3A_1648 {
        %dma_wait3A_1955 = arith.constant 2 : i32
        %dma_wait3A_1956 = arith.constant 1 : i32
        %dma_wait3A_1957 = arith.constant 0 : i32
        %dma_wait3A_1958 = tpu.memref_slice %arg6[%dma_wait3A_1955, %dma_wait3A_1956, %dma_wait3A_1957] : memref<8x2x80xi32, #tpu.memory_space<vmem>> -> memref<1x1x80xi32, #tpu.memory_space<vmem>>
        %dma_wait3A_1959 = tpu.memref_squeeze %dma_wait3A_1958 : memref<1x1x80xi32, #tpu.memory_space<vmem>> -> memref<80xi32, #tpu.memory_space<vmem>>
        %dma_wait3A_1960 = arith.constant 0 : i32
        %dma_wait3A_1961 = arith.constant 0 : i32
        %dma_wait3A_1962 = tpu.memref_slice %arg5[%dma_wait3A_1960, %dma_wait3A_1961] : memref<10240x128xf32, #tpu.memory_space<vmem_shared>> -> memref<10240x128xf32, #tpu.memory_space<vmem_shared>>
        tpu.wait_indirect_dma semaphore(%arg18 : memref<!tpu.dma_semaphore, #tpu.memory_space<semaphore_mem>>) src(%arg9 : memref<80x128xf32, #tpu.memory_space<vmem>>) dst(%dma_wait3A_1962 : memref<10240x128xf32, #tpu.memory_space<vmem_shared>>)
      } else {
      }
      %add3A_1649 = arith.constant 2 : i32
      %add3A_1650 = arith.addi %add3A_1646, %add3A_1649 : i32
      %lt3A = arith.constant 128 : i32
      %lt3A_1651 = arith.cmpi slt, %add3A_1650, %lt3A : i32
      %convert_element_type3A_1652 = arith.extui %lt3A_1651 : i1 to i32
      %cond3A_1653 = arith.constant 0 : i32
      %cond3A_1654 = arith.cmpi ne, %convert_element_type3A_1652, %cond3A_1653 : i32
      scf.if %cond3A_1654 {
        %dma_wait3A_1955 = arith.constant 0 : i32
        %dma_wait3A_1956 = arith.constant 0 : i32
        %dma_wait3A_1957 = arith.constant 2 : i32
        %dma_wait3A_1958 = arith.constant 0 : i32
        %dma_wait3A_1959 = arith.constant 0 : i32
        %dma_wait3A_1960 = tpu.memref_slice %arg6[%dma_wait3A_1957, %dma_wait3A_1958, %dma_wait3A_1959] : memref<8x2x80xi32, #tpu.memory_space<vmem>> -> memref<1x1x80xi32, #tpu.memory_space<vmem>>
        %dma_wait3A_1961 = tpu.memref_squeeze %dma_wait3A_1960 : memref<1x1x80xi32, #tpu.memory_space<vmem>> -> memref<80xi32, #tpu.memory_space<vmem>>
        %dma_wait3A_1962 = arith.constant 0 : i32
        %dma_wait3A_1963 = tpu.memref_slice %arg3[%dma_wait3A_1955, %add3A, %dma_wait3A_1956, %dma_wait3A_1962] : memref<2x32x128x80xi32, #tpu.memory_space<hbm>> -> memref<1x1x1x80xi32, #tpu.memory_space<hbm>>
        %dma_wait3A_1964 = tpu.memref_squeeze %dma_wait3A_1963 : memref<1x1x1x80xi32, #tpu.memory_space<hbm>> -> memref<80xi32, #tpu.memory_space<hbm>>
        %dma_wait3A_1965 = arith.constant 0 : i32
        %dma_wait3A_1966 = tpu.memref_slice %arg6[%dma_wait3A_1957, %dma_wait3A_1958, %dma_wait3A_1965] : memref<8x2x80xi32, #tpu.memory_space<vmem>> -> memref<1x1x80xi32, #tpu.memory_space<vmem>>
        %dma_wait3A_1967 = tpu.memref_squeeze %dma_wait3A_1966 : memref<1x1x80xi32, #tpu.memory_space<vmem>> -> memref<80xi32, #tpu.memory_space<vmem>>
        %dma_wait3A_1968 = arith.constant 0 : i32
        %dma_wait3A_1969 = tpu.memref_slice %arg3[%dma_wait3A_1955, %add3A, %dma_wait3A_1956, %dma_wait3A_1968] : memref<2x32x128x80xi32, #tpu.memory_space<hbm>> -> memref<1x1x1x80xi32, #tpu.memory_space<hbm>>
        %dma_wait3A_1970 = tpu.memref_squeeze %dma_wait3A_1969 : memref<1x1x1x80xi32, #tpu.memory_space<hbm>> -> memref<80xi32, #tpu.memory_space<hbm>>
        tpu.wait_dma2 semaphore(%arg22 : memref<!tpu.dma_semaphore, #tpu.memory_space<semaphore_mem>>) src(%dma_wait3A_1970 : memref<80xi32, #tpu.memory_space<hbm>>) dst(%dma_wait3A_1967 : memref<80xi32, #tpu.memory_space<vmem>>)
        %dma_wait3A_1971 = arith.constant 1 : i32
        %dma_wait3A_1972 = arith.constant 0 : i32
        %dma_wait3A_1973 = arith.constant 2 : i32
        %dma_wait3A_1974 = arith.constant 1 : i32
        %dma_wait3A_1975 = arith.constant 0 : i32
        %dma_wait3A_1976 = tpu.memref_slice %arg6[%dma_wait3A_1973, %dma_wait3A_1974, %dma_wait3A_1975] : memref<8x2x80xi32, #tpu.memory_space<vmem>> -> memref<1x1x80xi32, #tpu.memory_space<vmem>>
        %dma_wait3A_1977 = tpu.memref_squeeze %dma_wait3A_1976 : memref<1x1x80xi32, #tpu.memory_space<vmem>> -> memref<80xi32, #tpu.memory_space<vmem>>
        %dma_wait3A_1978 = arith.constant 0 : i32
        %dma_wait3A_1979 = tpu.memref_slice %arg3[%dma_wait3A_1971, %add3A, %dma_wait3A_1972, %dma_wait3A_1978] : memref<2x32x128x80xi32, #tpu.memory_space<hbm>> -> memref<1x1x1x80xi32, #tpu.memory_space<hbm>>
        %dma_wait3A_1980 = tpu.memref_squeeze %dma_wait3A_1979 : memref<1x1x1x80xi32, #tpu.memory_space<hbm>> -> memref<80xi32, #tpu.memory_space<hbm>>
        %dma_wait3A_1981 = arith.constant 0 : i32
        %dma_wait3A_1982 = tpu.memref_slice %arg6[%dma_wait3A_1973, %dma_wait3A_1974, %dma_wait3A_1981] : memref<8x2x80xi32, #tpu.memory_space<vmem>> -> memref<1x1x80xi32, #tpu.memory_space<vmem>>
        %dma_wait3A_1983 = tpu.memref_squeeze %dma_wait3A_1982 : memref<1x1x80xi32, #tpu.memory_space<vmem>> -> memref<80xi32, #tpu.memory_space<vmem>>
        %dma_wait3A_1984 = arith.constant 0 : i32
        %dma_wait3A_1985 = tpu.memref_slice %arg3[%dma_wait3A_1971, %add3A, %dma_wait3A_1972, %dma_wait3A_1984] : memref<2x32x128x80xi32, #tpu.memory_space<hbm>> -> memref<1x1x1x80xi32, #tpu.memory_space<hbm>>
        %dma_wait3A_1986 = tpu.memref_squeeze %dma_wait3A_1985 : memref<1x1x1x80xi32, #tpu.memory_space<hbm>> -> memref<80xi32, #tpu.memory_space<hbm>>
        tpu.wait_dma2 semaphore(%arg22 : memref<!tpu.dma_semaphore, #tpu.memory_space<semaphore_mem>>) src(%dma_wait3A_1986 : memref<80xi32, #tpu.memory_space<hbm>>) dst(%dma_wait3A_1983 : memref<80xi32, #tpu.memory_space<vmem>>)
        %dma_start3A_1987 = arith.constant 2 : i32
        %dma_start3A_1988 = arith.constant 0 : i32
        %dma_start3A_1989 = arith.constant 0 : i32
        %dma_start3A_1990 = tpu.memref_slice %arg6[%dma_start3A_1987, %dma_start3A_1988, %dma_start3A_1989] : memref<8x2x80xi32, #tpu.memory_space<vmem>> -> memref<1x1x80xi32, #tpu.memory_space<vmem>>
        %dma_start3A_1991 = tpu.memref_squeeze %dma_start3A_1990 : memref<1x1x80xi32, #tpu.memory_space<vmem>> -> memref<80xi32, #tpu.memory_space<vmem>>
        %dma_start3A_1992 = arith.constant 0 : i32
        %dma_start3A_1993 = arith.constant 0 : i32
        %dma_start3A_1994 = tpu.memref_slice %arg2[%dma_start3A_1992, %dma_start3A_1993] : memref<10240x128xf32, #tpu.memory_space<hbm>> -> memref<10240x128xf32, #tpu.memory_space<hbm>>
        tpu.enqueue_indirect_dma source(%dma_start3A_1994 : memref<10240x128xf32, #tpu.memory_space<hbm>>) target(%arg9 : memref<80x128xf32, #tpu.memory_space<vmem>>) offsets(%dma_start3A_1991 : memref<80xi32, #tpu.memory_space<vmem>>) semaphore(%arg14 : memref<!tpu.dma_semaphore, #tpu.memory_space<semaphore_mem>>)
      } else {
      }
      %dma_wait3A_1655 = arith.constant 0 : i32
      %dma_wait3A_1656 = arith.constant 0 : i32
      %dma_wait3A_1657 = arith.constant 0 : i32
      %dma_wait3A_1658 = tpu.memref_slice %arg6[%dma_wait3A_1655, %dma_wait3A_1656, %dma_wait3A_1657] : memref<8x2x80xi32, #tpu.memory_space<vmem>> -> memref<1x1x80xi32, #tpu.memory_space<vmem>>
      %dma_wait3A_1659 = tpu.memref_squeeze %dma_wait3A_1658 : memref<1x1x80xi32, #tpu.memory_space<vmem>> -> memref<80xi32, #tpu.memory_space<vmem>>
      %dma_wait3A_1660 = arith.constant 0 : i32
      %dma_wait3A_1661 = arith.constant 0 : i32
      %dma_wait3A_1662 = tpu.memref_slice %arg2[%dma_wait3A_1660, %dma_wait3A_1661] : memref<10240x128xf32, #tpu.memory_space<hbm>> -> memref<10240x128xf32, #tpu.memory_space<hbm>>
      tpu.wait_indirect_dma semaphore(%arg12 : memref<!tpu.dma_semaphore, #tpu.memory_space<semaphore_mem>>) src(%dma_wait3A_1662 : memref<10240x128xf32, #tpu.memory_space<hbm>>) dst(%arg7 : memref<80x128xf32, #tpu.memory_space<vmem>>)
      %dma_start3A_1663 = arith.constant 0 : i32
      %dma_start3A_1664 = arith.constant 1 : i32
      %dma_start3A_1665 = arith.constant 0 : i32
      %dma_start3A_1666 = tpu.memref_slice %arg6[%dma_start3A_1663, %dma_start3A_1664, %dma_start3A_1665] : memref<8x2x80xi32, #tpu.memory_space<vmem>> -> memref<1x1x80xi32, #tpu.memory_space<vmem>>
      %dma_start3A_1667 = tpu.memref_squeeze %dma_start3A_1666 : memref<1x1x80xi32, #tpu.memory_space<vmem>> -> memref<80xi32, #tpu.memory_space<vmem>>
      %dma_start3A_1668 = arith.constant 0 : i32
      %dma_start3A_1669 = arith.constant 0 : i32
      %dma_start3A_1670 = tpu.memref_slice %arg5[%dma_start3A_1668, %dma_start3A_1669] : memref<10240x128xf32, #tpu.memory_space<vmem_shared>> -> memref<10240x128xf32, #tpu.memory_space<vmem_shared>>
      tpu.enqueue_indirect_dma source(%arg7 : memref<80x128xf32, #tpu.memory_space<vmem>>) target(%dma_start3A_1670 : memref<10240x128xf32, #tpu.memory_space<vmem_shared>>) offsets(%dma_start3A_1667 : memref<80xi32, #tpu.memory_space<vmem>>) semaphore(%arg16 : memref<!tpu.dma_semaphore, #tpu.memory_space<semaphore_mem>>) {add = true}
      %add3A_1671 = arith.constant 4 : i32
      %add3A_1672 = arith.addi %add3A_1646, %add3A_1671 : i32
      %lt3A_1673 = arith.constant 128 : i32
      %lt3A_1674 = arith.cmpi slt, %add3A_1672, %lt3A_1673 : i32
      %convert_element_type3A_1675 = arith.extui %lt3A_1674 : i1 to i32
      %cond3A_1676 = arith.constant 0 : i32
      %cond3A_1677 = arith.cmpi ne, %convert_element_type3A_1675, %cond3A_1676 : i32
      scf.if %cond3A_1677 {
        %add3A_1955 = arith.constant 4 : i32
        %add3A_1956 = arith.addi %add3A_1646, %add3A_1955 : i32
        %dma_start3A_1957 = arith.constant 0 : i32
        %dma_start3A_1958 = arith.constant 4 : i32
        %dma_start3A_1959 = arith.constant 0 : i32
        %dma_start3A_1960 = arith.constant 0 : i32
        %dma_start3A_1961 = tpu.memref_slice %arg6[%dma_start3A_1958, %dma_start3A_1959, %dma_start3A_1960] : memref<8x2x80xi32, #tpu.memory_space<vmem>> -> memref<1x1x80xi32, #tpu.memory_space<vmem>>
        %dma_start3A_1962 = tpu.memref_squeeze %dma_start3A_1961 : memref<1x1x80xi32, #tpu.memory_space<vmem>> -> memref<80xi32, #tpu.memory_space<vmem>>
        %dma_start3A_1963 = arith.constant 0 : i32
        %dma_start3A_1964 = tpu.memref_slice %arg3[%dma_start3A_1957, %add3A, %add3A_1956, %dma_start3A_1963] : memref<2x32x128x80xi32, #tpu.memory_space<hbm>> -> memref<1x1x1x80xi32, #tpu.memory_space<hbm>>
        %dma_start3A_1965 = tpu.memref_squeeze %dma_start3A_1964 : memref<1x1x1x80xi32, #tpu.memory_space<hbm>> -> memref<80xi32, #tpu.memory_space<hbm>>
        %dma_start3A_1966 = arith.constant 0 : i32
        %dma_start3A_1967 = tpu.memref_slice %arg6[%dma_start3A_1958, %dma_start3A_1959, %dma_start3A_1966] : memref<8x2x80xi32, #tpu.memory_space<vmem>> -> memref<1x1x80xi32, #tpu.memory_space<vmem>>
        %dma_start3A_1968 = tpu.memref_squeeze %dma_start3A_1967 : memref<1x1x80xi32, #tpu.memory_space<vmem>> -> memref<80xi32, #tpu.memory_space<vmem>>
        %dma_start3A_1969 = arith.constant 0 : i32
        %dma_start3A_1970 = tpu.memref_slice %arg3[%dma_start3A_1957, %add3A, %add3A_1956, %dma_start3A_1969] : memref<2x32x128x80xi32, #tpu.memory_space<hbm>> -> memref<1x1x1x80xi32, #tpu.memory_space<hbm>>
        %dma_start3A_1971 = tpu.memref_squeeze %dma_start3A_1970 : memref<1x1x1x80xi32, #tpu.memory_space<hbm>> -> memref<80xi32, #tpu.memory_space<hbm>>
        tpu.enqueue_dma source(%dma_start3A_1971 : memref<80xi32, #tpu.memory_space<hbm>>) target(%dma_start3A_1968 : memref<80xi32, #tpu.memory_space<vmem>>) target_semaphore(%arg24 : memref<!tpu.dma_semaphore, #tpu.memory_space<semaphore_mem>>)
        %dma_start3A_1972 = arith.constant 1 : i32
        %dma_start3A_1973 = arith.constant 4 : i32
        %dma_start3A_1974 = arith.constant 1 : i32
        %dma_start3A_1975 = arith.constant 0 : i32
        %dma_start3A_1976 = tpu.memref_slice %arg6[%dma_start3A_1973, %dma_start3A_1974, %dma_start3A_1975] : memref<8x2x80xi32, #tpu.memory_space<vmem>> -> memref<1x1x80xi32, #tpu.memory_space<vmem>>
        %dma_start3A_1977 = tpu.memref_squeeze %dma_start3A_1976 : memref<1x1x80xi32, #tpu.memory_space<vmem>> -> memref<80xi32, #tpu.memory_space<vmem>>
        %dma_start3A_1978 = arith.constant 0 : i32
        %dma_start3A_1979 = tpu.memref_slice %arg3[%dma_start3A_1972, %add3A, %add3A_1956, %dma_start3A_1978] : memref<2x32x128x80xi32, #tpu.memory_space<hbm>> -> memref<1x1x1x80xi32, #tpu.memory_space<hbm>>
        %dma_start3A_1980 = tpu.memref_squeeze %dma_start3A_1979 : memref<1x1x1x80xi32, #tpu.memory_space<hbm>> -> memref<80xi32, #tpu.memory_space<hbm>>
        %dma_start3A_1981 = arith.constant 0 : i32
        %dma_start3A_1982 = tpu.memref_slice %arg6[%dma_start3A_1973, %dma_start3A_1974, %dma_start3A_1981] : memref<8x2x80xi32, #tpu.memory_space<vmem>> -> memref<1x1x80xi32, #tpu.memory_space<vmem>>
        %dma_start3A_1983 = tpu.memref_squeeze %dma_start3A_1982 : memref<1x1x80xi32, #tpu.memory_space<vmem>> -> memref<80xi32, #tpu.memory_space<vmem>>
        %dma_start3A_1984 = arith.constant 0 : i32
        %dma_start3A_1985 = tpu.memref_slice %arg3[%dma_start3A_1972, %add3A, %add3A_1956, %dma_start3A_1984] : memref<2x32x128x80xi32, #tpu.memory_space<hbm>> -> memref<1x1x1x80xi32, #tpu.memory_space<hbm>>
        %dma_start3A_1986 = tpu.memref_squeeze %dma_start3A_1985 : memref<1x1x1x80xi32, #tpu.memory_space<hbm>> -> memref<80xi32, #tpu.memory_space<hbm>>
        tpu.enqueue_dma source(%dma_start3A_1986 : memref<80xi32, #tpu.memory_space<hbm>>) target(%dma_start3A_1983 : memref<80xi32, #tpu.memory_space<vmem>>) target_semaphore(%arg24 : memref<!tpu.dma_semaphore, #tpu.memory_space<semaphore_mem>>)
      } else {
      }
      %add3A_1678 = arith.constant 1 : i32
      %add3A_1679 = arith.addi %add3A_1644, %add3A_1678 : i32
      %gt3A_1680 = arith.constant 0 : i32
      %gt3A_1681 = arith.cmpi sgt, %add3A_1644, %gt3A_1680 : i32
      %convert_element_type3A_1682 = arith.extui %gt3A_1681 : i1 to i32
      %cond3A_1683 = arith.constant 0 : i32
      %cond3A_1684 = arith.cmpi ne, %convert_element_type3A_1682, %cond3A_1683 : i32
      scf.if %cond3A_1684 {
        %dma_wait3A_1955 = arith.constant 3 : i32
        %dma_wait3A_1956 = arith.constant 1 : i32
        %dma_wait3A_1957 = arith.constant 0 : i32
        %dma_wait3A_1958 = tpu.memref_slice %arg6[%dma_wait3A_1955, %dma_wait3A_1956, %dma_wait3A_1957] : memref<8x2x80xi32, #tpu.memory_space<vmem>> -> memref<1x1x80xi32, #tpu.memory_space<vmem>>
        %dma_wait3A_1959 = tpu.memref_squeeze %dma_wait3A_1958 : memref<1x1x80xi32, #tpu.memory_space<vmem>> -> memref<80xi32, #tpu.memory_space<vmem>>
        %dma_wait3A_1960 = arith.constant 0 : i32
        %dma_wait3A_1961 = arith.constant 0 : i32
        %dma_wait3A_1962 = tpu.memref_slice %arg5[%dma_wait3A_1960, %dma_wait3A_1961] : memref<10240x128xf32, #tpu.memory_space<vmem_shared>> -> memref<10240x128xf32, #tpu.memory_space<vmem_shared>>
        tpu.wait_indirect_dma semaphore(%arg19 : memref<!tpu.dma_semaphore, #tpu.memory_space<semaphore_mem>>) src(%arg10 : memref<80x128xf32, #tpu.memory_space<vmem>>) dst(%dma_wait3A_1962 : memref<10240x128xf32, #tpu.memory_space<vmem_shared>>)
      } else {
      }
      %add3A_1685 = arith.constant 2 : i32
      %add3A_1686 = arith.addi %add3A_1679, %add3A_1685 : i32
      %lt3A_1687 = arith.constant 128 : i32
      %lt3A_1688 = arith.cmpi slt, %add3A_1686, %lt3A_1687 : i32
      %convert_element_type3A_1689 = arith.extui %lt3A_1688 : i1 to i32
      %cond3A_1690 = arith.constant 0 : i32
      %cond3A_1691 = arith.cmpi ne, %convert_element_type3A_1689, %cond3A_1690 : i32
      scf.if %cond3A_1691 {
        %dma_wait3A_1955 = arith.constant 0 : i32
        %dma_wait3A_1956 = arith.constant 0 : i32
        %dma_wait3A_1957 = arith.constant 3 : i32
        %dma_wait3A_1958 = arith.constant 0 : i32
        %dma_wait3A_1959 = arith.constant 0 : i32
        %dma_wait3A_1960 = tpu.memref_slice %arg6[%dma_wait3A_1957, %dma_wait3A_1958, %dma_wait3A_1959] : memref<8x2x80xi32, #tpu.memory_space<vmem>> -> memref<1x1x80xi32, #tpu.memory_space<vmem>>
        %dma_wait3A_1961 = tpu.memref_squeeze %dma_wait3A_1960 : memref<1x1x80xi32, #tpu.memory_space<vmem>> -> memref<80xi32, #tpu.memory_space<vmem>>
        %dma_wait3A_1962 = arith.constant 0 : i32
        %dma_wait3A_1963 = tpu.memref_slice %arg3[%dma_wait3A_1955, %add3A, %dma_wait3A_1956, %dma_wait3A_1962] : memref<2x32x128x80xi32, #tpu.memory_space<hbm>> -> memref<1x1x1x80xi32, #tpu.memory_space<hbm>>
        %dma_wait3A_1964 = tpu.memref_squeeze %dma_wait3A_1963 : memref<1x1x1x80xi32, #tpu.memory_space<hbm>> -> memref<80xi32, #tpu.memory_space<hbm>>
        %dma_wait3A_1965 = arith.constant 0 : i32
        %dma_wait3A_1966 = tpu.memref_slice %arg6[%dma_wait3A_1957, %dma_wait3A_1958, %dma_wait3A_1965] : memref<8x2x80xi32, #tpu.memory_space<vmem>> -> memref<1x1x80xi32, #tpu.memory_space<vmem>>
        %dma_wait3A_1967 = tpu.memref_squeeze %dma_wait3A_1966 : memref<1x1x80xi32, #tpu.memory_space<vmem>> -> memref<80xi32, #tpu.memory_space<vmem>>
        %dma_wait3A_1968 = arith.constant 0 : i32
        %dma_wait3A_1969 = tpu.memref_slice %arg3[%dma_wait3A_1955, %add3A, %dma_wait3A_1956, %dma_wait3A_1968] : memref<2x32x128x80xi32, #tpu.memory_space<hbm>> -> memref<1x1x1x80xi32, #tpu.memory_space<hbm>>
        %dma_wait3A_1970 = tpu.memref_squeeze %dma_wait3A_1969 : memref<1x1x1x80xi32, #tpu.memory_space<hbm>> -> memref<80xi32, #tpu.memory_space<hbm>>
        tpu.wait_dma2 semaphore(%arg23 : memref<!tpu.dma_semaphore, #tpu.memory_space<semaphore_mem>>) src(%dma_wait3A_1970 : memref<80xi32, #tpu.memory_space<hbm>>) dst(%dma_wait3A_1967 : memref<80xi32, #tpu.memory_space<vmem>>)
        %dma_wait3A_1971 = arith.constant 1 : i32
        %dma_wait3A_1972 = arith.constant 0 : i32
        %dma_wait3A_1973 = arith.constant 3 : i32
        %dma_wait3A_1974 = arith.constant 1 : i32
        %dma_wait3A_1975 = arith.constant 0 : i32
        %dma_wait3A_1976 = tpu.memref_slice %arg6[%dma_wait3A_1973, %dma_wait3A_1974, %dma_wait3A_1975] : memref<8x2x80xi32, #tpu.memory_space<vmem>> -> memref<1x1x80xi32, #tpu.memory_space<vmem>>
        %dma_wait3A_1977 = tpu.memref_squeeze %dma_wait3A_1976 : memref<1x1x80xi32, #tpu.memory_space<vmem>> -> memref<80xi32, #tpu.memory_space<vmem>>
        %dma_wait3A_1978 = arith.constant 0 : i32
        %dma_wait3A_1979 = tpu.memref_slice %arg3[%dma_wait3A_1971, %add3A, %dma_wait3A_1972, %dma_wait3A_1978] : memref<2x32x128x80xi32, #tpu.memory_space<hbm>> -> memref<1x1x1x80xi32, #tpu.memory_space<hbm>>
        %dma_wait3A_1980 = tpu.memref_squeeze %dma_wait3A_1979 : memref<1x1x1x80xi32, #tpu.memory_space<hbm>> -> memref<80xi32, #tpu.memory_space<hbm>>
        %dma_wait3A_1981 = arith.constant 0 : i32
        %dma_wait3A_1982 = tpu.memref_slice %arg6[%dma_wait3A_1973, %dma_wait3A_1974, %dma_wait3A_1981] : memref<8x2x80xi32, #tpu.memory_space<vmem>> -> memref<1x1x80xi32, #tpu.memory_space<vmem>>
        %dma_wait3A_1983 = tpu.memref_squeeze %dma_wait3A_1982 : memref<1x1x80xi32, #tpu.memory_space<vmem>> -> memref<80xi32, #tpu.memory_space<vmem>>
        %dma_wait3A_1984 = arith.constant 0 : i32
        %dma_wait3A_1985 = tpu.memref_slice %arg3[%dma_wait3A_1971, %add3A, %dma_wait3A_1972, %dma_wait3A_1984] : memref<2x32x128x80xi32, #tpu.memory_space<hbm>> -> memref<1x1x1x80xi32, #tpu.memory_space<hbm>>
        %dma_wait3A_1986 = tpu.memref_squeeze %dma_wait3A_1985 : memref<1x1x1x80xi32, #tpu.memory_space<hbm>> -> memref<80xi32, #tpu.memory_space<hbm>>
        tpu.wait_dma2 semaphore(%arg23 : memref<!tpu.dma_semaphore, #tpu.memory_space<semaphore_mem>>) src(%dma_wait3A_1986 : memref<80xi32, #tpu.memory_space<hbm>>) dst(%dma_wait3A_1983 : memref<80xi32, #tpu.memory_space<vmem>>)
        %dma_start3A_1987 = arith.constant 3 : i32
        %dma_start3A_1988 = arith.constant 0 : i32
        %dma_start3A_1989 = arith.constant 0 : i32
        %dma_start3A_1990 = tpu.memref_slice %arg6[%dma_start3A_1987, %dma_start3A_1988, %dma_start3A_1989] : memref<8x2x80xi32, #tpu.memory_space<vmem>> -> memref<1x1x80xi32, #tpu.memory_space<vmem>>
        %dma_start3A_1991 = tpu.memref_squeeze %dma_start3A_1990 : memref<1x1x80xi32, #tpu.memory_space<vmem>> -> memref<80xi32, #tpu.memory_space<vmem>>
        %dma_start3A_1992 = arith.constant 0 : i32
        %dma_start3A_1993 = arith.constant 0 : i32
        %dma_start3A_1994 = tpu.memref_slice %arg2[%dma_start3A_1992, %dma_start3A_1993] : memref<10240x128xf32, #tpu.memory_space<hbm>> -> memref<10240x128xf32, #tpu.memory_space<hbm>>
        tpu.enqueue_indirect_dma source(%dma_start3A_1994 : memref<10240x128xf32, #tpu.memory_space<hbm>>) target(%arg10 : memref<80x128xf32, #tpu.memory_space<vmem>>) offsets(%dma_start3A_1991 : memref<80xi32, #tpu.memory_space<vmem>>) semaphore(%arg15 : memref<!tpu.dma_semaphore, #tpu.memory_space<semaphore_mem>>)
      } else {
      }
      %dma_wait3A_1692 = arith.constant 1 : i32
      %dma_wait3A_1693 = arith.constant 0 : i32
      %dma_wait3A_1694 = arith.constant 0 : i32
      %dma_wait3A_1695 = tpu.memref_slice %arg6[%dma_wait3A_1692, %dma_wait3A_1693, %dma_wait3A_1694] : memref<8x2x80xi32, #tpu.memory_space<vmem>> -> memref<1x1x80xi32, #tpu.memory_space<vmem>>
      %dma_wait3A_1696 = tpu.memref_squeeze %dma_wait3A_1695 : memref<1x1x80xi32, #tpu.memory_space<vmem>> -> memref<80xi32, #tpu.memory_space<vmem>>
      %dma_wait3A_1697 = arith.constant 0 : i32
      %dma_wait3A_1698 = arith.constant 0 : i32
      %dma_wait3A_1699 = tpu.memref_slice %arg2[%dma_wait3A_1697, %dma_wait3A_1698] : memref<10240x128xf32, #tpu.memory_space<hbm>> -> memref<10240x128xf32, #tpu.memory_space<hbm>>
      tpu.wait_indirect_dma semaphore(%arg13 : memref<!tpu.dma_semaphore, #tpu.memory_space<semaphore_mem>>) src(%dma_wait3A_1699 : memref<10240x128xf32, #tpu.memory_space<hbm>>) dst(%arg8 : memref<80x128xf32, #tpu.memory_space<vmem>>)
      %dma_start3A_1700 = arith.constant 1 : i32
      %dma_start3A_1701 = arith.constant 1 : i32
      %dma_start3A_1702 = arith.constant 0 : i32
      %dma_start3A_1703 = tpu.memref_slice %arg6[%dma_start3A_1700, %dma_start3A_1701, %dma_start3A_1702] : memref<8x2x80xi32, #tpu.memory_space<vmem>> -> memref<1x1x80xi32, #tpu.memory_space<vmem>>
      %dma_start3A_1704 = tpu.memref_squeeze %dma_start3A_1703 : memref<1x1x80xi32, #tpu.memory_space<vmem>> -> memref<80xi32, #tpu.memory_space<vmem>>
      %dma_start3A_1705 = arith.constant 0 : i32
      %dma_start3A_1706 = arith.constant 0 : i32
      %dma_start3A_1707 = tpu.memref_slice %arg5[%dma_start3A_1705, %dma_start3A_1706] : memref<10240x128xf32, #tpu.memory_space<vmem_shared>> -> memref<10240x128xf32, #tpu.memory_space<vmem_shared>>
      tpu.enqueue_indirect_dma source(%arg8 : memref<80x128xf32, #tpu.memory_space<vmem>>) target(%dma_start3A_1707 : memref<10240x128xf32, #tpu.memory_space<vmem_shared>>) offsets(%dma_start3A_1704 : memref<80xi32, #tpu.memory_space<vmem>>) semaphore(%arg17 : memref<!tpu.dma_semaphore, #tpu.memory_space<semaphore_mem>>) {add = true}
      %add3A_1708 = arith.constant 4 : i32
      %add3A_1709 = arith.addi %add3A_1679, %add3A_1708 : i32
      %lt3A_1710 = arith.constant 128 : i32
      %lt3A_1711 = arith.cmpi slt, %add3A_1709, %lt3A_1710 : i32
      %convert_element_type3A_1712 = arith.extui %lt3A_1711 : i1 to i32
      %cond3A_1713 = arith.constant 0 : i32
      %cond3A_1714 = arith.cmpi ne, %convert_element_type3A_1712, %cond3A_1713 : i32
      scf.if %cond3A_1714 {
        %add3A_1955 = arith.constant 4 : i32
        %add3A_1956 = arith.addi %add3A_1679, %add3A_1955 : i32
        %dma_start3A_1957 = arith.constant 0 : i32
        %dma_start3A_1958 = arith.constant 5 : i32
        %dma_start3A_1959 = arith.constant 0 : i32
        %dma_start3A_1960 = arith.constant 0 : i32
        %dma_start3A_1961 = tpu.memref_slice %arg6[%dma_start3A_1958, %dma_start3A_1959, %dma_start3A_1960] : memref<8x2x80xi32, #tpu.memory_space<vmem>> -> memref<1x1x80xi32, #tpu.memory_space<vmem>>
        %dma_start3A_1962 = tpu.memref_squeeze %dma_start3A_1961 : memref<1x1x80xi32, #tpu.memory_space<vmem>> -> memref<80xi32, #tpu.memory_space<vmem>>
        %dma_start3A_1963 = arith.constant 0 : i32
        %dma_start3A_1964 = tpu.memref_slice %arg3[%dma_start3A_1957, %add3A, %add3A_1956, %dma_start3A_1963] : memref<2x32x128x80xi32, #tpu.memory_space<hbm>> -> memref<1x1x1x80xi32, #tpu.memory_space<hbm>>
        %dma_start3A_1965 = tpu.memref_squeeze %dma_start3A_1964 : memref<1x1x1x80xi32, #tpu.memory_space<hbm>> -> memref<80xi32, #tpu.memory_space<hbm>>
        %dma_start3A_1966 = arith.constant 0 : i32
        %dma_start3A_1967 = tpu.memref_slice %arg6[%dma_start3A_1958, %dma_start3A_1959, %dma_start3A_1966] : memref<8x2x80xi32, #tpu.memory_space<vmem>> -> memref<1x1x80xi32, #tpu.memory_space<vmem>>
        %dma_start3A_1968 = tpu.memref_squeeze %dma_start3A_1967 : memref<1x1x80xi32, #tpu.memory_space<vmem>> -> memref<80xi32, #tpu.memory_space<vmem>>
        %dma_start3A_1969 = arith.constant 0 : i32
        %dma_start3A_1970 = tpu.memref_slice %arg3[%dma_start3A_1957, %add3A, %add3A_1956, %dma_start3A_1969] : memref<2x32x128x80xi32, #tpu.memory_space<hbm>> -> memref<1x1x1x80xi32, #tpu.memory_space<hbm>>
        %dma_start3A_1971 = tpu.memref_squeeze %dma_start3A_1970 : memref<1x1x1x80xi32, #tpu.memory_space<hbm>> -> memref<80xi32, #tpu.memory_space<hbm>>
        tpu.enqueue_dma source(%dma_start3A_1971 : memref<80xi32, #tpu.memory_space<hbm>>) target(%dma_start3A_1968 : memref<80xi32, #tpu.memory_space<vmem>>) target_semaphore(%arg25 : memref<!tpu.dma_semaphore, #tpu.memory_space<semaphore_mem>>)
        %dma_start3A_1972 = arith.constant 1 : i32
        %dma_start3A_1973 = arith.constant 5 : i32
        %dma_start3A_1974 = arith.constant 1 : i32
        %dma_start3A_1975 = arith.constant 0 : i32
        %dma_start3A_1976 = tpu.memref_slice %arg6[%dma_start3A_1973, %dma_start3A_1974, %dma_start3A_1975] : memref<8x2x80xi32, #tpu.memory_space<vmem>> -> memref<1x1x80xi32, #tpu.memory_space<vmem>>
        %dma_start3A_1977 = tpu.memref_squeeze %dma_start3A_1976 : memref<1x1x80xi32, #tpu.memory_space<vmem>> -> memref<80xi32, #tpu.memory_space<vmem>>
        %dma_start3A_1978 = arith.constant 0 : i32
        %dma_start3A_1979 = tpu.memref_slice %arg3[%dma_start3A_1972, %add3A, %add3A_1956, %dma_start3A_1978] : memref<2x32x128x80xi32, #tpu.memory_space<hbm>> -> memref<1x1x1x80xi32, #tpu.memory_space<hbm>>
        %dma_start3A_1980 = tpu.memref_squeeze %dma_start3A_1979 : memref<1x1x1x80xi32, #tpu.memory_space<hbm>> -> memref<80xi32, #tpu.memory_space<hbm>>
        %dma_start3A_1981 = arith.constant 0 : i32
        %dma_start3A_1982 = tpu.memref_slice %arg6[%dma_start3A_1973, %dma_start3A_1974, %dma_start3A_1981] : memref<8x2x80xi32, #tpu.memory_space<vmem>> -> memref<1x1x80xi32, #tpu.memory_space<vmem>>
        %dma_start3A_1983 = tpu.memref_squeeze %dma_start3A_1982 : memref<1x1x80xi32, #tpu.memory_space<vmem>> -> memref<80xi32, #tpu.memory_space<vmem>>
        %dma_start3A_1984 = arith.constant 0 : i32
        %dma_start3A_1985 = tpu.memref_slice %arg3[%dma_start3A_1972, %add3A, %add3A_1956, %dma_start3A_1984] : memref<2x32x128x80xi32, #tpu.memory_space<hbm>> -> memref<1x1x1x80xi32, #tpu.memory_space<hbm>>
        %dma_start3A_1986 = tpu.memref_squeeze %dma_start3A_1985 : memref<1x1x1x80xi32, #tpu.memory_space<hbm>> -> memref<80xi32, #tpu.memory_space<hbm>>
        tpu.enqueue_dma source(%dma_start3A_1986 : memref<80xi32, #tpu.memory_space<hbm>>) target(%dma_start3A_1983 : memref<80xi32, #tpu.memory_space<vmem>>) target_semaphore(%arg25 : memref<!tpu.dma_semaphore, #tpu.memory_space<semaphore_mem>>)
      } else {
      }
      %add3A_1715 = arith.constant 2 : i32
      %add3A_1716 = arith.addi %add3A_1644, %add3A_1715 : i32
      %dma_wait3A_1717 = arith.constant 4 : i32
      %dma_wait3A_1718 = arith.constant 1 : i32
      %dma_wait3A_1719 = arith.constant 0 : i32
      %dma_wait3A_1720 = tpu.memref_slice %arg6[%dma_wait3A_1717, %dma_wait3A_1718, %dma_wait3A_1719] : memref<8x2x80xi32, #tpu.memory_space<vmem>> -> memref<1x1x80xi32, #tpu.memory_space<vmem>>
      %dma_wait3A_1721 = tpu.memref_squeeze %dma_wait3A_1720 : memref<1x1x80xi32, #tpu.memory_space<vmem>> -> memref<80xi32, #tpu.memory_space<vmem>>
      %dma_wait3A_1722 = arith.constant 0 : i32
      %dma_wait3A_1723 = arith.constant 0 : i32
      %dma_wait3A_1724 = tpu.memref_slice %arg5[%dma_wait3A_1722, %dma_wait3A_1723] : memref<10240x128xf32, #tpu.memory_space<vmem_shared>> -> memref<10240x128xf32, #tpu.memory_space<vmem_shared>>
      tpu.wait_indirect_dma semaphore(%arg16 : memref<!tpu.dma_semaphore, #tpu.memory_space<semaphore_mem>>) src(%arg7 : memref<80x128xf32, #tpu.memory_space<vmem>>) dst(%dma_wait3A_1724 : memref<10240x128xf32, #tpu.memory_space<vmem_shared>>)
      %add3A_1725 = arith.constant 2 : i32
      %add3A_1726 = arith.addi %add3A_1716, %add3A_1725 : i32
      %lt3A_1727 = arith.constant 128 : i32
      %lt3A_1728 = arith.cmpi slt, %add3A_1726, %lt3A_1727 : i32
      %convert_element_type3A_1729 = arith.extui %lt3A_1728 : i1 to i32
      %cond3A_1730 = arith.constant 0 : i32
      %cond3A_1731 = arith.cmpi ne, %convert_element_type3A_1729, %cond3A_1730 : i32
      scf.if %cond3A_1731 {
        %dma_wait3A_1955 = arith.constant 0 : i32
        %dma_wait3A_1956 = arith.constant 0 : i32
        %dma_wait3A_1957 = arith.constant 4 : i32
        %dma_wait3A_1958 = arith.constant 0 : i32
        %dma_wait3A_1959 = arith.constant 0 : i32
        %dma_wait3A_1960 = tpu.memref_slice %arg6[%dma_wait3A_1957, %dma_wait3A_1958, %dma_wait3A_1959] : memref<8x2x80xi32, #tpu.memory_space<vmem>> -> memref<1x1x80xi32, #tpu.memory_space<vmem>>
        %dma_wait3A_1961 = tpu.memref_squeeze %dma_wait3A_1960 : memref<1x1x80xi32, #tpu.memory_space<vmem>> -> memref<80xi32, #tpu.memory_space<vmem>>
        %dma_wait3A_1962 = arith.constant 0 : i32
        %dma_wait3A_1963 = tpu.memref_slice %arg3[%dma_wait3A_1955, %add3A, %dma_wait3A_1956, %dma_wait3A_1962] : memref<2x32x128x80xi32, #tpu.memory_space<hbm>> -> memref<1x1x1x80xi32, #tpu.memory_space<hbm>>
        %dma_wait3A_1964 = tpu.memref_squeeze %dma_wait3A_1963 : memref<1x1x1x80xi32, #tpu.memory_space<hbm>> -> memref<80xi32, #tpu.memory_space<hbm>>
        %dma_wait3A_1965 = arith.constant 0 : i32
        %dma_wait3A_1966 = tpu.memref_slice %arg6[%dma_wait3A_1957, %dma_wait3A_1958, %dma_wait3A_1965] : memref<8x2x80xi32, #tpu.memory_space<vmem>> -> memref<1x1x80xi32, #tpu.memory_space<vmem>>
        %dma_wait3A_1967 = tpu.memref_squeeze %dma_wait3A_1966 : memref<1x1x80xi32, #tpu.memory_space<vmem>> -> memref<80xi32, #tpu.memory_space<vmem>>
        %dma_wait3A_1968 = arith.constant 0 : i32
        %dma_wait3A_1969 = tpu.memref_slice %arg3[%dma_wait3A_1955, %add3A, %dma_wait3A_1956, %dma_wait3A_1968] : memref<2x32x128x80xi32, #tpu.memory_space<hbm>> -> memref<1x1x1x80xi32, #tpu.memory_space<hbm>>
        %dma_wait3A_1970 = tpu.memref_squeeze %dma_wait3A_1969 : memref<1x1x1x80xi32, #tpu.memory_space<hbm>> -> memref<80xi32, #tpu.memory_space<hbm>>
        tpu.wait_dma2 semaphore(%arg24 : memref<!tpu.dma_semaphore, #tpu.memory_space<semaphore_mem>>) src(%dma_wait3A_1970 : memref<80xi32, #tpu.memory_space<hbm>>) dst(%dma_wait3A_1967 : memref<80xi32, #tpu.memory_space<vmem>>)
        %dma_wait3A_1971 = arith.constant 1 : i32
        %dma_wait3A_1972 = arith.constant 0 : i32
        %dma_wait3A_1973 = arith.constant 4 : i32
        %dma_wait3A_1974 = arith.constant 1 : i32
        %dma_wait3A_1975 = arith.constant 0 : i32
        %dma_wait3A_1976 = tpu.memref_slice %arg6[%dma_wait3A_1973, %dma_wait3A_1974, %dma_wait3A_1975] : memref<8x2x80xi32, #tpu.memory_space<vmem>> -> memref<1x1x80xi32, #tpu.memory_space<vmem>>
        %dma_wait3A_1977 = tpu.memref_squeeze %dma_wait3A_1976 : memref<1x1x80xi32, #tpu.memory_space<vmem>> -> memref<80xi32, #tpu.memory_space<vmem>>
        %dma_wait3A_1978 = arith.constant 0 : i32
        %dma_wait3A_1979 = tpu.memref_slice %arg3[%dma_wait3A_1971, %add3A, %dma_wait3A_1972, %dma_wait3A_1978] : memref<2x32x128x80xi32, #tpu.memory_space<hbm>> -> memref<1x1x1x80xi32, #tpu.memory_space<hbm>>
        %dma_wait3A_1980 = tpu.memref_squeeze %dma_wait3A_1979 : memref<1x1x1x80xi32, #tpu.memory_space<hbm>> -> memref<80xi32, #tpu.memory_space<hbm>>
        %dma_wait3A_1981 = arith.constant 0 : i32
        %dma_wait3A_1982 = tpu.memref_slice %arg6[%dma_wait3A_1973, %dma_wait3A_1974, %dma_wait3A_1981] : memref<8x2x80xi32, #tpu.memory_space<vmem>> -> memref<1x1x80xi32, #tpu.memory_space<vmem>>
        %dma_wait3A_1983 = tpu.memref_squeeze %dma_wait3A_1982 : memref<1x1x80xi32, #tpu.memory_space<vmem>> -> memref<80xi32, #tpu.memory_space<vmem>>
        %dma_wait3A_1984 = arith.constant 0 : i32
        %dma_wait3A_1985 = tpu.memref_slice %arg3[%dma_wait3A_1971, %add3A, %dma_wait3A_1972, %dma_wait3A_1984] : memref<2x32x128x80xi32, #tpu.memory_space<hbm>> -> memref<1x1x1x80xi32, #tpu.memory_space<hbm>>
        %dma_wait3A_1986 = tpu.memref_squeeze %dma_wait3A_1985 : memref<1x1x1x80xi32, #tpu.memory_space<hbm>> -> memref<80xi32, #tpu.memory_space<hbm>>
        tpu.wait_dma2 semaphore(%arg24 : memref<!tpu.dma_semaphore, #tpu.memory_space<semaphore_mem>>) src(%dma_wait3A_1986 : memref<80xi32, #tpu.memory_space<hbm>>) dst(%dma_wait3A_1983 : memref<80xi32, #tpu.memory_space<vmem>>)
        %dma_start3A_1987 = arith.constant 4 : i32
        %dma_start3A_1988 = arith.constant 0 : i32
        %dma_start3A_1989 = arith.constant 0 : i32
        %dma_start3A_1990 = tpu.memref_slice %arg6[%dma_start3A_1987, %dma_start3A_1988, %dma_start3A_1989] : memref<8x2x80xi32, #tpu.memory_space<vmem>> -> memref<1x1x80xi32, #tpu.memory_space<vmem>>
        %dma_start3A_1991 = tpu.memref_squeeze %dma_start3A_1990 : memref<1x1x80xi32, #tpu.memory_space<vmem>> -> memref<80xi32, #tpu.memory_space<vmem>>
        %dma_start3A_1992 = arith.constant 0 : i32
        %dma_start3A_1993 = arith.constant 0 : i32
        %dma_start3A_1994 = tpu.memref_slice %arg2[%dma_start3A_1992, %dma_start3A_1993] : memref<10240x128xf32, #tpu.memory_space<hbm>> -> memref<10240x128xf32, #tpu.memory_space<hbm>>
        tpu.enqueue_indirect_dma source(%dma_start3A_1994 : memref<10240x128xf32, #tpu.memory_space<hbm>>) target(%arg7 : memref<80x128xf32, #tpu.memory_space<vmem>>) offsets(%dma_start3A_1991 : memref<80xi32, #tpu.memory_space<vmem>>) semaphore(%arg12 : memref<!tpu.dma_semaphore, #tpu.memory_space<semaphore_mem>>)
      } else {
      }
      %dma_wait3A_1732 = arith.constant 2 : i32
      %dma_wait3A_1733 = arith.constant 0 : i32
      %dma_wait3A_1734 = arith.constant 0 : i32
      %dma_wait3A_1735 = tpu.memref_slice %arg6[%dma_wait3A_1732, %dma_wait3A_1733, %dma_wait3A_1734] : memref<8x2x80xi32, #tpu.memory_space<vmem>> -> memref<1x1x80xi32, #tpu.memory_space<vmem>>
      %dma_wait3A_1736 = tpu.memref_squeeze %dma_wait3A_1735 : memref<1x1x80xi32, #tpu.memory_space<vmem>> -> memref<80xi32, #tpu.memory_space<vmem>>
      %dma_wait3A_1737 = arith.constant 0 : i32
      %dma_wait3A_1738 = arith.constant 0 : i32
      %dma_wait3A_1739 = tpu.memref_slice %arg2[%dma_wait3A_1737, %dma_wait3A_1738] : memref<10240x128xf32, #tpu.memory_space<hbm>> -> memref<10240x128xf32, #tpu.memory_space<hbm>>
      tpu.wait_indirect_dma semaphore(%arg14 : memref<!tpu.dma_semaphore, #tpu.memory_space<semaphore_mem>>) src(%dma_wait3A_1739 : memref<10240x128xf32, #tpu.memory_space<hbm>>) dst(%arg9 : memref<80x128xf32, #tpu.memory_space<vmem>>)
      %dma_start3A_1740 = arith.constant 2 : i32
      %dma_start3A_1741 = arith.constant 1 : i32
      %dma_start3A_1742 = arith.constant 0 : i32
      %dma_start3A_1743 = tpu.memref_slice %arg6[%dma_start3A_1740, %dma_start3A_1741, %dma_start3A_1742] : memref<8x2x80xi32, #tpu.memory_space<vmem>> -> memref<1x1x80xi32, #tpu.memory_space<vmem>>
      %dma_start3A_1744 = tpu.memref_squeeze %dma_start3A_1743 : memref<1x1x80xi32, #tpu.memory_space<vmem>> -> memref<80xi32, #tpu.memory_space<vmem>>
      %dma_start3A_1745 = arith.constant 0 : i32
      %dma_start3A_1746 = arith.constant 0 : i32
      %dma_start3A_1747 = tpu.memref_slice %arg5[%dma_start3A_1745, %dma_start3A_1746] : memref<10240x128xf32, #tpu.memory_space<vmem_shared>> -> memref<10240x128xf32, #tpu.memory_space<vmem_shared>>
      tpu.enqueue_indirect_dma source(%arg9 : memref<80x128xf32, #tpu.memory_space<vmem>>) target(%dma_start3A_1747 : memref<10240x128xf32, #tpu.memory_space<vmem_shared>>) offsets(%dma_start3A_1744 : memref<80xi32, #tpu.memory_space<vmem>>) semaphore(%arg18 : memref<!tpu.dma_semaphore, #tpu.memory_space<semaphore_mem>>) {add = true}
      %add3A_1748 = arith.constant 4 : i32
      %add3A_1749 = arith.addi %add3A_1716, %add3A_1748 : i32
      %lt3A_1750 = arith.constant 128 : i32
      %lt3A_1751 = arith.cmpi slt, %add3A_1749, %lt3A_1750 : i32
      %convert_element_type3A_1752 = arith.extui %lt3A_1751 : i1 to i32
      %cond3A_1753 = arith.constant 0 : i32
      %cond3A_1754 = arith.cmpi ne, %convert_element_type3A_1752, %cond3A_1753 : i32
      scf.if %cond3A_1754 {
        %add3A_1955 = arith.constant 4 : i32
        %add3A_1956 = arith.addi %add3A_1716, %add3A_1955 : i32
        %dma_start3A_1957 = arith.constant 0 : i32
        %dma_start3A_1958 = arith.constant 6 : i32
        %dma_start3A_1959 = arith.constant 0 : i32
        %dma_start3A_1960 = arith.constant 0 : i32
        %dma_start3A_1961 = tpu.memref_slice %arg6[%dma_start3A_1958, %dma_start3A_1959, %dma_start3A_1960] : memref<8x2x80xi32, #tpu.memory_space<vmem>> -> memref<1x1x80xi32, #tpu.memory_space<vmem>>
        %dma_start3A_1962 = tpu.memref_squeeze %dma_start3A_1961 : memref<1x1x80xi32, #tpu.memory_space<vmem>> -> memref<80xi32, #tpu.memory_space<vmem>>
        %dma_start3A_1963 = arith.constant 0 : i32
        %dma_start3A_1964 = tpu.memref_slice %arg3[%dma_start3A_1957, %add3A, %add3A_1956, %dma_start3A_1963] : memref<2x32x128x80xi32, #tpu.memory_space<hbm>> -> memref<1x1x1x80xi32, #tpu.memory_space<hbm>>
        %dma_start3A_1965 = tpu.memref_squeeze %dma_start3A_1964 : memref<1x1x1x80xi32, #tpu.memory_space<hbm>> -> memref<80xi32, #tpu.memory_space<hbm>>
        %dma_start3A_1966 = arith.constant 0 : i32
        %dma_start3A_1967 = tpu.memref_slice %arg6[%dma_start3A_1958, %dma_start3A_1959, %dma_start3A_1966] : memref<8x2x80xi32, #tpu.memory_space<vmem>> -> memref<1x1x80xi32, #tpu.memory_space<vmem>>
        %dma_start3A_1968 = tpu.memref_squeeze %dma_start3A_1967 : memref<1x1x80xi32, #tpu.memory_space<vmem>> -> memref<80xi32, #tpu.memory_space<vmem>>
        %dma_start3A_1969 = arith.constant 0 : i32
        %dma_start3A_1970 = tpu.memref_slice %arg3[%dma_start3A_1957, %add3A, %add3A_1956, %dma_start3A_1969] : memref<2x32x128x80xi32, #tpu.memory_space<hbm>> -> memref<1x1x1x80xi32, #tpu.memory_space<hbm>>
        %dma_start3A_1971 = tpu.memref_squeeze %dma_start3A_1970 : memref<1x1x1x80xi32, #tpu.memory_space<hbm>> -> memref<80xi32, #tpu.memory_space<hbm>>
        tpu.enqueue_dma source(%dma_start3A_1971 : memref<80xi32, #tpu.memory_space<hbm>>) target(%dma_start3A_1968 : memref<80xi32, #tpu.memory_space<vmem>>) target_semaphore(%arg26 : memref<!tpu.dma_semaphore, #tpu.memory_space<semaphore_mem>>)
        %dma_start3A_1972 = arith.constant 1 : i32
        %dma_start3A_1973 = arith.constant 6 : i32
        %dma_start3A_1974 = arith.constant 1 : i32
        %dma_start3A_1975 = arith.constant 0 : i32
        %dma_start3A_1976 = tpu.memref_slice %arg6[%dma_start3A_1973, %dma_start3A_1974, %dma_start3A_1975] : memref<8x2x80xi32, #tpu.memory_space<vmem>> -> memref<1x1x80xi32, #tpu.memory_space<vmem>>
        %dma_start3A_1977 = tpu.memref_squeeze %dma_start3A_1976 : memref<1x1x80xi32, #tpu.memory_space<vmem>> -> memref<80xi32, #tpu.memory_space<vmem>>
        %dma_start3A_1978 = arith.constant 0 : i32
        %dma_start3A_1979 = tpu.memref_slice %arg3[%dma_start3A_1972, %add3A, %add3A_1956, %dma_start3A_1978] : memref<2x32x128x80xi32, #tpu.memory_space<hbm>> -> memref<1x1x1x80xi32, #tpu.memory_space<hbm>>
        %dma_start3A_1980 = tpu.memref_squeeze %dma_start3A_1979 : memref<1x1x1x80xi32, #tpu.memory_space<hbm>> -> memref<80xi32, #tpu.memory_space<hbm>>
        %dma_start3A_1981 = arith.constant 0 : i32
        %dma_start3A_1982 = tpu.memref_slice %arg6[%dma_start3A_1973, %dma_start3A_1974, %dma_start3A_1981] : memref<8x2x80xi32, #tpu.memory_space<vmem>> -> memref<1x1x80xi32, #tpu.memory_space<vmem>>
        %dma_start3A_1983 = tpu.memref_squeeze %dma_start3A_1982 : memref<1x1x80xi32, #tpu.memory_space<vmem>> -> memref<80xi32, #tpu.memory_space<vmem>>
        %dma_start3A_1984 = arith.constant 0 : i32
        %dma_start3A_1985 = tpu.memref_slice %arg3[%dma_start3A_1972, %add3A, %add3A_1956, %dma_start3A_1984] : memref<2x32x128x80xi32, #tpu.memory_space<hbm>> -> memref<1x1x1x80xi32, #tpu.memory_space<hbm>>
        %dma_start3A_1986 = tpu.memref_squeeze %dma_start3A_1985 : memref<1x1x1x80xi32, #tpu.memory_space<hbm>> -> memref<80xi32, #tpu.memory_space<hbm>>
        tpu.enqueue_dma source(%dma_start3A_1986 : memref<80xi32, #tpu.memory_space<hbm>>) target(%dma_start3A_1983 : memref<80xi32, #tpu.memory_space<vmem>>) target_semaphore(%arg26 : memref<!tpu.dma_semaphore, #tpu.memory_space<semaphore_mem>>)
      } else {
      }
      %add3A_1755 = arith.constant 3 : i32
      %add3A_1756 = arith.addi %add3A_1644, %add3A_1755 : i32
      %dma_wait3A_1757 = arith.constant 5 : i32
      %dma_wait3A_1758 = arith.constant 1 : i32
      %dma_wait3A_1759 = arith.constant 0 : i32
      %dma_wait3A_1760 = tpu.memref_slice %arg6[%dma_wait3A_1757, %dma_wait3A_1758, %dma_wait3A_1759] : memref<8x2x80xi32, #tpu.memory_space<vmem>> -> memref<1x1x80xi32, #tpu.memory_space<vmem>>
      %dma_wait3A_1761 = tpu.memref_squeeze %dma_wait3A_1760 : memref<1x1x80xi32, #tpu.memory_space<vmem>> -> memref<80xi32, #tpu.memory_space<vmem>>
      %dma_wait3A_1762 = arith.constant 0 : i32
      %dma_wait3A_1763 = arith.constant 0 : i32
      %dma_wait3A_1764 = tpu.memref_slice %arg5[%dma_wait3A_1762, %dma_wait3A_1763] : memref<10240x128xf32, #tpu.memory_space<vmem_shared>> -> memref<10240x128xf32, #tpu.memory_space<vmem_shared>>
      tpu.wait_indirect_dma semaphore(%arg17 : memref<!tpu.dma_semaphore, #tpu.memory_space<semaphore_mem>>) src(%arg8 : memref<80x128xf32, #tpu.memory_space<vmem>>) dst(%dma_wait3A_1764 : memref<10240x128xf32, #tpu.memory_space<vmem_shared>>)
      %add3A_1765 = arith.constant 2 : i32
      %add3A_1766 = arith.addi %add3A_1756, %add3A_1765 : i32
      %lt3A_1767 = arith.constant 128 : i32
      %lt3A_1768 = arith.cmpi slt, %add3A_1766, %lt3A_1767 : i32
      %convert_element_type3A_1769 = arith.extui %lt3A_1768 : i1 to i32
      %cond3A_1770 = arith.constant 0 : i32
      %cond3A_1771 = arith.cmpi ne, %convert_element_type3A_1769, %cond3A_1770 : i32
      scf.if %cond3A_1771 {
        %dma_wait3A_1955 = arith.constant 0 : i32
        %dma_wait3A_1956 = arith.constant 0 : i32
        %dma_wait3A_1957 = arith.constant 5 : i32
        %dma_wait3A_1958 = arith.constant 0 : i32
        %dma_wait3A_1959 = arith.constant 0 : i32
        %dma_wait3A_1960 = tpu.memref_slice %arg6[%dma_wait3A_1957, %dma_wait3A_1958, %dma_wait3A_1959] : memref<8x2x80xi32, #tpu.memory_space<vmem>> -> memref<1x1x80xi32, #tpu.memory_space<vmem>>
        %dma_wait3A_1961 = tpu.memref_squeeze %dma_wait3A_1960 : memref<1x1x80xi32, #tpu.memory_space<vmem>> -> memref<80xi32, #tpu.memory_space<vmem>>
        %dma_wait3A_1962 = arith.constant 0 : i32
        %dma_wait3A_1963 = tpu.memref_slice %arg3[%dma_wait3A_1955, %add3A, %dma_wait3A_1956, %dma_wait3A_1962] : memref<2x32x128x80xi32, #tpu.memory_space<hbm>> -> memref<1x1x1x80xi32, #tpu.memory_space<hbm>>
        %dma_wait3A_1964 = tpu.memref_squeeze %dma_wait3A_1963 : memref<1x1x1x80xi32, #tpu.memory_space<hbm>> -> memref<80xi32, #tpu.memory_space<hbm>>
        %dma_wait3A_1965 = arith.constant 0 : i32
        %dma_wait3A_1966 = tpu.memref_slice %arg6[%dma_wait3A_1957, %dma_wait3A_1958, %dma_wait3A_1965] : memref<8x2x80xi32, #tpu.memory_space<vmem>> -> memref<1x1x80xi32, #tpu.memory_space<vmem>>
        %dma_wait3A_1967 = tpu.memref_squeeze %dma_wait3A_1966 : memref<1x1x80xi32, #tpu.memory_space<vmem>> -> memref<80xi32, #tpu.memory_space<vmem>>
        %dma_wait3A_1968 = arith.constant 0 : i32
        %dma_wait3A_1969 = tpu.memref_slice %arg3[%dma_wait3A_1955, %add3A, %dma_wait3A_1956, %dma_wait3A_1968] : memref<2x32x128x80xi32, #tpu.memory_space<hbm>> -> memref<1x1x1x80xi32, #tpu.memory_space<hbm>>
        %dma_wait3A_1970 = tpu.memref_squeeze %dma_wait3A_1969 : memref<1x1x1x80xi32, #tpu.memory_space<hbm>> -> memref<80xi32, #tpu.memory_space<hbm>>
        tpu.wait_dma2 semaphore(%arg25 : memref<!tpu.dma_semaphore, #tpu.memory_space<semaphore_mem>>) src(%dma_wait3A_1970 : memref<80xi32, #tpu.memory_space<hbm>>) dst(%dma_wait3A_1967 : memref<80xi32, #tpu.memory_space<vmem>>)
        %dma_wait3A_1971 = arith.constant 1 : i32
        %dma_wait3A_1972 = arith.constant 0 : i32
        %dma_wait3A_1973 = arith.constant 5 : i32
        %dma_wait3A_1974 = arith.constant 1 : i32
        %dma_wait3A_1975 = arith.constant 0 : i32
        %dma_wait3A_1976 = tpu.memref_slice %arg6[%dma_wait3A_1973, %dma_wait3A_1974, %dma_wait3A_1975] : memref<8x2x80xi32, #tpu.memory_space<vmem>> -> memref<1x1x80xi32, #tpu.memory_space<vmem>>
        %dma_wait3A_1977 = tpu.memref_squeeze %dma_wait3A_1976 : memref<1x1x80xi32, #tpu.memory_space<vmem>> -> memref<80xi32, #tpu.memory_space<vmem>>
        %dma_wait3A_1978 = arith.constant 0 : i32
        %dma_wait3A_1979 = tpu.memref_slice %arg3[%dma_wait3A_1971, %add3A, %dma_wait3A_1972, %dma_wait3A_1978] : memref<2x32x128x80xi32, #tpu.memory_space<hbm>> -> memref<1x1x1x80xi32, #tpu.memory_space<hbm>>
        %dma_wait3A_1980 = tpu.memref_squeeze %dma_wait3A_1979 : memref<1x1x1x80xi32, #tpu.memory_space<hbm>> -> memref<80xi32, #tpu.memory_space<hbm>>
        %dma_wait3A_1981 = arith.constant 0 : i32
        %dma_wait3A_1982 = tpu.memref_slice %arg6[%dma_wait3A_1973, %dma_wait3A_1974, %dma_wait3A_1981] : memref<8x2x80xi32, #tpu.memory_space<vmem>> -> memref<1x1x80xi32, #tpu.memory_space<vmem>>
        %dma_wait3A_1983 = tpu.memref_squeeze %dma_wait3A_1982 : memref<1x1x80xi32, #tpu.memory_space<vmem>> -> memref<80xi32, #tpu.memory_space<vmem>>
        %dma_wait3A_1984 = arith.constant 0 : i32
        %dma_wait3A_1985 = tpu.memref_slice %arg3[%dma_wait3A_1971, %add3A, %dma_wait3A_1972, %dma_wait3A_1984] : memref<2x32x128x80xi32, #tpu.memory_space<hbm>> -> memref<1x1x1x80xi32, #tpu.memory_space<hbm>>
        %dma_wait3A_1986 = tpu.memref_squeeze %dma_wait3A_1985 : memref<1x1x1x80xi32, #tpu.memory_space<hbm>> -> memref<80xi32, #tpu.memory_space<hbm>>
        tpu.wait_dma2 semaphore(%arg25 : memref<!tpu.dma_semaphore, #tpu.memory_space<semaphore_mem>>) src(%dma_wait3A_1986 : memref<80xi32, #tpu.memory_space<hbm>>) dst(%dma_wait3A_1983 : memref<80xi32, #tpu.memory_space<vmem>>)
        %dma_start3A_1987 = arith.constant 5 : i32
        %dma_start3A_1988 = arith.constant 0 : i32
        %dma_start3A_1989 = arith.constant 0 : i32
        %dma_start3A_1990 = tpu.memref_slice %arg6[%dma_start3A_1987, %dma_start3A_1988, %dma_start3A_1989] : memref<8x2x80xi32, #tpu.memory_space<vmem>> -> memref<1x1x80xi32, #tpu.memory_space<vmem>>
        %dma_start3A_1991 = tpu.memref_squeeze %dma_start3A_1990 : memref<1x1x80xi32, #tpu.memory_space<vmem>> -> memref<80xi32, #tpu.memory_space<vmem>>
        %dma_start3A_1992 = arith.constant 0 : i32
        %dma_start3A_1993 = arith.constant 0 : i32
        %dma_start3A_1994 = tpu.memref_slice %arg2[%dma_start3A_1992, %dma_start3A_1993] : memref<10240x128xf32, #tpu.memory_space<hbm>> -> memref<10240x128xf32, #tpu.memory_space<hbm>>
        tpu.enqueue_indirect_dma source(%dma_start3A_1994 : memref<10240x128xf32, #tpu.memory_space<hbm>>) target(%arg8 : memref<80x128xf32, #tpu.memory_space<vmem>>) offsets(%dma_start3A_1991 : memref<80xi32, #tpu.memory_space<vmem>>) semaphore(%arg13 : memref<!tpu.dma_semaphore, #tpu.memory_space<semaphore_mem>>)
      } else {
      }
      %dma_wait3A_1772 = arith.constant 3 : i32
      %dma_wait3A_1773 = arith.constant 0 : i32
      %dma_wait3A_1774 = arith.constant 0 : i32
      %dma_wait3A_1775 = tpu.memref_slice %arg6[%dma_wait3A_1772, %dma_wait3A_1773, %dma_wait3A_1774] : memref<8x2x80xi32, #tpu.memory_space<vmem>> -> memref<1x1x80xi32, #tpu.memory_space<vmem>>
      %dma_wait3A_1776 = tpu.memref_squeeze %dma_wait3A_1775 : memref<1x1x80xi32, #tpu.memory_space<vmem>> -> memref<80xi32, #tpu.memory_space<vmem>>
      %dma_wait3A_1777 = arith.constant 0 : i32
      %dma_wait3A_1778 = arith.constant 0 : i32
      %dma_wait3A_1779 = tpu.memref_slice %arg2[%dma_wait3A_1777, %dma_wait3A_1778] : memref<10240x128xf32, #tpu.memory_space<hbm>> -> memref<10240x128xf32, #tpu.memory_space<hbm>>
      tpu.wait_indirect_dma semaphore(%arg15 : memref<!tpu.dma_semaphore, #tpu.memory_space<semaphore_mem>>) src(%dma_wait3A_1779 : memref<10240x128xf32, #tpu.memory_space<hbm>>) dst(%arg10 : memref<80x128xf32, #tpu.memory_space<vmem>>)
      %dma_start3A_1780 = arith.constant 3 : i32
      %dma_start3A_1781 = arith.constant 1 : i32
      %dma_start3A_1782 = arith.constant 0 : i32
      %dma_start3A_1783 = tpu.memref_slice %arg6[%dma_start3A_1780, %dma_start3A_1781, %dma_start3A_1782] : memref<8x2x80xi32, #tpu.memory_space<vmem>> -> memref<1x1x80xi32, #tpu.memory_space<vmem>>
      %dma_start3A_1784 = tpu.memref_squeeze %dma_start3A_1783 : memref<1x1x80xi32, #tpu.memory_space<vmem>> -> memref<80xi32, #tpu.memory_space<vmem>>
      %dma_start3A_1785 = arith.constant 0 : i32
      %dma_start3A_1786 = arith.constant 0 : i32
      %dma_start3A_1787 = tpu.memref_slice %arg5[%dma_start3A_1785, %dma_start3A_1786] : memref<10240x128xf32, #tpu.memory_space<vmem_shared>> -> memref<10240x128xf32, #tpu.memory_space<vmem_shared>>
      tpu.enqueue_indirect_dma source(%arg10 : memref<80x128xf32, #tpu.memory_space<vmem>>) target(%dma_start3A_1787 : memref<10240x128xf32, #tpu.memory_space<vmem_shared>>) offsets(%dma_start3A_1784 : memref<80xi32, #tpu.memory_space<vmem>>) semaphore(%arg19 : memref<!tpu.dma_semaphore, #tpu.memory_space<semaphore_mem>>) {add = true}
      %add3A_1788 = arith.constant 4 : i32
      %add3A_1789 = arith.addi %add3A_1756, %add3A_1788 : i32
      %lt3A_1790 = arith.constant 128 : i32
      %lt3A_1791 = arith.cmpi slt, %add3A_1789, %lt3A_1790 : i32
      %convert_element_type3A_1792 = arith.extui %lt3A_1791 : i1 to i32
      %cond3A_1793 = arith.constant 0 : i32
      %cond3A_1794 = arith.cmpi ne, %convert_element_type3A_1792, %cond3A_1793 : i32
      scf.if %cond3A_1794 {
        %add3A_1955 = arith.constant 4 : i32
        %add3A_1956 = arith.addi %add3A_1756, %add3A_1955 : i32
        %dma_start3A_1957 = arith.constant 0 : i32
        %dma_start3A_1958 = arith.constant 7 : i32
        %dma_start3A_1959 = arith.constant 0 : i32
        %dma_start3A_1960 = arith.constant 0 : i32
        %dma_start3A_1961 = tpu.memref_slice %arg6[%dma_start3A_1958, %dma_start3A_1959, %dma_start3A_1960] : memref<8x2x80xi32, #tpu.memory_space<vmem>> -> memref<1x1x80xi32, #tpu.memory_space<vmem>>
        %dma_start3A_1962 = tpu.memref_squeeze %dma_start3A_1961 : memref<1x1x80xi32, #tpu.memory_space<vmem>> -> memref<80xi32, #tpu.memory_space<vmem>>
        %dma_start3A_1963 = arith.constant 0 : i32
        %dma_start3A_1964 = tpu.memref_slice %arg3[%dma_start3A_1957, %add3A, %add3A_1956, %dma_start3A_1963] : memref<2x32x128x80xi32, #tpu.memory_space<hbm>> -> memref<1x1x1x80xi32, #tpu.memory_space<hbm>>
        %dma_start3A_1965 = tpu.memref_squeeze %dma_start3A_1964 : memref<1x1x1x80xi32, #tpu.memory_space<hbm>> -> memref<80xi32, #tpu.memory_space<hbm>>
        %dma_start3A_1966 = arith.constant 0 : i32
        %dma_start3A_1967 = tpu.memref_slice %arg6[%dma_start3A_1958, %dma_start3A_1959, %dma_start3A_1966] : memref<8x2x80xi32, #tpu.memory_space<vmem>> -> memref<1x1x80xi32, #tpu.memory_space<vmem>>
        %dma_start3A_1968 = tpu.memref_squeeze %dma_start3A_1967 : memref<1x1x80xi32, #tpu.memory_space<vmem>> -> memref<80xi32, #tpu.memory_space<vmem>>
        %dma_start3A_1969 = arith.constant 0 : i32
        %dma_start3A_1970 = tpu.memref_slice %arg3[%dma_start3A_1957, %add3A, %add3A_1956, %dma_start3A_1969] : memref<2x32x128x80xi32, #tpu.memory_space<hbm>> -> memref<1x1x1x80xi32, #tpu.memory_space<hbm>>
        %dma_start3A_1971 = tpu.memref_squeeze %dma_start3A_1970 : memref<1x1x1x80xi32, #tpu.memory_space<hbm>> -> memref<80xi32, #tpu.memory_space<hbm>>
        tpu.enqueue_dma source(%dma_start3A_1971 : memref<80xi32, #tpu.memory_space<hbm>>) target(%dma_start3A_1968 : memref<80xi32, #tpu.memory_space<vmem>>) target_semaphore(%arg27 : memref<!tpu.dma_semaphore, #tpu.memory_space<semaphore_mem>>)
        %dma_start3A_1972 = arith.constant 1 : i32
        %dma_start3A_1973 = arith.constant 7 : i32
        %dma_start3A_1974 = arith.constant 1 : i32
        %dma_start3A_1975 = arith.constant 0 : i32
        %dma_start3A_1976 = tpu.memref_slice %arg6[%dma_start3A_1973, %dma_start3A_1974, %dma_start3A_1975] : memref<8x2x80xi32, #tpu.memory_space<vmem>> -> memref<1x1x80xi32, #tpu.memory_space<vmem>>
        %dma_start3A_1977 = tpu.memref_squeeze %dma_start3A_1976 : memref<1x1x80xi32, #tpu.memory_space<vmem>> -> memref<80xi32, #tpu.memory_space<vmem>>
        %dma_start3A_1978 = arith.constant 0 : i32
        %dma_start3A_1979 = tpu.memref_slice %arg3[%dma_start3A_1972, %add3A, %add3A_1956, %dma_start3A_1978] : memref<2x32x128x80xi32, #tpu.memory_space<hbm>> -> memref<1x1x1x80xi32, #tpu.memory_space<hbm>>
        %dma_start3A_1980 = tpu.memref_squeeze %dma_start3A_1979 : memref<1x1x1x80xi32, #tpu.memory_space<hbm>> -> memref<80xi32, #tpu.memory_space<hbm>>
        %dma_start3A_1981 = arith.constant 0 : i32
        %dma_start3A_1982 = tpu.memref_slice %arg6[%dma_start3A_1973, %dma_start3A_1974, %dma_start3A_1981] : memref<8x2x80xi32, #tpu.memory_space<vmem>> -> memref<1x1x80xi32, #tpu.memory_space<vmem>>
        %dma_start3A_1983 = tpu.memref_squeeze %dma_start3A_1982 : memref<1x1x80xi32, #tpu.memory_space<vmem>> -> memref<80xi32, #tpu.memory_space<vmem>>
        %dma_start3A_1984 = arith.constant 0 : i32
        %dma_start3A_1985 = tpu.memref_slice %arg3[%dma_start3A_1972, %add3A, %add3A_1956, %dma_start3A_1984] : memref<2x32x128x80xi32, #tpu.memory_space<hbm>> -> memref<1x1x1x80xi32, #tpu.memory_space<hbm>>
        %dma_start3A_1986 = tpu.memref_squeeze %dma_start3A_1985 : memref<1x1x1x80xi32, #tpu.memory_space<hbm>> -> memref<80xi32, #tpu.memory_space<hbm>>
        tpu.enqueue_dma source(%dma_start3A_1986 : memref<80xi32, #tpu.memory_space<hbm>>) target(%dma_start3A_1983 : memref<80xi32, #tpu.memory_space<vmem>>) target_semaphore(%arg27 : memref<!tpu.dma_semaphore, #tpu.memory_space<semaphore_mem>>)
      } else {
      }
      %add3A_1795 = arith.constant 4 : i32
      %add3A_1796 = arith.addi %add3A_1644, %add3A_1795 : i32
      %dma_wait3A_1797 = arith.constant 6 : i32
      %dma_wait3A_1798 = arith.constant 1 : i32
      %dma_wait3A_1799 = arith.constant 0 : i32
      %dma_wait3A_1800 = tpu.memref_slice %arg6[%dma_wait3A_1797, %dma_wait3A_1798, %dma_wait3A_1799] : memref<8x2x80xi32, #tpu.memory_space<vmem>> -> memref<1x1x80xi32, #tpu.memory_space<vmem>>
      %dma_wait3A_1801 = tpu.memref_squeeze %dma_wait3A_1800 : memref<1x1x80xi32, #tpu.memory_space<vmem>> -> memref<80xi32, #tpu.memory_space<vmem>>
      %dma_wait3A_1802 = arith.constant 0 : i32
      %dma_wait3A_1803 = arith.constant 0 : i32
      %dma_wait3A_1804 = tpu.memref_slice %arg5[%dma_wait3A_1802, %dma_wait3A_1803] : memref<10240x128xf32, #tpu.memory_space<vmem_shared>> -> memref<10240x128xf32, #tpu.memory_space<vmem_shared>>
      tpu.wait_indirect_dma semaphore(%arg18 : memref<!tpu.dma_semaphore, #tpu.memory_space<semaphore_mem>>) src(%arg9 : memref<80x128xf32, #tpu.memory_space<vmem>>) dst(%dma_wait3A_1804 : memref<10240x128xf32, #tpu.memory_space<vmem_shared>>)
      %add3A_1805 = arith.constant 2 : i32
      %add3A_1806 = arith.addi %add3A_1796, %add3A_1805 : i32
      %lt3A_1807 = arith.constant 128 : i32
      %lt3A_1808 = arith.cmpi slt, %add3A_1806, %lt3A_1807 : i32
      %convert_element_type3A_1809 = arith.extui %lt3A_1808 : i1 to i32
      %cond3A_1810 = arith.constant 0 : i32
      %cond3A_1811 = arith.cmpi ne, %convert_element_type3A_1809, %cond3A_1810 : i32
      scf.if %cond3A_1811 {
        %dma_wait3A_1955 = arith.constant 0 : i32
        %dma_wait3A_1956 = arith.constant 0 : i32
        %dma_wait3A_1957 = arith.constant 6 : i32
        %dma_wait3A_1958 = arith.constant 0 : i32
        %dma_wait3A_1959 = arith.constant 0 : i32
        %dma_wait3A_1960 = tpu.memref_slice %arg6[%dma_wait3A_1957, %dma_wait3A_1958, %dma_wait3A_1959] : memref<8x2x80xi32, #tpu.memory_space<vmem>> -> memref<1x1x80xi32, #tpu.memory_space<vmem>>
        %dma_wait3A_1961 = tpu.memref_squeeze %dma_wait3A_1960 : memref<1x1x80xi32, #tpu.memory_space<vmem>> -> memref<80xi32, #tpu.memory_space<vmem>>
        %dma_wait3A_1962 = arith.constant 0 : i32
        %dma_wait3A_1963 = tpu.memref_slice %arg3[%dma_wait3A_1955, %add3A, %dma_wait3A_1956, %dma_wait3A_1962] : memref<2x32x128x80xi32, #tpu.memory_space<hbm>> -> memref<1x1x1x80xi32, #tpu.memory_space<hbm>>
        %dma_wait3A_1964 = tpu.memref_squeeze %dma_wait3A_1963 : memref<1x1x1x80xi32, #tpu.memory_space<hbm>> -> memref<80xi32, #tpu.memory_space<hbm>>
        %dma_wait3A_1965 = arith.constant 0 : i32
        %dma_wait3A_1966 = tpu.memref_slice %arg6[%dma_wait3A_1957, %dma_wait3A_1958, %dma_wait3A_1965] : memref<8x2x80xi32, #tpu.memory_space<vmem>> -> memref<1x1x80xi32, #tpu.memory_space<vmem>>
        %dma_wait3A_1967 = tpu.memref_squeeze %dma_wait3A_1966 : memref<1x1x80xi32, #tpu.memory_space<vmem>> -> memref<80xi32, #tpu.memory_space<vmem>>
        %dma_wait3A_1968 = arith.constant 0 : i32
        %dma_wait3A_1969 = tpu.memref_slice %arg3[%dma_wait3A_1955, %add3A, %dma_wait3A_1956, %dma_wait3A_1968] : memref<2x32x128x80xi32, #tpu.memory_space<hbm>> -> memref<1x1x1x80xi32, #tpu.memory_space<hbm>>
        %dma_wait3A_1970 = tpu.memref_squeeze %dma_wait3A_1969 : memref<1x1x1x80xi32, #tpu.memory_space<hbm>> -> memref<80xi32, #tpu.memory_space<hbm>>
        tpu.wait_dma2 semaphore(%arg26 : memref<!tpu.dma_semaphore, #tpu.memory_space<semaphore_mem>>) src(%dma_wait3A_1970 : memref<80xi32, #tpu.memory_space<hbm>>) dst(%dma_wait3A_1967 : memref<80xi32, #tpu.memory_space<vmem>>)
        %dma_wait3A_1971 = arith.constant 1 : i32
        %dma_wait3A_1972 = arith.constant 0 : i32
        %dma_wait3A_1973 = arith.constant 6 : i32
        %dma_wait3A_1974 = arith.constant 1 : i32
        %dma_wait3A_1975 = arith.constant 0 : i32
        %dma_wait3A_1976 = tpu.memref_slice %arg6[%dma_wait3A_1973, %dma_wait3A_1974, %dma_wait3A_1975] : memref<8x2x80xi32, #tpu.memory_space<vmem>> -> memref<1x1x80xi32, #tpu.memory_space<vmem>>
        %dma_wait3A_1977 = tpu.memref_squeeze %dma_wait3A_1976 : memref<1x1x80xi32, #tpu.memory_space<vmem>> -> memref<80xi32, #tpu.memory_space<vmem>>
        %dma_wait3A_1978 = arith.constant 0 : i32
        %dma_wait3A_1979 = tpu.memref_slice %arg3[%dma_wait3A_1971, %add3A, %dma_wait3A_1972, %dma_wait3A_1978] : memref<2x32x128x80xi32, #tpu.memory_space<hbm>> -> memref<1x1x1x80xi32, #tpu.memory_space<hbm>>
        %dma_wait3A_1980 = tpu.memref_squeeze %dma_wait3A_1979 : memref<1x1x1x80xi32, #tpu.memory_space<hbm>> -> memref<80xi32, #tpu.memory_space<hbm>>
        %dma_wait3A_1981 = arith.constant 0 : i32
        %dma_wait3A_1982 = tpu.memref_slice %arg6[%dma_wait3A_1973, %dma_wait3A_1974, %dma_wait3A_1981] : memref<8x2x80xi32, #tpu.memory_space<vmem>> -> memref<1x1x80xi32, #tpu.memory_space<vmem>>
        %dma_wait3A_1983 = tpu.memref_squeeze %dma_wait3A_1982 : memref<1x1x80xi32, #tpu.memory_space<vmem>> -> memref<80xi32, #tpu.memory_space<vmem>>
        %dma_wait3A_1984 = arith.constant 0 : i32
        %dma_wait3A_1985 = tpu.memref_slice %arg3[%dma_wait3A_1971, %add3A, %dma_wait3A_1972, %dma_wait3A_1984] : memref<2x32x128x80xi32, #tpu.memory_space<hbm>> -> memref<1x1x1x80xi32, #tpu.memory_space<hbm>>
        %dma_wait3A_1986 = tpu.memref_squeeze %dma_wait3A_1985 : memref<1x1x1x80xi32, #tpu.memory_space<hbm>> -> memref<80xi32, #tpu.memory_space<hbm>>
        tpu.wait_dma2 semaphore(%arg26 : memref<!tpu.dma_semaphore, #tpu.memory_space<semaphore_mem>>) src(%dma_wait3A_1986 : memref<80xi32, #tpu.memory_space<hbm>>) dst(%dma_wait3A_1983 : memref<80xi32, #tpu.memory_space<vmem>>)
        %dma_start3A_1987 = arith.constant 6 : i32
        %dma_start3A_1988 = arith.constant 0 : i32
        %dma_start3A_1989 = arith.constant 0 : i32
        %dma_start3A_1990 = tpu.memref_slice %arg6[%dma_start3A_1987, %dma_start3A_1988, %dma_start3A_1989] : memref<8x2x80xi32, #tpu.memory_space<vmem>> -> memref<1x1x80xi32, #tpu.memory_space<vmem>>
        %dma_start3A_1991 = tpu.memref_squeeze %dma_start3A_1990 : memref<1x1x80xi32, #tpu.memory_space<vmem>> -> memref<80xi32, #tpu.memory_space<vmem>>
        %dma_start3A_1992 = arith.constant 0 : i32
        %dma_start3A_1993 = arith.constant 0 : i32
        %dma_start3A_1994 = tpu.memref_slice %arg2[%dma_start3A_1992, %dma_start3A_1993] : memref<10240x128xf32, #tpu.memory_space<hbm>> -> memref<10240x128xf32, #tpu.memory_space<hbm>>
        tpu.enqueue_indirect_dma source(%dma_start3A_1994 : memref<10240x128xf32, #tpu.memory_space<hbm>>) target(%arg9 : memref<80x128xf32, #tpu.memory_space<vmem>>) offsets(%dma_start3A_1991 : memref<80xi32, #tpu.memory_space<vmem>>) semaphore(%arg14 : memref<!tpu.dma_semaphore, #tpu.memory_space<semaphore_mem>>)
      } else {
      }
      %dma_wait3A_1812 = arith.constant 4 : i32
      %dma_wait3A_1813 = arith.constant 0 : i32
      %dma_wait3A_1814 = arith.constant 0 : i32
      %dma_wait3A_1815 = tpu.memref_slice %arg6[%dma_wait3A_1812, %dma_wait3A_1813, %dma_wait3A_1814] : memref<8x2x80xi32, #tpu.memory_space<vmem>> -> memref<1x1x80xi32, #tpu.memory_space<vmem>>
      %dma_wait3A_1816 = tpu.memref_squeeze %dma_wait3A_1815 : memref<1x1x80xi32, #tpu.memory_space<vmem>> -> memref<80xi32, #tpu.memory_space<vmem>>
      %dma_wait3A_1817 = arith.constant 0 : i32
      %dma_wait3A_1818 = arith.constant 0 : i32
      %dma_wait3A_1819 = tpu.memref_slice %arg2[%dma_wait3A_1817, %dma_wait3A_1818] : memref<10240x128xf32, #tpu.memory_space<hbm>> -> memref<10240x128xf32, #tpu.memory_space<hbm>>
      tpu.wait_indirect_dma semaphore(%arg12 : memref<!tpu.dma_semaphore, #tpu.memory_space<semaphore_mem>>) src(%dma_wait3A_1819 : memref<10240x128xf32, #tpu.memory_space<hbm>>) dst(%arg7 : memref<80x128xf32, #tpu.memory_space<vmem>>)
      %dma_start3A_1820 = arith.constant 4 : i32
      %dma_start3A_1821 = arith.constant 1 : i32
      %dma_start3A_1822 = arith.constant 0 : i32
      %dma_start3A_1823 = tpu.memref_slice %arg6[%dma_start3A_1820, %dma_start3A_1821, %dma_start3A_1822] : memref<8x2x80xi32, #tpu.memory_space<vmem>> -> memref<1x1x80xi32, #tpu.memory_space<vmem>>
      %dma_start3A_1824 = tpu.memref_squeeze %dma_start3A_1823 : memref<1x1x80xi32, #tpu.memory_space<vmem>> -> memref<80xi32, #tpu.memory_space<vmem>>
      %dma_start3A_1825 = arith.constant 0 : i32
      %dma_start3A_1826 = arith.constant 0 : i32
      %dma_start3A_1827 = tpu.memref_slice %arg5[%dma_start3A_1825, %dma_start3A_1826] : memref<10240x128xf32, #tpu.memory_space<vmem_shared>> -> memref<10240x128xf32, #tpu.memory_space<vmem_shared>>
      tpu.enqueue_indirect_dma source(%arg7 : memref<80x128xf32, #tpu.memory_space<vmem>>) target(%dma_start3A_1827 : memref<10240x128xf32, #tpu.memory_space<vmem_shared>>) offsets(%dma_start3A_1824 : memref<80xi32, #tpu.memory_space<vmem>>) semaphore(%arg16 : memref<!tpu.dma_semaphore, #tpu.memory_space<semaphore_mem>>) {add = true}
      %add3A_1828 = arith.constant 4 : i32
      %add3A_1829 = arith.addi %add3A_1796, %add3A_1828 : i32
      %lt3A_1830 = arith.constant 128 : i32
      %lt3A_1831 = arith.cmpi slt, %add3A_1829, %lt3A_1830 : i32
      %convert_element_type3A_1832 = arith.extui %lt3A_1831 : i1 to i32
      %cond3A_1833 = arith.constant 0 : i32
      %cond3A_1834 = arith.cmpi ne, %convert_element_type3A_1832, %cond3A_1833 : i32
      scf.if %cond3A_1834 {
        %add3A_1955 = arith.constant 4 : i32
        %add3A_1956 = arith.addi %add3A_1796, %add3A_1955 : i32
        %dma_start3A_1957 = arith.constant 0 : i32
        %dma_start3A_1958 = arith.constant 0 : i32
        %dma_start3A_1959 = arith.constant 0 : i32
        %dma_start3A_1960 = arith.constant 0 : i32
        %dma_start3A_1961 = tpu.memref_slice %arg6[%dma_start3A_1958, %dma_start3A_1959, %dma_start3A_1960] : memref<8x2x80xi32, #tpu.memory_space<vmem>> -> memref<1x1x80xi32, #tpu.memory_space<vmem>>
        %dma_start3A_1962 = tpu.memref_squeeze %dma_start3A_1961 : memref<1x1x80xi32, #tpu.memory_space<vmem>> -> memref<80xi32, #tpu.memory_space<vmem>>
        %dma_start3A_1963 = arith.constant 0 : i32
        %dma_start3A_1964 = tpu.memref_slice %arg3[%dma_start3A_1957, %add3A, %add3A_1956, %dma_start3A_1963] : memref<2x32x128x80xi32, #tpu.memory_space<hbm>> -> memref<1x1x1x80xi32, #tpu.memory_space<hbm>>
        %dma_start3A_1965 = tpu.memref_squeeze %dma_start3A_1964 : memref<1x1x1x80xi32, #tpu.memory_space<hbm>> -> memref<80xi32, #tpu.memory_space<hbm>>
        %dma_start3A_1966 = arith.constant 0 : i32
        %dma_start3A_1967 = tpu.memref_slice %arg6[%dma_start3A_1958, %dma_start3A_1959, %dma_start3A_1966] : memref<8x2x80xi32, #tpu.memory_space<vmem>> -> memref<1x1x80xi32, #tpu.memory_space<vmem>>
        %dma_start3A_1968 = tpu.memref_squeeze %dma_start3A_1967 : memref<1x1x80xi32, #tpu.memory_space<vmem>> -> memref<80xi32, #tpu.memory_space<vmem>>
        %dma_start3A_1969 = arith.constant 0 : i32
        %dma_start3A_1970 = tpu.memref_slice %arg3[%dma_start3A_1957, %add3A, %add3A_1956, %dma_start3A_1969] : memref<2x32x128x80xi32, #tpu.memory_space<hbm>> -> memref<1x1x1x80xi32, #tpu.memory_space<hbm>>
        %dma_start3A_1971 = tpu.memref_squeeze %dma_start3A_1970 : memref<1x1x1x80xi32, #tpu.memory_space<hbm>> -> memref<80xi32, #tpu.memory_space<hbm>>
        tpu.enqueue_dma source(%dma_start3A_1971 : memref<80xi32, #tpu.memory_space<hbm>>) target(%dma_start3A_1968 : memref<80xi32, #tpu.memory_space<vmem>>) target_semaphore(%arg20 : memref<!tpu.dma_semaphore, #tpu.memory_space<semaphore_mem>>)
        %dma_start3A_1972 = arith.constant 1 : i32
        %dma_start3A_1973 = arith.constant 0 : i32
        %dma_start3A_1974 = arith.constant 1 : i32
        %dma_start3A_1975 = arith.constant 0 : i32
        %dma_start3A_1976 = tpu.memref_slice %arg6[%dma_start3A_1973, %dma_start3A_1974, %dma_start3A_1975] : memref<8x2x80xi32, #tpu.memory_space<vmem>> -> memref<1x1x80xi32, #tpu.memory_space<vmem>>
        %dma_start3A_1977 = tpu.memref_squeeze %dma_start3A_1976 : memref<1x1x80xi32, #tpu.memory_space<vmem>> -> memref<80xi32, #tpu.memory_space<vmem>>
        %dma_start3A_1978 = arith.constant 0 : i32
        %dma_start3A_1979 = tpu.memref_slice %arg3[%dma_start3A_1972, %add3A, %add3A_1956, %dma_start3A_1978] : memref<2x32x128x80xi32, #tpu.memory_space<hbm>> -> memref<1x1x1x80xi32, #tpu.memory_space<hbm>>
        %dma_start3A_1980 = tpu.memref_squeeze %dma_start3A_1979 : memref<1x1x1x80xi32, #tpu.memory_space<hbm>> -> memref<80xi32, #tpu.memory_space<hbm>>
        %dma_start3A_1981 = arith.constant 0 : i32
        %dma_start3A_1982 = tpu.memref_slice %arg6[%dma_start3A_1973, %dma_start3A_1974, %dma_start3A_1981] : memref<8x2x80xi32, #tpu.memory_space<vmem>> -> memref<1x1x80xi32, #tpu.memory_space<vmem>>
        %dma_start3A_1983 = tpu.memref_squeeze %dma_start3A_1982 : memref<1x1x80xi32, #tpu.memory_space<vmem>> -> memref<80xi32, #tpu.memory_space<vmem>>
        %dma_start3A_1984 = arith.constant 0 : i32
        %dma_start3A_1985 = tpu.memref_slice %arg3[%dma_start3A_1972, %add3A, %add3A_1956, %dma_start3A_1984] : memref<2x32x128x80xi32, #tpu.memory_space<hbm>> -> memref<1x1x1x80xi32, #tpu.memory_space<hbm>>
        %dma_start3A_1986 = tpu.memref_squeeze %dma_start3A_1985 : memref<1x1x1x80xi32, #tpu.memory_space<hbm>> -> memref<80xi32, #tpu.memory_space<hbm>>
        tpu.enqueue_dma source(%dma_start3A_1986 : memref<80xi32, #tpu.memory_space<hbm>>) target(%dma_start3A_1983 : memref<80xi32, #tpu.memory_space<vmem>>) target_semaphore(%arg20 : memref<!tpu.dma_semaphore, #tpu.memory_space<semaphore_mem>>)
      } else {
      }
      %add3A_1835 = arith.constant 5 : i32
      %add3A_1836 = arith.addi %add3A_1644, %add3A_1835 : i32
      %dma_wait3A_1837 = arith.constant 7 : i32
      %dma_wait3A_1838 = arith.constant 1 : i32
      %dma_wait3A_1839 = arith.constant 0 : i32
      %dma_wait3A_1840 = tpu.memref_slice %arg6[%dma_wait3A_1837, %dma_wait3A_1838, %dma_wait3A_1839] : memref<8x2x80xi32, #tpu.memory_space<vmem>> -> memref<1x1x80xi32, #tpu.memory_space<vmem>>
      %dma_wait3A_1841 = tpu.memref_squeeze %dma_wait3A_1840 : memref<1x1x80xi32, #tpu.memory_space<vmem>> -> memref<80xi32, #tpu.memory_space<vmem>>
      %dma_wait3A_1842 = arith.constant 0 : i32
      %dma_wait3A_1843 = arith.constant 0 : i32
      %dma_wait3A_1844 = tpu.memref_slice %arg5[%dma_wait3A_1842, %dma_wait3A_1843] : memref<10240x128xf32, #tpu.memory_space<vmem_shared>> -> memref<10240x128xf32, #tpu.memory_space<vmem_shared>>
      tpu.wait_indirect_dma semaphore(%arg19 : memref<!tpu.dma_semaphore, #tpu.memory_space<semaphore_mem>>) src(%arg10 : memref<80x128xf32, #tpu.memory_space<vmem>>) dst(%dma_wait3A_1844 : memref<10240x128xf32, #tpu.memory_space<vmem_shared>>)
      %add3A_1845 = arith.constant 2 : i32
      %add3A_1846 = arith.addi %add3A_1836, %add3A_1845 : i32
      %lt3A_1847 = arith.constant 128 : i32
      %lt3A_1848 = arith.cmpi slt, %add3A_1846, %lt3A_1847 : i32
      %convert_element_type3A_1849 = arith.extui %lt3A_1848 : i1 to i32
      %cond3A_1850 = arith.constant 0 : i32
      %cond3A_1851 = arith.cmpi ne, %convert_element_type3A_1849, %cond3A_1850 : i32
      scf.if %cond3A_1851 {
        %dma_wait3A_1955 = arith.constant 0 : i32
        %dma_wait3A_1956 = arith.constant 0 : i32
        %dma_wait3A_1957 = arith.constant 7 : i32
        %dma_wait3A_1958 = arith.constant 0 : i32
        %dma_wait3A_1959 = arith.constant 0 : i32
        %dma_wait3A_1960 = tpu.memref_slice %arg6[%dma_wait3A_1957, %dma_wait3A_1958, %dma_wait3A_1959] : memref<8x2x80xi32, #tpu.memory_space<vmem>> -> memref<1x1x80xi32, #tpu.memory_space<vmem>>
        %dma_wait3A_1961 = tpu.memref_squeeze %dma_wait3A_1960 : memref<1x1x80xi32, #tpu.memory_space<vmem>> -> memref<80xi32, #tpu.memory_space<vmem>>
        %dma_wait3A_1962 = arith.constant 0 : i32
        %dma_wait3A_1963 = tpu.memref_slice %arg3[%dma_wait3A_1955, %add3A, %dma_wait3A_1956, %dma_wait3A_1962] : memref<2x32x128x80xi32, #tpu.memory_space<hbm>> -> memref<1x1x1x80xi32, #tpu.memory_space<hbm>>
        %dma_wait3A_1964 = tpu.memref_squeeze %dma_wait3A_1963 : memref<1x1x1x80xi32, #tpu.memory_space<hbm>> -> memref<80xi32, #tpu.memory_space<hbm>>
        %dma_wait3A_1965 = arith.constant 0 : i32
        %dma_wait3A_1966 = tpu.memref_slice %arg6[%dma_wait3A_1957, %dma_wait3A_1958, %dma_wait3A_1965] : memref<8x2x80xi32, #tpu.memory_space<vmem>> -> memref<1x1x80xi32, #tpu.memory_space<vmem>>
        %dma_wait3A_1967 = tpu.memref_squeeze %dma_wait3A_1966 : memref<1x1x80xi32, #tpu.memory_space<vmem>> -> memref<80xi32, #tpu.memory_space<vmem>>
        %dma_wait3A_1968 = arith.constant 0 : i32
        %dma_wait3A_1969 = tpu.memref_slice %arg3[%dma_wait3A_1955, %add3A, %dma_wait3A_1956, %dma_wait3A_1968] : memref<2x32x128x80xi32, #tpu.memory_space<hbm>> -> memref<1x1x1x80xi32, #tpu.memory_space<hbm>>
        %dma_wait3A_1970 = tpu.memref_squeeze %dma_wait3A_1969 : memref<1x1x1x80xi32, #tpu.memory_space<hbm>> -> memref<80xi32, #tpu.memory_space<hbm>>
        tpu.wait_dma2 semaphore(%arg27 : memref<!tpu.dma_semaphore, #tpu.memory_space<semaphore_mem>>) src(%dma_wait3A_1970 : memref<80xi32, #tpu.memory_space<hbm>>) dst(%dma_wait3A_1967 : memref<80xi32, #tpu.memory_space<vmem>>)
        %dma_wait3A_1971 = arith.constant 1 : i32
        %dma_wait3A_1972 = arith.constant 0 : i32
        %dma_wait3A_1973 = arith.constant 7 : i32
        %dma_wait3A_1974 = arith.constant 1 : i32
        %dma_wait3A_1975 = arith.constant 0 : i32
        %dma_wait3A_1976 = tpu.memref_slice %arg6[%dma_wait3A_1973, %dma_wait3A_1974, %dma_wait3A_1975] : memref<8x2x80xi32, #tpu.memory_space<vmem>> -> memref<1x1x80xi32, #tpu.memory_space<vmem>>
        %dma_wait3A_1977 = tpu.memref_squeeze %dma_wait3A_1976 : memref<1x1x80xi32, #tpu.memory_space<vmem>> -> memref<80xi32, #tpu.memory_space<vmem>>
        %dma_wait3A_1978 = arith.constant 0 : i32
        %dma_wait3A_1979 = tpu.memref_slice %arg3[%dma_wait3A_1971, %add3A, %dma_wait3A_1972, %dma_wait3A_1978] : memref<2x32x128x80xi32, #tpu.memory_space<hbm>> -> memref<1x1x1x80xi32, #tpu.memory_space<hbm>>
        %dma_wait3A_1980 = tpu.memref_squeeze %dma_wait3A_1979 : memref<1x1x1x80xi32, #tpu.memory_space<hbm>> -> memref<80xi32, #tpu.memory_space<hbm>>
        %dma_wait3A_1981 = arith.constant 0 : i32
        %dma_wait3A_1982 = tpu.memref_slice %arg6[%dma_wait3A_1973, %dma_wait3A_1974, %dma_wait3A_1981] : memref<8x2x80xi32, #tpu.memory_space<vmem>> -> memref<1x1x80xi32, #tpu.memory_space<vmem>>
        %dma_wait3A_1983 = tpu.memref_squeeze %dma_wait3A_1982 : memref<1x1x80xi32, #tpu.memory_space<vmem>> -> memref<80xi32, #tpu.memory_space<vmem>>
        %dma_wait3A_1984 = arith.constant 0 : i32
        %dma_wait3A_1985 = tpu.memref_slice %arg3[%dma_wait3A_1971, %add3A, %dma_wait3A_1972, %dma_wait3A_1984] : memref<2x32x128x80xi32, #tpu.memory_space<hbm>> -> memref<1x1x1x80xi32, #tpu.memory_space<hbm>>
        %dma_wait3A_1986 = tpu.memref_squeeze %dma_wait3A_1985 : memref<1x1x1x80xi32, #tpu.memory_space<hbm>> -> memref<80xi32, #tpu.memory_space<hbm>>
        tpu.wait_dma2 semaphore(%arg27 : memref<!tpu.dma_semaphore, #tpu.memory_space<semaphore_mem>>) src(%dma_wait3A_1986 : memref<80xi32, #tpu.memory_space<hbm>>) dst(%dma_wait3A_1983 : memref<80xi32, #tpu.memory_space<vmem>>)
        %dma_start3A_1987 = arith.constant 7 : i32
        %dma_start3A_1988 = arith.constant 0 : i32
        %dma_start3A_1989 = arith.constant 0 : i32
        %dma_start3A_1990 = tpu.memref_slice %arg6[%dma_start3A_1987, %dma_start3A_1988, %dma_start3A_1989] : memref<8x2x80xi32, #tpu.memory_space<vmem>> -> memref<1x1x80xi32, #tpu.memory_space<vmem>>
        %dma_start3A_1991 = tpu.memref_squeeze %dma_start3A_1990 : memref<1x1x80xi32, #tpu.memory_space<vmem>> -> memref<80xi32, #tpu.memory_space<vmem>>
        %dma_start3A_1992 = arith.constant 0 : i32
        %dma_start3A_1993 = arith.constant 0 : i32
        %dma_start3A_1994 = tpu.memref_slice %arg2[%dma_start3A_1992, %dma_start3A_1993] : memref<10240x128xf32, #tpu.memory_space<hbm>> -> memref<10240x128xf32, #tpu.memory_space<hbm>>
        tpu.enqueue_indirect_dma source(%dma_start3A_1994 : memref<10240x128xf32, #tpu.memory_space<hbm>>) target(%arg10 : memref<80x128xf32, #tpu.memory_space<vmem>>) offsets(%dma_start3A_1991 : memref<80xi32, #tpu.memory_space<vmem>>) semaphore(%arg15 : memref<!tpu.dma_semaphore, #tpu.memory_space<semaphore_mem>>)
      } else {
      }
      %dma_wait3A_1852 = arith.constant 5 : i32
      %dma_wait3A_1853 = arith.constant 0 : i32
      %dma_wait3A_1854 = arith.constant 0 : i32
      %dma_wait3A_1855 = tpu.memref_slice %arg6[%dma_wait3A_1852, %dma_wait3A_1853, %dma_wait3A_1854] : memref<8x2x80xi32, #tpu.memory_space<vmem>> -> memref<1x1x80xi32, #tpu.memory_space<vmem>>
      %dma_wait3A_1856 = tpu.memref_squeeze %dma_wait3A_1855 : memref<1x1x80xi32, #tpu.memory_space<vmem>> -> memref<80xi32, #tpu.memory_space<vmem>>
      %dma_wait3A_1857 = arith.constant 0 : i32
      %dma_wait3A_1858 = arith.constant 0 : i32
      %dma_wait3A_1859 = tpu.memref_slice %arg2[%dma_wait3A_1857, %dma_wait3A_1858] : memref<10240x128xf32, #tpu.memory_space<hbm>> -> memref<10240x128xf32, #tpu.memory_space<hbm>>
      tpu.wait_indirect_dma semaphore(%arg13 : memref<!tpu.dma_semaphore, #tpu.memory_space<semaphore_mem>>) src(%dma_wait3A_1859 : memref<10240x128xf32, #tpu.memory_space<hbm>>) dst(%arg8 : memref<80x128xf32, #tpu.memory_space<vmem>>)
      %dma_start3A_1860 = arith.constant 5 : i32
      %dma_start3A_1861 = arith.constant 1 : i32
      %dma_start3A_1862 = arith.constant 0 : i32
      %dma_start3A_1863 = tpu.memref_slice %arg6[%dma_start3A_1860, %dma_start3A_1861, %dma_start3A_1862] : memref<8x2x80xi32, #tpu.memory_space<vmem>> -> memref<1x1x80xi32, #tpu.memory_space<vmem>>
      %dma_start3A_1864 = tpu.memref_squeeze %dma_start3A_1863 : memref<1x1x80xi32, #tpu.memory_space<vmem>> -> memref<80xi32, #tpu.memory_space<vmem>>
      %dma_start3A_1865 = arith.constant 0 : i32
      %dma_start3A_1866 = arith.constant 0 : i32
      %dma_start3A_1867 = tpu.memref_slice %arg5[%dma_start3A_1865, %dma_start3A_1866] : memref<10240x128xf32, #tpu.memory_space<vmem_shared>> -> memref<10240x128xf32, #tpu.memory_space<vmem_shared>>
      tpu.enqueue_indirect_dma source(%arg8 : memref<80x128xf32, #tpu.memory_space<vmem>>) target(%dma_start3A_1867 : memref<10240x128xf32, #tpu.memory_space<vmem_shared>>) offsets(%dma_start3A_1864 : memref<80xi32, #tpu.memory_space<vmem>>) semaphore(%arg17 : memref<!tpu.dma_semaphore, #tpu.memory_space<semaphore_mem>>) {add = true}
      %add3A_1868 = arith.constant 4 : i32
      %add3A_1869 = arith.addi %add3A_1836, %add3A_1868 : i32
      %lt3A_1870 = arith.constant 128 : i32
      %lt3A_1871 = arith.cmpi slt, %add3A_1869, %lt3A_1870 : i32
      %convert_element_type3A_1872 = arith.extui %lt3A_1871 : i1 to i32
      %cond3A_1873 = arith.constant 0 : i32
      %cond3A_1874 = arith.cmpi ne, %convert_element_type3A_1872, %cond3A_1873 : i32
      scf.if %cond3A_1874 {
        %add3A_1955 = arith.constant 4 : i32
        %add3A_1956 = arith.addi %add3A_1836, %add3A_1955 : i32
        %dma_start3A_1957 = arith.constant 0 : i32
        %dma_start3A_1958 = arith.constant 1 : i32
        %dma_start3A_1959 = arith.constant 0 : i32
        %dma_start3A_1960 = arith.constant 0 : i32
        %dma_start3A_1961 = tpu.memref_slice %arg6[%dma_start3A_1958, %dma_start3A_1959, %dma_start3A_1960] : memref<8x2x80xi32, #tpu.memory_space<vmem>> -> memref<1x1x80xi32, #tpu.memory_space<vmem>>
        %dma_start3A_1962 = tpu.memref_squeeze %dma_start3A_1961 : memref<1x1x80xi32, #tpu.memory_space<vmem>> -> memref<80xi32, #tpu.memory_space<vmem>>
        %dma_start3A_1963 = arith.constant 0 : i32
        %dma_start3A_1964 = tpu.memref_slice %arg3[%dma_start3A_1957, %add3A, %add3A_1956, %dma_start3A_1963] : memref<2x32x128x80xi32, #tpu.memory_space<hbm>> -> memref<1x1x1x80xi32, #tpu.memory_space<hbm>>
        %dma_start3A_1965 = tpu.memref_squeeze %dma_start3A_1964 : memref<1x1x1x80xi32, #tpu.memory_space<hbm>> -> memref<80xi32, #tpu.memory_space<hbm>>
        %dma_start3A_1966 = arith.constant 0 : i32
        %dma_start3A_1967 = tpu.memref_slice %arg6[%dma_start3A_1958, %dma_start3A_1959, %dma_start3A_1966] : memref<8x2x80xi32, #tpu.memory_space<vmem>> -> memref<1x1x80xi32, #tpu.memory_space<vmem>>
        %dma_start3A_1968 = tpu.memref_squeeze %dma_start3A_1967 : memref<1x1x80xi32, #tpu.memory_space<vmem>> -> memref<80xi32, #tpu.memory_space<vmem>>
        %dma_start3A_1969 = arith.constant 0 : i32
        %dma_start3A_1970 = tpu.memref_slice %arg3[%dma_start3A_1957, %add3A, %add3A_1956, %dma_start3A_1969] : memref<2x32x128x80xi32, #tpu.memory_space<hbm>> -> memref<1x1x1x80xi32, #tpu.memory_space<hbm>>
        %dma_start3A_1971 = tpu.memref_squeeze %dma_start3A_1970 : memref<1x1x1x80xi32, #tpu.memory_space<hbm>> -> memref<80xi32, #tpu.memory_space<hbm>>
        tpu.enqueue_dma source(%dma_start3A_1971 : memref<80xi32, #tpu.memory_space<hbm>>) target(%dma_start3A_1968 : memref<80xi32, #tpu.memory_space<vmem>>) target_semaphore(%arg21 : memref<!tpu.dma_semaphore, #tpu.memory_space<semaphore_mem>>)
        %dma_start3A_1972 = arith.constant 1 : i32
        %dma_start3A_1973 = arith.constant 1 : i32
        %dma_start3A_1974 = arith.constant 1 : i32
        %dma_start3A_1975 = arith.constant 0 : i32
        %dma_start3A_1976 = tpu.memref_slice %arg6[%dma_start3A_1973, %dma_start3A_1974, %dma_start3A_1975] : memref<8x2x80xi32, #tpu.memory_space<vmem>> -> memref<1x1x80xi32, #tpu.memory_space<vmem>>
        %dma_start3A_1977 = tpu.memref_squeeze %dma_start3A_1976 : memref<1x1x80xi32, #tpu.memory_space<vmem>> -> memref<80xi32, #tpu.memory_space<vmem>>
        %dma_start3A_1978 = arith.constant 0 : i32
        %dma_start3A_1979 = tpu.memref_slice %arg3[%dma_start3A_1972, %add3A, %add3A_1956, %dma_start3A_1978] : memref<2x32x128x80xi32, #tpu.memory_space<hbm>> -> memref<1x1x1x80xi32, #tpu.memory_space<hbm>>
        %dma_start3A_1980 = tpu.memref_squeeze %dma_start3A_1979 : memref<1x1x1x80xi32, #tpu.memory_space<hbm>> -> memref<80xi32, #tpu.memory_space<hbm>>
        %dma_start3A_1981 = arith.constant 0 : i32
        %dma_start3A_1982 = tpu.memref_slice %arg6[%dma_start3A_1973, %dma_start3A_1974, %dma_start3A_1981] : memref<8x2x80xi32, #tpu.memory_space<vmem>> -> memref<1x1x80xi32, #tpu.memory_space<vmem>>
        %dma_start3A_1983 = tpu.memref_squeeze %dma_start3A_1982 : memref<1x1x80xi32, #tpu.memory_space<vmem>> -> memref<80xi32, #tpu.memory_space<vmem>>
        %dma_start3A_1984 = arith.constant 0 : i32
        %dma_start3A_1985 = tpu.memref_slice %arg3[%dma_start3A_1972, %add3A, %add3A_1956, %dma_start3A_1984] : memref<2x32x128x80xi32, #tpu.memory_space<hbm>> -> memref<1x1x1x80xi32, #tpu.memory_space<hbm>>
        %dma_start3A_1986 = tpu.memref_squeeze %dma_start3A_1985 : memref<1x1x1x80xi32, #tpu.memory_space<hbm>> -> memref<80xi32, #tpu.memory_space<hbm>>
        tpu.enqueue_dma source(%dma_start3A_1986 : memref<80xi32, #tpu.memory_space<hbm>>) target(%dma_start3A_1983 : memref<80xi32, #tpu.memory_space<vmem>>) target_semaphore(%arg21 : memref<!tpu.dma_semaphore, #tpu.memory_space<semaphore_mem>>)
      } else {
      }
      %add3A_1875 = arith.constant 6 : i32
      %add3A_1876 = arith.addi %add3A_1644, %add3A_1875 : i32
      %dma_wait3A_1877 = arith.constant 0 : i32
      %dma_wait3A_1878 = arith.constant 1 : i32
      %dma_wait3A_1879 = arith.constant 0 : i32
      %dma_wait3A_1880 = tpu.memref_slice %arg6[%dma_wait3A_1877, %dma_wait3A_1878, %dma_wait3A_1879] : memref<8x2x80xi32, #tpu.memory_space<vmem>> -> memref<1x1x80xi32, #tpu.memory_space<vmem>>
      %dma_wait3A_1881 = tpu.memref_squeeze %dma_wait3A_1880 : memref<1x1x80xi32, #tpu.memory_space<vmem>> -> memref<80xi32, #tpu.memory_space<vmem>>
      %dma_wait3A_1882 = arith.constant 0 : i32
      %dma_wait3A_1883 = arith.constant 0 : i32
      %dma_wait3A_1884 = tpu.memref_slice %arg5[%dma_wait3A_1882, %dma_wait3A_1883] : memref<10240x128xf32, #tpu.memory_space<vmem_shared>> -> memref<10240x128xf32, #tpu.memory_space<vmem_shared>>
      tpu.wait_indirect_dma semaphore(%arg16 : memref<!tpu.dma_semaphore, #tpu.memory_space<semaphore_mem>>) src(%arg7 : memref<80x128xf32, #tpu.memory_space<vmem>>) dst(%dma_wait3A_1884 : memref<10240x128xf32, #tpu.memory_space<vmem_shared>>)
      %add3A_1885 = arith.constant 2 : i32
      %add3A_1886 = arith.addi %add3A_1876, %add3A_1885 : i32
      %lt3A_1887 = arith.constant 128 : i32
      %lt3A_1888 = arith.cmpi slt, %add3A_1886, %lt3A_1887 : i32
      %convert_element_type3A_1889 = arith.extui %lt3A_1888 : i1 to i32
      %cond3A_1890 = arith.constant 0 : i32
      %cond3A_1891 = arith.cmpi ne, %convert_element_type3A_1889, %cond3A_1890 : i32
      scf.if %cond3A_1891 {
        %dma_wait3A_1955 = arith.constant 0 : i32
        %dma_wait3A_1956 = arith.constant 0 : i32
        %dma_wait3A_1957 = arith.constant 0 : i32
        %dma_wait3A_1958 = arith.constant 0 : i32
        %dma_wait3A_1959 = arith.constant 0 : i32
        %dma_wait3A_1960 = tpu.memref_slice %arg6[%dma_wait3A_1957, %dma_wait3A_1958, %dma_wait3A_1959] : memref<8x2x80xi32, #tpu.memory_space<vmem>> -> memref<1x1x80xi32, #tpu.memory_space<vmem>>
        %dma_wait3A_1961 = tpu.memref_squeeze %dma_wait3A_1960 : memref<1x1x80xi32, #tpu.memory_space<vmem>> -> memref<80xi32, #tpu.memory_space<vmem>>
        %dma_wait3A_1962 = arith.constant 0 : i32
        %dma_wait3A_1963 = tpu.memref_slice %arg3[%dma_wait3A_1955, %add3A, %dma_wait3A_1956, %dma_wait3A_1962] : memref<2x32x128x80xi32, #tpu.memory_space<hbm>> -> memref<1x1x1x80xi32, #tpu.memory_space<hbm>>
        %dma_wait3A_1964 = tpu.memref_squeeze %dma_wait3A_1963 : memref<1x1x1x80xi32, #tpu.memory_space<hbm>> -> memref<80xi32, #tpu.memory_space<hbm>>
        %dma_wait3A_1965 = arith.constant 0 : i32
        %dma_wait3A_1966 = tpu.memref_slice %arg6[%dma_wait3A_1957, %dma_wait3A_1958, %dma_wait3A_1965] : memref<8x2x80xi32, #tpu.memory_space<vmem>> -> memref<1x1x80xi32, #tpu.memory_space<vmem>>
        %dma_wait3A_1967 = tpu.memref_squeeze %dma_wait3A_1966 : memref<1x1x80xi32, #tpu.memory_space<vmem>> -> memref<80xi32, #tpu.memory_space<vmem>>
        %dma_wait3A_1968 = arith.constant 0 : i32
        %dma_wait3A_1969 = tpu.memref_slice %arg3[%dma_wait3A_1955, %add3A, %dma_wait3A_1956, %dma_wait3A_1968] : memref<2x32x128x80xi32, #tpu.memory_space<hbm>> -> memref<1x1x1x80xi32, #tpu.memory_space<hbm>>
        %dma_wait3A_1970 = tpu.memref_squeeze %dma_wait3A_1969 : memref<1x1x1x80xi32, #tpu.memory_space<hbm>> -> memref<80xi32, #tpu.memory_space<hbm>>
        tpu.wait_dma2 semaphore(%arg20 : memref<!tpu.dma_semaphore, #tpu.memory_space<semaphore_mem>>) src(%dma_wait3A_1970 : memref<80xi32, #tpu.memory_space<hbm>>) dst(%dma_wait3A_1967 : memref<80xi32, #tpu.memory_space<vmem>>)
        %dma_wait3A_1971 = arith.constant 1 : i32
        %dma_wait3A_1972 = arith.constant 0 : i32
        %dma_wait3A_1973 = arith.constant 0 : i32
        %dma_wait3A_1974 = arith.constant 1 : i32
        %dma_wait3A_1975 = arith.constant 0 : i32
        %dma_wait3A_1976 = tpu.memref_slice %arg6[%dma_wait3A_1973, %dma_wait3A_1974, %dma_wait3A_1975] : memref<8x2x80xi32, #tpu.memory_space<vmem>> -> memref<1x1x80xi32, #tpu.memory_space<vmem>>
        %dma_wait3A_1977 = tpu.memref_squeeze %dma_wait3A_1976 : memref<1x1x80xi32, #tpu.memory_space<vmem>> -> memref<80xi32, #tpu.memory_space<vmem>>
        %dma_wait3A_1978 = arith.constant 0 : i32
        %dma_wait3A_1979 = tpu.memref_slice %arg3[%dma_wait3A_1971, %add3A, %dma_wait3A_1972, %dma_wait3A_1978] : memref<2x32x128x80xi32, #tpu.memory_space<hbm>> -> memref<1x1x1x80xi32, #tpu.memory_space<hbm>>
        %dma_wait3A_1980 = tpu.memref_squeeze %dma_wait3A_1979 : memref<1x1x1x80xi32, #tpu.memory_space<hbm>> -> memref<80xi32, #tpu.memory_space<hbm>>
        %dma_wait3A_1981 = arith.constant 0 : i32
        %dma_wait3A_1982 = tpu.memref_slice %arg6[%dma_wait3A_1973, %dma_wait3A_1974, %dma_wait3A_1981] : memref<8x2x80xi32, #tpu.memory_space<vmem>> -> memref<1x1x80xi32, #tpu.memory_space<vmem>>
        %dma_wait3A_1983 = tpu.memref_squeeze %dma_wait3A_1982 : memref<1x1x80xi32, #tpu.memory_space<vmem>> -> memref<80xi32, #tpu.memory_space<vmem>>
        %dma_wait3A_1984 = arith.constant 0 : i32
        %dma_wait3A_1985 = tpu.memref_slice %arg3[%dma_wait3A_1971, %add3A, %dma_wait3A_1972, %dma_wait3A_1984] : memref<2x32x128x80xi32, #tpu.memory_space<hbm>> -> memref<1x1x1x80xi32, #tpu.memory_space<hbm>>
        %dma_wait3A_1986 = tpu.memref_squeeze %dma_wait3A_1985 : memref<1x1x1x80xi32, #tpu.memory_space<hbm>> -> memref<80xi32, #tpu.memory_space<hbm>>
        tpu.wait_dma2 semaphore(%arg20 : memref<!tpu.dma_semaphore, #tpu.memory_space<semaphore_mem>>) src(%dma_wait3A_1986 : memref<80xi32, #tpu.memory_space<hbm>>) dst(%dma_wait3A_1983 : memref<80xi32, #tpu.memory_space<vmem>>)
        %dma_start3A_1987 = arith.constant 0 : i32
        %dma_start3A_1988 = arith.constant 0 : i32
        %dma_start3A_1989 = arith.constant 0 : i32
        %dma_start3A_1990 = tpu.memref_slice %arg6[%dma_start3A_1987, %dma_start3A_1988, %dma_start3A_1989] : memref<8x2x80xi32, #tpu.memory_space<vmem>> -> memref<1x1x80xi32, #tpu.memory_space<vmem>>
        %dma_start3A_1991 = tpu.memref_squeeze %dma_start3A_1990 : memref<1x1x80xi32, #tpu.memory_space<vmem>> -> memref<80xi32, #tpu.memory_space<vmem>>
        %dma_start3A_1992 = arith.constant 0 : i32
        %dma_start3A_1993 = arith.constant 0 : i32
        %dma_start3A_1994 = tpu.memref_slice %arg2[%dma_start3A_1992, %dma_start3A_1993] : memref<10240x128xf32, #tpu.memory_space<hbm>> -> memref<10240x128xf32, #tpu.memory_space<hbm>>
        tpu.enqueue_indirect_dma source(%dma_start3A_1994 : memref<10240x128xf32, #tpu.memory_space<hbm>>) target(%arg7 : memref<80x128xf32, #tpu.memory_space<vmem>>) offsets(%dma_start3A_1991 : memref<80xi32, #tpu.memory_space<vmem>>) semaphore(%arg12 : memref<!tpu.dma_semaphore, #tpu.memory_space<semaphore_mem>>)
      } else {
      }
      %dma_wait3A_1892 = arith.constant 6 : i32
      %dma_wait3A_1893 = arith.constant 0 : i32
      %dma_wait3A_1894 = arith.constant 0 : i32
      %dma_wait3A_1895 = tpu.memref_slice %arg6[%dma_wait3A_1892, %dma_wait3A_1893, %dma_wait3A_1894] : memref<8x2x80xi32, #tpu.memory_space<vmem>> -> memref<1x1x80xi32, #tpu.memory_space<vmem>>
      %dma_wait3A_1896 = tpu.memref_squeeze %dma_wait3A_1895 : memref<1x1x80xi32, #tpu.memory_space<vmem>> -> memref<80xi32, #tpu.memory_space<vmem>>
      %dma_wait3A_1897 = arith.constant 0 : i32
      %dma_wait3A_1898 = arith.constant 0 : i32
      %dma_wait3A_1899 = tpu.memref_slice %arg2[%dma_wait3A_1897, %dma_wait3A_1898] : memref<10240x128xf32, #tpu.memory_space<hbm>> -> memref<10240x128xf32, #tpu.memory_space<hbm>>
      tpu.wait_indirect_dma semaphore(%arg14 : memref<!tpu.dma_semaphore, #tpu.memory_space<semaphore_mem>>) src(%dma_wait3A_1899 : memref<10240x128xf32, #tpu.memory_space<hbm>>) dst(%arg9 : memref<80x128xf32, #tpu.memory_space<vmem>>)
      %dma_start3A_1900 = arith.constant 6 : i32
      %dma_start3A_1901 = arith.constant 1 : i32
      %dma_start3A_1902 = arith.constant 0 : i32
      %dma_start3A_1903 = tpu.memref_slice %arg6[%dma_start3A_1900, %dma_start3A_1901, %dma_start3A_1902] : memref<8x2x80xi32, #tpu.memory_space<vmem>> -> memref<1x1x80xi32, #tpu.memory_space<vmem>>
      %dma_start3A_1904 = tpu.memref_squeeze %dma_start3A_1903 : memref<1x1x80xi32, #tpu.memory_space<vmem>> -> memref<80xi32, #tpu.memory_space<vmem>>
      %dma_start3A_1905 = arith.constant 0 : i32
      %dma_start3A_1906 = arith.constant 0 : i32
      %dma_start3A_1907 = tpu.memref_slice %arg5[%dma_start3A_1905, %dma_start3A_1906] : memref<10240x128xf32, #tpu.memory_space<vmem_shared>> -> memref<10240x128xf32, #tpu.memory_space<vmem_shared>>
      tpu.enqueue_indirect_dma source(%arg9 : memref<80x128xf32, #tpu.memory_space<vmem>>) target(%dma_start3A_1907 : memref<10240x128xf32, #tpu.memory_space<vmem_shared>>) offsets(%dma_start3A_1904 : memref<80xi32, #tpu.memory_space<vmem>>) semaphore(%arg18 : memref<!tpu.dma_semaphore, #tpu.memory_space<semaphore_mem>>) {add = true}
      %add3A_1908 = arith.constant 4 : i32
      %add3A_1909 = arith.addi %add3A_1876, %add3A_1908 : i32
      %lt3A_1910 = arith.constant 128 : i32
      %lt3A_1911 = arith.cmpi slt, %add3A_1909, %lt3A_1910 : i32
      %convert_element_type3A_1912 = arith.extui %lt3A_1911 : i1 to i32
      %cond3A_1913 = arith.constant 0 : i32
      %cond3A_1914 = arith.cmpi ne, %convert_element_type3A_1912, %cond3A_1913 : i32
      scf.if %cond3A_1914 {
        %add3A_1955 = arith.constant 4 : i32
        %add3A_1956 = arith.addi %add3A_1876, %add3A_1955 : i32
        %dma_start3A_1957 = arith.constant 0 : i32
        %dma_start3A_1958 = arith.constant 2 : i32
        %dma_start3A_1959 = arith.constant 0 : i32
        %dma_start3A_1960 = arith.constant 0 : i32
        %dma_start3A_1961 = tpu.memref_slice %arg6[%dma_start3A_1958, %dma_start3A_1959, %dma_start3A_1960] : memref<8x2x80xi32, #tpu.memory_space<vmem>> -> memref<1x1x80xi32, #tpu.memory_space<vmem>>
        %dma_start3A_1962 = tpu.memref_squeeze %dma_start3A_1961 : memref<1x1x80xi32, #tpu.memory_space<vmem>> -> memref<80xi32, #tpu.memory_space<vmem>>
        %dma_start3A_1963 = arith.constant 0 : i32
        %dma_start3A_1964 = tpu.memref_slice %arg3[%dma_start3A_1957, %add3A, %add3A_1956, %dma_start3A_1963] : memref<2x32x128x80xi32, #tpu.memory_space<hbm>> -> memref<1x1x1x80xi32, #tpu.memory_space<hbm>>
        %dma_start3A_1965 = tpu.memref_squeeze %dma_start3A_1964 : memref<1x1x1x80xi32, #tpu.memory_space<hbm>> -> memref<80xi32, #tpu.memory_space<hbm>>
        %dma_start3A_1966 = arith.constant 0 : i32
        %dma_start3A_1967 = tpu.memref_slice %arg6[%dma_start3A_1958, %dma_start3A_1959, %dma_start3A_1966] : memref<8x2x80xi32, #tpu.memory_space<vmem>> -> memref<1x1x80xi32, #tpu.memory_space<vmem>>
        %dma_start3A_1968 = tpu.memref_squeeze %dma_start3A_1967 : memref<1x1x80xi32, #tpu.memory_space<vmem>> -> memref<80xi32, #tpu.memory_space<vmem>>
        %dma_start3A_1969 = arith.constant 0 : i32
        %dma_start3A_1970 = tpu.memref_slice %arg3[%dma_start3A_1957, %add3A, %add3A_1956, %dma_start3A_1969] : memref<2x32x128x80xi32, #tpu.memory_space<hbm>> -> memref<1x1x1x80xi32, #tpu.memory_space<hbm>>
        %dma_start3A_1971 = tpu.memref_squeeze %dma_start3A_1970 : memref<1x1x1x80xi32, #tpu.memory_space<hbm>> -> memref<80xi32, #tpu.memory_space<hbm>>
        tpu.enqueue_dma source(%dma_start3A_1971 : memref<80xi32, #tpu.memory_space<hbm>>) target(%dma_start3A_1968 : memref<80xi32, #tpu.memory_space<vmem>>) target_semaphore(%arg22 : memref<!tpu.dma_semaphore, #tpu.memory_space<semaphore_mem>>)
        %dma_start3A_1972 = arith.constant 1 : i32
        %dma_start3A_1973 = arith.constant 2 : i32
        %dma_start3A_1974 = arith.constant 1 : i32
        %dma_start3A_1975 = arith.constant 0 : i32
        %dma_start3A_1976 = tpu.memref_slice %arg6[%dma_start3A_1973, %dma_start3A_1974, %dma_start3A_1975] : memref<8x2x80xi32, #tpu.memory_space<vmem>> -> memref<1x1x80xi32, #tpu.memory_space<vmem>>
        %dma_start3A_1977 = tpu.memref_squeeze %dma_start3A_1976 : memref<1x1x80xi32, #tpu.memory_space<vmem>> -> memref<80xi32, #tpu.memory_space<vmem>>
        %dma_start3A_1978 = arith.constant 0 : i32
        %dma_start3A_1979 = tpu.memref_slice %arg3[%dma_start3A_1972, %add3A, %add3A_1956, %dma_start3A_1978] : memref<2x32x128x80xi32, #tpu.memory_space<hbm>> -> memref<1x1x1x80xi32, #tpu.memory_space<hbm>>
        %dma_start3A_1980 = tpu.memref_squeeze %dma_start3A_1979 : memref<1x1x1x80xi32, #tpu.memory_space<hbm>> -> memref<80xi32, #tpu.memory_space<hbm>>
        %dma_start3A_1981 = arith.constant 0 : i32
        %dma_start3A_1982 = tpu.memref_slice %arg6[%dma_start3A_1973, %dma_start3A_1974, %dma_start3A_1981] : memref<8x2x80xi32, #tpu.memory_space<vmem>> -> memref<1x1x80xi32, #tpu.memory_space<vmem>>
        %dma_start3A_1983 = tpu.memref_squeeze %dma_start3A_1982 : memref<1x1x80xi32, #tpu.memory_space<vmem>> -> memref<80xi32, #tpu.memory_space<vmem>>
        %dma_start3A_1984 = arith.constant 0 : i32
        %dma_start3A_1985 = tpu.memref_slice %arg3[%dma_start3A_1972, %add3A, %add3A_1956, %dma_start3A_1984] : memref<2x32x128x80xi32, #tpu.memory_space<hbm>> -> memref<1x1x1x80xi32, #tpu.memory_space<hbm>>
        %dma_start3A_1986 = tpu.memref_squeeze %dma_start3A_1985 : memref<1x1x1x80xi32, #tpu.memory_space<hbm>> -> memref<80xi32, #tpu.memory_space<hbm>>
        tpu.enqueue_dma source(%dma_start3A_1986 : memref<80xi32, #tpu.memory_space<hbm>>) target(%dma_start3A_1983 : memref<80xi32, #tpu.memory_space<vmem>>) target_semaphore(%arg22 : memref<!tpu.dma_semaphore, #tpu.memory_space<semaphore_mem>>)
      } else {
      }
      %add3A_1915 = arith.constant 7 : i32
      %add3A_1916 = arith.addi %add3A_1644, %add3A_1915 : i32
      %dma_wait3A_1917 = arith.constant 1 : i32
      %dma_wait3A_1918 = arith.constant 1 : i32
      %dma_wait3A_1919 = arith.constant 0 : i32
      %dma_wait3A_1920 = tpu.memref_slice %arg6[%dma_wait3A_1917, %dma_wait3A_1918, %dma_wait3A_1919] : memref<8x2x80xi32, #tpu.memory_space<vmem>> -> memref<1x1x80xi32, #tpu.memory_space<vmem>>
      %dma_wait3A_1921 = tpu.memref_squeeze %dma_wait3A_1920 : memref<1x1x80xi32, #tpu.memory_space<vmem>> -> memref<80xi32, #tpu.memory_space<vmem>>
      %dma_wait3A_1922 = arith.constant 0 : i32
      %dma_wait3A_1923 = arith.constant 0 : i32
      %dma_wait3A_1924 = tpu.memref_slice %arg5[%dma_wait3A_1922, %dma_wait3A_1923] : memref<10240x128xf32, #tpu.memory_space<vmem_shared>> -> memref<10240x128xf32, #tpu.memory_space<vmem_shared>>
      tpu.wait_indirect_dma semaphore(%arg17 : memref<!tpu.dma_semaphore, #tpu.memory_space<semaphore_mem>>) src(%arg8 : memref<80x128xf32, #tpu.memory_space<vmem>>) dst(%dma_wait3A_1924 : memref<10240x128xf32, #tpu.memory_space<vmem_shared>>)
      %add3A_1925 = arith.constant 2 : i32
      %add3A_1926 = arith.addi %add3A_1916, %add3A_1925 : i32
      %lt3A_1927 = arith.constant 128 : i32
      %lt3A_1928 = arith.cmpi slt, %add3A_1926, %lt3A_1927 : i32
      %convert_element_type3A_1929 = arith.extui %lt3A_1928 : i1 to i32
      %cond3A_1930 = arith.constant 0 : i32
      %cond3A_1931 = arith.cmpi ne, %convert_element_type3A_1929, %cond3A_1930 : i32
      scf.if %cond3A_1931 {
        %dma_wait3A_1955 = arith.constant 0 : i32
        %dma_wait3A_1956 = arith.constant 0 : i32
        %dma_wait3A_1957 = arith.constant 1 : i32
        %dma_wait3A_1958 = arith.constant 0 : i32
        %dma_wait3A_1959 = arith.constant 0 : i32
        %dma_wait3A_1960 = tpu.memref_slice %arg6[%dma_wait3A_1957, %dma_wait3A_1958, %dma_wait3A_1959] : memref<8x2x80xi32, #tpu.memory_space<vmem>> -> memref<1x1x80xi32, #tpu.memory_space<vmem>>
        %dma_wait3A_1961 = tpu.memref_squeeze %dma_wait3A_1960 : memref<1x1x80xi32, #tpu.memory_space<vmem>> -> memref<80xi32, #tpu.memory_space<vmem>>
        %dma_wait3A_1962 = arith.constant 0 : i32
        %dma_wait3A_1963 = tpu.memref_slice %arg3[%dma_wait3A_1955, %add3A, %dma_wait3A_1956, %dma_wait3A_1962] : memref<2x32x128x80xi32, #tpu.memory_space<hbm>> -> memref<1x1x1x80xi32, #tpu.memory_space<hbm>>
        %dma_wait3A_1964 = tpu.memref_squeeze %dma_wait3A_1963 : memref<1x1x1x80xi32, #tpu.memory_space<hbm>> -> memref<80xi32, #tpu.memory_space<hbm>>
        %dma_wait3A_1965 = arith.constant 0 : i32
        %dma_wait3A_1966 = tpu.memref_slice %arg6[%dma_wait3A_1957, %dma_wait3A_1958, %dma_wait3A_1965] : memref<8x2x80xi32, #tpu.memory_space<vmem>> -> memref<1x1x80xi32, #tpu.memory_space<vmem>>
        %dma_wait3A_1967 = tpu.memref_squeeze %dma_wait3A_1966 : memref<1x1x80xi32, #tpu.memory_space<vmem>> -> memref<80xi32, #tpu.memory_space<vmem>>
        %dma_wait3A_1968 = arith.constant 0 : i32
        %dma_wait3A_1969 = tpu.memref_slice %arg3[%dma_wait3A_1955, %add3A, %dma_wait3A_1956, %dma_wait3A_1968] : memref<2x32x128x80xi32, #tpu.memory_space<hbm>> -> memref<1x1x1x80xi32, #tpu.memory_space<hbm>>
        %dma_wait3A_1970 = tpu.memref_squeeze %dma_wait3A_1969 : memref<1x1x1x80xi32, #tpu.memory_space<hbm>> -> memref<80xi32, #tpu.memory_space<hbm>>
        tpu.wait_dma2 semaphore(%arg21 : memref<!tpu.dma_semaphore, #tpu.memory_space<semaphore_mem>>) src(%dma_wait3A_1970 : memref<80xi32, #tpu.memory_space<hbm>>) dst(%dma_wait3A_1967 : memref<80xi32, #tpu.memory_space<vmem>>)
        %dma_wait3A_1971 = arith.constant 1 : i32
        %dma_wait3A_1972 = arith.constant 0 : i32
        %dma_wait3A_1973 = arith.constant 1 : i32
        %dma_wait3A_1974 = arith.constant 1 : i32
        %dma_wait3A_1975 = arith.constant 0 : i32
        %dma_wait3A_1976 = tpu.memref_slice %arg6[%dma_wait3A_1973, %dma_wait3A_1974, %dma_wait3A_1975] : memref<8x2x80xi32, #tpu.memory_space<vmem>> -> memref<1x1x80xi32, #tpu.memory_space<vmem>>
        %dma_wait3A_1977 = tpu.memref_squeeze %dma_wait3A_1976 : memref<1x1x80xi32, #tpu.memory_space<vmem>> -> memref<80xi32, #tpu.memory_space<vmem>>
        %dma_wait3A_1978 = arith.constant 0 : i32
        %dma_wait3A_1979 = tpu.memref_slice %arg3[%dma_wait3A_1971, %add3A, %dma_wait3A_1972, %dma_wait3A_1978] : memref<2x32x128x80xi32, #tpu.memory_space<hbm>> -> memref<1x1x1x80xi32, #tpu.memory_space<hbm>>
        %dma_wait3A_1980 = tpu.memref_squeeze %dma_wait3A_1979 : memref<1x1x1x80xi32, #tpu.memory_space<hbm>> -> memref<80xi32, #tpu.memory_space<hbm>>
        %dma_wait3A_1981 = arith.constant 0 : i32
        %dma_wait3A_1982 = tpu.memref_slice %arg6[%dma_wait3A_1973, %dma_wait3A_1974, %dma_wait3A_1981] : memref<8x2x80xi32, #tpu.memory_space<vmem>> -> memref<1x1x80xi32, #tpu.memory_space<vmem>>
        %dma_wait3A_1983 = tpu.memref_squeeze %dma_wait3A_1982 : memref<1x1x80xi32, #tpu.memory_space<vmem>> -> memref<80xi32, #tpu.memory_space<vmem>>
        %dma_wait3A_1984 = arith.constant 0 : i32
        %dma_wait3A_1985 = tpu.memref_slice %arg3[%dma_wait3A_1971, %add3A, %dma_wait3A_1972, %dma_wait3A_1984] : memref<2x32x128x80xi32, #tpu.memory_space<hbm>> -> memref<1x1x1x80xi32, #tpu.memory_space<hbm>>
        %dma_wait3A_1986 = tpu.memref_squeeze %dma_wait3A_1985 : memref<1x1x1x80xi32, #tpu.memory_space<hbm>> -> memref<80xi32, #tpu.memory_space<hbm>>
        tpu.wait_dma2 semaphore(%arg21 : memref<!tpu.dma_semaphore, #tpu.memory_space<semaphore_mem>>) src(%dma_wait3A_1986 : memref<80xi32, #tpu.memory_space<hbm>>) dst(%dma_wait3A_1983 : memref<80xi32, #tpu.memory_space<vmem>>)
        %dma_start3A_1987 = arith.constant 1 : i32
        %dma_start3A_1988 = arith.constant 0 : i32
        %dma_start3A_1989 = arith.constant 0 : i32
        %dma_start3A_1990 = tpu.memref_slice %arg6[%dma_start3A_1987, %dma_start3A_1988, %dma_start3A_1989] : memref<8x2x80xi32, #tpu.memory_space<vmem>> -> memref<1x1x80xi32, #tpu.memory_space<vmem>>
        %dma_start3A_1991 = tpu.memref_squeeze %dma_start3A_1990 : memref<1x1x80xi32, #tpu.memory_space<vmem>> -> memref<80xi32, #tpu.memory_space<vmem>>
        %dma_start3A_1992 = arith.constant 0 : i32
        %dma_start3A_1993 = arith.constant 0 : i32
        %dma_start3A_1994 = tpu.memref_slice %arg2[%dma_start3A_1992, %dma_start3A_1993] : memref<10240x128xf32, #tpu.memory_space<hbm>> -> memref<10240x128xf32, #tpu.memory_space<hbm>>
        tpu.enqueue_indirect_dma source(%dma_start3A_1994 : memref<10240x128xf32, #tpu.memory_space<hbm>>) target(%arg8 : memref<80x128xf32, #tpu.memory_space<vmem>>) offsets(%dma_start3A_1991 : memref<80xi32, #tpu.memory_space<vmem>>) semaphore(%arg13 : memref<!tpu.dma_semaphore, #tpu.memory_space<semaphore_mem>>)
      } else {
      }
      %dma_wait3A_1932 = arith.constant 7 : i32
      %dma_wait3A_1933 = arith.constant 0 : i32
      %dma_wait3A_1934 = arith.constant 0 : i32
      %dma_wait3A_1935 = tpu.memref_slice %arg6[%dma_wait3A_1932, %dma_wait3A_1933, %dma_wait3A_1934] : memref<8x2x80xi32, #tpu.memory_space<vmem>> -> memref<1x1x80xi32, #tpu.memory_space<vmem>>
      %dma_wait3A_1936 = tpu.memref_squeeze %dma_wait3A_1935 : memref<1x1x80xi32, #tpu.memory_space<vmem>> -> memref<80xi32, #tpu.memory_space<vmem>>
      %dma_wait3A_1937 = arith.constant 0 : i32
      %dma_wait3A_1938 = arith.constant 0 : i32
      %dma_wait3A_1939 = tpu.memref_slice %arg2[%dma_wait3A_1937, %dma_wait3A_1938] : memref<10240x128xf32, #tpu.memory_space<hbm>> -> memref<10240x128xf32, #tpu.memory_space<hbm>>
      tpu.wait_indirect_dma semaphore(%arg15 : memref<!tpu.dma_semaphore, #tpu.memory_space<semaphore_mem>>) src(%dma_wait3A_1939 : memref<10240x128xf32, #tpu.memory_space<hbm>>) dst(%arg10 : memref<80x128xf32, #tpu.memory_space<vmem>>)
      %dma_start3A_1940 = arith.constant 7 : i32
      %dma_start3A_1941 = arith.constant 1 : i32
      %dma_start3A_1942 = arith.constant 0 : i32
      %dma_start3A_1943 = tpu.memref_slice %arg6[%dma_start3A_1940, %dma_start3A_1941, %dma_start3A_1942] : memref<8x2x80xi32, #tpu.memory_space<vmem>> -> memref<1x1x80xi32, #tpu.memory_space<vmem>>
      %dma_start3A_1944 = tpu.memref_squeeze %dma_start3A_1943 : memref<1x1x80xi32, #tpu.memory_space<vmem>> -> memref<80xi32, #tpu.memory_space<vmem>>
      %dma_start3A_1945 = arith.constant 0 : i32
      %dma_start3A_1946 = arith.constant 0 : i32
      %dma_start3A_1947 = tpu.memref_slice %arg5[%dma_start3A_1945, %dma_start3A_1946] : memref<10240x128xf32, #tpu.memory_space<vmem_shared>> -> memref<10240x128xf32, #tpu.memory_space<vmem_shared>>
      tpu.enqueue_indirect_dma source(%arg10 : memref<80x128xf32, #tpu.memory_space<vmem>>) target(%dma_start3A_1947 : memref<10240x128xf32, #tpu.memory_space<vmem_shared>>) offsets(%dma_start3A_1944 : memref<80xi32, #tpu.memory_space<vmem>>) semaphore(%arg19 : memref<!tpu.dma_semaphore, #tpu.memory_space<semaphore_mem>>) {add = true}
      %add3A_1948 = arith.constant 4 : i32
      %add3A_1949 = arith.addi %add3A_1916, %add3A_1948 : i32
      %lt3A_1950 = arith.constant 128 : i32
      %lt3A_1951 = arith.cmpi slt, %add3A_1949, %lt3A_1950 : i32
      %convert_element_type3A_1952 = arith.extui %lt3A_1951 : i1 to i32
      %cond3A_1953 = arith.constant 0 : i32
      %cond3A_1954 = arith.cmpi ne, %convert_element_type3A_1952, %cond3A_1953 : i32
      scf.if %cond3A_1954 {
        %add3A_1955 = arith.constant 4 : i32
        %add3A_1956 = arith.addi %add3A_1916, %add3A_1955 : i32
        %dma_start3A_1957 = arith.constant 0 : i32
        %dma_start3A_1958 = arith.constant 3 : i32
        %dma_start3A_1959 = arith.constant 0 : i32
        %dma_start3A_1960 = arith.constant 0 : i32
        %dma_start3A_1961 = tpu.memref_slice %arg6[%dma_start3A_1958, %dma_start3A_1959, %dma_start3A_1960] : memref<8x2x80xi32, #tpu.memory_space<vmem>> -> memref<1x1x80xi32, #tpu.memory_space<vmem>>
        %dma_start3A_1962 = tpu.memref_squeeze %dma_start3A_1961 : memref<1x1x80xi32, #tpu.memory_space<vmem>> -> memref<80xi32, #tpu.memory_space<vmem>>
        %dma_start3A_1963 = arith.constant 0 : i32
        %dma_start3A_1964 = tpu.memref_slice %arg3[%dma_start3A_1957, %add3A, %add3A_1956, %dma_start3A_1963] : memref<2x32x128x80xi32, #tpu.memory_space<hbm>> -> memref<1x1x1x80xi32, #tpu.memory_space<hbm>>
        %dma_start3A_1965 = tpu.memref_squeeze %dma_start3A_1964 : memref<1x1x1x80xi32, #tpu.memory_space<hbm>> -> memref<80xi32, #tpu.memory_space<hbm>>
        %dma_start3A_1966 = arith.constant 0 : i32
        %dma_start3A_1967 = tpu.memref_slice %arg6[%dma_start3A_1958, %dma_start3A_1959, %dma_start3A_1966] : memref<8x2x80xi32, #tpu.memory_space<vmem>> -> memref<1x1x80xi32, #tpu.memory_space<vmem>>
        %dma_start3A_1968 = tpu.memref_squeeze %dma_start3A_1967 : memref<1x1x80xi32, #tpu.memory_space<vmem>> -> memref<80xi32, #tpu.memory_space<vmem>>
        %dma_start3A_1969 = arith.constant 0 : i32
        %dma_start3A_1970 = tpu.memref_slice %arg3[%dma_start3A_1957, %add3A, %add3A_1956, %dma_start3A_1969] : memref<2x32x128x80xi32, #tpu.memory_space<hbm>> -> memref<1x1x1x80xi32, #tpu.memory_space<hbm>>
        %dma_start3A_1971 = tpu.memref_squeeze %dma_start3A_1970 : memref<1x1x1x80xi32, #tpu.memory_space<hbm>> -> memref<80xi32, #tpu.memory_space<hbm>>
        tpu.enqueue_dma source(%dma_start3A_1971 : memref<80xi32, #tpu.memory_space<hbm>>) target(%dma_start3A_1968 : memref<80xi32, #tpu.memory_space<vmem>>) target_semaphore(%arg23 : memref<!tpu.dma_semaphore, #tpu.memory_space<semaphore_mem>>)
        %dma_start3A_1972 = arith.constant 1 : i32
        %dma_start3A_1973 = arith.constant 3 : i32
        %dma_start3A_1974 = arith.constant 1 : i32
        %dma_start3A_1975 = arith.constant 0 : i32
        %dma_start3A_1976 = tpu.memref_slice %arg6[%dma_start3A_1973, %dma_start3A_1974, %dma_start3A_1975] : memref<8x2x80xi32, #tpu.memory_space<vmem>> -> memref<1x1x80xi32, #tpu.memory_space<vmem>>
        %dma_start3A_1977 = tpu.memref_squeeze %dma_start3A_1976 : memref<1x1x80xi32, #tpu.memory_space<vmem>> -> memref<80xi32, #tpu.memory_space<vmem>>
        %dma_start3A_1978 = arith.constant 0 : i32
        %dma_start3A_1979 = tpu.memref_slice %arg3[%dma_start3A_1972, %add3A, %add3A_1956, %dma_start3A_1978] : memref<2x32x128x80xi32, #tpu.memory_space<hbm>> -> memref<1x1x1x80xi32, #tpu.memory_space<hbm>>
        %dma_start3A_1980 = tpu.memref_squeeze %dma_start3A_1979 : memref<1x1x1x80xi32, #tpu.memory_space<hbm>> -> memref<80xi32, #tpu.memory_space<hbm>>
        %dma_start3A_1981 = arith.constant 0 : i32
        %dma_start3A_1982 = tpu.memref_slice %arg6[%dma_start3A_1973, %dma_start3A_1974, %dma_start3A_1981] : memref<8x2x80xi32, #tpu.memory_space<vmem>> -> memref<1x1x80xi32, #tpu.memory_space<vmem>>
        %dma_start3A_1983 = tpu.memref_squeeze %dma_start3A_1982 : memref<1x1x80xi32, #tpu.memory_space<vmem>> -> memref<80xi32, #tpu.memory_space<vmem>>
        %dma_start3A_1984 = arith.constant 0 : i32
        %dma_start3A_1985 = tpu.memref_slice %arg3[%dma_start3A_1972, %add3A, %add3A_1956, %dma_start3A_1984] : memref<2x32x128x80xi32, #tpu.memory_space<hbm>> -> memref<1x1x1x80xi32, #tpu.memory_space<hbm>>
        %dma_start3A_1986 = tpu.memref_squeeze %dma_start3A_1985 : memref<1x1x1x80xi32, #tpu.memory_space<hbm>> -> memref<80xi32, #tpu.memory_space<hbm>>
        tpu.enqueue_dma source(%dma_start3A_1986 : memref<80xi32, #tpu.memory_space<hbm>>) target(%dma_start3A_1983 : memref<80xi32, #tpu.memory_space<vmem>>) target_semaphore(%arg23 : memref<!tpu.dma_semaphore, #tpu.memory_space<semaphore_mem>>)
      } else {
      }
    }
    %scan3A_1618 = arith.constant 16 : i32
    %dma_wait3A_1619 = arith.constant 6 : i32
    %dma_wait3A_1620 = arith.constant 1 : i32
    %dma_wait3A_1621 = arith.constant 0 : i32
    %dma_wait3A_1622 = tpu.memref_slice %arg6[%dma_wait3A_1619, %dma_wait3A_1620, %dma_wait3A_1621] : memref<8x2x80xi32, #tpu.memory_space<vmem>> -> memref<1x1x80xi32, #tpu.memory_space<vmem>>
    %dma_wait3A_1623 = tpu.memref_squeeze %dma_wait3A_1622 : memref<1x1x80xi32, #tpu.memory_space<vmem>> -> memref<80xi32, #tpu.memory_space<vmem>>
    %dma_wait3A_1624 = arith.constant 0 : i32
    %dma_wait3A_1625 = arith.constant 0 : i32
    %dma_wait3A_1626 = tpu.memref_slice %arg5[%dma_wait3A_1624, %dma_wait3A_1625] : memref<10240x128xf32, #tpu.memory_space<vmem_shared>> -> memref<10240x128xf32, #tpu.memory_space<vmem_shared>>
    tpu.wait_indirect_dma semaphore(%arg18 : memref<!tpu.dma_semaphore, #tpu.memory_space<semaphore_mem>>) src(%arg9 : memref<80x128xf32, #tpu.memory_space<vmem>>) dst(%dma_wait3A_1626 : memref<10240x128xf32, #tpu.memory_space<vmem_shared>>)
    %dma_wait3A_1627 = arith.constant 7 : i32
    %dma_wait3A_1628 = arith.constant 1 : i32
    %dma_wait3A_1629 = arith.constant 0 : i32
    %dma_wait3A_1630 = tpu.memref_slice %arg6[%dma_wait3A_1627, %dma_wait3A_1628, %dma_wait3A_1629] : memref<8x2x80xi32, #tpu.memory_space<vmem>> -> memref<1x1x80xi32, #tpu.memory_space<vmem>>
    %dma_wait3A_1631 = tpu.memref_squeeze %dma_wait3A_1630 : memref<1x1x80xi32, #tpu.memory_space<vmem>> -> memref<80xi32, #tpu.memory_space<vmem>>
    %dma_wait3A_1632 = arith.constant 0 : i32
    %dma_wait3A_1633 = arith.constant 0 : i32
    %dma_wait3A_1634 = tpu.memref_slice %arg5[%dma_wait3A_1632, %dma_wait3A_1633] : memref<10240x128xf32, #tpu.memory_space<vmem_shared>> -> memref<10240x128xf32, #tpu.memory_space<vmem_shared>>
    tpu.wait_indirect_dma semaphore(%arg19 : memref<!tpu.dma_semaphore, #tpu.memory_space<semaphore_mem>>) src(%arg10 : memref<80x128xf32, #tpu.memory_space<vmem>>) dst(%dma_wait3A_1634 : memref<10240x128xf32, #tpu.memory_space<vmem_shared>>)
    %barrier3A_1635 = arith.constant 0 : index
    tpu.barrier barrier_id(%barrier3A_1635)
    %mul3A_1636 = arith.constant 640 : i32
    %mul3A_1637 = arith.muli %arg1, %mul3A_1636 : i32
    %mul3A_1638 = arith.constant 640 : i32
    %mul3A_1639 = arith.muli %arg1, %mul3A_1638 : i32
    "tpu.region"() ({
      %run_scoped3A = tpu.sem_alloc : memref<!tpu.dma_semaphore, #tpu.memory_space<semaphore_mem>>
      %dma_start3A_1640 = arith.constant 0 : i32
      %dma_start3A_1641 = tpu.memref_slice %arg4[%arg0, %mul3A_1639, %dma_start3A_1640] : memref<2x10240x128xf32, #tpu.memory_space<hbm>> -> memref<1x640x128xf32, #tpu.memory_space<hbm>>
      %dma_start3A_1642 = tpu.memref_squeeze %dma_start3A_1641 : memref<1x640x128xf32, #tpu.memory_space<hbm>> -> memref<640x128xf32, #tpu.memory_space<hbm>>
      %dma_start3A_1643 = arith.constant 0 : i32
      %dma_start3A_1644 = tpu.memref_slice %arg5[%mul3A_1637, %dma_start3A_1643] : memref<10240x128xf32, #tpu.memory_space<vmem_shared>> -> memref<640x128xf32, #tpu.memory_space<vmem_shared>>
      tpu.enqueue_dma source(%dma_start3A_1644 : memref<640x128xf32, #tpu.memory_space<vmem_shared>>) target(%dma_start3A_1642 : memref<640x128xf32, #tpu.memory_space<hbm>>) target_semaphore(%run_scoped3A : memref<!tpu.dma_semaphore, #tpu.memory_space<semaphore_mem>>)
      %dma_wait3A_1645 = arith.constant 0 : i32
      %dma_wait3A_1646 = tpu.memref_slice %arg4[%arg0, %mul3A_1639, %dma_wait3A_1645] : memref<2x10240x128xf32, #tpu.memory_space<hbm>> -> memref<1x640x128xf32, #tpu.memory_space<hbm>>
      %dma_wait3A_1647 = tpu.memref_squeeze %dma_wait3A_1646 : memref<1x640x128xf32, #tpu.memory_space<hbm>> -> memref<640x128xf32, #tpu.memory_space<hbm>>
      %dma_wait3A_1648 = arith.constant 0 : i32
      %dma_wait3A_1649 = tpu.memref_slice %arg5[%mul3A_1637, %dma_wait3A_1648] : memref<10240x128xf32, #tpu.memory_space<vmem_shared>> -> memref<640x128xf32, #tpu.memory_space<vmem_shared>>
      tpu.wait_dma2 semaphore(%run_scoped3A : memref<!tpu.dma_semaphore, #tpu.memory_space<semaphore_mem>>) src(%dma_wait3A_1649 : memref<640x128xf32, #tpu.memory_space<vmem_shared>>) dst(%dma_wait3A_1647 : memref<640x128xf32, #tpu.memory_space<hbm>>)
      tpu.yield
    }) : () -> ()
    return
  }
}

#map = affine_map<(d0, d1) -> (0, 0, 0, 0)>
#map1 = affine_map<(d0, d1) -> (0, 0)>
module attributes {stable_mosaic.version = 14 : i64} {
  func.func @_deg_body(%arg0: i32, %arg1: i32, %arg2: memref<2x32x128x80xi32, #tpu.memory_space<hbm>>, %arg3: memref<2x10240xf32, #tpu.memory_space<hbm>>, %arg4: memref<10240xf32, #tpu.memory_space<vmem_shared>>, %arg5: memref<128x80xi32, #tpu.memory_space<vmem>>, %arg6: memref<80xf32, #tpu.memory_space<vmem>>, %arg7: memref<640xf32, #tpu.memory_space<vmem>>, %arg8: memref<!tpu.dma_semaphore, #tpu.memory_space<semaphore_mem>>) attributes {dimension_semantics = [#tpu.dimension_semantics<core_parallel>, #tpu.dimension_semantics<subcore_parallel>], iteration_bounds = array<i64: 2, 16>, scalar_prefetch = 0 : i64, scratch_operands = 5 : i64, tpu.core_type = #tpu.core_type<sc_vector_subcore>, window_params = [{transform_indices = #map}, {transform_indices = #map1}]} {
    %mul3A = arith.constant 2 : i32
    %mul3A_0 = arith.muli %arg1, %mul3A : i32
    %add3A = arith.addi %mul3A_0, %arg0 : i32
    %broadcast_in_dim3A = arith.constant 0.000000e+00 : f32
    %broadcast_in_dim3A_1 = vector.broadcast %broadcast_in_dim3A : f32 to vector<16xf32>
    %broadcast_in_dim3A_2 = arith.constant 1.000000e+00 : f32
    %broadcast_in_dim3A_3 = vector.broadcast %broadcast_in_dim3A_2 : f32 to vector<16xf32>
    %swap3A = arith.constant 0 : index
    %swap3A_4 = tpu.vector_load %arg7[%swap3A] {strides = array<i32>} : memref<640xf32, #tpu.memory_space<vmem>>, vector<16xf32>,
    %swap3A_5 = vector.shape_cast %swap3A_4 : vector<16xf32> to vector<16xf32>
    %swap3A_6 = vector.shape_cast %broadcast_in_dim3A_1 : vector<16xf32> to vector<16xf32>
    tpu.vector_store %arg7[%swap3A], %swap3A_6 {strides = array<i32>} : memref<640xf32, #tpu.memory_space<vmem>>, vector<16xf32>,
    %swap3A_7 = arith.constant 16 : index
    %swap3A_8 = tpu.vector_load %arg7[%swap3A_7] {strides = array<i32>} : memref<640xf32, #tpu.memory_space<vmem>>, vector<16xf32>,
    %swap3A_9 = vector.shape_cast %swap3A_8 : vector<16xf32> to vector<16xf32>
    %swap3A_10 = vector.shape_cast %broadcast_in_dim3A_1 : vector<16xf32> to vector<16xf32>
    tpu.vector_store %arg7[%swap3A_7], %swap3A_10 {strides = array<i32>} : memref<640xf32, #tpu.memory_space<vmem>>, vector<16xf32>,
    %swap3A_11 = arith.constant 32 : index
    %swap3A_12 = tpu.vector_load %arg7[%swap3A_11] {strides = array<i32>} : memref<640xf32, #tpu.memory_space<vmem>>, vector<16xf32>,
    %swap3A_13 = vector.shape_cast %swap3A_12 : vector<16xf32> to vector<16xf32>
    %swap3A_14 = vector.shape_cast %broadcast_in_dim3A_1 : vector<16xf32> to vector<16xf32>
    tpu.vector_store %arg7[%swap3A_11], %swap3A_14 {strides = array<i32>} : memref<640xf32, #tpu.memory_space<vmem>>, vector<16xf32>,
    %swap3A_15 = arith.constant 48 : index
    %swap3A_16 = tpu.vector_load %arg7[%swap3A_15] {strides = array<i32>} : memref<640xf32, #tpu.memory_space<vmem>>, vector<16xf32>,
    %swap3A_17 = vector.shape_cast %swap3A_16 : vector<16xf32> to vector<16xf32>
    %swap3A_18 = vector.shape_cast %broadcast_in_dim3A_1 : vector<16xf32> to vector<16xf32>
    tpu.vector_store %arg7[%swap3A_15], %swap3A_18 {strides = array<i32>} : memref<640xf32, #tpu.memory_space<vmem>>, vector<16xf32>,
    %swap3A_19 = arith.constant 64 : index
    %swap3A_20 = tpu.vector_load %arg7[%swap3A_19] {strides = array<i32>} : memref<640xf32, #tpu.memory_space<vmem>>, vector<16xf32>,
    %swap3A_21 = vector.shape_cast %swap3A_20 : vector<16xf32> to vector<16xf32>
    %swap3A_22 = vector.shape_cast %broadcast_in_dim3A_1 : vector<16xf32> to vector<16xf32>
    tpu.vector_store %arg7[%swap3A_19], %swap3A_22 {strides = array<i32>} : memref<640xf32, #tpu.memory_space<vmem>>, vector<16xf32>,
    %swap3A_23 = arith.constant 80 : index
    %swap3A_24 = tpu.vector_load %arg7[%swap3A_23] {strides = array<i32>} : memref<640xf32, #tpu.memory_space<vmem>>, vector<16xf32>,
    %swap3A_25 = vector.shape_cast %swap3A_24 : vector<16xf32> to vector<16xf32>
    %swap3A_26 = vector.shape_cast %broadcast_in_dim3A_1 : vector<16xf32> to vector<16xf32>
    tpu.vector_store %arg7[%swap3A_23], %swap3A_26 {strides = array<i32>} : memref<640xf32, #tpu.memory_space<vmem>>, vector<16xf32>,
    %swap3A_27 = arith.constant 96 : index
    %swap3A_28 = tpu.vector_load %arg7[%swap3A_27] {strides = array<i32>} : memref<640xf32, #tpu.memory_space<vmem>>, vector<16xf32>,
    %swap3A_29 = vector.shape_cast %swap3A_28 : vector<16xf32> to vector<16xf32>
    %swap3A_30 = vector.shape_cast %broadcast_in_dim3A_1 : vector<16xf32> to vector<16xf32>
    tpu.vector_store %arg7[%swap3A_27], %swap3A_30 {strides = array<i32>} : memref<640xf32, #tpu.memory_space<vmem>>, vector<16xf32>,
    %swap3A_31 = arith.constant 112 : index
    %swap3A_32 = tpu.vector_load %arg7[%swap3A_31] {strides = array<i32>} : memref<640xf32, #tpu.memory_space<vmem>>, vector<16xf32>,
    %swap3A_33 = vector.shape_cast %swap3A_32 : vector<16xf32> to vector<16xf32>
    %swap3A_34 = vector.shape_cast %broadcast_in_dim3A_1 : vector<16xf32> to vector<16xf32>
    tpu.vector_store %arg7[%swap3A_31], %swap3A_34 {strides = array<i32>} : memref<640xf32, #tpu.memory_space<vmem>>, vector<16xf32>,
    %swap3A_35 = arith.constant 128 : index
    %swap3A_36 = tpu.vector_load %arg7[%swap3A_35] {strides = array<i32>} : memref<640xf32, #tpu.memory_space<vmem>>, vector<16xf32>,
    %swap3A_37 = vector.shape_cast %swap3A_36 : vector<16xf32> to vector<16xf32>
    %swap3A_38 = vector.shape_cast %broadcast_in_dim3A_1 : vector<16xf32> to vector<16xf32>
    tpu.vector_store %arg7[%swap3A_35], %swap3A_38 {strides = array<i32>} : memref<640xf32, #tpu.memory_space<vmem>>, vector<16xf32>,
    %swap3A_39 = arith.constant 144 : index
    %swap3A_40 = tpu.vector_load %arg7[%swap3A_39] {strides = array<i32>} : memref<640xf32, #tpu.memory_space<vmem>>, vector<16xf32>,
    %swap3A_41 = vector.shape_cast %swap3A_40 : vector<16xf32> to vector<16xf32>
    %swap3A_42 = vector.shape_cast %broadcast_in_dim3A_1 : vector<16xf32> to vector<16xf32>
    tpu.vector_store %arg7[%swap3A_39], %swap3A_42 {strides = array<i32>} : memref<640xf32, #tpu.memory_space<vmem>>, vector<16xf32>,
    %swap3A_43 = arith.constant 160 : index
    %swap3A_44 = tpu.vector_load %arg7[%swap3A_43] {strides = array<i32>} : memref<640xf32, #tpu.memory_space<vmem>>, vector<16xf32>,
    %swap3A_45 = vector.shape_cast %swap3A_44 : vector<16xf32> to vector<16xf32>
    %swap3A_46 = vector.shape_cast %broadcast_in_dim3A_1 : vector<16xf32> to vector<16xf32>
    tpu.vector_store %arg7[%swap3A_43], %swap3A_46 {strides = array<i32>} : memref<640xf32, #tpu.memory_space<vmem>>, vector<16xf32>,
    %swap3A_47 = arith.constant 176 : index
    %swap3A_48 = tpu.vector_load %arg7[%swap3A_47] {strides = array<i32>} : memref<640xf32, #tpu.memory_space<vmem>>, vector<16xf32>,
    %swap3A_49 = vector.shape_cast %swap3A_48 : vector<16xf32> to vector<16xf32>
    %swap3A_50 = vector.shape_cast %broadcast_in_dim3A_1 : vector<16xf32> to vector<16xf32>
    tpu.vector_store %arg7[%swap3A_47], %swap3A_50 {strides = array<i32>} : memref<640xf32, #tpu.memory_space<vmem>>, vector<16xf32>,
    %swap3A_51 = arith.constant 192 : index
    %swap3A_52 = tpu.vector_load %arg7[%swap3A_51] {strides = array<i32>} : memref<640xf32, #tpu.memory_space<vmem>>, vector<16xf32>,
    %swap3A_53 = vector.shape_cast %swap3A_52 : vector<16xf32> to vector<16xf32>
    %swap3A_54 = vector.shape_cast %broadcast_in_dim3A_1 : vector<16xf32> to vector<16xf32>
    tpu.vector_store %arg7[%swap3A_51], %swap3A_54 {strides = array<i32>} : memref<640xf32, #tpu.memory_space<vmem>>, vector<16xf32>,
    %swap3A_55 = arith.constant 208 : index
    %swap3A_56 = tpu.vector_load %arg7[%swap3A_55] {strides = array<i32>} : memref<640xf32, #tpu.memory_space<vmem>>, vector<16xf32>,
    %swap3A_57 = vector.shape_cast %swap3A_56 : vector<16xf32> to vector<16xf32>
    %swap3A_58 = vector.shape_cast %broadcast_in_dim3A_1 : vector<16xf32> to vector<16xf32>
    tpu.vector_store %arg7[%swap3A_55], %swap3A_58 {strides = array<i32>} : memref<640xf32, #tpu.memory_space<vmem>>, vector<16xf32>,
    %swap3A_59 = arith.constant 224 : index
    %swap3A_60 = tpu.vector_load %arg7[%swap3A_59] {strides = array<i32>} : memref<640xf32, #tpu.memory_space<vmem>>, vector<16xf32>,
    %swap3A_61 = vector.shape_cast %swap3A_60 : vector<16xf32> to vector<16xf32>
    %swap3A_62 = vector.shape_cast %broadcast_in_dim3A_1 : vector<16xf32> to vector<16xf32>
    tpu.vector_store %arg7[%swap3A_59], %swap3A_62 {strides = array<i32>} : memref<640xf32, #tpu.memory_space<vmem>>, vector<16xf32>,
    %swap3A_63 = arith.constant 240 : index
    %swap3A_64 = tpu.vector_load %arg7[%swap3A_63] {strides = array<i32>} : memref<640xf32, #tpu.memory_space<vmem>>, vector<16xf32>,
    %swap3A_65 = vector.shape_cast %swap3A_64 : vector<16xf32> to vector<16xf32>
    %swap3A_66 = vector.shape_cast %broadcast_in_dim3A_1 : vector<16xf32> to vector<16xf32>
    tpu.vector_store %arg7[%swap3A_63], %swap3A_66 {strides = array<i32>} : memref<640xf32, #tpu.memory_space<vmem>>, vector<16xf32>,
    %swap3A_67 = arith.constant 256 : index
    %swap3A_68 = tpu.vector_load %arg7[%swap3A_67] {strides = array<i32>} : memref<640xf32, #tpu.memory_space<vmem>>, vector<16xf32>,
    %swap3A_69 = vector.shape_cast %swap3A_68 : vector<16xf32> to vector<16xf32>
    %swap3A_70 = vector.shape_cast %broadcast_in_dim3A_1 : vector<16xf32> to vector<16xf32>
    tpu.vector_store %arg7[%swap3A_67], %swap3A_70 {strides = array<i32>} : memref<640xf32, #tpu.memory_space<vmem>>, vector<16xf32>,
    %swap3A_71 = arith.constant 272 : index
    %swap3A_72 = tpu.vector_load %arg7[%swap3A_71] {strides = array<i32>} : memref<640xf32, #tpu.memory_space<vmem>>, vector<16xf32>,
    %swap3A_73 = vector.shape_cast %swap3A_72 : vector<16xf32> to vector<16xf32>
    %swap3A_74 = vector.shape_cast %broadcast_in_dim3A_1 : vector<16xf32> to vector<16xf32>
    tpu.vector_store %arg7[%swap3A_71], %swap3A_74 {strides = array<i32>} : memref<640xf32, #tpu.memory_space<vmem>>, vector<16xf32>,
    %swap3A_75 = arith.constant 288 : index
    %swap3A_76 = tpu.vector_load %arg7[%swap3A_75] {strides = array<i32>} : memref<640xf32, #tpu.memory_space<vmem>>, vector<16xf32>,
    %swap3A_77 = vector.shape_cast %swap3A_76 : vector<16xf32> to vector<16xf32>
    %swap3A_78 = vector.shape_cast %broadcast_in_dim3A_1 : vector<16xf32> to vector<16xf32>
    tpu.vector_store %arg7[%swap3A_75], %swap3A_78 {strides = array<i32>} : memref<640xf32, #tpu.memory_space<vmem>>, vector<16xf32>,
    %swap3A_79 = arith.constant 304 : index
    %swap3A_80 = tpu.vector_load %arg7[%swap3A_79] {strides = array<i32>} : memref<640xf32, #tpu.memory_space<vmem>>, vector<16xf32>,
    %swap3A_81 = vector.shape_cast %swap3A_80 : vector<16xf32> to vector<16xf32>
    %swap3A_82 = vector.shape_cast %broadcast_in_dim3A_1 : vector<16xf32> to vector<16xf32>
    tpu.vector_store %arg7[%swap3A_79], %swap3A_82 {strides = array<i32>} : memref<640xf32, #tpu.memory_space<vmem>>, vector<16xf32>,
    %swap3A_83 = arith.constant 320 : index
    %swap3A_84 = tpu.vector_load %arg7[%swap3A_83] {strides = array<i32>} : memref<640xf32, #tpu.memory_space<vmem>>, vector<16xf32>,
    %swap3A_85 = vector.shape_cast %swap3A_84 : vector<16xf32> to vector<16xf32>
    %swap3A_86 = vector.shape_cast %broadcast_in_dim3A_1 : vector<16xf32> to vector<16xf32>
    tpu.vector_store %arg7[%swap3A_83], %swap3A_86 {strides = array<i32>} : memref<640xf32, #tpu.memory_space<vmem>>, vector<16xf32>,
    %swap3A_87 = arith.constant 336 : index
    %swap3A_88 = tpu.vector_load %arg7[%swap3A_87] {strides = array<i32>} : memref<640xf32, #tpu.memory_space<vmem>>, vector<16xf32>,
    %swap3A_89 = vector.shape_cast %swap3A_88 : vector<16xf32> to vector<16xf32>
    %swap3A_90 = vector.shape_cast %broadcast_in_dim3A_1 : vector<16xf32> to vector<16xf32>
    tpu.vector_store %arg7[%swap3A_87], %swap3A_90 {strides = array<i32>} : memref<640xf32, #tpu.memory_space<vmem>>, vector<16xf32>,
    %swap3A_91 = arith.constant 352 : index
    %swap3A_92 = tpu.vector_load %arg7[%swap3A_91] {strides = array<i32>} : memref<640xf32, #tpu.memory_space<vmem>>, vector<16xf32>,
    %swap3A_93 = vector.shape_cast %swap3A_92 : vector<16xf32> to vector<16xf32>
    %swap3A_94 = vector.shape_cast %broadcast_in_dim3A_1 : vector<16xf32> to vector<16xf32>
    tpu.vector_store %arg7[%swap3A_91], %swap3A_94 {strides = array<i32>} : memref<640xf32, #tpu.memory_space<vmem>>, vector<16xf32>,
    %swap3A_95 = arith.constant 368 : index
    %swap3A_96 = tpu.vector_load %arg7[%swap3A_95] {strides = array<i32>} : memref<640xf32, #tpu.memory_space<vmem>>, vector<16xf32>,
    %swap3A_97 = vector.shape_cast %swap3A_96 : vector<16xf32> to vector<16xf32>
    %swap3A_98 = vector.shape_cast %broadcast_in_dim3A_1 : vector<16xf32> to vector<16xf32>
    tpu.vector_store %arg7[%swap3A_95], %swap3A_98 {strides = array<i32>} : memref<640xf32, #tpu.memory_space<vmem>>, vector<16xf32>,
    %swap3A_99 = arith.constant 384 : index
    %swap3A_100 = tpu.vector_load %arg7[%swap3A_99] {strides = array<i32>} : memref<640xf32, #tpu.memory_space<vmem>>, vector<16xf32>,
    %swap3A_101 = vector.shape_cast %swap3A_100 : vector<16xf32> to vector<16xf32>
    %swap3A_102 = vector.shape_cast %broadcast_in_dim3A_1 : vector<16xf32> to vector<16xf32>
    tpu.vector_store %arg7[%swap3A_99], %swap3A_102 {strides = array<i32>} : memref<640xf32, #tpu.memory_space<vmem>>, vector<16xf32>,
    %swap3A_103 = arith.constant 400 : index
    %swap3A_104 = tpu.vector_load %arg7[%swap3A_103] {strides = array<i32>} : memref<640xf32, #tpu.memory_space<vmem>>, vector<16xf32>,
    %swap3A_105 = vector.shape_cast %swap3A_104 : vector<16xf32> to vector<16xf32>
    %swap3A_106 = vector.shape_cast %broadcast_in_dim3A_1 : vector<16xf32> to vector<16xf32>
    tpu.vector_store %arg7[%swap3A_103], %swap3A_106 {strides = array<i32>} : memref<640xf32, #tpu.memory_space<vmem>>, vector<16xf32>,
    %swap3A_107 = arith.constant 416 : index
    %swap3A_108 = tpu.vector_load %arg7[%swap3A_107] {strides = array<i32>} : memref<640xf32, #tpu.memory_space<vmem>>, vector<16xf32>,
    %swap3A_109 = vector.shape_cast %swap3A_108 : vector<16xf32> to vector<16xf32>
    %swap3A_110 = vector.shape_cast %broadcast_in_dim3A_1 : vector<16xf32> to vector<16xf32>
    tpu.vector_store %arg7[%swap3A_107], %swap3A_110 {strides = array<i32>} : memref<640xf32, #tpu.memory_space<vmem>>, vector<16xf32>,
    %swap3A_111 = arith.constant 432 : index
    %swap3A_112 = tpu.vector_load %arg7[%swap3A_111] {strides = array<i32>} : memref<640xf32, #tpu.memory_space<vmem>>, vector<16xf32>,
    %swap3A_113 = vector.shape_cast %swap3A_112 : vector<16xf32> to vector<16xf32>
    %swap3A_114 = vector.shape_cast %broadcast_in_dim3A_1 : vector<16xf32> to vector<16xf32>
    tpu.vector_store %arg7[%swap3A_111], %swap3A_114 {strides = array<i32>} : memref<640xf32, #tpu.memory_space<vmem>>, vector<16xf32>,
    %swap3A_115 = arith.constant 448 : index
    %swap3A_116 = tpu.vector_load %arg7[%swap3A_115] {strides = array<i32>} : memref<640xf32, #tpu.memory_space<vmem>>, vector<16xf32>,
    %swap3A_117 = vector.shape_cast %swap3A_116 : vector<16xf32> to vector<16xf32>
    %swap3A_118 = vector.shape_cast %broadcast_in_dim3A_1 : vector<16xf32> to vector<16xf32>
    tpu.vector_store %arg7[%swap3A_115], %swap3A_118 {strides = array<i32>} : memref<640xf32, #tpu.memory_space<vmem>>, vector<16xf32>,
    %swap3A_119 = arith.constant 464 : index
    %swap3A_120 = tpu.vector_load %arg7[%swap3A_119] {strides = array<i32>} : memref<640xf32, #tpu.memory_space<vmem>>, vector<16xf32>,
    %swap3A_121 = vector.shape_cast %swap3A_120 : vector<16xf32> to vector<16xf32>
    %swap3A_122 = vector.shape_cast %broadcast_in_dim3A_1 : vector<16xf32> to vector<16xf32>
    tpu.vector_store %arg7[%swap3A_119], %swap3A_122 {strides = array<i32>} : memref<640xf32, #tpu.memory_space<vmem>>, vector<16xf32>,
    %swap3A_123 = arith.constant 480 : index
    %swap3A_124 = tpu.vector_load %arg7[%swap3A_123] {strides = array<i32>} : memref<640xf32, #tpu.memory_space<vmem>>, vector<16xf32>,
    %swap3A_125 = vector.shape_cast %swap3A_124 : vector<16xf32> to vector<16xf32>
    %swap3A_126 = vector.shape_cast %broadcast_in_dim3A_1 : vector<16xf32> to vector<16xf32>
    tpu.vector_store %arg7[%swap3A_123], %swap3A_126 {strides = array<i32>} : memref<640xf32, #tpu.memory_space<vmem>>, vector<16xf32>,
    %swap3A_127 = arith.constant 496 : index
    %swap3A_128 = tpu.vector_load %arg7[%swap3A_127] {strides = array<i32>} : memref<640xf32, #tpu.memory_space<vmem>>, vector<16xf32>,
    %swap3A_129 = vector.shape_cast %swap3A_128 : vector<16xf32> to vector<16xf32>
    %swap3A_130 = vector.shape_cast %broadcast_in_dim3A_1 : vector<16xf32> to vector<16xf32>
    tpu.vector_store %arg7[%swap3A_127], %swap3A_130 {strides = array<i32>} : memref<640xf32, #tpu.memory_space<vmem>>, vector<16xf32>,
    %swap3A_131 = arith.constant 512 : index
    %swap3A_132 = tpu.vector_load %arg7[%swap3A_131] {strides = array<i32>} : memref<640xf32, #tpu.memory_space<vmem>>, vector<16xf32>,
    %swap3A_133 = vector.shape_cast %swap3A_132 : vector<16xf32> to vector<16xf32>
    %swap3A_134 = vector.shape_cast %broadcast_in_dim3A_1 : vector<16xf32> to vector<16xf32>
    tpu.vector_store %arg7[%swap3A_131], %swap3A_134 {strides = array<i32>} : memref<640xf32, #tpu.memory_space<vmem>>, vector<16xf32>,
    %swap3A_135 = arith.constant 528 : index
    %swap3A_136 = tpu.vector_load %arg7[%swap3A_135] {strides = array<i32>} : memref<640xf32, #tpu.memory_space<vmem>>, vector<16xf32>,
    %swap3A_137 = vector.shape_cast %swap3A_136 : vector<16xf32> to vector<16xf32>
    %swap3A_138 = vector.shape_cast %broadcast_in_dim3A_1 : vector<16xf32> to vector<16xf32>
    tpu.vector_store %arg7[%swap3A_135], %swap3A_138 {strides = array<i32>} : memref<640xf32, #tpu.memory_space<vmem>>, vector<16xf32>,
    %swap3A_139 = arith.constant 544 : index
    %swap3A_140 = tpu.vector_load %arg7[%swap3A_139] {strides = array<i32>} : memref<640xf32, #tpu.memory_space<vmem>>, vector<16xf32>,
    %swap3A_141 = vector.shape_cast %swap3A_140 : vector<16xf32> to vector<16xf32>
    %swap3A_142 = vector.shape_cast %broadcast_in_dim3A_1 : vector<16xf32> to vector<16xf32>
    tpu.vector_store %arg7[%swap3A_139], %swap3A_142 {strides = array<i32>} : memref<640xf32, #tpu.memory_space<vmem>>, vector<16xf32>,
    %swap3A_143 = arith.constant 560 : index
    %swap3A_144 = tpu.vector_load %arg7[%swap3A_143] {strides = array<i32>} : memref<640xf32, #tpu.memory_space<vmem>>, vector<16xf32>,
    %swap3A_145 = vector.shape_cast %swap3A_144 : vector<16xf32> to vector<16xf32>
    %swap3A_146 = vector.shape_cast %broadcast_in_dim3A_1 : vector<16xf32> to vector<16xf32>
    tpu.vector_store %arg7[%swap3A_143], %swap3A_146 {strides = array<i32>} : memref<640xf32, #tpu.memory_space<vmem>>, vector<16xf32>,
    %swap3A_147 = arith.constant 576 : index
    %swap3A_148 = tpu.vector_load %arg7[%swap3A_147] {strides = array<i32>} : memref<640xf32, #tpu.memory_space<vmem>>, vector<16xf32>,
    %swap3A_149 = vector.shape_cast %swap3A_148 : vector<16xf32> to vector<16xf32>
    %swap3A_150 = vector.shape_cast %broadcast_in_dim3A_1 : vector<16xf32> to vector<16xf32>
    tpu.vector_store %arg7[%swap3A_147], %swap3A_150 {strides = array<i32>} : memref<640xf32, #tpu.memory_space<vmem>>, vector<16xf32>,
    %swap3A_151 = arith.constant 592 : index
    %swap3A_152 = tpu.vector_load %arg7[%swap3A_151] {strides = array<i32>} : memref<640xf32, #tpu.memory_space<vmem>>, vector<16xf32>,
    %swap3A_153 = vector.shape_cast %swap3A_152 : vector<16xf32> to vector<16xf32>
    %swap3A_154 = vector.shape_cast %broadcast_in_dim3A_1 : vector<16xf32> to vector<16xf32>
    tpu.vector_store %arg7[%swap3A_151], %swap3A_154 {strides = array<i32>} : memref<640xf32, #tpu.memory_space<vmem>>, vector<16xf32>,
    %swap3A_155 = arith.constant 608 : index
    %swap3A_156 = tpu.vector_load %arg7[%swap3A_155] {strides = array<i32>} : memref<640xf32, #tpu.memory_space<vmem>>, vector<16xf32>,
    %swap3A_157 = vector.shape_cast %swap3A_156 : vector<16xf32> to vector<16xf32>
    %swap3A_158 = vector.shape_cast %broadcast_in_dim3A_1 : vector<16xf32> to vector<16xf32>
    tpu.vector_store %arg7[%swap3A_155], %swap3A_158 {strides = array<i32>} : memref<640xf32, #tpu.memory_space<vmem>>, vector<16xf32>,
    %swap3A_159 = arith.constant 624 : index
    %swap3A_160 = tpu.vector_load %arg7[%swap3A_159] {strides = array<i32>} : memref<640xf32, #tpu.memory_space<vmem>>, vector<16xf32>,
    %swap3A_161 = vector.shape_cast %swap3A_160 : vector<16xf32> to vector<16xf32>
    %swap3A_162 = vector.shape_cast %broadcast_in_dim3A_1 : vector<16xf32> to vector<16xf32>
    tpu.vector_store %arg7[%swap3A_159], %swap3A_162 {strides = array<i32>} : memref<640xf32, #tpu.memory_space<vmem>>, vector<16xf32>,
    %swap3A_163 = arith.constant 0 : index
    %swap3A_164 = tpu.vector_load %arg6[%swap3A_163] {strides = array<i32>} : memref<80xf32, #tpu.memory_space<vmem>>, vector<16xf32>,
    %swap3A_165 = vector.shape_cast %swap3A_164 : vector<16xf32> to vector<16xf32>
    %swap3A_166 = vector.shape_cast %broadcast_in_dim3A_3 : vector<16xf32> to vector<16xf32>
    tpu.vector_store %arg6[%swap3A_163], %swap3A_166 {strides = array<i32>} : memref<80xf32, #tpu.memory_space<vmem>>, vector<16xf32>,
    %swap3A_167 = arith.constant 16 : index
    %swap3A_168 = tpu.vector_load %arg6[%swap3A_167] {strides = array<i32>} : memref<80xf32, #tpu.memory_space<vmem>>, vector<16xf32>,
    %swap3A_169 = vector.shape_cast %swap3A_168 : vector<16xf32> to vector<16xf32>
    %swap3A_170 = vector.shape_cast %broadcast_in_dim3A_3 : vector<16xf32> to vector<16xf32>
    tpu.vector_store %arg6[%swap3A_167], %swap3A_170 {strides = array<i32>} : memref<80xf32, #tpu.memory_space<vmem>>, vector<16xf32>,
    %swap3A_171 = arith.constant 32 : index
    %swap3A_172 = tpu.vector_load %arg6[%swap3A_171] {strides = array<i32>} : memref<80xf32, #tpu.memory_space<vmem>>, vector<16xf32>,
    %swap3A_173 = vector.shape_cast %swap3A_172 : vector<16xf32> to vector<16xf32>
    %swap3A_174 = vector.shape_cast %broadcast_in_dim3A_3 : vector<16xf32> to vector<16xf32>
    tpu.vector_store %arg6[%swap3A_171], %swap3A_174 {strides = array<i32>} : memref<80xf32, #tpu.memory_space<vmem>>, vector<16xf32>,
    %swap3A_175 = arith.constant 48 : index
    %swap3A_176 = tpu.vector_load %arg6[%swap3A_175] {strides = array<i32>} : memref<80xf32, #tpu.memory_space<vmem>>, vector<16xf32>,
    %swap3A_177 = vector.shape_cast %swap3A_176 : vector<16xf32> to vector<16xf32>
    %swap3A_178 = vector.shape_cast %broadcast_in_dim3A_3 : vector<16xf32> to vector<16xf32>
    tpu.vector_store %arg6[%swap3A_175], %swap3A_178 {strides = array<i32>} : memref<80xf32, #tpu.memory_space<vmem>>, vector<16xf32>,
    %swap3A_179 = arith.constant 64 : index
    %swap3A_180 = tpu.vector_load %arg6[%swap3A_179] {strides = array<i32>} : memref<80xf32, #tpu.memory_space<vmem>>, vector<16xf32>,
    %swap3A_181 = vector.shape_cast %swap3A_180 : vector<16xf32> to vector<16xf32>
    %swap3A_182 = vector.shape_cast %broadcast_in_dim3A_3 : vector<16xf32> to vector<16xf32>
    tpu.vector_store %arg6[%swap3A_179], %swap3A_182 {strides = array<i32>} : memref<80xf32, #tpu.memory_space<vmem>>, vector<16xf32>,
    %mul3A_183 = arith.constant 640 : i32
    %mul3A_184 = arith.muli %arg1, %mul3A_183 : i32
    "tpu.region"() ({
      %run_scoped3A_199 = tpu.sem_alloc : memref<!tpu.dma_semaphore, #tpu.memory_space<semaphore_mem>>
      %dma_start3A = tpu.memref_slice %arg4[%mul3A_184] : memref<10240xf32, #tpu.memory_space<vmem_shared>> -> memref<640xf32, #tpu.memory_space<vmem_shared>>
      %dma_start3A_200 = tpu.memref_slice %arg4[%mul3A_184] : memref<10240xf32, #tpu.memory_space<vmem_shared>> -> memref<640xf32, #tpu.memory_space<vmem_shared>>
      tpu.enqueue_dma source(%arg7 : memref<640xf32, #tpu.memory_space<vmem>>) target(%dma_start3A_200 : memref<640xf32, #tpu.memory_space<vmem_shared>>) target_semaphore(%run_scoped3A_199 : memref<!tpu.dma_semaphore, #tpu.memory_space<semaphore_mem>>)
      %dma_wait3A = tpu.memref_slice %arg4[%mul3A_184] : memref<10240xf32, #tpu.memory_space<vmem_shared>> -> memref<640xf32, #tpu.memory_space<vmem_shared>>
      %dma_wait3A_201 = tpu.memref_slice %arg4[%mul3A_184] : memref<10240xf32, #tpu.memory_space<vmem_shared>> -> memref<640xf32, #tpu.memory_space<vmem_shared>>
      tpu.wait_dma2 semaphore(%run_scoped3A_199 : memref<!tpu.dma_semaphore, #tpu.memory_space<semaphore_mem>>) src(%arg7 : memref<640xf32, #tpu.memory_space<vmem>>) dst(%dma_wait3A_201 : memref<640xf32, #tpu.memory_space<vmem_shared>>)
      tpu.yield
    }) : () -> ()
    %barrier3A = arith.constant 0 : index
    tpu.barrier barrier_id(%barrier3A)
    %run_scoped3A = arith.constant 0 : i32
    "tpu.region"() ({
      %run_scoped3A_199 = tpu.sem_alloc : memref<!tpu.dma_semaphore, #tpu.memory_space<semaphore_mem>>
      %dma_start3A = arith.constant 0 : i32
      %dma_start3A_200 = arith.constant 0 : i32
      %dma_start3A_201 = tpu.memref_slice %arg2[%run_scoped3A, %add3A, %dma_start3A, %dma_start3A_200] : memref<2x32x128x80xi32, #tpu.memory_space<hbm>> -> memref<1x1x128x80xi32, #tpu.memory_space<hbm>>
      %dma_start3A_202 = tpu.memref_squeeze %dma_start3A_201 : memref<1x1x128x80xi32, #tpu.memory_space<hbm>> -> memref<128x80xi32, #tpu.memory_space<hbm>>
      %dma_start3A_203 = arith.constant 0 : i32
      %dma_start3A_204 = arith.constant 0 : i32
      %dma_start3A_205 = tpu.memref_slice %arg2[%run_scoped3A, %add3A, %dma_start3A_203, %dma_start3A_204] : memref<2x32x128x80xi32, #tpu.memory_space<hbm>> -> memref<1x1x128x80xi32, #tpu.memory_space<hbm>>
      %dma_start3A_206 = tpu.memref_squeeze %dma_start3A_205 : memref<1x1x128x80xi32, #tpu.memory_space<hbm>> -> memref<128x80xi32, #tpu.memory_space<hbm>>
      tpu.enqueue_dma source(%dma_start3A_206 : memref<128x80xi32, #tpu.memory_space<hbm>>) target(%arg5 : memref<128x80xi32, #tpu.memory_space<vmem>>) target_semaphore(%run_scoped3A_199 : memref<!tpu.dma_semaphore, #tpu.memory_space<semaphore_mem>>)
      %dma_wait3A = arith.constant 0 : i32
      %dma_wait3A_207 = arith.constant 0 : i32
      %dma_wait3A_208 = tpu.memref_slice %arg2[%run_scoped3A, %add3A, %dma_wait3A, %dma_wait3A_207] : memref<2x32x128x80xi32, #tpu.memory_space<hbm>> -> memref<1x1x128x80xi32, #tpu.memory_space<hbm>>
      %dma_wait3A_209 = tpu.memref_squeeze %dma_wait3A_208 : memref<1x1x128x80xi32, #tpu.memory_space<hbm>> -> memref<128x80xi32, #tpu.memory_space<hbm>>
      %dma_wait3A_210 = arith.constant 0 : i32
      %dma_wait3A_211 = arith.constant 0 : i32
      %dma_wait3A_212 = tpu.memref_slice %arg2[%run_scoped3A, %add3A, %dma_wait3A_210, %dma_wait3A_211] : memref<2x32x128x80xi32, #tpu.memory_space<hbm>> -> memref<1x1x128x80xi32, #tpu.memory_space<hbm>>
      %dma_wait3A_213 = tpu.memref_squeeze %dma_wait3A_212 : memref<1x1x128x80xi32, #tpu.memory_space<hbm>> -> memref<128x80xi32, #tpu.memory_space<hbm>>
      tpu.wait_dma2 semaphore(%run_scoped3A_199 : memref<!tpu.dma_semaphore, #tpu.memory_space<semaphore_mem>>) src(%dma_wait3A_213 : memref<128x80xi32, #tpu.memory_space<hbm>>) dst(%arg5 : memref<128x80xi32, #tpu.memory_space<vmem>>)
      tpu.yield
    }) : () -> ()
    %scan3A = arith.constant 0 : i32
    %scan3A_185 = arith.constant 128 : i32
    %scan3A_186 = arith.addi %scan3A, %scan3A_185 : i32
    %scan3A_187 = arith.constant 1 : i32
    scf.for %scan3A_199 = %scan3A to %scan3A_186 step %scan3A_187  : i32 {
      %mul3A_200 = arith.constant 1 : i32
      %mul3A_201 = arith.muli %scan3A_199, %mul3A_200 : i32
      %add3A_202 = arith.constant 0 : i32
      %add3A_203 = arith.addi %add3A_202, %mul3A_201 : i32
      %dma_start3A = arith.constant 0 : i32
      %dma_start3A_204 = tpu.memref_slice %arg5[%add3A_203, %dma_start3A] : memref<128x80xi32, #tpu.memory_space<vmem>> -> memref<1x80xi32, #tpu.memory_space<vmem>>
      %dma_start3A_205 = tpu.memref_squeeze %dma_start3A_204 : memref<1x80xi32, #tpu.memory_space<vmem>> -> memref<80xi32, #tpu.memory_space<vmem>>
      %dma_start3A_206 = arith.constant 0 : i32
      %dma_start3A_207 = tpu.memref_slice %arg4[%dma_start3A_206] : memref<10240xf32, #tpu.memory_space<vmem_shared>> -> memref<10240xf32, #tpu.memory_space<vmem_shared>>
      tpu.enqueue_indirect_dma source(%arg6 : memref<80xf32, #tpu.memory_space<vmem>>) target(%dma_start3A_207 : memref<10240xf32, #tpu.memory_space<vmem_shared>>) offsets(%dma_start3A_205 : memref<80xi32, #tpu.memory_space<vmem>>) semaphore(%arg8 : memref<!tpu.dma_semaphore, #tpu.memory_space<semaphore_mem>>) {add = true}
    }
    %scan3A_188 = arith.constant 128 : i32
    %scan3A_189 = arith.constant 0 : i32
    %scan3A_190 = arith.constant 128 : i32
    %scan3A_191 = arith.addi %scan3A_189, %scan3A_190 : i32
    %scan3A_192 = arith.constant 1 : i32
    scf.for %scan3A_199 = %scan3A_189 to %scan3A_191 step %scan3A_192  : i32 {
      %mul3A_200 = arith.constant 1 : i32
      %mul3A_201 = arith.muli %scan3A_199, %mul3A_200 : i32
      %add3A_202 = arith.constant 0 : i32
      %add3A_203 = arith.addi %add3A_202, %mul3A_201 : i32
      %dma_wait3A = arith.constant 0 : i32
      %dma_wait3A_204 = tpu.memref_slice %arg5[%add3A_203, %dma_wait3A] : memref<128x80xi32, #tpu.memory_space<vmem>> -> memref<1x80xi32, #tpu.memory_space<vmem>>
      %dma_wait3A_205 = tpu.memref_squeeze %dma_wait3A_204 : memref<1x80xi32, #tpu.memory_space<vmem>> -> memref<80xi32, #tpu.memory_space<vmem>>
      %dma_wait3A_206 = arith.constant 0 : i32
      %dma_wait3A_207 = tpu.memref_slice %arg4[%dma_wait3A_206] : memref<10240xf32, #tpu.memory_space<vmem_shared>> -> memref<10240xf32, #tpu.memory_space<vmem_shared>>
      tpu.wait_indirect_dma semaphore(%arg8 : memref<!tpu.dma_semaphore, #tpu.memory_space<semaphore_mem>>) src(%arg6 : memref<80xf32, #tpu.memory_space<vmem>>) dst(%dma_wait3A_207 : memref<10240xf32, #tpu.memory_space<vmem_shared>>)
    }
    %scan3A_193 = arith.constant 128 : i32
    %barrier3A_194 = arith.constant 0 : index
    tpu.barrier barrier_id(%barrier3A_194)
    %mul3A_195 = arith.constant 640 : i32
    %mul3A_196 = arith.muli %arg1, %mul3A_195 : i32
    %mul3A_197 = arith.constant 640 : i32
    %mul3A_198 = arith.muli %arg1, %mul3A_197 : i32
    "tpu.region"() ({
      %run_scoped3A_199 = tpu.sem_alloc : memref<!tpu.dma_semaphore, #tpu.memory_space<semaphore_mem>>
      %dma_start3A = tpu.memref_slice %arg3[%arg0, %mul3A_198] : memref<2x10240xf32, #tpu.memory_space<hbm>> -> memref<1x640xf32, #tpu.memory_space<hbm>>
      %dma_start3A_200 = tpu.memref_squeeze %dma_start3A : memref<1x640xf32, #tpu.memory_space<hbm>> -> memref<640xf32, #tpu.memory_space<hbm>>
      %dma_start3A_201 = tpu.memref_slice %arg4[%mul3A_196] : memref<10240xf32, #tpu.memory_space<vmem_shared>> -> memref<640xf32, #tpu.memory_space<vmem_shared>>
      tpu.enqueue_dma source(%dma_start3A_201 : memref<640xf32, #tpu.memory_space<vmem_shared>>) target(%dma_start3A_200 : memref<640xf32, #tpu.memory_space<hbm>>) target_semaphore(%run_scoped3A_199 : memref<!tpu.dma_semaphore, #tpu.memory_space<semaphore_mem>>)
      %dma_wait3A = tpu.memref_slice %arg3[%arg0, %mul3A_198] : memref<2x10240xf32, #tpu.memory_space<hbm>> -> memref<1x640xf32, #tpu.memory_space<hbm>>
      %dma_wait3A_202 = tpu.memref_squeeze %dma_wait3A : memref<1x640xf32, #tpu.memory_space<hbm>> -> memref<640xf32, #tpu.memory_space<hbm>>
      %dma_wait3A_203 = tpu.memref_slice %arg4[%mul3A_196] : memref<10240xf32, #tpu.memory_space<vmem_shared>> -> memref<640xf32, #tpu.memory_space<vmem_shared>>
      tpu.wait_dma2 semaphore(%run_scoped3A_199 : memref<!tpu.dma_semaphore, #tpu.memory_space<semaphore_mem>>) src(%dma_wait3A_203 : memref<640xf32, #tpu.memory_space<vmem_shared>>) dst(%dma_wait3A_202 : memref<640xf32, #tpu.memory_space<hbm>>)
      tpu.yield
    }) : () -> ()
    return
  }
}

module attributes {stable_mosaic.version = 14 : i64} {
  func.func @_post_body(%arg0: i32, %arg1: memref<2x2000x128xf32, #tpu.memory_space<vmem>>, %arg2: memref<2000x2xf32, #tpu.memory_space<vmem>>, %arg3: memref<2000x128xf32, #tpu.memory_space<vmem>>, %arg4: memref<128x512xbf16, #tpu.memory_space<vmem>>, %arg5: memref<128x512xbf16, #tpu.memory_space<vmem>>, %arg6: memref<128x256xf32, #tpu.memory_space<vmem>>, %arg7: memref<1x256xf32, #tpu.memory_space<vmem>>, %arg8: memref<256x128xf32, #tpu.memory_space<vmem>>, %arg9: memref<1x128xf32, #tpu.memory_space<vmem>>, %arg10: memref<2000x128xf32, #tpu.memory_space<vmem>>) attributes {dimension_semantics = [#tpu.dimension_semantics<arbitrary>], iteration_bounds = array<i64: 5>, scalar_prefetch = 0 : i64, scratch_operands = 0 : i64, tpu.core_type = #tpu.core_type<tc>, window_params = [{transform_indices = @transform_0, window_bounds = array<i64: 2, 2000, 128>}, {transform_indices = @transform_1, window_bounds = array<i64: 2000, 2>}, {transform_indices = @transform_2, window_bounds = array<i64: 2000, 128>}, {pipeline_mode = #tpu.pipeline_mode<synchronous>, transform_indices = @transform_3, window_bounds = array<i64: 128, 512>}, {pipeline_mode = #tpu.pipeline_mode<synchronous>, transform_indices = @transform_4, window_bounds = array<i64: 128, 512>}, {pipeline_mode = #tpu.pipeline_mode<synchronous>, transform_indices = @transform_5, window_bounds = array<i64: 128, 256>}, {pipeline_mode = #tpu.pipeline_mode<synchronous>, transform_indices = @transform_6, window_bounds = array<i64: 1, 256>}, {pipeline_mode = #tpu.pipeline_mode<synchronous>, transform_indices = @transform_7, window_bounds = array<i64: 256, 128>}, {pipeline_mode = #tpu.pipeline_mode<synchronous>, transform_indices = @transform_8, window_bounds = array<i64: 1, 128>}, {transform_indices = @transform_9, window_bounds = array<i64: 2000, 128>}]} {
    %get3A = arith.constant 0 : index
    %get3A_0 = arith.constant 0 : index
    %get3A_1 = vector.load %arg2[%get3A, %get3A_0] : memref<2000x2xf32, #tpu.memory_space<vmem>>, vector<2000x1xf32>
    %get3A_2 = vector.shape_cast %get3A_1 : vector<2000x1xf32> to vector<2000xf32>
    %get3A_3 = arith.constant 0 : index
    %get3A_4 = arith.constant 1 : index
    %get3A_5 = vector.load %arg2[%get3A_3, %get3A_4] : memref<2000x2xf32, #tpu.memory_space<vmem>>, vector<2000x1xf32>
    %get3A_6 = vector.shape_cast %get3A_5 : vector<2000x1xf32> to vector<2000xf32>
    %add3A = arith.addf %get3A_2, %get3A_6 : vector<2000xf32>
    %gt3A = arith.constant 0.000000e+00 : f32
    %gt3A_7 = vector.broadcast %gt3A : f32 to vector<2000xf32>
    %gt3A_8 = arith.cmpf ogt, %add3A, %gt3A_7 : vector<2000xf32>
    %rsqrt3A = math.rsqrt %add3A : vector<2000xf32>
    %jit3A = arith.constant 0.000000e+00 : f32
    %broadcast_in_dim3A = vector.broadcast %jit3A : f32 to vector<2000xf32>
    %select_n3A = arith.select %gt3A_8, %rsqrt3A, %broadcast_in_dim3A : vector<2000xi1>, vector<2000xf32>
    %get3A_9 = arith.constant 0 : index
    %get3A_10 = arith.constant 0 : index
    %get3A_11 = arith.constant 0 : index
    %get3A_12 = vector.load %arg1[%get3A_9, %get3A_10, %get3A_11] : memref<2x2000x128xf32, #tpu.memory_space<vmem>>, vector<1x2000x128xf32>
    %get3A_13 = vector.shape_cast %get3A_12 : vector<1x2000x128xf32> to vector<2000x128xf32>
    %get3A_14 = arith.constant 1 : index
    %get3A_15 = arith.constant 0 : index
    %get3A_16 = arith.constant 0 : index
    %get3A_17 = vector.load %arg1[%get3A_14, %get3A_15, %get3A_16] : memref<2x2000x128xf32, #tpu.memory_space<vmem>>, vector<1x2000x128xf32>
    %get3A_18 = vector.shape_cast %get3A_17 : vector<1x2000x128xf32> to vector<2000x128xf32>
    %add3A_19 = arith.addf %get3A_13, %get3A_18 : vector<2000x128xf32>
    %broadcast_in_dim3A_20 = vector.shape_cast %select_n3A : vector<2000xf32> to vector<2000x1xf32>
    %mul3A = vector.broadcast %broadcast_in_dim3A_20 : vector<2000x1xf32> to vector<2000x128xf32>
    %mul3A_21 = arith.mulf %add3A_19, %mul3A : vector<2000x128xf32>
    %convert_element_type3A = arith.truncf %mul3A_21 : vector<2000x128xf32> to vector<2000x128xbf16>
    %get3A_22 = arith.constant 0 : index
    %get3A_23 = arith.constant 0 : index
    %get3A_24 = vector.load %arg4[%get3A_22, %get3A_23] : memref<128x512xbf16, #tpu.memory_space<vmem>>, vector<128x512xbf16>
    %dot_general3A = arith.constant dense<0.000000e+00> : vector<2000x512xf32>
    %dot_general3A_25 = tpu.matmul %convert_element_type3A, %get3A_24, %dot_general3A {dimension_numbers = #tpu.dot_dimension_numbers<[1], [0], [0], [1], [0, 0, 1, 1], [], []>, transpose_lhs_hint = false} : vector<2000x128xbf16>, vector<128x512xbf16>, vector<2000x512xf32> -> vector<2000x512xf32>
    %get3A_26 = arith.constant 0 : index
    %get3A_27 = arith.constant 0 : index
    %get3A_28 = vector.load %arg3[%get3A_26, %get3A_27] : memref<2000x128xf32, #tpu.memory_space<vmem>>, vector<2000x128xf32>
    %convert_element_type3A_29 = arith.truncf %get3A_28 : vector<2000x128xf32> to vector<2000x128xbf16>
    %get3A_30 = arith.constant 0 : index
    %get3A_31 = arith.constant 0 : index
    %get3A_32 = vector.load %arg5[%get3A_30, %get3A_31] : memref<128x512xbf16, #tpu.memory_space<vmem>>, vector<128x512xbf16>
    %dot_general3A_33 = arith.constant dense<0.000000e+00> : vector<2000x512xf32>
    %dot_general3A_34 = tpu.matmul %convert_element_type3A_29, %get3A_32, %dot_general3A_33 {dimension_numbers = #tpu.dot_dimension_numbers<[1], [0], [0], [1], [0, 0, 1, 1], [], []>, transpose_lhs_hint = false} : vector<2000x128xbf16>, vector<128x512xbf16>, vector<2000x512xf32> -> vector<2000x512xf32>
    %slice3A = vector.extract_strided_slice %dot_general3A_34 {offsets = [0, 0], sizes = [2000, 128], strides = [1, 1]} : vector<2000x512xf32> to vector<2000x128xf32>
    %slice3A_35 = vector.extract_strided_slice %dot_general3A_25 {offsets = [0, 0], sizes = [2000, 128], strides = [1, 1]} : vector<2000x512xf32> to vector<2000x128xf32>
    %mul3A_36 = arith.mulf %slice3A, %slice3A_35 : vector<2000x128xf32>
    %slice3A_37 = vector.extract_strided_slice %dot_general3A_34 {offsets = [0, 128], sizes = [2000, 128], strides = [1, 1]} : vector<2000x512xf32> to vector<2000x128xf32>
    %slice3A_38 = vector.extract_strided_slice %dot_general3A_25 {offsets = [0, 128], sizes = [2000, 128], strides = [1, 1]} : vector<2000x512xf32> to vector<2000x128xf32>
    %mul3A_39 = arith.mulf %slice3A_37, %slice3A_38 : vector<2000x128xf32>
    %add3A_40 = arith.addf %mul3A_36, %mul3A_39 : vector<2000x128xf32>
    %slice3A_41 = vector.extract_strided_slice %dot_general3A_34 {offsets = [0, 256], sizes = [2000, 128], strides = [1, 1]} : vector<2000x512xf32> to vector<2000x128xf32>
    %slice3A_42 = vector.extract_strided_slice %dot_general3A_25 {offsets = [0, 256], sizes = [2000, 128], strides = [1, 1]} : vector<2000x512xf32> to vector<2000x128xf32>
    %mul3A_43 = arith.mulf %slice3A_41, %slice3A_42 : vector<2000x128xf32>
    %add3A_44 = arith.addf %add3A_40, %mul3A_43 : vector<2000x128xf32>
    %slice3A_45 = vector.extract_strided_slice %dot_general3A_34 {offsets = [0, 384], sizes = [2000, 128], strides = [1, 1]} : vector<2000x512xf32> to vector<2000x128xf32>
    %slice3A_46 = vector.extract_strided_slice %dot_general3A_25 {offsets = [0, 384], sizes = [2000, 128], strides = [1, 1]} : vector<2000x512xf32> to vector<2000x128xf32>
    %mul3A_47 = arith.mulf %slice3A_45, %slice3A_46 : vector<2000x128xf32>
    %add3A_48 = arith.addf %add3A_44, %mul3A_47 : vector<2000x128xf32>
    %get3A_49 = arith.constant 0 : index
    %get3A_50 = arith.constant 0 : index
    %get3A_51 = vector.load %arg6[%get3A_49, %get3A_50] : memref<128x256xf32, #tpu.memory_space<vmem>>, vector<128x256xf32>
    %dot_general3A_52 = arith.constant dense<0.000000e+00> : vector<2000x256xf32>
    %dot_general3A_53 = tpu.matmul %add3A_48, %get3A_51, %dot_general3A_52 {dimension_numbers = #tpu.dot_dimension_numbers<[1], [0], [0], [1], [0, 0, 1, 1], [], []>, transpose_lhs_hint = false} : vector<2000x128xf32>, vector<128x256xf32>, vector<2000x256xf32> -> vector<2000x256xf32>
    %get3A_54 = arith.constant 0 : index
    %get3A_55 = arith.constant 0 : index
    %get3A_56 = vector.load %arg7[%get3A_54, %get3A_55] : memref<1x256xf32, #tpu.memory_space<vmem>>, vector<1x256xf32>
    %add3A_57 = vector.broadcast %get3A_56 : vector<1x256xf32> to vector<2000x256xf32>
    %add3A_58 = arith.addf %dot_general3A_53, %add3A_57 : vector<2000x256xf32>
    %mul3A_59 = arith.constant 5.000000e-01 : f32
    %mul3A_60 = vector.broadcast %mul3A_59 : f32 to vector<2000x256xf32>
    %mul3A_61 = arith.mulf %mul3A_60, %add3A_58 : vector<2000x256xf32>
    %mul3A_62 = arith.constant 0.707106769 : f32
    %mul3A_63 = vector.broadcast %mul3A_62 : f32 to vector<2000x256xf32>
    %mul3A_64 = arith.mulf %add3A_58, %mul3A_63 : vector<2000x256xf32>
    %erf3A = math.erf %mul3A_64 : vector<2000x256xf32>
    %add3A_65 = arith.constant 1.000000e+00 : f32
    %add3A_66 = vector.broadcast %add3A_65 : f32 to vector<2000x256xf32>
    %add3A_67 = arith.addf %add3A_66, %erf3A : vector<2000x256xf32>
    %mul3A_68 = arith.mulf %mul3A_61, %add3A_67 : vector<2000x256xf32>
    %get3A_69 = arith.constant 0 : index
    %get3A_70 = arith.constant 0 : index
    %get3A_71 = vector.load %arg8[%get3A_69, %get3A_70] : memref<256x128xf32, #tpu.memory_space<vmem>>, vector<256x128xf32>
    %dot_general3A_72 = arith.constant dense<0.000000e+00> : vector<2000x128xf32>
    %dot_general3A_73 = tpu.matmul %mul3A_68, %get3A_71, %dot_general3A_72 {dimension_numbers = #tpu.dot_dimension_numbers<[1], [0], [0], [1], [0, 0, 1, 1], [], []>, transpose_lhs_hint = false} : vector<2000x256xf32>, vector<256x128xf32>, vector<2000x128xf32> -> vector<2000x128xf32>
    %get3A_74 = arith.constant 0 : index
    %get3A_75 = arith.constant 0 : index
    %get3A_76 = vector.load %arg9[%get3A_74, %get3A_75] : memref<1x128xf32, #tpu.memory_space<vmem>>, vector<1x128xf32>
    %add3A_77 = vector.broadcast %get3A_76 : vector<1x128xf32> to vector<2000x128xf32>
    %add3A_78 = arith.addf %dot_general3A_73, %add3A_77 : vector<2000x128xf32>
    %swap3A = arith.constant 0 : index
    %swap3A_79 = arith.constant 0 : index
    %swap3A_80 = vector.load %arg10[%swap3A, %swap3A_79] : memref<2000x128xf32, #tpu.memory_space<vmem>>, vector<2000x128xf32>
    tpu.vector_store %arg10[%swap3A, %swap3A_79], %add3A_78 {strides = array<i32>} : memref<2000x128xf32, #tpu.memory_space<vmem>>, vector<2000x128xf32>,
    return
  }
  func.func @transform_0(%arg0: i32) -> (i32, i32, i32) {
    %c0_i32 = arith.constant 0 : i32
    %c0_i32_0 = arith.constant 0 : i32
    %c0_i32_1 = arith.constant 0 : i32
    return %c0_i32, %arg0, %c0_i32_0 : i32, i32, i32
  }
  func.func @transform_1(%arg0: i32) -> (i32, i32) {
    %c0_i32 = arith.constant 0 : i32
    %c0_i32_0 = arith.constant 0 : i32
    return %arg0, %c0_i32 : i32, i32
  }
  func.func @transform_2(%arg0: i32) -> (i32, i32) {
    %c0_i32 = arith.constant 0 : i32
    %c0_i32_0 = arith.constant 0 : i32
    return %arg0, %c0_i32 : i32, i32
  }
  func.func @transform_3(%arg0: i32) -> (i32, i32) {
    %c0_i32 = arith.constant 0 : i32
    %c0_i32_0 = arith.constant 0 : i32
    %c0_i32_1 = arith.constant 0 : i32
    return %c0_i32, %c0_i32_0 : i32, i32
  }
  func.func @transform_4(%arg0: i32) -> (i32, i32) {
    %c0_i32 = arith.constant 0 : i32
    %c0_i32_0 = arith.constant 0 : i32
    %c0_i32_1 = arith.constant 0 : i32
    return %c0_i32, %c0_i32_0 : i32, i32
  }
  func.func @transform_5(%arg0: i32) -> (i32, i32) {
    %c0_i32 = arith.constant 0 : i32
    %c0_i32_0 = arith.constant 0 : i32
    %c0_i32_1 = arith.constant 0 : i32
    return %c0_i32, %c0_i32_0 : i32, i32
  }
  func.func @transform_6(%arg0: i32) -> (i32, i32) {
    %c0_i32 = arith.constant 0 : i32
    %c0_i32_0 = arith.constant 0 : i32
    %c0_i32_1 = arith.constant 0 : i32
    return %c0_i32, %c0_i32_0 : i32, i32
  }
  func.func @transform_7(%arg0: i32) -> (i32, i32) {
    %c0_i32 = arith.constant 0 : i32
    %c0_i32_0 = arith.constant 0 : i32
    %c0_i32_1 = arith.constant 0 : i32
    return %c0_i32, %c0_i32_0 : i32, i32
  }
  func.func @transform_8(%arg0: i32) -> (i32, i32) {
    %c0_i32 = arith.constant 0 : i32
    %c0_i32_0 = arith.constant 0 : i32
    %c0_i32_1 = arith.constant 0 : i32
    return %c0_i32, %c0_i32_0 : i32, i32
  }
  func.func @transform_9(%arg0: i32) -> (i32, i32) {
    %c0_i32 = arith.constant 0 : i32
    %c0_i32_0 = arith.constant 0 : i32
    return %arg0, %c0_i32 : i32, i32
  }
}

module attributes {stable_mosaic.version = 14 : i64} {
  func.func @_rot_fwd_body(%arg0: i32, %arg1: memref<2000x128xf32, #tpu.memory_space<vmem>>, %arg2: memref<2000x128xf32, #tpu.memory_space<vmem>>, %arg3: memref<2000x2xf32, #tpu.memory_space<vmem>>, %arg4: memref<128x512xbf16, #tpu.memory_space<vmem>>, %arg5: memref<128x512xbf16, #tpu.memory_space<vmem>>, %arg6: memref<2000x128xf32, #tpu.memory_space<vmem>>) attributes {dimension_semantics = [#tpu.dimension_semantics<arbitrary>], iteration_bounds = array<i64: 5>, scalar_prefetch = 0 : i64, scratch_operands = 0 : i64, tpu.core_type = #tpu.core_type<tc>, window_params = [{transform_indices = @transform_0, window_bounds = array<i64: 2000, 128>}, {transform_indices = @transform_1, window_bounds = array<i64: 2000, 128>}, {transform_indices = @transform_2, window_bounds = array<i64: 2000, 2>}, {pipeline_mode = #tpu.pipeline_mode<synchronous>, transform_indices = @transform_3, window_bounds = array<i64: 128, 512>}, {pipeline_mode = #tpu.pipeline_mode<synchronous>, transform_indices = @transform_4, window_bounds = array<i64: 128, 512>}, {transform_indices = @transform_5, window_bounds = array<i64: 2000, 128>}]} {
    %get3A = arith.constant 0 : index
    %get3A_0 = arith.constant 0 : index
    %get3A_1 = vector.load %arg3[%get3A, %get3A_0] : memref<2000x2xf32, #tpu.memory_space<vmem>>, vector<2000x1xf32>
    %get3A_2 = vector.shape_cast %get3A_1 : vector<2000x1xf32> to vector<2000xf32>
    %get3A_3 = arith.constant 0 : index
    %get3A_4 = arith.constant 1 : index
    %get3A_5 = vector.load %arg3[%get3A_3, %get3A_4] : memref<2000x2xf32, #tpu.memory_space<vmem>>, vector<2000x1xf32>
    %get3A_6 = vector.shape_cast %get3A_5 : vector<2000x1xf32> to vector<2000xf32>
    %add3A = arith.addf %get3A_2, %get3A_6 : vector<2000xf32>
    %gt3A = arith.constant 0.000000e+00 : f32
    %gt3A_7 = vector.broadcast %gt3A : f32 to vector<2000xf32>
    %gt3A_8 = arith.cmpf ogt, %add3A, %gt3A_7 : vector<2000xf32>
    %rsqrt3A = math.rsqrt %add3A : vector<2000xf32>
    %jit3A = arith.constant 0.000000e+00 : f32
    %broadcast_in_dim3A = vector.broadcast %jit3A : f32 to vector<2000xf32>
    %select_n3A = arith.select %gt3A_8, %rsqrt3A, %broadcast_in_dim3A : vector<2000xi1>, vector<2000xf32>
    %get3A_9 = arith.constant 0 : index
    %get3A_10 = arith.constant 0 : index
    %get3A_11 = vector.load %arg1[%get3A_9, %get3A_10] : memref<2000x128xf32, #tpu.memory_space<vmem>>, vector<2000x128xf32>
    %convert_element_type3A = arith.truncf %get3A_11 : vector<2000x128xf32> to vector<2000x128xbf16>
    %get3A_12 = arith.constant 0 : index
    %get3A_13 = arith.constant 0 : index
    %get3A_14 = vector.load %arg2[%get3A_12, %get3A_13] : memref<2000x128xf32, #tpu.memory_space<vmem>>, vector<2000x128xf32>
    %convert_element_type3A_15 = arith.truncf %get3A_14 : vector<2000x128xf32> to vector<2000x128xbf16>
    %get3A_16 = arith.constant 0 : index
    %get3A_17 = arith.constant 0 : index
    %get3A_18 = vector.load %arg4[%get3A_16, %get3A_17] : memref<128x512xbf16, #tpu.memory_space<vmem>>, vector<128x512xbf16>
    %dot_general3A = arith.constant dense<0.000000e+00> : vector<2000x512xf32>
    %dot_general3A_19 = tpu.matmul %convert_element_type3A, %get3A_18, %dot_general3A {dimension_numbers = #tpu.dot_dimension_numbers<[1], [0], [0], [1], [0, 0, 1, 1], [], []>, transpose_lhs_hint = false} : vector<2000x128xbf16>, vector<128x512xbf16>, vector<2000x512xf32> -> vector<2000x512xf32>
    %get3A_20 = arith.constant 0 : index
    %get3A_21 = arith.constant 0 : index
    %get3A_22 = vector.load %arg5[%get3A_20, %get3A_21] : memref<128x512xbf16, #tpu.memory_space<vmem>>, vector<128x512xbf16>
    %dot_general3A_23 = arith.constant dense<0.000000e+00> : vector<2000x512xf32>
    %dot_general3A_24 = tpu.matmul %convert_element_type3A_15, %get3A_22, %dot_general3A_23 {dimension_numbers = #tpu.dot_dimension_numbers<[1], [0], [0], [1], [0, 0, 1, 1], [], []>, transpose_lhs_hint = false} : vector<2000x128xbf16>, vector<128x512xbf16>, vector<2000x512xf32> -> vector<2000x512xf32>
    %slice3A = vector.extract_strided_slice %dot_general3A_24 {offsets = [0, 0], sizes = [2000, 128], strides = [1, 1]} : vector<2000x512xf32> to vector<2000x128xf32>
    %slice3A_25 = vector.extract_strided_slice %dot_general3A_19 {offsets = [0, 0], sizes = [2000, 128], strides = [1, 1]} : vector<2000x512xf32> to vector<2000x128xf32>
    %mul3A = arith.mulf %slice3A, %slice3A_25 : vector<2000x128xf32>
    %slice3A_26 = vector.extract_strided_slice %dot_general3A_24 {offsets = [0, 128], sizes = [2000, 128], strides = [1, 1]} : vector<2000x512xf32> to vector<2000x128xf32>
    %slice3A_27 = vector.extract_strided_slice %dot_general3A_19 {offsets = [0, 128], sizes = [2000, 128], strides = [1, 1]} : vector<2000x512xf32> to vector<2000x128xf32>
    %mul3A_28 = arith.mulf %slice3A_26, %slice3A_27 : vector<2000x128xf32>
    %add3A_29 = arith.addf %mul3A, %mul3A_28 : vector<2000x128xf32>
    %slice3A_30 = vector.extract_strided_slice %dot_general3A_24 {offsets = [0, 256], sizes = [2000, 128], strides = [1, 1]} : vector<2000x512xf32> to vector<2000x128xf32>
    %slice3A_31 = vector.extract_strided_slice %dot_general3A_19 {offsets = [0, 256], sizes = [2000, 128], strides = [1, 1]} : vector<2000x512xf32> to vector<2000x128xf32>
    %mul3A_32 = arith.mulf %slice3A_30, %slice3A_31 : vector<2000x128xf32>
    %add3A_33 = arith.addf %add3A_29, %mul3A_32 : vector<2000x128xf32>
    %slice3A_34 = vector.extract_strided_slice %dot_general3A_24 {offsets = [0, 384], sizes = [2000, 128], strides = [1, 1]} : vector<2000x512xf32> to vector<2000x128xf32>
    %slice3A_35 = vector.extract_strided_slice %dot_general3A_19 {offsets = [0, 384], sizes = [2000, 128], strides = [1, 1]} : vector<2000x512xf32> to vector<2000x128xf32>
    %mul3A_36 = arith.mulf %slice3A_34, %slice3A_35 : vector<2000x128xf32>
    %add3A_37 = arith.addf %add3A_33, %mul3A_36 : vector<2000x128xf32>
    %broadcast_in_dim3A_38 = vector.shape_cast %select_n3A : vector<2000xf32> to vector<2000x1xf32>
    %mul3A_39 = vector.broadcast %broadcast_in_dim3A_38 : vector<2000x1xf32> to vector<2000x128xf32>
    %mul3A_40 = arith.mulf %add3A_37, %mul3A_39 : vector<2000x128xf32>
    %swap3A = arith.constant 0 : index
    %swap3A_41 = arith.constant 0 : index
    %swap3A_42 = vector.load %arg6[%swap3A, %swap3A_41] : memref<2000x128xf32, #tpu.memory_space<vmem>>, vector<2000x128xf32>
    tpu.vector_store %arg6[%swap3A, %swap3A_41], %mul3A_40 {strides = array<i32>} : memref<2000x128xf32, #tpu.memory_space<vmem>>, vector<2000x128xf32>,
    return
  }
  func.func @transform_0(%arg0: i32) -> (i32, i32) {
    %c0_i32 = arith.constant 0 : i32
    %c0_i32_0 = arith.constant 0 : i32
    return %arg0, %c0_i32 : i32, i32
  }
  func.func @transform_1(%arg0: i32) -> (i32, i32) {
    %c0_i32 = arith.constant 0 : i32
    %c0_i32_0 = arith.constant 0 : i32
    return %arg0, %c0_i32 : i32, i32
  }
  func.func @transform_2(%arg0: i32) -> (i32, i32) {
    %c0_i32 = arith.constant 0 : i32
    %c0_i32_0 = arith.constant 0 : i32
    return %arg0, %c0_i32 : i32, i32
  }
  func.func @transform_3(%arg0: i32) -> (i32, i32) {
    %c0_i32 = arith.constant 0 : i32
    %c0_i32_0 = arith.constant 0 : i32
    %c0_i32_1 = arith.constant 0 : i32
    return %c0_i32, %c0_i32_0 : i32, i32
  }
  func.func @transform_4(%arg0: i32) -> (i32, i32) {
    %c0_i32 = arith.constant 0 : i32
    %c0_i32_0 = arith.constant 0 : i32
    %c0_i32_1 = arith.constant 0 : i32
    return %c0_i32, %c0_i32_0 : i32, i32
  }
  func.func @transform_5(%arg0: i32) -> (i32, i32) {
    %c0_i32 = arith.constant 0 : i32
    %c0_i32_0 = arith.constant 0 : i32
    return %arg0, %c0_i32 : i32, i32
  }
}

</mosaic_0001>

<sc_bundles>
// kernel: kernel.6.cloned.1.call-start
scs
__scs_entry_jumppad:
0x0: {  	(pc) =	sbr.rel $0x88, $3  }
0x1: {  	(tag) =	ssettag $0x0;
	lr =	simm.s32 $0x1  }
0x2: {  	[smem:$0x3F9A] =	sst lr;
	_ =	strace $0xD0000000  }
0x3: {  	_ = 	snop  }
0x4: {  	_ = 	snop  }
0x5: {  	_ = 	snop  }
0x6: {  	_ = 	snop  }
0x7: {  	_ = 	snop  }
__scs_overlays_trampoline_lowered:
0x8: {  	[smem:$0x3FA9] =	sst s0  }
0x9: {  	[smem:$0x3FAA] =	sst s1  }
0xa: {  	[smem:$0x3FAB] =	sst s2  }
0xb: {  	[smem:$0x3FAC] =	sst s3  }
0xc: {  	[smem:$0x3FAD] =	sst s4  }
0xd: {  	[smem:$0x3FAE] =	sst s5  }
0xe: {  	[smem:$0x3FAF] =	sst s6  }
0xf: {  	[smem:$0x3FB0] =	sst s7  }
0x10: {  	[smem:$0x3FB1] =	sst s8  }
0x11: {  	[smem:$0x3FB2] =	sst s9;
	s0 =	simm.s32 @!p0 $0x0  }
0x12: {  	s1 =	sld [smem:$0x3F98];
	s0 =	simm.s32 @p0 $0x1  }
0x13: {  	[smem:$0x3FB3] =	sst s0;
	s0 =	simm.s32 @!p1 $0x0  }
0x14: {  	s2 =	sld [smem:$0x3F97];
	s0 =	simm.s32 @p1 $0x1  }
0x15: {  	[smem:$0x3FB4] =	sst s0;
	s0 =	simm.s32 @!p2 $0x0  }
0x16: {  	s3 =	sld [smem:$0x3FDB];
	s0 =	simm.s32 @p2 $0x1  }
0x17: {  	s4 =	simm.s32 $0x1BF5;
	[smem:$0x3FB6] =	sst s0  }
0x18: {  	s0 =	sld [smem:$0x3F99];
	_ =	swait.ge [sflag:s4], $0x0  }
0x19: {  	s7 =	sld [smem:$0x3F9A]  }
0x1a: {  	s8 =	sadd.s32 $0xFFFFE003, lr  }
0x1b: {  	s9 =	sadd.s32 $0xFFFFFEF7, lr;
	s5 =	simm.s32 $0xFFFFFFFF;
	p2 =	slt.u32 s8, $0xFFFFF086  }
0x1c: {  	p1 =	slt.u32 s9, $0xF7A;
	s5 =	simm.s32 @!p2 $0x0  }
0x1d: {  	s5 =	simm.s32 @p1 $0x1;
	p0 =	seq.s32 s7, s2  }
0x1e: {  	s7 =	smul.u32 @!p0 $0xF7A, s2;
	p2 =	seq.s32 @!p0 s5, $0x0  }
0x1f: {  	s9 =	smul.u32 $0xF7A, s1;
	s8 =	simm.s32 @!p0 $0x1BF5;
	p2 =	por !p2, p0  }
0x20: {  	[sflag:s8] =	ssyncset.s32 @!p0 $0xFFFFF086;
	s6 =	sadd.s32 @!p0 s3, s7;
	s7 =	simm.s32 @!p0 $0x108  }
0x21: {  	s3 =	sadd.s32 s3, s9;
	s6 =	sadd.s32 @!p0 $0x88, s6;
	s7 =	simm.s32 @p2 $0x1082  }
0x22: {  	[simem:s7], [sflag:s8] =	dma.local @!p0 [hbm:s6], $0xF7A  }
0x23: {  	s9 =	sor.u32 $0xD0000000, s2;
	s6 =	simm.s32 $0x108;
	_ =	swait.ge @!p0 [sflag:s8], $0x0  }
0x24: {  	s3 =	sadd.s32 $0x88, s3;
	s6 =	simm.s32 @!p1 $0x1082;
	[sflag:s4] =	ssyncset.s32 $0xFFFFF086  }
0x25: {  	[simem:s6], [sflag:s4] =	dma.local [hbm:s3], $0xF7A  }
0x26: {  	[smem:$0x3F9A] =	sst s1;
	(tag) =	ssettag s2;
	_ =	strace s9  }
0x27: {  	s1 =	sld [smem:$0x3FAA]  }
0x28: {  	s2 =	sld [smem:$0x3FAB]  }
0x29: {  	s4 =	sld [smem:$0x3FAD]  }
0x2a: {  	p0 =	seq.s32 s5, $0x0;
	s5 =	sld [smem:$0x3FAE]  }
0x2b: {  	s6 =	sld [smem:$0x3FAF]  }
0x2c: {  	s7 =	sld [smem:$0x3FB0]  }
0x2d: {  	s3 =	simm.s32 $0x108;
	s8 =	sld [smem:$0x3FB1]  }
0x2e: {  	s3 =	simm.s32 @!p0 $0x1082;
	s9 =	sld [smem:$0x3FB2]  }
0x2f: {  	lr =	sadd.s32 s0, s3;
	s0 =	sld [smem:$0x3FA9]  }
0x30: {  	s3 =	sld [smem:$0x3FAC]  }
0x31: {  	[smem:$0x3FB5] =	sst s10  }
0x32: {  	s10 =	sld [smem:$0x3FB3];
	_ =	sdelay $0x3  }
0x33: {  	p0 =	seq.s32 s10, $0x1;
	s10 =	sld [smem:$0x3FB5];
	_ =	sdelay $0x3  }
0x34: {  	[smem:$0x3FB5] =	sst s10  }
0x35: {  	s10 =	sld [smem:$0x3FB4];
	_ =	sdelay $0x3  }
0x36: {  	p1 =	seq.s32 s10, $0x1;
	s10 =	sld [smem:$0x3FB5];
	_ =	sdelay $0x3  }
0x37: {  	[smem:$0x3FB5] =	sst s10  }
0x38: {  	s10 =	sld [smem:$0x3FB6]  }
0x39: {  	_ = 	snop;
	(pc) =	sbr.ind lr, $3  }
0x3a: {  	_ = 	snop  }
0x3b: {  	_ = 	snop  }
0x3c: {  	p2 =	seq.s32 s10, $0x1;
	s10 =	sld [smem:$0x3FB5]  }
0x3d: {  	_ =	shalt  }
0x3e: {  	_ =	shalt  }
0x3f: {  	_ =	shalt  }
0x40: {  	_ =	shalt  }
0x41: {  	_ =	shalt  }
0x42: {  	_ =	shalt  }
0x43: {  	_ =	shalt  }
0x44: {  	_ =	shalt  }
0x45: {  	_ =	shalt  }
0x46: {  	_ =	shalt  }
0x47: {  	_ =	shalt  }
0x48: {  	_ =	shalt  }
0x49: {  	_ =	shalt  }
0x4a: {  	_ =	shalt  }
0x4b: {  	_ =	shalt  }
0x4c: {  	_ =	shalt  }
0x4d: {  	_ =	shalt  }
0x4e: {  	_ =	shalt  }
0x4f: {  	_ =	shalt  }
0x50: {  	_ =	shalt  }
0x51: {  	_ =	shalt  }
0x52: {  	_ =	shalt  }
0x53: {  	_ =	shalt  }
0x54: {  	_ =	shalt  }
0x55: {  	_ =	shalt  }
0x56: {  	_ =	shalt  }
0x57: {  	_ =	shalt  }
0x58: {  	_ =	shalt  }
0x59: {  	_ =	shalt  }
0x5a: {  	_ =	shalt  }
0x5b: {  	_ =	shalt  }
0x5c: {  	_ =	shalt  }
0x5d: {  	_ =	shalt  }
0x5e: {  	_ =	shalt  }
0x5f: {  	_ =	shalt  }
0x60: {  	_ =	shalt  }
0x61: {  	_ =	shalt  }
0x62: {  	_ =	shalt  }
0x63: {  	_ =	shalt  }
0x64: {  	_ =	shalt  }
0x65: {  	_ =	shalt  }
0x66: {  	_ =	shalt  }
0x67: {  	_ =	shalt  }
0x68: {  	_ =	shalt  }
0x69: {  	_ =	shalt  }
0x6a: {  	_ =	shalt  }
0x6b: {  	_ =	shalt  }
0x6c: {  	_ =	shalt  }
0x6d: {  	_ =	shalt  }
0x6e: {  	_ =	shalt  }
0x6f: {  	_ =	shalt  }
0x70: {  	_ =	shalt  }
0x71: {  	_ =	shalt  }
0x72: {  	_ =	shalt  }
0x73: {  	_ =	shalt  }
0x74: {  	_ =	shalt  }
0x75: {  	_ =	shalt  }
0x76: {  	_ =	shalt  }
0x77: {  	_ =	shalt  }
0x78: {  	_ =	shalt  }
0x79: {  	_ =	shalt  }
0x7a: {  	_ =	shalt  }
0x7b: {  	_ =	shalt  }
0x7c: {  	_ =	shalt  }
0x7d: {  	_ =	shalt  }
0x7e: {  	_ =	shalt  }
0x7f: {  	_ =	shalt  }
0x80: {  	_ =	shalt  }
0x81: {  	_ =	shalt  }
0x82: {  	_ =	shalt  }
0x83: {  	_ =	shalt  }
0x84: {  	_ =	shalt  }
0x85: {  	_ =	shalt  }
0x86: {  	_ =	shalt  }
0x87: {  	_ =	shalt  }
.Lfunc_end0:
.L_simem_size_0:
called_computation_lowered:
.L_overlay_start_0:
0x88: {  	s2 =	sld [smem:$0x3FD9]  }
0x89: {  	s3 =	sld [smem:$0x3FFE];
	_ =	sdelay $0x1  }
0x8a: {  	s1 =	srdreg.scid  }
0x8b: {  	s0 =	sand.u32 $0x1, s1  }
0x8c: {  	s17 =	sshll.u32 s0, $0xA;
	s2 =	sadd.s32 s3, s2  }
0x8d: {  	s2 =	sadd.s32 s2, s17  }
0x8e: {  	[smem:$0x3FC1] =	sst s2  }
0x8f: {  	_ = 	snop  }
0x90: {  	s2 =	sld [smem:$0x3FD0];
	(tm) =	ssettm $0x1  }
0x91: {  	s18 =	sld [smem:$0x3FFB];
	_ =	sdelay $0x3  }
0x92: {  	_ =	strace s18  }
0x93: {  	s3 =	sld [smem:$0x3FFC];
	_ =	sdelay $0x3  }
0x94: {  	_ =	strace s3  }
0x95: {  	s3 =	sld [smem:$0x3FFD];
	_ =	sdelay $0x3  }
0x96: {  	_ =	strace s3  }
0x97: {  	_ =	strace $0x8FFFFFFF  }
0x98: {  	s19 =	sld [smem:$0x3FDB];
	_ =	sdelay $0x1  }
0x99: {  	s4 =	simm.s32 $_scs_section_size  }
0x9a: {  	s5 =	simm.s32 $_size__tile_overlayer_lowered;
	s6 =	simm.s32 $_tile_overlayer_lowered  }
0x9b: {  	s22 =	simm.s32 $0x1BFF;
	s21 =	sshll.u32 s6, $0x1;
	s3 =	sadd.s32 s4, s19  }
0x9c: {  	s7 =	simm.s32 $0x0;
	s20 =	sshll.u32 s5, $0x1;
	s5 =	sadd.s32 s21, s3  }
0x9d: {  	[timem:s7], [sflag:s22] =	dma.local [hbm:s5], s20  }
0x9e: {  	_ =	swait.ge [sflag:s22], s20  }
0x9f: {  	s4 =	ssub.s32 $0x0, s20;
	[sflag:s22] =	ssyncset.done $0x0  }
0xa0: {  	[sflag:s22] =	ssyncadd.s32 s4;
	_ =	sdelay $0x1  }
0xa1: {  	s23 =	simm.s32 $0x1B8B  }
0xa2: {  	_ =	swait.ge [sflag:s23], $0x1  }
0xa3: {  	[sflag:s23] =	ssyncset.done $0x0  }
0xa4: {  	s25 =	simm.s32 $0x1B8E;
	s24 =	sld [smem:$0x3FFE];
	[sflag:s23] =	ssyncadd.s32 $0xFFFFFFFF  }
0xa5: {  	s26 =	simm.s32 $execute0_lowered;
	[smem:$0x3FD2] =	sst s25  }
0xa6: {  	s5 =	sshll.u32 s26, $0x1;
	_ =	strace $0x80000046;
	[dreg:$0x1] =	wrdreg $0xFFFFFFFF  }
0xa7: {  	s28 =	simm.s32 $_size_execute0_lowered;
	s3 =	sadd.s32 s3, s5;
	[dreg:$0x0] =	wrdreg $0x0  }
0xa8: {  	s5 =	sshll.u32 s28, $0x1;
	[dreg:$0x2] =	wrdreg s3  }
0xa9: {  	[dreg:$0x3] =	wrdreg s5  }
0xaa: {  	[dreg:$0x4] =	wrdreg $0xC0  }
0xab: {  	_ =	task [dreg:s7], $0x5FFFF  }
0xac: {  	[dreg:$0x1] =	wrdreg $0xFFFFFFFF  }
0xad: {  	[dreg:$0x0] =	wrdreg $0x60  }
0xae: {  	[dreg:$0x2] =	wrdreg s2  }
0xaf: {  	[dreg:$0x3] =	wrdreg s24  }
0xb0: {  	[dreg:$0x4] =	wrdreg $0x0  }
0xb1: {  	[dreg:$0x5] =	wrdreg $0x9  }
0xb2: {  	_ =	task.clear_ibuf [dreg:s7], $0x6FFFF;
	_ =	strace $0x90000046  }
0xb3: {  	s29 =	simm.s32 $0x9;
	_ =	strace $0x80000048  }
0xb4: {  	_ =	swait.ge [sflag:s29], $0x1  }
0xb5: {  	[sflag:s29] =	ssyncadd.s32 $0xFFFFFFFF  }
0xb6: {  	_ =	strace $0x90000048  }
0xb7: {  	_ =	sfence  }
0xb8: {  	s30 =	sld [smem:$0x0];
	_ =	sdelay $0x2  }
0xb9: {  	s31 =	sshll.u32 s1, $0xD;
	s1 =	sshrl.u32 s1, $0x2  }
0xba: {  	s3 =	sand.u32 $0x4000, s31;
	s1 =	sadd.s32 s1, s30  }
0xbb: {  	s0 =	sor.u32 s3, s0;
	s1 =	sshll.u32 s1, $0x11  }
0xbc: {  	s0 =	sor.u32 s1, s0  }
0xbd: {  	s0 =	sadd.s32 $0x8F2B, s0  }
0xbe: {  	[sflag:s0] =	ssyncadd.remote.s32 $0x1  }
0xbf: {  	_ =	sfence.sel $0xFFFF  }
0xc0: {  	[dreg:$0x0] =	wrdreg $0xFFFFFFFF;
	(pc) =	sbr.abs _section_cstart, $3  }
0xc1: {  	[dreg:$0x1] =	wrdreg $0xFFFFFFFF  }
0xc2: {  	_ =	task.clear_ibuf [dreg:s7], $0x2FFFF;
	_ =	strace $0x9FFFFFFF  }
0xc3: {  	(tm) =	ssettm $0x7FFFFFFF  }
tec
execute0_lowered:
.L_overlay_start_1:
0x0: {  	(tag) =	ssettag $0x1  }
0x1: {  	s5 =	rddreg [dreg:$0x0]  }
0x2: {  	s4 =	rddreg [dreg:$0x1];
	s1 =	srdreg.scid  }
0x3: {  	s0 =	stileid.u32;
	s2 =	rddreg [dreg:$0x2];
	s3 =	simm.s32 $0x0  }
0x4: {  	s10 =	simm.s32 $0x280;
	s11 =	simm.s32 $0x50;
	s12 =	simm.s32 $0x4280  }
0x5: {  	s13 =	simm.s32 $0x1;
	s16 =	simm.s32 $0x20;
	s17 =	simm.s32 $0x10  }
0x6: {  	s6 =	sand.u32 $0x1, s1;
	s7 =	smul.u32 $0x500, s0;
	s1 =	rddreg [dreg:$0x3]  }
0x7: {  	s18 =	simm.s32 $0x0;
	[smem:$0x7FF] =	sst s3;
	s9 =	smul.u32 $0xA00, s0  }
0x8: {  	s31 =	sshll.u32 s0, $0xC;
	s14 =	sshll.u32 s0, $0x6;
	s8 =	sshll.u32 s6, $0x7  }
0x9: {  	s28 =	ssub.s32 $0x2, s6;
	_ =	strace $0x80000047;
	s6 =	sshll.u32 s6, $0xB  }
0xa: {  	s14 =	sor.u32 $0x1C02, s14;
	s7 =	sor.u32 s8, s7;
	s29 =	sshrl.u32 s28, $0x1  }
0xb: {  	s30 =	sshrl.u32 s9, $0x2;
	s5 =	sadd.s32 s5, s6;
	s7 =	sshrl.u32 s7, $0x3  }
0xc: {  	s9 =	simm.s32 $0x2;
	s8 =	ssub.s32 s28, s29;
	s7 =	sadd.s32 s7, s4  }
0xd: {  	s5 =	sadd.s32 s31, s5;
	s4 =	sadd.s32 s30, s2;
	s6 =	sadd.s32 $0x2A00, s7  }
0xe: {  	v0 =	vimm.f32 $0.0e+00;
	v1 =	vimm.f32 $1.000000000e+00;
	s7 =	smax.u32 s8, $0x1;
	s8 =	simm.s32 $0x4300;
	s15 =	sshrl.u32 s4, $0x3  }
.LBB2_1:
0xf: {  	[tilespmem:$0x4300] =	vst v0  }
0x10: {  	[tilespmem:$0x4310] =	vst v0  }
0x11: {  	[tilespmem:$0x4320] =	vst v0  }
0x12: {  	[tilespmem:$0x4330] =	vst v0  }
0x13: {  	[tilespmem:$0x4340] =	vst v0  }
0x14: {  	[tilespmem:$0x4350] =	vst v0  }
0x15: {  	[tilespmem:$0x4360] =	vst v0  }
0x16: {  	[tilespmem:$0x4370] =	vst v0  }
0x17: {  	[tilespmem:$0x4380] =	vst v0  }
0x18: {  	[tilespmem:$0x4390] =	vst v0  }
0x19: {  	[tilespmem:$0x43A0] =	vst v0  }
0x1a: {  	[tilespmem:$0x43B0] =	vst v0  }
0x1b: {  	[tilespmem:$0x43C0] =	vst v0  }
0x1c: {  	[tilespmem:$0x43D0] =	vst v0  }
0x1d: {  	[tilespmem:$0x43E0] =	vst v0  }
0x1e: {  	[tilespmem:$0x43F0] =	vst v0  }
0x1f: {  	[tilespmem:$0x4400] =	vst v0  }
0x20: {  	[tilespmem:$0x4410] =	vst v0  }
0x21: {  	[tilespmem:$0x4420] =	vst v0  }
0x22: {  	[tilespmem:$0x4430] =	vst v0  }
0x23: {  	[tilespmem:$0x4440] =	vst v0  }
0x24: {  	[tilespmem:$0x4450] =	vst v0  }
0x25: {  	[tilespmem:$0x4460] =	vst v0  }
0x26: {  	[tilespmem:$0x4470] =	vst v0  }
0x27: {  	[tilespmem:$0x4480] =	vst v0  }
0x28: {  	[tilespmem:$0x4490] =	vst v0  }
0x29: {  	[tilespmem:$0x44A0] =	vst v0  }
0x2a: {  	[tilespmem:$0x44B0] =	vst v0  }
0x2b: {  	[tilespmem:$0x44C0] =	vst v0  }
0x2c: {  	[tilespmem:$0x44D0] =	vst v0  }
0x2d: {  	[tilespmem:$0x44E0] =	vst v0  }
0x2e: {  	[tilespmem:$0x44F0] =	vst v0  }
0x2f: {  	[tilespmem:$0x4500] =	vst v0  }
0x30: {  	[tilespmem:$0x4510] =	vst v0  }
0x31: {  	[tilespmem:$0x4520] =	vst v0  }
0x32: {  	[tilespmem:$0x4530] =	vst v0  }
0x33: {  	[tilespmem:$0x4540] =	vst v0  }
0x34: {  	[tilespmem:$0x4550] =	vst v0  }
0x35: {  	[tilespmem:$0x4560] =	vst v0  }
0x36: {  	[tilespmem:$0x4570] =	vst v0  }
0x37: {  	[tilespmem:$0x4280] =	vst v1  }
0x38: {  	[tilespmem:$0x4290] =	vst v1  }
0x39: {  	[tilespmem:$0x42A0] =	vst v1  }
0x3a: {  	[tilespmem:$0x42B0] =	vst v1  }
0x3b: {  	[tilespmem:$0x42C0] =	vst v1  }
0x3c: {  	[spmem:s4] =	stream.linear.scatter [tilespmem:s8], [sflag:$0x2], $0x280, $0x38;
	[tilespmem:$0x4580] =	vst v63  }
0x3d: {  	_ =	swait.ge [sflag:s9], $0x280  }
0x3e: {  	[sflag:s9] =	ssyncset.done $0x0  }
0x3f: {  	[sflag:s9] =	ssyncadd.s32 $0xFFFFFD80  }
0x40: {  	[bflag:$0x0] =	sbarrier.arrive $0xFFFF  }
0x41: {  	[tilespmem:s10], [sflag:$0x2] =	stream.linear.gather [hbm4b:s5+s3], $0x4000, $0x38;
	[tilespmem:$0x4580] =	vst v63  }
0x42: {  	_ =	swait.ge [sflag:s9], $0x4000  }
0x43: {  	[sflag:s9] =	ssyncset.done $0x0  }
0x44: {  	s19 =	simm.s32 $0x0;
	[sflag:s9] =	ssyncadd.s32 $0xFFFFC000  }
.LBB2_2:
0x45: {  	p0 =	sne.s32 s19, $0xFE00  }
.Ltmp0:
0x46: {  	_ = 	snop;
	(pc) =	sbr.rel @p0 .LBB2_2-.Ltmp0, $4  }
0x47: {  	_ = 	snop  }
0x48: {  	s20 =	sshra.s32 s19, $0x2  }
0x49: {  	s19 =	sadd.s32 $0x200, s19;
	s20 =	sadd.s32 $0x280, s20  }
0x4a: {  	[spmem:s2] =	stream.indirect.scatter.add.f32 [tilespmem:s12], [sflag:$0x1], $0x1, s20, s11, $0xb8;
	[tilespmem:$0x4580] =	vst v63  }
0x4b: {  	_ =	swait.ge [sflag:s13], $0x50  }
0x4c: {  	s19 =	simm.s32 $0x7F;
	[sflag:s13] =	ssyncset.done $0x0  }
.LBB2_4:
0x4d: {  	p0 =	sne.s32 s19, $0x1;
	s19 =	sadd.s32 $0xFFFFFFFF, s19;
	[sflag:s13] =	ssyncadd.s32 $0xFFFFFFB0  }
.Ltmp1:
0x4e: {  	(pc) =	sbr.rel @p0 .LBB2_4-.Ltmp1, $3  }
0x4f: {  	_ =	sdelay $0x1  }
0x50: {  	_ =	swait.ge [sflag:s13], $0x50  }
0x51: {  	[sflag:s13] =	ssyncset.done $0x0  }
0x52: {  	s18 =	sadd.s32 $0x1, s18  }
0x53: {  	[sflag:s13] =	ssyncadd.s32 $0xFFFFFFB0;
	p0 =	sne.s32 s18, s7  }
.Ltmp2:
0x54: {  	[bflag:$0x0] =	sbarrier.arrive $0xFFFF;
	(pc) =	sbr.rel @p0 .LBB2_1-.Ltmp2, $4  }
0x55: {  	[hbm:s6@s16], [sflag:s14] =	dma.strided [spmem:s15@s17], $0x50, s13, $0x10   }
0x56: {  	_ =	swait.ge [sflag:s9], $0x50  }
0x57: {  	[sflag:s9] =	ssyncset.done $0x0  }
0x58: {  	[sflag:s9] =	ssyncadd.s32 $0xFFFFFFB0  }
0x59: {  	_ =	sfence.sel $0x180000  }
0x5a: {  	[bflag:$0x0] =	sbarrier.arrive $0xFFFF  }
0x5b: {  	p0 =	sne.s32 s0, $0x0;
	_ =	strace $0x90000047  }
0x5c: {  	s0 =	sadd.s32 @!p0 $0x100000, s1;
	[bflag:$0x2] =	sbarrier.arrive $0xFFFF  }
0x5d: {  	[sflag:s0] =	ssyncadd.tile.s32 @!p0 $0x1;
	_ =	shalt  }
.Lfunc_end2:
_tile_overlayer_lowered:
.L_overlay_start_2:
0x5e: {  	(tag) =	ssettag $0x2  }
0x5f: {  	s0 =	rddreg [dreg:$0x0];
	s2 =	stileid.u32  }
0x60: {  	s1 =	rddreg [dreg:$0x1];
	p0 =	sne.s32 s2, $0x0  }
0x61: {  	s3 =	rddreg [dreg:$0x2];
	[bflag:$0x3] =	sbarrier.arrive $0xFFFF;
	s2 =	simm.s32 @!p0 $0x1C02  }
0x62: {  	[timem:s3], [sflag:s2] =	dma.local @!p0 [hbm:s0], s1  }
0x63: {  	s0 =	simm.s32 @!p0 $0x2  }
0x64: {  	_ =	swait.ge @!p0 [sflag:s0], s1  }
0x65: {  	s1 =	ssub.s32 @!p0 $0x0, s1;
	[sflag:s0] =	ssyncset.done @!p0 $0x0  }
0x66: {  	[sflag:s0] =	ssyncadd.s32 @!p0 s1  }
0x67: {  	[bflag:$0x3] =	sbarrier.arrive $0xFFFF  }
0x68: {  	_ =	shalt  }

// kernel: kernel.9.cloned.1.call-start
scs
__scs_entry_jumppad:
0x0: {  	(pc) =	sbr.rel $0x88, $3  }
0x1: {  	(tag) =	ssettag $0x0;
	lr =	simm.s32 $0x1  }
0x2: {  	[smem:$0x3F9A] =	sst lr;
	_ =	strace $0xD0000000  }
0x3: {  	_ = 	snop  }
0x4: {  	_ = 	snop  }
0x5: {  	_ = 	snop  }
0x6: {  	_ = 	snop  }
0x7: {  	_ = 	snop  }
__scs_overlays_trampoline_lowered:
0x8: {  	[smem:$0x3FA9] =	sst s0  }
0x9: {  	[smem:$0x3FAA] =	sst s1  }
0xa: {  	[smem:$0x3FAB] =	sst s2  }
0xb: {  	[smem:$0x3FAC] =	sst s3  }
0xc: {  	[smem:$0x3FAD] =	sst s4  }
0xd: {  	[smem:$0x3FAE] =	sst s5  }
0xe: {  	[smem:$0x3FAF] =	sst s6  }
0xf: {  	[smem:$0x3FB0] =	sst s7  }
0x10: {  	[smem:$0x3FB1] =	sst s8  }
0x11: {  	[smem:$0x3FB2] =	sst s9;
	s0 =	simm.s32 @!p0 $0x0  }
0x12: {  	s1 =	sld [smem:$0x3F98];
	s0 =	simm.s32 @p0 $0x1  }
0x13: {  	[smem:$0x3FB3] =	sst s0;
	s0 =	simm.s32 @!p1 $0x0  }
0x14: {  	s2 =	sld [smem:$0x3F97];
	s0 =	simm.s32 @p1 $0x1  }
0x15: {  	[smem:$0x3FB4] =	sst s0;
	s0 =	simm.s32 @!p2 $0x0  }
0x16: {  	s3 =	sld [smem:$0x3FDB];
	s0 =	simm.s32 @p2 $0x1  }
0x17: {  	s4 =	simm.s32 $0x1BF5;
	[smem:$0x3FB6] =	sst s0  }
0x18: {  	s0 =	sld [smem:$0x3F99];
	_ =	swait.ge [sflag:s4], $0x0  }
0x19: {  	s7 =	sld [smem:$0x3F9A]  }
0x1a: {  	s8 =	sadd.s32 $0xFFFFE003, lr  }
0x1b: {  	s9 =	sadd.s32 $0xFFFFFEF7, lr;
	s5 =	simm.s32 $0xFFFFFFFF;
	p2 =	slt.u32 s8, $0xFFFFF086  }
0x1c: {  	p1 =	slt.u32 s9, $0xF7A;
	s5 =	simm.s32 @!p2 $0x0  }
0x1d: {  	s5 =	simm.s32 @p1 $0x1;
	p0 =	seq.s32 s7, s2  }
0x1e: {  	s7 =	smul.u32 @!p0 $0xF7A, s2;
	p2 =	seq.s32 @!p0 s5, $0x0  }
0x1f: {  	s9 =	smul.u32 $0xF7A, s1;
	s8 =	simm.s32 @!p0 $0x1BF5;
	p2 =	por !p2, p0  }
0x20: {  	[sflag:s8] =	ssyncset.s32 @!p0 $0xFFFFF086;
	s6 =	sadd.s32 @!p0 s3, s7;
	s7 =	simm.s32 @!p0 $0x108  }
0x21: {  	s3 =	sadd.s32 s3, s9;
	s6 =	sadd.s32 @!p0 $0x88, s6;
	s7 =	simm.s32 @p2 $0x1082  }
0x22: {  	[simem:s7], [sflag:s8] =	dma.local @!p0 [hbm:s6], $0xF7A  }
0x23: {  	s9 =	sor.u32 $0xD0000000, s2;
	s6 =	simm.s32 $0x108;
	_ =	swait.ge @!p0 [sflag:s8], $0x0  }
0x24: {  	s3 =	sadd.s32 $0x88, s3;
	s6 =	simm.s32 @!p1 $0x1082;
	[sflag:s4] =	ssyncset.s32 $0xFFFFF086  }
0x25: {  	[simem:s6], [sflag:s4] =	dma.local [hbm:s3], $0xF7A  }
0x26: {  	[smem:$0x3F9A] =	sst s1;
	(tag) =	ssettag s2;
	_ =	strace s9  }
0x27: {  	s1 =	sld [smem:$0x3FAA]  }
0x28: {  	s2 =	sld [smem:$0x3FAB]  }
0x29: {  	s4 =	sld [smem:$0x3FAD]  }
0x2a: {  	p0 =	seq.s32 s5, $0x0;
	s5 =	sld [smem:$0x3FAE]  }
0x2b: {  	s6 =	sld [smem:$0x3FAF]  }
0x2c: {  	s7 =	sld [smem:$0x3FB0]  }
0x2d: {  	s3 =	simm.s32 $0x108;
	s8 =	sld [smem:$0x3FB1]  }
0x2e: {  	s3 =	simm.s32 @!p0 $0x1082;
	s9 =	sld [smem:$0x3FB2]  }
0x2f: {  	lr =	sadd.s32 s0, s3;
	s0 =	sld [smem:$0x3FA9]  }
0x30: {  	s3 =	sld [smem:$0x3FAC]  }
0x31: {  	[smem:$0x3FB5] =	sst s10  }
0x32: {  	s10 =	sld [smem:$0x3FB3];
	_ =	sdelay $0x3  }
0x33: {  	p0 =	seq.s32 s10, $0x1;
	s10 =	sld [smem:$0x3FB5];
	_ =	sdelay $0x3  }
0x34: {  	[smem:$0x3FB5] =	sst s10  }
0x35: {  	s10 =	sld [smem:$0x3FB4];
	_ =	sdelay $0x3  }
0x36: {  	p1 =	seq.s32 s10, $0x1;
	s10 =	sld [smem:$0x3FB5];
	_ =	sdelay $0x3  }
0x37: {  	[smem:$0x3FB5] =	sst s10  }
0x38: {  	s10 =	sld [smem:$0x3FB6]  }
0x39: {  	_ = 	snop;
	(pc) =	sbr.ind lr, $3  }
0x3a: {  	_ = 	snop  }
0x3b: {  	_ = 	snop  }
0x3c: {  	p2 =	seq.s32 s10, $0x1;
	s10 =	sld [smem:$0x3FB5]  }
0x3d: {  	_ =	shalt  }
0x3e: {  	_ =	shalt  }
0x3f: {  	_ =	shalt  }
0x40: {  	_ =	shalt  }
0x41: {  	_ =	shalt  }
0x42: {  	_ =	shalt  }
0x43: {  	_ =	shalt  }
0x44: {  	_ =	shalt  }
0x45: {  	_ =	shalt  }
0x46: {  	_ =	shalt  }
0x47: {  	_ =	shalt  }
0x48: {  	_ =	shalt  }
0x49: {  	_ =	shalt  }
0x4a: {  	_ =	shalt  }
0x4b: {  	_ =	shalt  }
0x4c: {  	_ =	shalt  }
0x4d: {  	_ =	shalt  }
0x4e: {  	_ =	shalt  }
0x4f: {  	_ =	shalt  }
0x50: {  	_ =	shalt  }
0x51: {  	_ =	shalt  }
0x52: {  	_ =	shalt  }
0x53: {  	_ =	shalt  }
0x54: {  	_ =	shalt  }
0x55: {  	_ =	shalt  }
0x56: {  	_ =	shalt  }
0x57: {  	_ =	shalt  }
0x58: {  	_ =	shalt  }
0x59: {  	_ =	shalt  }
0x5a: {  	_ =	shalt  }
0x5b: {  	_ =	shalt  }
0x5c: {  	_ =	shalt  }
0x5d: {  	_ =	shalt  }
0x5e: {  	_ =	shalt  }
0x5f: {  	_ =	shalt  }
0x60: {  	_ =	shalt  }
0x61: {  	_ =	shalt  }
0x62: {  	_ =	shalt  }
0x63: {  	_ =	shalt  }
0x64: {  	_ =	shalt  }
0x65: {  	_ =	shalt  }
0x66: {  	_ =	shalt  }
0x67: {  	_ =	shalt  }
0x68: {  	_ =	shalt  }
0x69: {  	_ =	shalt  }
0x6a: {  	_ =	shalt  }
0x6b: {  	_ =	shalt  }
0x6c: {  	_ =	shalt  }
0x6d: {  	_ =	shalt  }
0x6e: {  	_ =	shalt  }
0x6f: {  	_ =	shalt  }
0x70: {  	_ =	shalt  }
0x71: {  	_ =	shalt  }
0x72: {  	_ =	shalt  }
0x73: {  	_ =	shalt  }
0x74: {  	_ =	shalt  }
0x75: {  	_ =	shalt  }
0x76: {  	_ =	shalt  }
0x77: {  	_ =	shalt  }
0x78: {  	_ =	shalt  }
0x79: {  	_ =	shalt  }
0x7a: {  	_ =	shalt  }
0x7b: {  	_ =	shalt  }
0x7c: {  	_ =	shalt  }
0x7d: {  	_ =	shalt  }
0x7e: {  	_ =	shalt  }
0x7f: {  	_ =	shalt  }
0x80: {  	_ =	shalt  }
0x81: {  	_ =	shalt  }
0x82: {  	_ =	shalt  }
0x83: {  	_ =	shalt  }
0x84: {  	_ =	shalt  }
0x85: {  	_ =	shalt  }
0x86: {  	_ =	shalt  }
0x87: {  	_ =	shalt  }
.Lfunc_end0:
.L_simem_size_0:
called_computation.1_lowered:
.L_overlay_start_0:
0x88: {  	s2 =	sld [smem:$0x3FD9]  }
0x89: {  	s3 =	sld [smem:$0x3FFE];
	_ =	sdelay $0x1  }
0x8a: {  	s1 =	srdreg.scid  }
0x8b: {  	s0 =	sand.u32 $0x1, s1  }
0x8c: {  	s17 =	sshll.u32 s0, $0xA;
	s2 =	sadd.s32 s3, s2  }
0x8d: {  	s2 =	sadd.s32 s2, s17  }
0x8e: {  	[smem:$0x3FC1] =	sst s2  }
0x8f: {  	_ = 	snop  }
0x90: {  	s2 =	sld [smem:$0x3FD0];
	(tm) =	ssettm $0x1  }
0x91: {  	s18 =	sld [smem:$0x3FFB];
	_ =	sdelay $0x3  }
0x92: {  	_ =	strace s18  }
0x93: {  	s3 =	sld [smem:$0x3FFC];
	_ =	sdelay $0x3  }
0x94: {  	_ =	strace s3  }
0x95: {  	s3 =	sld [smem:$0x3FFD];
	_ =	sdelay $0x3  }
0x96: {  	_ =	strace s3  }
0x97: {  	_ =	strace $0x8FFFFFFF  }
0x98: {  	s19 =	sld [smem:$0x3FDB];
	_ =	sdelay $0x1  }
0x99: {  	s4 =	simm.s32 $_scs_section_size  }
0x9a: {  	s5 =	simm.s32 $_size__tile_overlayer_lowered;
	s6 =	simm.s32 $_tile_overlayer_lowered  }
0x9b: {  	s22 =	simm.s32 $0x1BFF;
	s21 =	sshll.u32 s6, $0x1;
	s3 =	sadd.s32 s4, s19  }
0x9c: {  	s7 =	simm.s32 $0x0;
	s20 =	sshll.u32 s5, $0x1;
	s5 =	sadd.s32 s21, s3  }
0x9d: {  	[timem:s7], [sflag:s22] =	dma.local [hbm:s5], s20  }
0x9e: {  	_ =	swait.ge [sflag:s22], s20  }
0x9f: {  	s4 =	ssub.s32 $0x0, s20;
	[sflag:s22] =	ssyncset.done $0x0  }
0xa0: {  	[sflag:s22] =	ssyncadd.s32 s4;
	_ =	sdelay $0x1  }
0xa1: {  	s23 =	simm.s32 $0x1B8B  }
0xa2: {  	_ =	swait.ge [sflag:s23], $0x1  }
0xa3: {  	[sflag:s23] =	ssyncset.done $0x0  }
0xa4: {  	s25 =	simm.s32 $0x1B8E;
	s24 =	sld [smem:$0x3FFE];
	[sflag:s23] =	ssyncadd.s32 $0xFFFFFFFF  }
0xa5: {  	s26 =	simm.s32 $execute0_lowered;
	[smem:$0x3FD2] =	sst s25  }
0xa6: {  	s5 =	sshll.u32 s26, $0x1;
	_ =	strace $0x80000049;
	[dreg:$0x1] =	wrdreg $0xFFFFFFFF  }
0xa7: {  	s28 =	simm.s32 $_size_execute0_lowered;
	s3 =	sadd.s32 s3, s5;
	[dreg:$0x0] =	wrdreg $0x0  }
0xa8: {  	s5 =	sshll.u32 s28, $0x1;
	[dreg:$0x2] =	wrdreg s3  }
0xa9: {  	[dreg:$0x3] =	wrdreg s5  }
0xaa: {  	[dreg:$0x4] =	wrdreg $0xC0  }
0xab: {  	_ =	task [dreg:s7], $0x5FFFF  }
0xac: {  	[dreg:$0x1] =	wrdreg $0xFFFFFFFF  }
0xad: {  	[dreg:$0x0] =	wrdreg $0x60  }
0xae: {  	[dreg:$0x2] =	wrdreg s24  }
0xaf: {  	[dreg:$0x3] =	wrdreg s2  }
0xb0: {  	[dreg:$0x4] =	wrdreg $0x0  }
0xb1: {  	[dreg:$0x5] =	wrdreg $0x9  }
0xb2: {  	_ =	task.clear_ibuf [dreg:s7], $0x6FFFF;
	_ =	strace $0x90000049  }
0xb3: {  	s29 =	simm.s32 $0x9;
	_ =	strace $0x8000004B  }
0xb4: {  	_ =	swait.ge [sflag:s29], $0x1  }
0xb5: {  	[sflag:s29] =	ssyncadd.s32 $0xFFFFFFFF  }
0xb6: {  	_ =	strace $0x9000004B  }
0xb7: {  	_ =	sfence  }
0xb8: {  	s30 =	sld [smem:$0x0];
	_ =	sdelay $0x2  }
0xb9: {  	s31 =	sshll.u32 s1, $0xD;
	s1 =	sshrl.u32 s1, $0x2  }
0xba: {  	s3 =	sand.u32 $0x4000, s31;
	s1 =	sadd.s32 s1, s30  }
0xbb: {  	s0 =	sor.u32 s3, s0;
	s1 =	sshll.u32 s1, $0x11  }
0xbc: {  	s0 =	sor.u32 s1, s0  }
0xbd: {  	s0 =	sadd.s32 $0x8F2B, s0  }
0xbe: {  	[sflag:s0] =	ssyncadd.remote.s32 $0x1  }
0xbf: {  	_ =	sfence.sel $0xFFFF  }
0xc0: {  	[dreg:$0x0] =	wrdreg $0xFFFFFFFF;
	(pc) =	sbr.abs _section_cstart, $3  }
0xc1: {  	[dreg:$0x1] =	wrdreg $0xFFFFFFFF  }
0xc2: {  	_ =	task.clear_ibuf [dreg:s7], $0x2FFFF;
	_ =	strace $0x9FFFFFFF  }
0xc3: {  	(tm) =	ssettm $0x7FFFFFFF  }
tec
execute0_lowered:
.L_overlay_start_1:
0x0: {  	(tag) =	ssettag $0x1  }
0x1: {  	s0 =	rddreg [dreg:$0x0];
	s9 =	stileid.u32  }
0x2: {  	s1 =	rddreg [dreg:$0x1];
	s8 =	smul.u32 $0x50000, s9  }
0x3: {  	s3 =	srdreg.scid;
	s2 =	rddreg [dreg:$0x2]  }
0x4: {  	s5 =	sand.u32 $0x1, s3;
	s3 =	simm.s32 $0x0;
	s8 =	sshrl.u32 s8, $0x2  }
0x5: {  	[smem:$0x7FF] =	sst s3;
	s10 =	sadd.s32 s8, s2  }
0x6: {  	_ =	strace $0x8000004A;
	s16 =	sadd.s32 $0x800, s10;
	[dreg:$0x4] =	wrdreg s10  }
0x7: {  	s17 =	sadd.s32 $0x1000, s10;
	[dreg:$0x5] =	wrdreg s16  }
0x8: {  	s18 =	sadd.s32 $0x1800, s10;
	[dreg:$0x6] =	wrdreg s17  }
0x9: {  	s19 =	sadd.s32 $0x2000, s10;
	[dreg:$0x7] =	wrdreg s18  }
0xa: {  	s7 =	smul.u32 $0x14000, s9;
	s20 =	sadd.s32 $0x2800, s10;
	[dreg:$0x8] =	wrdreg s19  }
0xb: {  	s4 =	sadd.s32 $0x2A00, s0;
	s21 =	sadd.s32 $0x3000, s10;
	[dreg:$0x9] =	wrdreg s20  }
0xc: {  	s25 =	sshll.u32 s9, $0xF;
	s22 =	sadd.s32 $0x3800, s10;
	[dreg:$0xa] =	wrdreg s21  }
0xd: {  	s6 =	smul.u32 $0x140000, s5;
	s23 =	sadd.s32 $0x4000, s10;
	[dreg:$0xb] =	wrdreg s22  }
0xe: {  	s14 =	ssub.s32 $0x2, s5;
	s24 =	sadd.s32 $0x4800, s10;
	[dreg:$0xc] =	wrdreg s23  }
0xf: {  	s5 =	sshll.u32 s5, $0xE;
	s8 =	sadd.s32 $0x5000, s10;
	[dreg:$0xd] =	wrdreg s24  }
0x10: {  	s5 =	sor.u32 s5, s25;
	s26 =	sadd.s32 $0x5800, s10;
	[dreg:$0xe] =	wrdreg s8  }
0x11: {  	s6 =	sadd.s32 s7, s6;
	s29 =	sadd.s32 $0x6000, s10;
	[dreg:$0xf] =	wrdreg s26  }
0x12: {  	s9 =	sshrl.u32 s5, $0x3;
	s13 =	sadd.s32 $0x7000, s10;
	[dreg:$0x10] =	wrdreg s29  }
0x13: {  	s11 =	sor.u32 $0x80000, s5;
	s25 =	sadd.s32 $0xB800, s10;
	[dreg:$0x14] =	wrdreg s13  }
0x14: {  	s7 =	sshrl.u32 s11, $0x3;
	s11 =	sadd.s32 $0xF800, s10;
	[dreg:$0x1f] =	wrdreg s25  }
0x15: {  	s15 =	sshrl.u32 s14, $0x1;
	s9 =	sadd.s32 s9, s1;
	[smem:$0x7EF] =	sst s11  }
0x16: {  	s6 =	sshrl.u32 s6, $0x3;
	s8 =	sadd.s32 $0x6800, s10;
	[dreg:$0x12] =	wrdreg s9  }
0x17: {  	s0 =	sadd.s32 s6, s0;
	s7 =	sadd.s32 s7, s1;
	[dreg:$0x11] =	wrdreg s8  }
0x18: {  	s6 =	ssub.s32 s14, s15;
	s15 =	sadd.s32 $0x7800, s10;
	[dreg:$0x13] =	wrdreg s7  }
0x19: {  	s17 =	sadd.s32 $0x8000, s10;
	[dreg:$0x17] =	wrdreg s15  }
0x1a: {  	s18 =	sadd.s32 $0x8800, s10;
	[dreg:$0x18] =	wrdreg s17  }
0x1b: {  	s19 =	sadd.s32 $0x9000, s10;
	[dreg:$0x19] =	wrdreg s18  }
0x1c: {  	s20 =	sadd.s32 $0x9800, s10;
	[dreg:$0x1a] =	wrdreg s19  }
0x1d: {  	s21 =	sadd.s32 $0xA000, s10;
	[dreg:$0x1b] =	wrdreg s20  }
0x1e: {  	s23 =	sadd.s32 $0xA800, s10;
	[dreg:$0x1c] =	wrdreg s21  }
0x1f: {  	s12 =	sor.u32 $0x400, s5;
	s24 =	sadd.s32 $0xB000, s10;
	[dreg:$0x1d] =	wrdreg s23  }
0x20: {  	s5 =	sor.u32 $0x80400, s5;
	s26 =	sadd.s32 $0xC000, s10;
	[dreg:$0x1e] =	wrdreg s24  }
0x21: {  	s5 =	sshrl.u32 s5, $0x3;
	s29 =	sadd.s32 $0xC800, s10;
	[smem:$0x7E8] =	sst s26  }
0x22: {  	s16 =	sadd.s32 s5, s1;
	s5 =	sadd.s32 $0xD800, s10;
	[smem:$0x7E9] =	sst s29  }
0x23: {  	s13 =	sadd.s32 $0x10800, s10;
	[smem:$0x7EB] =	sst s5  }
0x24: {  	s25 =	sadd.s32 $0x10020, s9;
	[smem:$0x7F1] =	sst s13  }
0x25: {  	s0 =	sadd.s32 $0x2AA00, s0;
	[smem:$0x7FB] =	sst s25  }
0x26: {  	s14 =	smax.u32 s6, $0x1;
	[dreg:$0x15] =	wrdreg s0  }
0x27: {  	s6 =	sadd.s32 $0xE000, s10;
	[dreg:$0x16] =	wrdreg s14  }
0x28: {  	s7 =	sadd.s32 $0xE800, s10;
	[smem:$0x7EC] =	sst s6  }
0x29: {  	s8 =	sshrl.u32 s12, $0x3;
	s12 =	sadd.s32 $0x10000, s10;
	[smem:$0x7ED] =	sst s7  }
0x2a: {  	s30 =	simm.s32 $0xC;
	s15 =	sadd.s32 $0x11800, s10;
	[smem:$0x7F0] =	sst s12  }
0x2b: {  	s31 =	simm.s32 $0x2;
	s17 =	sadd.s32 $0x12000, s10;
	[smem:$0x7F3] =	sst s15  }
0x2c: {  	s28 =	simm.s32 $0x14780;
	s18 =	sadd.s32 $0x12800, s10;
	[smem:$0x7F4] =	sst s17  }
0x2d: {  	s11 =	simm.s32 $0x19800;
	s19 =	sadd.s32 $0x13000, s10;
	[smem:$0x7F5] =	sst s18  }
0x2e: {  	s20 =	sadd.s32 $0x13800, s10;
	s21 =	sadd.s32 $0x10, s9;
	[smem:$0x7F6] =	sst s19  }
0x2f: {  	s23 =	sadd.s32 $0x10010, s9;
	s24 =	sadd.s32 $0x20, s9;
	[smem:$0x7F7] =	sst s20  }
0x30: {  	s26 =	sadd.s32 $0x30, s9;
	s29 =	sadd.s32 $0x10030, s9;
	[smem:$0x7F8] =	sst s21  }
0x31: {  	s5 =	simm.s32 $0xD;
	s13 =	simm.s32 $0xE;
	[smem:$0x7F9] =	sst s23  }
0x32: {  	s9 =	simm.s32 $0x10;
	s22 =	sadd.s32 s8, s1;
	[smem:$0x7FA] =	sst s24  }
0x33: {  	s1 =	sadd.s32 $0xD000, s10;
	s8 =	sadd.s32 $0xF000, s10;
	[smem:$0x7FC] =	sst s26  }
0x34: {  	s14 =	sadd.s32 $0x11000, s10;
	[smem:$0x7FD] =	sst s29;
	s19 =	simm.s32 $0x14300  }
.Ltmp0:
0x35: {  	s23 =	simm.s32 $0x14380;
	s18 =	simm.s32 $0x50;
	(pc) =	sbr.rel .LBB2_1-.Ltmp0, $4  }
0x36: {  	s12 =	simm.s32 $0x14800;
	s20 =	simm.s32 $0x17000;
	s17 =	simm.s32 $0x3  }
0x37: {  	s15 =	simm.s32 $0xF;
	s6 =	simm.s32 $0x0;
	[smem:$0x7EA] =	sst s1  }
0x38: {  	s21 =	simm.s32 $0x1C000;
	s26 =	simm.s32 $0x14680;
	[smem:$0x7EE] =	sst s8  }
0x39: {  	v0 =	vimm.f32 $0.0e+00;
	[smem:$0x7F2] =	sst s14;
	s8 =	simm.s32 $0x1;
	s14 =	simm.s32 $0x4  }
.LBB2_4:
0x3a: {  	s0 =	simm.s32 $0x7  }
0x3b: {  	_ =	swait.ge [sflag:s0], $0x2800  }
0x3c: {  	[sflag:s0] =	ssyncset.done $0x0  }
0x3d: {  	s23 =	simm.s32 $0x8;
	[sflag:s0] =	ssyncadd.s32 $0xFFFFD800  }
0x3e: {  	_ =	swait.ge [sflag:s23], $0x2800  }
0x3f: {  	[sflag:s23] =	ssyncset.done $0x0  }
0x40: {  	[sflag:s23] =	ssyncadd.s32 $0xFFFFD800  }
0x41: {  	s24 =	stileid.u32;
	[bflag:$0x0] =	sbarrier.arrive $0xFFFF  }
0x42: {  	s25 =	simm.s32 $0x11;
	s0 =	sshll.u32 s24, $0x6;
	s10 =	rddreg [dreg:$0x4]  }
0x43: {  	s0 =	sor.u32 $0x1C11, s0;
	s7 =	rddreg [dreg:$0x15];
	s1 =	sshrl.u32 s10, $0x3  }
0x44: {  	[hbm:s7], [sflag:s0] =	dma.local [spmem:s1], $0x2800  }
0x45: {  	_ =	swait.ge [sflag:s25], $0x2800  }
0x46: {  	s6 =	sld [smem:$0x7E7];
	_ =	sdelay $0x2  }
0x47: {  	s29 =	rddreg [dreg:$0x16];
	s6 =	sadd.s32 $0x1, s6  }
0x48: {  	p0 =	sne.s32 s6, s29  }
.Ltmp1:
0x49: {  	_ = 	snop;
	(pc) =	sbr.rel @!p0 .LBB2_5-.Ltmp1, $3  }
0x4a: {  	_ =	sdelay $0x1  }
0x4b: {  	[sflag:s25] =	ssyncset.done $0x0  }
0x4c: {  	s19 =	simm.s32 $0x14300;
	s23 =	simm.s32 $0x14380;
	[sflag:s25] =	ssyncadd.s32 $0xFFFFD800  }
.LBB2_1:
0x4d: {  	[tilespmem:$0x1E800] =	vst v0  }
0x4e: {  	[tilespmem:$0x1E810] =	vst v0  }
0x4f: {  	[tilespmem:$0x1E820] =	vst v0  }
0x50: {  	[tilespmem:$0x1E830] =	vst v0  }
0x51: {  	[tilespmem:$0x1E840] =	vst v0  }
0x52: {  	[tilespmem:$0x1E850] =	vst v0  }
0x53: {  	[tilespmem:$0x1E860] =	vst v0  }
0x54: {  	[tilespmem:$0x1E870] =	vst v0  }
0x55: {  	[tilespmem:$0x1E880] =	vst v0  }
0x56: {  	[tilespmem:$0x1E890] =	vst v0  }
0x57: {  	[tilespmem:$0x1E8A0] =	vst v0  }
0x58: {  	[tilespmem:$0x1E8B0] =	vst v0  }
0x59: {  	[tilespmem:$0x1E8C0] =	vst v0  }
0x5a: {  	[tilespmem:$0x1E8D0] =	vst v0  }
0x5b: {  	[tilespmem:$0x1E8E0] =	vst v0  }
0x5c: {  	[tilespmem:$0x1E8F0] =	vst v0  }
0x5d: {  	[tilespmem:$0x1E900] =	vst v0  }
0x5e: {  	[tilespmem:$0x1E910] =	vst v0  }
0x5f: {  	[tilespmem:$0x1E920] =	vst v0  }
0x60: {  	[tilespmem:$0x1E930] =	vst v0  }
0x61: {  	[tilespmem:$0x1E940] =	vst v0  }
0x62: {  	[tilespmem:$0x1E950] =	vst v0  }
0x63: {  	[tilespmem:$0x1E960] =	vst v0  }
0x64: {  	[tilespmem:$0x1E970] =	vst v0  }
0x65: {  	[tilespmem:$0x1E980] =	vst v0  }
0x66: {  	[tilespmem:$0x1E990] =	vst v0  }
0x67: {  	[tilespmem:$0x1E9A0] =	vst v0  }
0x68: {  	[tilespmem:$0x1E9B0] =	vst v0  }
0x69: {  	[tilespmem:$0x1E9C0] =	vst v0  }
0x6a: {  	[tilespmem:$0x1E9D0] =	vst v0  }
0x6b: {  	[tilespmem:$0x1E9E0] =	vst v0  }
0x6c: {  	[tilespmem:$0x1E9F0] =	vst v0  }
0x6d: {  	[tilespmem:$0x1EA00] =	vst v0  }
0x6e: {  	[tilespmem:$0x1EA10] =	vst v0  }
0x6f: {  	[tilespmem:$0x1EA20] =	vst v0  }
0x70: {  	[tilespmem:$0x1EA30] =	vst v0  }
0x71: {  	[tilespmem:$0x1EA40] =	vst v0  }
0x72: {  	[tilespmem:$0x1EA50] =	vst v0  }
0x73: {  	[tilespmem:$0x1EA60] =	vst v0  }
0x74: {  	[tilespmem:$0x1EA70] =	vst v0  }
0x75: {  	[tilespmem:$0x1EA80] =	vst v0  }
0x76: {  	[tilespmem:$0x1EA90] =	vst v0  }
0x77: {  	[tilespmem:$0x1EAA0] =	vst v0  }
0x78: {  	[tilespmem:$0x1EAB0] =	vst v0  }
0x79: {  	[tilespmem:$0x1EAC0] =	vst v0  }
0x7a: {  	[tilespmem:$0x1EAD0] =	vst v0  }
0x7b: {  	[tilespmem:$0x1EAE0] =	vst v0  }
0x7c: {  	[tilespmem:$0x1EAF0] =	vst v0  }
0x7d: {  	[tilespmem:$0x1EB00] =	vst v0  }
0x7e: {  	[tilespmem:$0x1EB10] =	vst v0  }
0x7f: {  	[tilespmem:$0x1EB20] =	vst v0  }
0x80: {  	[tilespmem:$0x1EB30] =	vst v0  }
0x81: {  	[tilespmem:$0x1EB40] =	vst v0  }
0x82: {  	[tilespmem:$0x1EB50] =	vst v0  }
0x83: {  	[tilespmem:$0x1EB60] =	vst v0  }
0x84: {  	[tilespmem:$0x1EB70] =	vst v0  }
0x85: {  	[tilespmem:$0x1EB80] =	vst v0  }
0x86: {  	[tilespmem:$0x1EB90] =	vst v0  }
0x87: {  	[tilespmem:$0x1EBA0] =	vst v0  }
0x88: {  	[tilespmem:$0x1EBB0] =	vst v0  }
0x89: {  	[tilespmem:$0x1EBC0] =	vst v0  }
0x8a: {  	[tilespmem:$0x1EBD0] =	vst v0  }
0x8b: {  	[tilespmem:$0x1EBE0] =	vst v0  }
0x8c: {  	[tilespmem:$0x1EBF0] =	vst v0  }
0x8d: {  	[tilespmem:$0x1EC00] =	vst v0  }
0x8e: {  	[tilespmem:$0x1EC10] =	vst v0  }
0x8f: {  	[tilespmem:$0x1EC20] =	vst v0  }
0x90: {  	[tilespmem:$0x1EC30] =	vst v0  }
0x91: {  	[tilespmem:$0x1EC40] =	vst v0  }
0x92: {  	[tilespmem:$0x1EC50] =	vst v0  }
0x93: {  	[tilespmem:$0x1EC60] =	vst v0  }
0x94: {  	[tilespmem:$0x1EC70] =	vst v0  }
0x95: {  	[tilespmem:$0x1EC80] =	vst v0  }
0x96: {  	[tilespmem:$0x1EC90] =	vst v0  }
0x97: {  	[tilespmem:$0x1ECA0] =	vst v0  }
0x98: {  	[tilespmem:$0x1ECB0] =	vst v0  }
0x99: {  	[tilespmem:$0x1ECC0] =	vst v0  }
0x9a: {  	[tilespmem:$0x1ECD0] =	vst v0  }
0x9b: {  	[tilespmem:$0x1ECE0] =	vst v0  }
0x9c: {  	[tilespmem:$0x1ECF0] =	vst v0  }
0x9d: {  	[tilespmem:$0x1ED00] =	vst v0  }
0x9e: {  	[tilespmem:$0x1ED10] =	vst v0  }
0x9f: {  	[tilespmem:$0x1ED20] =	vst v0  }
0xa0: {  	[tilespmem:$0x1ED30] =	vst v0  }
0xa1: {  	[tilespmem:$0x1ED40] =	vst v0  }
0xa2: {  	[tilespmem:$0x1ED50] =	vst v0  }
0xa3: {  	[tilespmem:$0x1ED60] =	vst v0  }
0xa4: {  	[tilespmem:$0x1ED70] =	vst v0  }
0xa5: {  	[tilespmem:$0x1ED80] =	vst v0  }
0xa6: {  	[tilespmem:$0x1ED90] =	vst v0  }
0xa7: {  	[tilespmem:$0x1EDA0] =	vst v0  }
0xa8: {  	[tilespmem:$0x1EDB0] =	vst v0  }
0xa9: {  	[tilespmem:$0x1EDC0] =	vst v0  }
0xaa: {  	[tilespmem:$0x1EDD0] =	vst v0  }
0xab: {  	[tilespmem:$0x1EDE0] =	vst v0  }
0xac: {  	[tilespmem:$0x1EDF0] =	vst v0  }
0xad: {  	[tilespmem:$0x1EE00] =	vst v0  }
0xae: {  	[tilespmem:$0x1EE10] =	vst v0  }
0xaf: {  	[tilespmem:$0x1EE20] =	vst v0  }
0xb0: {  	[tilespmem:$0x1EE30] =	vst v0  }
0xb1: {  	[tilespmem:$0x1EE40] =	vst v0  }
0xb2: {  	[tilespmem:$0x1EE50] =	vst v0  }
0xb3: {  	[tilespmem:$0x1EE60] =	vst v0  }
0xb4: {  	[tilespmem:$0x1EE70] =	vst v0  }
0xb5: {  	[tilespmem:$0x1EE80] =	vst v0  }
0xb6: {  	[tilespmem:$0x1EE90] =	vst v0  }
0xb7: {  	[tilespmem:$0x1EEA0] =	vst v0  }
0xb8: {  	[tilespmem:$0x1EEB0] =	vst v0  }
0xb9: {  	[tilespmem:$0x1EEC0] =	vst v0  }
0xba: {  	[tilespmem:$0x1EED0] =	vst v0  }
0xbb: {  	[tilespmem:$0x1EEE0] =	vst v0  }
0xbc: {  	[tilespmem:$0x1EEF0] =	vst v0  }
0xbd: {  	[tilespmem:$0x1EF00] =	vst v0  }
0xbe: {  	[tilespmem:$0x1EF10] =	vst v0  }
0xbf: {  	[tilespmem:$0x1EF20] =	vst v0  }
0xc0: {  	[tilespmem:$0x1EF30] =	vst v0  }
0xc1: {  	[tilespmem:$0x1EF40] =	vst v0  }
0xc2: {  	[tilespmem:$0x1EF50] =	vst v0  }
0xc3: {  	[tilespmem:$0x1EF60] =	vst v0  }
0xc4: {  	[tilespmem:$0x1EF70] =	vst v0  }
0xc5: {  	[tilespmem:$0x1EF80] =	vst v0  }
0xc6: {  	[tilespmem:$0x1EF90] =	vst v0  }
0xc7: {  	[tilespmem:$0x1EFA0] =	vst v0  }
0xc8: {  	[tilespmem:$0x1EFB0] =	vst v0  }
0xc9: {  	[tilespmem:$0x1EFC0] =	vst v0  }
0xca: {  	[tilespmem:$0x1EFD0] =	vst v0  }
0xcb: {  	[smem:$0x7E7] =	sst s6;
	[tilespmem:$0x1EFE0] =	vst v0  }
0xcc: {  	[tilespmem:$0x1EFF0] =	vst v0;
	s1 =	simm.s32 $0x1E800;
	s0 =	rddreg [dreg:$0x5]  }
0xcd: {  	[spmem:s10] =	stream.linear.scatter [tilespmem:s1], [sflag:$0x1], $0x800, $0x38;
	[tilespmem:$0x1F000] =	vst v63  }
0xce: {  	s6 =	rddreg [dreg:$0x6]  }
0xcf: {  	[spmem:s0] =	stream.linear.scatter [tilespmem:s1], [sflag:$0x1], $0x800, $0x38;
	[tilespmem:$0x1F000] =	vst v63  }
0xd0: {  	s7 =	rddreg [dreg:$0x7]  }
0xd1: {  	[spmem:s6] =	stream.linear.scatter [tilespmem:s1], [sflag:$0x1], $0x800, $0x38;
	[tilespmem:$0x1F000] =	vst v63  }
0xd2: {  	s24 =	rddreg [dreg:$0x9]  }
0xd3: {  	[spmem:s7] =	stream.linear.scatter [tilespmem:s1], [sflag:$0x1], $0x800, $0x38;
	[tilespmem:$0x1F000] =	vst v63  }
0xd4: {  	s10 =	rddreg [dreg:$0x8]  }
0xd5: {  	[spmem:s10] =	stream.linear.scatter [tilespmem:s1], [sflag:$0x1], $0x800, $0x38;
	[tilespmem:$0x1F000] =	vst v63  }
0xd6: {  	s25 =	rddreg [dreg:$0xa]  }
0xd7: {  	[spmem:s24] =	stream.linear.scatter [tilespmem:s1], [sflag:$0x1], $0x800, $0x38;
	[tilespmem:$0x1F000] =	vst v63  }
0xd8: {  	s6 =	rddreg [dreg:$0xb]  }
0xd9: {  	[spmem:s25] =	stream.linear.scatter [tilespmem:s1], [sflag:$0x1], $0x800, $0x38;
	[tilespmem:$0x1F000] =	vst v63  }
0xda: {  	s7 =	rddreg [dreg:$0xc]  }
0xdb: {  	[spmem:s6] =	stream.linear.scatter [tilespmem:s1], [sflag:$0x1], $0x800, $0x38;
	[tilespmem:$0x1F000] =	vst v63  }
0xdc: {  	s10 =	rddreg [dreg:$0xd]  }
0xdd: {  	[spmem:s7] =	stream.linear.scatter [tilespmem:s1], [sflag:$0x1], $0x800, $0x38;
	[tilespmem:$0x1F000] =	vst v63  }
0xde: {  	s24 =	rddreg [dreg:$0xe]  }
0xdf: {  	[spmem:s10] =	stream.linear.scatter [tilespmem:s1], [sflag:$0x1], $0x800, $0x38;
	[tilespmem:$0x1F000] =	vst v63  }
0xe0: {  	s25 =	rddreg [dreg:$0xf]  }
0xe1: {  	[spmem:s24] =	stream.linear.scatter [tilespmem:s1], [sflag:$0x1], $0x800, $0x38;
	[tilespmem:$0x1F000] =	vst v63  }
0xe2: {  	s6 =	rddreg [dreg:$0x10]  }
0xe3: {  	[spmem:s25] =	stream.linear.scatter [tilespmem:s1], [sflag:$0x1], $0x800, $0x38;
	[tilespmem:$0x1F000] =	vst v63  }
0xe4: {  	s7 =	rddreg [dreg:$0x11]  }
0xe5: {  	[spmem:s6] =	stream.linear.scatter [tilespmem:s1], [sflag:$0x1], $0x800, $0x38;
	[tilespmem:$0x1F000] =	vst v63  }
0xe6: {  	s10 =	rddreg [dreg:$0x14]  }
0xe7: {  	[spmem:s7] =	stream.linear.scatter [tilespmem:s1], [sflag:$0x1], $0x800, $0x38;
	[tilespmem:$0x1F000] =	vst v63  }
0xe8: {  	s24 =	rddreg [dreg:$0x17]  }
0xe9: {  	[spmem:s10] =	stream.linear.scatter [tilespmem:s1], [sflag:$0x1], $0x800, $0x38;
	[tilespmem:$0x1F000] =	vst v63  }
0xea: {  	s25 =	rddreg [dreg:$0x18]  }
0xeb: {  	[spmem:s24] =	stream.linear.scatter [tilespmem:s1], [sflag:$0x1], $0x800, $0x38;
	[tilespmem:$0x1F000] =	vst v63  }
0xec: {  	s6 =	rddreg [dreg:$0x19]  }
0xed: {  	[spmem:s25] =	stream.linear.scatter [tilespmem:s1], [sflag:$0x1], $0x800, $0x38;
	[tilespmem:$0x1F000] =	vst v63  }
0xee: {  	s7 =	rddreg [dreg:$0x1a]  }
0xef: {  	[spmem:s6] =	stream.linear.scatter [tilespmem:s1], [sflag:$0x1], $0x800, $0x38;
	[tilespmem:$0x1F000] =	vst v63  }
0xf0: {  	s10 =	rddreg [dreg:$0x1b]  }
0xf1: {  	[spmem:s7] =	stream.linear.scatter [tilespmem:s1], [sflag:$0x1], $0x800, $0x38;
	[tilespmem:$0x1F000] =	vst v63  }
0xf2: {  	s24 =	rddreg [dreg:$0x1c]  }
0xf3: {  	[spmem:s10] =	stream.linear.scatter [tilespmem:s1], [sflag:$0x1], $0x800, $0x38;
	[tilespmem:$0x1F000] =	vst v63  }
0xf4: {  	s25 =	rddreg [dreg:$0x1d]  }
0xf5: {  	[spmem:s24] =	stream.linear.scatter [tilespmem:s1], [sflag:$0x1], $0x800, $0x38;
	[tilespmem:$0x1F000] =	vst v63  }
0xf6: {  	s6 =	rddreg [dreg:$0x1e]  }
0xf7: {  	[spmem:s25] =	stream.linear.scatter [tilespmem:s1], [sflag:$0x1], $0x800, $0x38;
	[tilespmem:$0x1F000] =	vst v63  }
0xf8: {  	s7 =	rddreg [dreg:$0x1f]  }
0xf9: {  	[spmem:s6] =	stream.linear.scatter [tilespmem:s1], [sflag:$0x1], $0x800, $0x38;
	[tilespmem:$0x1F000] =	vst v63  }
0xfa: {  	s10 =	sld [smem:$0x7E8]  }
0xfb: {  	[spmem:s7] =	stream.linear.scatter [tilespmem:s1], [sflag:$0x1], $0x800, $0x38;
	[tilespmem:$0x1F000] =	vst v63  }
0xfc: {  	s24 =	sld [smem:$0x7E9]  }
0xfd: {  	[spmem:s10] =	stream.linear.scatter [tilespmem:s1], [sflag:$0x1], $0x800, $0x38;
	[tilespmem:$0x1F000] =	vst v63  }
0xfe: {  	s25 =	sld [smem:$0x7EA]  }
0xff: {  	[spmem:s24] =	stream.linear.scatter [tilespmem:s1], [sflag:$0x1], $0x800, $0x38;
	[tilespmem:$0x1F000] =	vst v63  }
0x100: {  	s6 =	sld [smem:$0x7EB]  }
0x101: {  	[spmem:s25] =	stream.linear.scatter [tilespmem:s1], [sflag:$0x1], $0x800, $0x38;
	[tilespmem:$0x1F000] =	vst v63  }
0x102: {  	s7 =	sld [smem:$0x7EC]  }
0x103: {  	[spmem:s6] =	stream.linear.scatter [tilespmem:s1], [sflag:$0x1], $0x800, $0x38;
	[tilespmem:$0x1F000] =	vst v63  }
0x104: {  	s10 =	sld [smem:$0x7ED]  }
0x105: {  	[spmem:s7] =	stream.linear.scatter [tilespmem:s1], [sflag:$0x1], $0x800, $0x38;
	[tilespmem:$0x1F000] =	vst v63  }
0x106: {  	s24 =	sld [smem:$0x7EE]  }
0x107: {  	[spmem:s10] =	stream.linear.scatter [tilespmem:s1], [sflag:$0x1], $0x800, $0x38;
	[tilespmem:$0x1F000] =	vst v63  }
0x108: {  	s25 =	sld [smem:$0x7EF]  }
0x109: {  	[spmem:s24] =	stream.linear.scatter [tilespmem:s1], [sflag:$0x1], $0x800, $0x38;
	[tilespmem:$0x1F000] =	vst v63  }
0x10a: {  	s6 =	sld [smem:$0x7F0]  }
0x10b: {  	[spmem:s25] =	stream.linear.scatter [tilespmem:s1], [sflag:$0x1], $0x800, $0x38;
	[tilespmem:$0x1F000] =	vst v63  }
0x10c: {  	s7 =	sld [smem:$0x7F1]  }
0x10d: {  	[spmem:s6] =	stream.linear.scatter [tilespmem:s1], [sflag:$0x1], $0x800, $0x38;
	[tilespmem:$0x1F000] =	vst v63  }
0x10e: {  	s10 =	sld [smem:$0x7F2]  }
0x10f: {  	[spmem:s7] =	stream.linear.scatter [tilespmem:s1], [sflag:$0x1], $0x800, $0x38;
	[tilespmem:$0x1F000] =	vst v63  }
0x110: {  	s24 =	sld [smem:$0x7F3]  }
0x111: {  	[spmem:s10] =	stream.linear.scatter [tilespmem:s1], [sflag:$0x1], $0x800, $0x38;
	[tilespmem:$0x1F000] =	vst v63  }
0x112: {  	s25 =	sld [smem:$0x7F4]  }
0x113: {  	[spmem:s24] =	stream.linear.scatter [tilespmem:s1], [sflag:$0x1], $0x800, $0x38;
	[tilespmem:$0x1F000] =	vst v63  }
0x114: {  	s6 =	sld [smem:$0x7F5]  }
0x115: {  	[spmem:s25] =	stream.linear.scatter [tilespmem:s1], [sflag:$0x1], $0x800, $0x38;
	[tilespmem:$0x1F000] =	vst v63  }
0x116: {  	s7 =	sld [smem:$0x7F6]  }
0x117: {  	[spmem:s6] =	stream.linear.scatter [tilespmem:s1], [sflag:$0x1], $0x800, $0x38;
	[tilespmem:$0x1F000] =	vst v63  }
0x118: {  	s10 =	sld [smem:$0x7F7]  }
0x119: {  	[spmem:s7] =	stream.linear.scatter [tilespmem:s1], [sflag:$0x1], $0x800, $0x38;
	[tilespmem:$0x1F000] =	vst v63  }
0x11a: {  	_ = 	snop  }
0x11b: {  	[spmem:s10] =	stream.linear.scatter [tilespmem:s1], [sflag:$0x1], $0x800, $0x38;
	[tilespmem:$0x1F000] =	vst v63  }
0x11c: {  	_ =	swait.ge [sflag:s8], $0x800  }
0x11d: {  	[sflag:s8] =	ssyncset.done $0x0  }
0x11e: {  	[sflag:s8] =	ssyncadd.s32 $0xFFFFF800  }
0x11f: {  	_ =	swait.ge [sflag:s8], $0x800  }
0x120: {  	[sflag:s8] =	ssyncset.done $0x0  }
0x121: {  	[sflag:s8] =	ssyncadd.s32 $0xFFFFF800  }
0x122: {  	_ =	swait.ge [sflag:s8], $0x800  }
0x123: {  	[sflag:s8] =	ssyncset.done $0x0  }
0x124: {  	[sflag:s8] =	ssyncadd.s32 $0xFFFFF800  }
0x125: {  	_ =	swait.ge [sflag:s8], $0x800  }
0x126: {  	[sflag:s8] =	ssyncset.done $0x0  }
0x127: {  	[sflag:s8] =	ssyncadd.s32 $0xFFFFF800  }
0x128: {  	_ =	swait.ge [sflag:s8], $0x800  }
0x129: {  	[sflag:s8] =	ssyncset.done $0x0  }
0x12a: {  	[sflag:s8] =	ssyncadd.s32 $0xFFFFF800  }
0x12b: {  	_ =	swait.ge [sflag:s8], $0x800  }
0x12c: {  	[sflag:s8] =	ssyncset.done $0x0  }
0x12d: {  	[sflag:s8] =	ssyncadd.s32 $0xFFFFF800  }
0x12e: {  	_ =	swait.ge [sflag:s8], $0x800  }
0x12f: {  	[sflag:s8] =	ssyncset.done $0x0  }
0x130: {  	[sflag:s8] =	ssyncadd.s32 $0xFFFFF800  }
0x131: {  	_ =	swait.ge [sflag:s8], $0x800  }
0x132: {  	[sflag:s8] =	ssyncset.done $0x0  }
0x133: {  	[sflag:s8] =	ssyncadd.s32 $0xFFFFF800  }
0x134: {  	_ =	swait.ge [sflag:s8], $0x800  }
0x135: {  	[sflag:s8] =	ssyncset.done $0x0  }
0x136: {  	[sflag:s8] =	ssyncadd.s32 $0xFFFFF800  }
0x137: {  	_ =	swait.ge [sflag:s8], $0x800  }
0x138: {  	[sflag:s8] =	ssyncset.done $0x0  }
0x139: {  	[sflag:s8] =	ssyncadd.s32 $0xFFFFF800  }
0x13a: {  	_ =	swait.ge [sflag:s8], $0x800  }
0x13b: {  	[sflag:s8] =	ssyncset.done $0x0  }
0x13c: {  	[sflag:s8] =	ssyncadd.s32 $0xFFFFF800  }
0x13d: {  	_ =	swait.ge [sflag:s8], $0x800  }
0x13e: {  	[sflag:s8] =	ssyncset.done $0x0  }
0x13f: {  	[sflag:s8] =	ssyncadd.s32 $0xFFFFF800  }
0x140: {  	_ =	swait.ge [sflag:s8], $0x800  }
0x141: {  	[sflag:s8] =	ssyncset.done $0x0  }
0x142: {  	[sflag:s8] =	ssyncadd.s32 $0xFFFFF800  }
0x143: {  	_ =	swait.ge [sflag:s8], $0x800  }
0x144: {  	[sflag:s8] =	ssyncset.done $0x0  }
0x145: {  	[sflag:s8] =	ssyncadd.s32 $0xFFFFF800  }
0x146: {  	_ =	swait.ge [sflag:s8], $0x800  }
0x147: {  	[sflag:s8] =	ssyncset.done $0x0  }
0x148: {  	[sflag:s8] =	ssyncadd.s32 $0xFFFFF800  }
0x149: {  	_ =	swait.ge [sflag:s8], $0x800  }
0x14a: {  	[sflag:s8] =	ssyncset.done $0x0  }
0x14b: {  	[sflag:s8] =	ssyncadd.s32 $0xFFFFF800  }
0x14c: {  	_ =	swait.ge [sflag:s8], $0x800  }
0x14d: {  	[sflag:s8] =	ssyncset.done $0x0  }
0x14e: {  	[sflag:s8] =	ssyncadd.s32 $0xFFFFF800  }
0x14f: {  	_ =	swait.ge [sflag:s8], $0x800  }
0x150: {  	[sflag:s8] =	ssyncset.done $0x0  }
0x151: {  	[sflag:s8] =	ssyncadd.s32 $0xFFFFF800  }
0x152: {  	_ =	swait.ge [sflag:s8], $0x800  }
0x153: {  	[sflag:s8] =	ssyncset.done $0x0  }
0x154: {  	[sflag:s8] =	ssyncadd.s32 $0xFFFFF800  }
0x155: {  	_ =	swait.ge [sflag:s8], $0x800  }
0x156: {  	[sflag:s8] =	ssyncset.done $0x0  }
0x157: {  	[sflag:s8] =	ssyncadd.s32 $0xFFFFF800  }
0x158: {  	_ =	swait.ge [sflag:s8], $0x800  }
0x159: {  	[sflag:s8] =	ssyncset.done $0x0  }
0x15a: {  	[sflag:s8] =	ssyncadd.s32 $0xFFFFF800  }
0x15b: {  	_ =	swait.ge [sflag:s8], $0x800  }
0x15c: {  	[sflag:s8] =	ssyncset.done $0x0  }
0x15d: {  	[sflag:s8] =	ssyncadd.s32 $0xFFFFF800  }
0x15e: {  	_ =	swait.ge [sflag:s8], $0x800  }
0x15f: {  	[sflag:s8] =	ssyncset.done $0x0  }
0x160: {  	[sflag:s8] =	ssyncadd.s32 $0xFFFFF800  }
0x161: {  	_ =	swait.ge [sflag:s8], $0x800  }
0x162: {  	[sflag:s8] =	ssyncset.done $0x0  }
0x163: {  	[sflag:s8] =	ssyncadd.s32 $0xFFFFF800  }
0x164: {  	_ =	swait.ge [sflag:s8], $0x800  }
0x165: {  	[sflag:s8] =	ssyncset.done $0x0  }
0x166: {  	[sflag:s8] =	ssyncadd.s32 $0xFFFFF800  }
0x167: {  	_ =	swait.ge [sflag:s8], $0x800  }
0x168: {  	[sflag:s8] =	ssyncset.done $0x0  }
0x169: {  	[sflag:s8] =	ssyncadd.s32 $0xFFFFF800  }
0x16a: {  	_ =	swait.ge [sflag:s8], $0x800  }
0x16b: {  	[sflag:s8] =	ssyncset.done $0x0  }
0x16c: {  	[sflag:s8] =	ssyncadd.s32 $0xFFFFF800  }
0x16d: {  	_ =	swait.ge [sflag:s8], $0x800  }
0x16e: {  	[sflag:s8] =	ssyncset.done $0x0  }
0x16f: {  	[sflag:s8] =	ssyncadd.s32 $0xFFFFF800  }
0x170: {  	_ =	swait.ge [sflag:s8], $0x800  }
0x171: {  	[sflag:s8] =	ssyncset.done $0x0  }
0x172: {  	[sflag:s8] =	ssyncadd.s32 $0xFFFFF800  }
0x173: {  	_ =	swait.ge [sflag:s8], $0x800  }
0x174: {  	[sflag:s8] =	ssyncset.done $0x0  }
0x175: {  	[sflag:s8] =	ssyncadd.s32 $0xFFFFF800  }
0x176: {  	_ =	swait.ge [sflag:s8], $0x800  }
0x177: {  	[sflag:s8] =	ssyncset.done $0x0  }
0x178: {  	[sflag:s8] =	ssyncadd.s32 $0xFFFFF800  }
0x179: {  	_ =	swait.ge [sflag:s8], $0x800  }
0x17a: {  	[sflag:s8] =	ssyncset.done $0x0  }
0x17b: {  	[sflag:s8] =	ssyncadd.s32 $0xFFFFF800  }
0x17c: {  	_ =	swait.ge [sflag:s8], $0x800  }
0x17d: {  	[sflag:s8] =	ssyncset.done $0x0  }
0x17e: {  	[sflag:s8] =	ssyncadd.s32 $0xFFFFF800  }
0x17f: {  	_ =	swait.ge [sflag:s8], $0x800  }
0x180: {  	[sflag:s8] =	ssyncset.done $0x0  }
0x181: {  	[sflag:s8] =	ssyncadd.s32 $0xFFFFF800  }
0x182: {  	_ =	swait.ge [sflag:s8], $0x800  }
0x183: {  	[sflag:s8] =	ssyncset.done $0x0  }
0x184: {  	[sflag:s8] =	ssyncadd.s32 $0xFFFFF800  }
0x185: {  	_ =	swait.ge [sflag:s8], $0x800  }
0x186: {  	[sflag:s8] =	ssyncset.done $0x0  }
0x187: {  	[sflag:s8] =	ssyncadd.s32 $0xFFFFF800  }
0x188: {  	_ =	swait.ge [sflag:s8], $0x800  }
0x189: {  	[sflag:s8] =	ssyncset.done $0x0  }
0x18a: {  	[sflag:s8] =	ssyncadd.s32 $0xFFFFF800  }
0x18b: {  	_ =	swait.ge [sflag:s8], $0x800  }
0x18c: {  	[sflag:s8] =	ssyncset.done $0x0  }
0x18d: {  	[sflag:s8] =	ssyncadd.s32 $0xFFFFF800  }
0x18e: {  	_ =	swait.ge [sflag:s8], $0x800  }
0x18f: {  	[sflag:s8] =	ssyncset.done $0x0  }
0x190: {  	[sflag:s8] =	ssyncadd.s32 $0xFFFFF800  }
0x191: {  	_ =	swait.ge [sflag:s8], $0x800  }
0x192: {  	[sflag:s8] =	ssyncset.done $0x0  }
0x193: {  	[sflag:s8] =	ssyncadd.s32 $0xFFFFF800  }
0x194: {  	[bflag:$0x0] =	sbarrier.arrive $0xFFFF  }
0x195: {  	s24 =	rddreg [dreg:$0x12]  }
0x196: {  	s1 =	simm.s32 $0x14000;
	s25 =	rddreg [dreg:$0x13]  }
0x197: {  	[tilespmem:s1], [sflag:$0x9] =	stream.linear.gather [hbm4b:s24+s3], $0x80, $0x38;
	[tilespmem:$0x1F000] =	vst v63  }
0x198: {  	s7 =	simm.s32 $0x14080;
	s6 =	sld [smem:$0x7F8]  }
0x199: {  	[tilespmem:s7], [sflag:$0x9] =	stream.linear.gather [hbm4b:s25+s3], $0x80, $0x38;
	[tilespmem:$0x1F000] =	vst v63  }
0x19a: {  	s10 =	sld [smem:$0x7F9];
	s7 =	simm.s32 $0x14100  }
0x19b: {  	[tilespmem:s7], [sflag:$0xA] =	stream.linear.gather [hbm4b:s6+s3], $0x80, $0x38;
	[tilespmem:$0x1F000] =	vst v63  }
0x19c: {  	s24 =	simm.s32 $0x14180;
	s25 =	sld [smem:$0x7FA]  }
0x19d: {  	[tilespmem:s24], [sflag:$0xA] =	stream.linear.gather [hbm4b:s10+s3], $0x80, $0x38;
	[tilespmem:$0x1F000] =	vst v63  }
0x19e: {  	s6 =	simm.s32 $0x14200;
	s24 =	sld [smem:$0x7FB]  }
0x19f: {  	[tilespmem:s6], [sflag:$0xB] =	stream.linear.gather [hbm4b:s25+s3], $0x80, $0x38;
	[tilespmem:$0x1F000] =	vst v63  }
0x1a0: {  	s25 =	simm.s32 $0x14280;
	s6 =	sld [smem:$0x7FC]  }
0x1a1: {  	[tilespmem:s25], [sflag:$0xB] =	stream.linear.gather [hbm4b:s24+s3], $0x80, $0x38;
	[tilespmem:$0x1F000] =	vst v63  }
0x1a2: {  	s10 =	sld [smem:$0x7FD]  }
0x1a3: {  	[tilespmem:s19], [sflag:$0xC] =	stream.linear.gather [hbm4b:s6+s3], $0x80, $0x38;
	[tilespmem:$0x1F000] =	vst v63  }
0x1a4: {  	s24 =	simm.s32 $0x9  }
0x1a5: {  	[tilespmem:s23], [sflag:$0xC] =	stream.linear.gather [hbm4b:s10+s3], $0x80, $0x38;
	[tilespmem:$0x1F000] =	vst v63  }
0x1a6: {  	_ =	swait.ge [sflag:s24], $0x80  }
0x1a7: {  	[sflag:s24] =	ssyncset.done $0x0  }
0x1a8: {  	[sflag:s24] =	ssyncadd.s32 $0xFFFFFF80  }
0x1a9: {  	_ =	swait.ge [sflag:s24], $0x80  }
0x1aa: {  	[sflag:s24] =	ssyncset.done $0x0  }
0x1ab: {  	s25 =	simm.s32 $0xA;
	[sflag:s24] =	ssyncadd.s32 $0xFFFFFF80  }
0x1ac: {  	[tilespmem:s12], [sflag:$0x1] =	stream.indirect.gather [hbm4b:s4+s18], $0x80, s1, s18, $0xb8;
	[tilespmem:$0x1F000] =	vst v63  }
0x1ad: {  	_ =	swait.ge [sflag:s25], $0x80  }
0x1ae: {  	[sflag:s25] =	ssyncset.done $0x0  }
0x1af: {  	[sflag:s25] =	ssyncadd.s32 $0xFFFFFF80  }
0x1b0: {  	_ =	swait.ge [sflag:s25], $0x80  }
0x1b1: {  	[sflag:s25] =	ssyncset.done $0x0  }
0x1b2: {  	s29 =	simm.s32 $0x0;
	[sflag:s25] =	ssyncadd.s32 $0xFFFFFF80  }
0x1b3: {  	[tilespmem:s20], [sflag:$0x2] =	stream.indirect.gather [hbm4b:s4+s18], $0x80, s7, s18, $0xb8;
	[tilespmem:$0x1F000] =	vst v63  }
.LBB2_2:
0x1b4: {  	p0 =	seq.s32 s29, $0x0  }
0x1b5: {  	s0 =	simm.s32 @!p0 $0x7  }
0x1b6: {  	_ =	swait.ge @!p0 [sflag:s0], $0x2800  }
0x1b7: {  	[sflag:s0] =	ssyncset.done @!p0 $0x0  }
0x1b8: {  	s7 =	simm.s32 $0xB;
	[sflag:s0] =	ssyncadd.s32 @!p0 $0xFFFFD800  }
0x1b9: {  	_ =	swait.ge [sflag:s7], $0x80  }
0x1ba: {  	[sflag:s7] =	ssyncset.done $0x0  }
0x1bb: {  	[sflag:s7] =	ssyncadd.s32 $0xFFFFFF80  }
0x1bc: {  	_ =	swait.ge [sflag:s7], $0x80  }
0x1bd: {  	[sflag:s7] =	ssyncset.done $0x0  }
0x1be: {  	s10 =	simm.s32 $0x14200;
	[sflag:s7] =	ssyncadd.s32 $0xFFFFFF80  }
0x1bf: {  	[tilespmem:s11], [sflag:$0x3] =	stream.indirect.gather [hbm4b:s4+s18], $0x80, s10, s18, $0xb8;
	[tilespmem:$0x1F000] =	vst v63  }
0x1c0: {  	_ =	swait.ge [sflag:s8], $0x2800  }
0x1c1: {  	s12 =	simm.s32 $0x14080;
	[sflag:s8] =	ssyncset.done $0x0;
	s20 =	rddreg [dreg:$0x12]  }
0x1c2: {  	s6 =	simm.s32 $0x14800;
	[sflag:s8] =	ssyncadd.s32 $0xFFFFD800;
	s0 =	sadd.s32 s29, s20  }
0x1c3: {  	[spmem:s2] =	stream.indirect.scatter.add.f32 [tilespmem:s6], [sflag:$0x5], $0x80, s12, s18, $0xb8;
	[tilespmem:$0x1F000] =	vst v63  }
0x1c4: {  	s24 =	rddreg [dreg:$0x13];
	s1 =	sadd.s32 $0x40, s0;
	s12 =	simm.s32 $0x14400  }
0x1c5: {  	[tilespmem:s12], [sflag:$0xD] =	stream.linear.gather [hbm4b:s1+s3], $0x80, $0x38;
	[tilespmem:$0x1F000] =	vst v63  }
0x1c6: {  	s1 =	sadd.s32 s29, s24  }
0x1c7: {  	s20 =	simm.s32 $0x14480;
	s24 =	sadd.s32 $0x40, s1  }
0x1c8: {  	[tilespmem:s20], [sflag:$0xD] =	stream.linear.gather [hbm4b:s24+s3], $0x80, $0x38;
	[tilespmem:$0x1F000] =	vst v63  }
0x1c9: {  	s24 =	simm.s32 @!p0 $0x8  }
0x1ca: {  	_ =	swait.ge @!p0 [sflag:s24], $0x2800  }
0x1cb: {  	[sflag:s24] =	ssyncset.done @!p0 $0x0  }
0x1cc: {  	[sflag:s24] =	ssyncadd.s32 @!p0 $0xFFFFD800  }
0x1cd: {  	_ =	swait.ge [sflag:s30], $0x80  }
0x1ce: {  	[sflag:s30] =	ssyncset.done $0x0  }
0x1cf: {  	[sflag:s30] =	ssyncadd.s32 $0xFFFFFF80  }
0x1d0: {  	_ =	swait.ge [sflag:s30], $0x80  }
0x1d1: {  	[sflag:s30] =	ssyncset.done $0x0  }
0x1d2: {  	[sflag:s30] =	ssyncadd.s32 $0xFFFFFF80  }
0x1d3: {  	[tilespmem:s21], [sflag:$0x4] =	stream.indirect.gather [hbm4b:s4+s18], $0x80, s19, s18, $0xb8;
	[tilespmem:$0x1F000] =	vst v63  }
0x1d4: {  	_ =	swait.ge [sflag:s31], $0x2800  }
0x1d5: {  	[sflag:s31] =	ssyncset.done $0x0  }
0x1d6: {  	s7 =	simm.s32 $0x14180;
	s10 =	simm.s32 $0x17000;
	[sflag:s31] =	ssyncadd.s32 $0xFFFFD800  }
0x1d7: {  	[spmem:s2] =	stream.indirect.scatter.add.f32 [tilespmem:s10], [sflag:$0x6], $0x80, s7, s18, $0xb8;
	[tilespmem:$0x1F000] =	vst v63  }
0x1d8: {  	s25 =	sadd.s32 $0x50, s0;
	s19 =	simm.s32 $0x14500  }
0x1d9: {  	[tilespmem:s19], [sflag:$0xE] =	stream.linear.gather [hbm4b:s25+s3], $0x80, $0x38;
	[tilespmem:$0x1F000] =	vst v63  }
0x1da: {  	s24 =	simm.s32 $0x5;
	s7 =	sadd.s32 $0x50, s1;
	s25 =	simm.s32 $0x14580  }
0x1db: {  	[tilespmem:s25], [sflag:$0xE] =	stream.linear.gather [hbm4b:s7+s3], $0x80, $0x38;
	[tilespmem:$0x1F000] =	vst v63  }
0x1dc: {  	_ =	swait.ge [sflag:s24], $0x2800  }
0x1dd: {  	[sflag:s24] =	ssyncset.done $0x0  }
0x1de: {  	[sflag:s24] =	ssyncadd.s32 $0xFFFFD800  }
0x1df: {  	_ =	swait.ge [sflag:s5], $0x80  }
0x1e0: {  	[sflag:s5] =	ssyncset.done $0x0  }
0x1e1: {  	[sflag:s5] =	ssyncadd.s32 $0xFFFFFF80  }
0x1e2: {  	_ =	swait.ge [sflag:s5], $0x80  }
0x1e3: {  	[sflag:s5] =	ssyncset.done $0x0  }
0x1e4: {  	[sflag:s5] =	ssyncadd.s32 $0xFFFFFF80  }
0x1e5: {  	[tilespmem:s6], [sflag:$0x1] =	stream.indirect.gather [hbm4b:s4+s18], $0x80, s12, s18, $0xb8;
	[tilespmem:$0x1F000] =	vst v63  }
0x1e6: {  	_ =	swait.ge [sflag:s17], $0x2800  }
0x1e7: {  	[sflag:s17] =	ssyncset.done $0x0  }
0x1e8: {  	s24 =	simm.s32 $0x14280;
	[sflag:s17] =	ssyncadd.s32 $0xFFFFD800  }
0x1e9: {  	[spmem:s2] =	stream.indirect.scatter.add.f32 [tilespmem:s11], [sflag:$0x7], $0x80, s24, s18, $0xb8;
	[tilespmem:$0x1F000] =	vst v63  }
0x1ea: {  	s7 =	simm.s32 $0x14600;
	s12 =	sadd.s32 $0x60, s0  }
0x1eb: {  	[tilespmem:s7], [sflag:$0xF] =	stream.linear.gather [hbm4b:s12+s3], $0x80, $0x38;
	[tilespmem:$0x1F000] =	vst v63  }
0x1ec: {  	s24 =	simm.s32 $0x6;
	s12 =	sadd.s32 $0x60, s1  }
0x1ed: {  	[tilespmem:s26], [sflag:$0xF] =	stream.linear.gather [hbm4b:s12+s3], $0x80, $0x38;
	[tilespmem:$0x1F000] =	vst v63  }
0x1ee: {  	_ =	swait.ge [sflag:s24], $0x2800  }
0x1ef: {  	[sflag:s24] =	ssyncset.done $0x0  }
0x1f0: {  	[sflag:s24] =	ssyncadd.s32 $0xFFFFD800  }
0x1f1: {  	_ =	swait.ge [sflag:s13], $0x80  }
0x1f2: {  	[sflag:s13] =	ssyncset.done $0x0  }
0x1f3: {  	[sflag:s13] =	ssyncadd.s32 $0xFFFFFF80  }
0x1f4: {  	_ =	swait.ge [sflag:s13], $0x80  }
0x1f5: {  	[sflag:s13] =	ssyncset.done $0x0  }
0x1f6: {  	[sflag:s13] =	ssyncadd.s32 $0xFFFFFF80  }
0x1f7: {  	[tilespmem:s10], [sflag:$0x2] =	stream.indirect.gather [hbm4b:s4+s18], $0x80, s19, s18, $0xb8;
	[tilespmem:$0x1F000] =	vst v63  }
0x1f8: {  	_ =	swait.ge [sflag:s14], $0x2800  }
0x1f9: {  	[sflag:s14] =	ssyncset.done $0x0  }
0x1fa: {  	[sflag:s14] =	ssyncadd.s32 $0xFFFFD800  }
0x1fb: {  	[spmem:s2] =	stream.indirect.scatter.add.f32 [tilespmem:s21], [sflag:$0x8], $0x80, s23, s18, $0xb8;
	[tilespmem:$0x1F000] =	vst v63  }
0x1fc: {  	s0 =	sadd.s32 $0x70, s0;
	s19 =	simm.s32 $0x14700  }
0x1fd: {  	[tilespmem:s19], [sflag:$0x10] =	stream.linear.gather [hbm4b:s0+s3], $0x80, $0x38;
	[tilespmem:$0x1F000] =	vst v63  }
0x1fe: {  	s12 =	sadd.s32 $0x70, s1;
	s23 =	simm.s32 $0x7  }
0x1ff: {  	[tilespmem:s28], [sflag:$0x10] =	stream.linear.gather [hbm4b:s12+s3], $0x80, $0x38;
	[tilespmem:$0x1F000] =	vst v63  }
0x200: {  	_ =	swait.ge [sflag:s23], $0x2800  }
0x201: {  	[sflag:s23] =	ssyncset.done $0x0  }
0x202: {  	[sflag:s23] =	ssyncadd.s32 $0xFFFFD800  }
0x203: {  	_ =	swait.ge [sflag:s15], $0x80  }
0x204: {  	[sflag:s15] =	ssyncset.done $0x0  }
0x205: {  	[sflag:s15] =	ssyncadd.s32 $0xFFFFFF80  }
0x206: {  	_ =	swait.ge [sflag:s15], $0x80  }
0x207: {  	[sflag:s15] =	ssyncset.done $0x0  }
0x208: {  	[sflag:s15] =	ssyncadd.s32 $0xFFFFFF80  }
0x209: {  	[tilespmem:s11], [sflag:$0x3] =	stream.indirect.gather [hbm4b:s4+s18], $0x80, s7, s18, $0xb8;
	[tilespmem:$0x1F000] =	vst v63  }
0x20a: {  	_ =	swait.ge [sflag:s8], $0x2800  }
0x20b: {  	[sflag:s8] =	ssyncset.done $0x0  }
0x20c: {  	p0 =	seq.s32 s29, $0x780;
	[sflag:s8] =	ssyncadd.s32 $0xFFFFD800  }
0x20d: {  	[spmem:s2] =	stream.indirect.scatter.add.f32 [tilespmem:s6], [sflag:$0x5], $0x80, s20, s18, $0xb8;
	[tilespmem:$0x1F000] =	vst v63  }
0x20e: {  	s1 =	simm.s32 @!p0 $0x0;
	s24 =	simm.s32 @!p0 $0x14000;
	s0 =	sadd.s32 @!p0 s29, s22  }
0x20f: {  	[tilespmem:s24], [sflag:$0x9] =	stream.linear.gather @!p0 [hbm4b:s0+s1], $0x80, $0x38;
	[tilespmem:$0x1F000] =	vst v63  }
0x210: {  	s0 =	sadd.s32 @!p0 s29, s16;
	s24 =	simm.s32 @!p0 $0x14080  }
0x211: {  	[tilespmem:s24], [sflag:$0x9] =	stream.linear.gather @!p0 [hbm4b:s0+s1], $0x80, $0x38;
	[tilespmem:$0x1F000] =	vst v63  }
0x212: {  	s24 =	simm.s32 $0x8  }
0x213: {  	_ =	swait.ge [sflag:s24], $0x2800  }
0x214: {  	[sflag:s24] =	ssyncset.done $0x0  }
0x215: {  	[sflag:s24] =	ssyncadd.s32 $0xFFFFD800  }
0x216: {  	_ =	swait.ge [sflag:s9], $0x80  }
0x217: {  	[sflag:s9] =	ssyncset.done $0x0  }
0x218: {  	[sflag:s9] =	ssyncadd.s32 $0xFFFFFF80  }
0x219: {  	_ =	swait.ge [sflag:s9], $0x80  }
0x21a: {  	[sflag:s9] =	ssyncset.done $0x0  }
0x21b: {  	[sflag:s9] =	ssyncadd.s32 $0xFFFFFF80  }
0x21c: {  	[tilespmem:s21], [sflag:$0x4] =	stream.indirect.gather [hbm4b:s4+s18], $0x80, s19, s18, $0xb8;
	[tilespmem:$0x1F000] =	vst v63  }
0x21d: {  	_ =	swait.ge [sflag:s31], $0x2800  }
0x21e: {  	p1 =	sne.s32 s29, $0x780;
	[sflag:s31] =	ssyncset.done $0x0  }
0x21f: {  	s0 =	sadd.s32 @p1 s29, s22;
	[sflag:s31] =	ssyncadd.s32 $0xFFFFD800  }
0x220: {  	[spmem:s2] =	stream.indirect.scatter.add.f32 [tilespmem:s10], [sflag:$0x6], $0x80, s25, s18, $0xb8;
	[tilespmem:$0x1F000] =	vst v63  }
0x221: {  	s1 =	sadd.s32 @p1 $0x10, s0;
	s24 =	simm.s32 @p1 $0x0;
	s10 =	simm.s32 @p1 $0x14100  }
0x222: {  	[tilespmem:s10], [sflag:$0xA] =	stream.linear.gather @p1 [hbm4b:s1+s24], $0x80, $0x38;
	[tilespmem:$0x1F000] =	vst v63  }
0x223: {  	s1 =	sadd.s32 @p1 s29, s16  }
0x224: {  	s19 =	simm.s32 @p1 $0x14180;
	s7 =	sadd.s32 @p1 $0x10, s1  }
0x225: {  	[tilespmem:s19], [sflag:$0xA] =	stream.linear.gather @p1 [hbm4b:s7+s24], $0x80, $0x38;
	[tilespmem:$0x1F000] =	vst v63  }
0x226: {  	s7 =	simm.s32 @p1 $0x5  }
0x227: {  	_ =	swait.ge @p1 [sflag:s7], $0x2800  }
0x228: {  	[sflag:s7] =	ssyncset.done @p1 $0x0  }
0x229: {  	[sflag:s7] =	ssyncadd.s32 @p1 $0xFFFFD800;
	s7 =	simm.s32 @p1 $0x9  }
0x22a: {  	_ =	swait.ge @p1 [sflag:s7], $0x80  }
0x22b: {  	[sflag:s7] =	ssyncset.done @p1 $0x0  }
0x22c: {  	[sflag:s7] =	ssyncadd.s32 @p1 $0xFFFFFF80  }
0x22d: {  	_ =	swait.ge @p1 [sflag:s7], $0x80  }
0x22e: {  	s23 =	simm.s32 @p1 $0x14800;
	[sflag:s7] =	ssyncset.done @p1 $0x0  }
0x22f: {  	s19 =	simm.s32 @p1 $0x14000;
	[sflag:s7] =	ssyncadd.s32 @p1 $0xFFFFFF80;
	s7 =	simm.s32 @p1 $0x50  }
0x230: {  	[tilespmem:s23], [sflag:$0x1] =	stream.indirect.gather @p1 [hbm4b:s4+s7], $0x80, s19, s7, $0xb8;
	[tilespmem:$0x1F000] =	vst v63  }
0x231: {  	s19 =	simm.s32 @!p1 $0x5  }
0x232: {  	_ =	swait.ge @!p1 [sflag:s19], $0x2800  }
0x233: {  	[sflag:s19] =	ssyncset.done @!p1 $0x0  }
0x234: {  	[sflag:s19] =	ssyncadd.s32 @!p1 $0xFFFFD800  }
0x235: {  	_ =	swait.ge [sflag:s17], $0x2800  }
0x236: {  	[sflag:s17] =	ssyncset.done $0x0  }
0x237: {  	[sflag:s17] =	ssyncadd.s32 $0xFFFFD800  }
0x238: {  	[spmem:s2] =	stream.indirect.scatter.add.f32 [tilespmem:s11], [sflag:$0x7], $0x80, s26, s18, $0xb8;
	[tilespmem:$0x1F000] =	vst v63  }
0x239: {  	s0 =	sadd.s32 @p1 $0x20, s0;
	s19 =	simm.s32 @p1 $0x14200  }
0x23a: {  	[tilespmem:s19], [sflag:$0xB] =	stream.linear.gather @p1 [hbm4b:s0+s24], $0x80, $0x38;
	[tilespmem:$0x1F000] =	vst v63  }
0x23b: {  	s0 =	sadd.s32 @p1 $0x20, s1;
	s1 =	simm.s32 @p1 $0x14280  }
0x23c: {  	[tilespmem:s1], [sflag:$0xB] =	stream.linear.gather @p1 [hbm4b:s0+s24], $0x80, $0x38;
	[tilespmem:$0x1F000] =	vst v63  }
0x23d: {  	s0 =	simm.s32 @p1 $0x6  }
0x23e: {  	_ =	swait.ge @p1 [sflag:s0], $0x2800  }
0x23f: {  	[sflag:s0] =	ssyncset.done @p1 $0x0  }
0x240: {  	[sflag:s0] =	ssyncadd.s32 @p1 $0xFFFFD800;
	s0 =	simm.s32 @p1 $0xA  }
0x241: {  	_ =	swait.ge @p1 [sflag:s0], $0x80  }
0x242: {  	[sflag:s0] =	ssyncset.done @p1 $0x0  }
0x243: {  	[sflag:s0] =	ssyncadd.s32 @p1 $0xFFFFFF80  }
0x244: {  	_ =	swait.ge @p1 [sflag:s0], $0x80  }
0x245: {  	[sflag:s0] =	ssyncset.done @p1 $0x0  }
0x246: {  	[sflag:s0] =	ssyncadd.s32 @p1 $0xFFFFFF80;
	s0 =	simm.s32 @p1 $0x17000  }
0x247: {  	[tilespmem:s0], [sflag:$0x2] =	stream.indirect.gather @p1 [hbm4b:s4+s7], $0x80, s10, s7, $0xb8;
	[tilespmem:$0x1F000] =	vst v63  }
0x248: {  	s0 =	simm.s32 @!p1 $0x6  }
0x249: {  	_ =	swait.ge @!p1 [sflag:s0], $0x2800  }
0x24a: {  	[sflag:s0] =	ssyncset.done @!p1 $0x0  }
.Ltmp2:
0x24b: {  	[sflag:s0] =	ssyncadd.s32 @!p1 $0xFFFFD800;
	(pc) =	sbr.rel @p0 .LBB2_4-.Ltmp2, $4  }
0x24c: {  	_ =	swait.ge [sflag:s14], $0x2800  }
0x24d: {  	s12 =	simm.s32 $0x14800;
	s20 =	simm.s32 $0x17000;
	[sflag:s14] =	ssyncset.done $0x0  }
0x24e: {  	s6 =	simm.s32 $0x14380;
	s25 =	simm.s32 $0x14300;
	[sflag:s14] =	ssyncadd.s32 $0xFFFFD800  }
0x24f: {  	[spmem:s2] =	stream.indirect.scatter.add.f32 [tilespmem:s21], [sflag:$0x8], $0x80, s28, s18, $0xb8;
	[tilespmem:$0x1F000] =	vst v63  }
0x250: {  	s0 =	sadd.s32 s29, s22  }
.Ltmp3:
0x251: {  	s0 =	sadd.s32 $0x30, s0;
	(pc) =	sbr.rel .LBB2_2-.Ltmp3, $4  }
0x252: {  	[tilespmem:s25], [sflag:$0xC] =	stream.linear.gather [hbm4b:s0+s3], $0x80, $0x38;
	[tilespmem:$0x1F000] =	vst v63  }
0x253: {  	s19 =	simm.s32 $0x14300;
	s25 =	sadd.s32 s29, s16  }
0x254: {  	s23 =	simm.s32 $0x14380;
	s29 =	sadd.s32 $0x80, s29;
	s0 =	sadd.s32 $0x30, s25  }
0x255: {  	[tilespmem:s6], [sflag:$0xC] =	stream.linear.gather [hbm4b:s0+s3], $0x80, $0x38;
	[tilespmem:$0x1F000] =	vst v63  }
.LBB2_5:
0x256: {  	_ =	sfence.sel $0x180000  }
0x257: {  	[bflag:$0x0] =	sbarrier.arrive $0xFFFF  }
0x258: {  	_ =	strace $0x9000004A  }
0x259: {  	s0 =	stileid.u32;
	[bflag:$0x2] =	sbarrier.arrive $0xFFFF  }
0x25a: {  	p0 =	sne.s32 s0, $0x0;
	s0 =	rddreg [dreg:$0x3]  }
0x25b: {  	s0 =	sadd.s32 @!p0 $0x100000, s0  }
0x25c: {  	[sflag:s0] =	ssyncadd.tile.s32 @!p0 $0x1;
	_ =	shalt  }
.Lfunc_end2:
_tile_overlayer_lowered:
.L_overlay_start_2:
0x25d: {  	(tag) =	ssettag $0x2  }
0x25e: {  	s0 =	rddreg [dreg:$0x0];
	s2 =	stileid.u32  }
0x25f: {  	s1 =	rddreg [dreg:$0x1];
	p0 =	sne.s32 s2, $0x0  }
0x260: {  	s3 =	rddreg [dreg:$0x2];
	[bflag:$0x3] =	sbarrier.arrive $0xFFFF;
	s2 =	simm.s32 @!p0 $0x1C11  }
0x261: {  	[timem:s3], [sflag:s2] =	dma.local @!p0 [hbm:s0], s1  }
0x262: {  	s0 =	simm.s32 @!p0 $0x11  }
0x263: {  	_ =	swait.ge @!p0 [sflag:s0], s1  }
0x264: {  	s1 =	ssub.s32 @!p0 $0x0, s1;
	[sflag:s0] =	ssyncset.done @!p0 $0x0  }
0x265: {  	[sflag:s0] =	ssyncadd.s32 @!p0 s1  }
0x266: {  	[bflag:$0x3] =	sbarrier.arrive $0xFFFF  }
0x267: {  	_ =	shalt  }

</sc_bundles>
